<compile_context>
chip_gen: v7x
topology: tpu7x:2x2x1
jax: 0.10.2.dev20260603
libtpu: 0.0.44.dev20260713+nightly
codegen_flags: <defaults>
</compile_context>

<pallas_src>
import functools

import jax
import jax.numpy as jnp
import numpy as np
from jax import lax
from jax.experimental import pallas as pl
from jax.experimental.pallas import tpu as pltpu
from jax.experimental.pallas import tpu_sc as plsc

_G = 4194304
_NW = 32
_CH = 2048
_GPW = _G // _NW
_NCH = _GPW // _CH
_NPAIR = _NCH // 2

_SQRT2 = np.float32(1.4142135623730951)
_LN2 = 0.6931471805599453
_CI = (1.0009463889682144, -0.5208372713358322, 0.313053143079814)
_CO = (0.9996203753455165, -0.4866430640453263, 0.25462220684706255,
       -0.07473614766179702)


def _vln_inner(x):
    cs = tuple(np.float32(c) for c in _CI)
    bits = lax.bitcast_convert_type(x, jnp.int32)
    e = (bits >> 23) - 127
    m = lax.bitcast_convert_type(
        (bits & jnp.int32(0x007FFFFF)) | jnp.int32(0x3F800000), jnp.float32)
    big = m > _SQRT2
    m = jnp.where(big, m * np.float32(0.5), m)
    ef = (e + jnp.where(big, jnp.int32(1), jnp.int32(0))).astype(jnp.float32)
    f = m - np.float32(1.0)
    p = cs[2]
    for c in (cs[1], cs[0]):
        p = p * f + c
    return ef * np.float32(_LN2) + f * p


def _vln_outer(x, scale):
    cs = tuple(np.float32(c * scale) for c in _CO)
    bits = lax.bitcast_convert_type(x, jnp.int32)
    ef = ((bits >> 23) - 127).astype(jnp.float32)
    f = lax.bitcast_convert_type(
        (bits & jnp.int32(0x007FFFFF)) | jnp.int32(0x3F800000),
        jnp.float32) - np.float32(1.0)
    p = cs[3]
    for c in (cs[2], cs[1], cs[0]):
        p = p * f + c
    return ef * np.float32(_LN2 * scale) + f * p


_mesh = plsc.VectorSubcoreMesh(core_axis_name="c", subcore_axis_name="s")


@functools.partial(
    pl.kernel,
    mesh=_mesh,
    compiler_params=pltpu.CompilerParams(
        needs_layout_passes=False, use_tc_tiling_on_sc=True),
    out_type=jax.ShapeDtypeStruct((512, 32, 8, 128), jnp.float32),
    scratch_types=[
        pltpu.VMEM((6, _CH), jnp.float32),
        pltpu.VMEM((6, _CH), jnp.float32),
        pltpu.VMEM((6, _CH), jnp.float32),
        pltpu.VMEM((6, _CH), jnp.float32),
        pltpu.VMEM((32, 8, 128), jnp.float32),
        pltpu.SemaphoreType.DMA,
        pltpu.SemaphoreType.DMA,
        pltpu.SemaphoreType.DMA,
        pltpu.SemaphoreType.DMA,
    ],
)
def _sc_forward(gate_hbm, u_hbm, out_hbm, ga, gb, ua, ub, obuf,
                sga, sgb, sua, sub_):
    wid = lax.axis_index("c") * 16 + lax.axis_index("s")
    base_g = wid * _GPW
    base_r8 = wid * (_GPW // 8192)
    iota = lax.broadcasted_iota(jnp.int32, (16,), 0)
    idx4 = iota * 4

    def start_in(c, gdst, udst, gsem, usem):
        g0 = base_g + c * _CH
        pltpu.async_copy(gate_hbm.at[:, pl.ds(g0, _CH)], gdst, gsem)
        pltpu.async_copy(u_hbm.at[:, pl.ds(g0, _CH)], udst, usem)

    def wait_in(gdst, udst, gsem, usem):
        pltpu.make_async_copy(gate_hbm.at[:, pl.ds(0, _CH)], gdst, gsem).wait()
        pltpu.make_async_copy(u_hbm.at[:, pl.ds(0, _CH)], udst, usem).wait()

    def compute(sub, gsrc, usrc):
        def it(i, icarry):
            i16 = i * 16
            xs = [gsrc[k, pl.ds(i16, 16)] for k in range(6)]
            us = [usrc[k, pl.ds(i16, 16)] for k in range(6)]
            es = []
            for k in range(6):
                t = -_vln_inner(us[k])
                z = xs[k] * np.float32(1000.0 / 3.0) - _vln_outer(t, 1.0 / 3.0)
                es.append(jnp.exp(z))
            r = np.float32(1.0) / (es[0] + es[1] + es[2] + es[3] + es[4] + es[5])
            outs = (
                (es[0] + es[1] + es[2]) * r,
                (es[0] + es[3] + es[4]) * r,
                (es[1] + es[3] + es[5]) * r,
                (es[2] + es[4] + es[5]) * r,
            )
            tcol = jnp.broadcast_to((i & 63) >> 1, (16,)).astype(jnp.int32)
            trow = jnp.broadcast_to(2 * sub + (i >> 6), (16,)).astype(jnp.int32)
            lane0 = (i & 1) * 64
            for j in range(4):
                plsc.store_scatter(obuf, [tcol, trow, idx4 + (lane0 + j)],
                                   outs[j])
            return icarry

        lax.fori_loop(0, _CH // 16, it, 0, unroll=2)

    start_in(0, ga, ua, sga, sua)

    slots = ((ga, ua, sga, sua), (gb, ub, sgb, sub_))

    def quad(q, carry):
        for sub in range(4):
            c = q * 4 + sub
            cur = slots[sub % 2]
            nxt = slots[(sub + 1) % 2]

            @pl.when(c + 1 < _NCH)
            def _():
                start_in(c + 1, *nxt)

            wait_in(*cur)
            compute(sub, cur[0], cur[1])
        pltpu.sync_copy(obuf, out_hbm.at[base_r8 + q])
        return carry

    lax.fori_loop(0, _NCH // 4, quad, 0)


def kernel(gate, mask_options, u):
    del mask_options
    out4 = _sc_forward(gate.T, u.T)
    return out4.transpose(0, 2, 1, 3).reshape(4096, 4096)

# --- scband reference (transcript-rebuilt; emitter-appended) ---
"""Pipeline reference for scband-differentiable-mask-89206470738367 (READ-ONLY COPY).

The authoritative reference and input builder live on the scoring server;
editing this copy changes nothing except your own understanding.
"""

import jax, jax.numpy as jnp
import numpy as np

TARGET_SHAPE = (4096, 4096)
G = (4096 * 4096) // 4
TAU = 3.0        # temperature[0], iteration=0 -> start of schedule
SCALE = 1000.0   # scale_multiplier[0], iteration=0 -> start of schedule


def _mask_options():
    # 2:4 sparsity: the 6 ways to keep 2 of 4 elements, shape [1, 6, 4]
    opts = np.array([
        [1, 1, 0, 0],
        [1, 0, 1, 0],
        [1, 0, 0, 1],
        [0, 1, 1, 0],
        [0, 1, 0, 1],
        [0, 0, 1, 1],
    ], dtype=np.float32)
    return jnp.asarray(opts)[None, :, :]


def setup_inputs(seed: int = 0) -> dict:
    key = jax.random.key(seed)
    k1, k2 = jax.random.split(key)
    # gate parameter initialized with init.normal_(std=0.01)
    gate = jax.random.normal(k1, (G, 6), dtype=jnp.float32) * 0.01
    # uniform noise used to form Gumbel noise (torch gumbel_softmax samples internally;
    # here we materialize it as an explicit input for determinism)
    u = jax.random.uniform(k2, (G, 6), dtype=jnp.float32, minval=1e-6, maxval=1.0 - 1e-6)
    return {"gate": gate, "mask_options": _mask_options(), "u": u}


def reference(gate, mask_options, u):
    # training branch of DifferentiableMask.forward at iteration 0
    sampling_tensor = gate * SCALE
    gumbel = -jnp.log(-jnp.log(u))
    # soft gumbel_softmax (hard=False)
    choices = jax.nn.softmax((sampling_tensor + gumbel) / TAU, axis=-1)
    # (choices.unsqueeze(1) @ mask_options).squeeze(1): [G,1,6] @ [1,6,4] -> [G,1,4]
    backprop_gate = jnp.squeeze(choices[:, None, :] @ mask_options, axis=1)
    return backprop_gate.reshape(TARGET_SHAPE)

if __name__ == "__main__":
    import jax
    _d = setup_inputs()
    print(jax.jit(kernel)(*tuple(_d.values())))

</pallas_src>

<mosaic_0001>
#map = affine_map<(d0, d1) -> (0, 0)>
#map1 = affine_map<(d0, d1) -> (0, 0, 0, 0)>
module attributes {stable_mosaic.version = 14 : i64} {
  func.func @_sc_forward(%arg0: i32, %arg1: i32, %arg2: memref<6x4194304xf32, #tpu.memory_space<hbm>>, %arg3: memref<6x4194304xf32, #tpu.memory_space<hbm>>, %arg4: memref<512x32x8x128xf32, #tpu.memory_space<hbm>>, %arg5: memref<6x2048xf32, #tpu.memory_space<vmem>>, %arg6: memref<6x2048xf32, #tpu.memory_space<vmem>>, %arg7: memref<6x2048xf32, #tpu.memory_space<vmem>>, %arg8: memref<6x2048xf32, #tpu.memory_space<vmem>>, %arg9: memref<32x8x128xf32, #tpu.memory_space<vmem>>, %arg10: memref<!tpu.dma_semaphore, #tpu.memory_space<semaphore_mem>>, %arg11: memref<!tpu.dma_semaphore, #tpu.memory_space<semaphore_mem>>, %arg12: memref<!tpu.dma_semaphore, #tpu.memory_space<semaphore_mem>>, %arg13: memref<!tpu.dma_semaphore, #tpu.memory_space<semaphore_mem>>) attributes {dimension_semantics = [#tpu.dimension_semantics<core_parallel>, #tpu.dimension_semantics<subcore_parallel>], iteration_bounds = array<i64: 2, 16>, scalar_prefetch = 0 : i64, scratch_operands = 9 : i64, tpu.core_type = #tpu.core_type<sc_vector_subcore>, window_params = [{transform_indices = #map}, {transform_indices = #map}, {transform_indices = #map1}]} {
    %mul3A = arith.constant 16 : i32
    %mul3A_0 = arith.muli %arg0, %mul3A : i32
    %add3A = arith.addi %mul3A_0, %arg1 : i32
    %mul3A_1 = arith.constant 131072 : i32
    %mul3A_2 = arith.muli %add3A, %mul3A_1 : i32
    %mul3A_3 = arith.constant 16 : i32
    %mul3A_4 = arith.muli %add3A, %mul3A_3 : i32
    %iota3A = tpu.iota {dimensions = array<i32: 0>} : vector<16xi32>
    %mul3A_5 = arith.constant 4 : i32
    %mul3A_6 = vector.broadcast %mul3A_5 : i32 to vector<16xi32>
    %mul3A_7 = arith.muli %iota3A, %mul3A_6 : vector<16xi32>
    %add3A_8 = arith.constant 0 : i32
    %add3A_9 = arith.addi %mul3A_2, %add3A_8 : i32
    %dma_start3A = arith.constant 0 : i32
    %dma_start3A_10 = tpu.memref_slice %arg2[%dma_start3A, %add3A_9] : memref<6x4194304xf32, #tpu.memory_space<hbm>> -> memref<6x2048xf32, #tpu.memory_space<hbm>>
    %dma_start3A_11 = arith.constant 0 : i32
    %dma_start3A_12 = tpu.memref_slice %arg2[%dma_start3A_11, %add3A_9] : memref<6x4194304xf32, #tpu.memory_space<hbm>> -> memref<6x2048xf32, #tpu.memory_space<hbm>>
    tpu.enqueue_dma source(%dma_start3A_12 : memref<6x2048xf32, #tpu.memory_space<hbm>>) target(%arg5 : memref<6x2048xf32, #tpu.memory_space<vmem>>) target_semaphore(%arg10 : memref<!tpu.dma_semaphore, #tpu.memory_space<semaphore_mem>>)
    %dma_start3A_13 = arith.constant 0 : i32
    %dma_start3A_14 = tpu.memref_slice %arg3[%dma_start3A_13, %add3A_9] : memref<6x4194304xf32, #tpu.memory_space<hbm>> -> memref<6x2048xf32, #tpu.memory_space<hbm>>
    %dma_start3A_15 = arith.constant 0 : i32
    %dma_start3A_16 = tpu.memref_slice %arg3[%dma_start3A_15, %add3A_9] : memref<6x4194304xf32, #tpu.memory_space<hbm>> -> memref<6x2048xf32, #tpu.memory_space<hbm>>
    tpu.enqueue_dma source(%dma_start3A_16 : memref<6x2048xf32, #tpu.memory_space<hbm>>) target(%arg7 : memref<6x2048xf32, #tpu.memory_space<vmem>>) target_semaphore(%arg12 : memref<!tpu.dma_semaphore, #tpu.memory_space<semaphore_mem>>)
    %scan3A = arith.constant 0 : i32
    %scan3A_17 = arith.constant 0 : i32
    %scan3A_18 = arith.constant 16 : i32
    %scan3A_19 = arith.addi %scan3A_17, %scan3A_18 : i32
    %scan3A_20 = arith.constant 1 : i32
    scf.for %scan3A_22 = %scan3A_17 to %scan3A_19 step %scan3A_20  : i32 {
      %mul3A_23 = arith.constant 4 : i32
      %mul3A_24 = arith.muli %scan3A_22, %mul3A_23 : i32
      %add3A_25 = arith.constant 0 : i32
      %add3A_26 = arith.addi %mul3A_24, %add3A_25 : i32
      %add3A_27 = arith.constant 1 : i32
      %add3A_28 = arith.addi %add3A_26, %add3A_27 : i32
      %lt3A = arith.constant 64 : i32
      %lt3A_29 = arith.cmpi slt, %add3A_28, %lt3A : i32
      %convert_element_type3A = arith.extui %lt3A_29 : i1 to i32
      %cond3A = arith.constant 0 : i32
      %cond3A_30 = arith.cmpi ne, %convert_element_type3A, %cond3A : i32
      scf.if %cond3A_30 {
        %add3A_136 = arith.constant 1 : i32
        %add3A_137 = arith.addi %add3A_26, %add3A_136 : i32
        %mul3A_138 = arith.constant 2048 : i32
        %mul3A_139 = arith.muli %add3A_137, %mul3A_138 : i32
        %add3A_140 = arith.addi %mul3A_2, %mul3A_139 : i32
        %dma_start3A_141 = arith.constant 0 : i32
        %dma_start3A_142 = tpu.memref_slice %arg2[%dma_start3A_141, %add3A_140] : memref<6x4194304xf32, #tpu.memory_space<hbm>> -> memref<6x2048xf32, #tpu.memory_space<hbm>>
        %dma_start3A_143 = arith.constant 0 : i32
        %dma_start3A_144 = tpu.memref_slice %arg2[%dma_start3A_143, %add3A_140] : memref<6x4194304xf32, #tpu.memory_space<hbm>> -> memref<6x2048xf32, #tpu.memory_space<hbm>>
        tpu.enqueue_dma source(%dma_start3A_144 : memref<6x2048xf32, #tpu.memory_space<hbm>>) target(%arg6 : memref<6x2048xf32, #tpu.memory_space<vmem>>) target_semaphore(%arg11 : memref<!tpu.dma_semaphore, #tpu.memory_space<semaphore_mem>>)
        %dma_start3A_145 = arith.constant 0 : i32
        %dma_start3A_146 = tpu.memref_slice %arg3[%dma_start3A_145, %add3A_140] : memref<6x4194304xf32, #tpu.memory_space<hbm>> -> memref<6x2048xf32, #tpu.memory_space<hbm>>
        %dma_start3A_147 = arith.constant 0 : i32
        %dma_start3A_148 = tpu.memref_slice %arg3[%dma_start3A_147, %add3A_140] : memref<6x4194304xf32, #tpu.memory_space<hbm>> -> memref<6x2048xf32, #tpu.memory_space<hbm>>
        tpu.enqueue_dma source(%dma_start3A_148 : memref<6x2048xf32, #tpu.memory_space<hbm>>) target(%arg8 : memref<6x2048xf32, #tpu.memory_space<vmem>>) target_semaphore(%arg13 : memref<!tpu.dma_semaphore, #tpu.memory_space<semaphore_mem>>)
      } else {
      }
      %dma_wait3A = arith.constant 0 : i32
      %dma_wait3A_31 = arith.constant 0 : i32
      %dma_wait3A_32 = tpu.memref_slice %arg2[%dma_wait3A, %dma_wait3A_31] : memref<6x4194304xf32, #tpu.memory_space<hbm>> -> memref<6x2048xf32, #tpu.memory_space<hbm>>
      %dma_wait3A_33 = arith.constant 0 : i32
      %dma_wait3A_34 = arith.constant 0 : i32
      %dma_wait3A_35 = tpu.memref_slice %arg2[%dma_wait3A_33, %dma_wait3A_34] : memref<6x4194304xf32, #tpu.memory_space<hbm>> -> memref<6x2048xf32, #tpu.memory_space<hbm>>
      tpu.wait_dma2 semaphore(%arg10 : memref<!tpu.dma_semaphore, #tpu.memory_space<semaphore_mem>>) src(%dma_wait3A_35 : memref<6x2048xf32, #tpu.memory_space<hbm>>) dst(%arg5 : memref<6x2048xf32, #tpu.memory_space<vmem>>)
      %dma_wait3A_36 = arith.constant 0 : i32
      %dma_wait3A_37 = arith.constant 0 : i32
      %dma_wait3A_38 = tpu.memref_slice %arg3[%dma_wait3A_36, %dma_wait3A_37] : memref<6x4194304xf32, #tpu.memory_space<hbm>> -> memref<6x2048xf32, #tpu.memory_space<hbm>>
      %dma_wait3A_39 = arith.constant 0 : i32
      %dma_wait3A_40 = arith.constant 0 : i32
      %dma_wait3A_41 = tpu.memref_slice %arg3[%dma_wait3A_39, %dma_wait3A_40] : memref<6x4194304xf32, #tpu.memory_space<hbm>> -> memref<6x2048xf32, #tpu.memory_space<hbm>>
      tpu.wait_dma2 semaphore(%arg12 : memref<!tpu.dma_semaphore, #tpu.memory_space<semaphore_mem>>) src(%dma_wait3A_41 : memref<6x2048xf32, #tpu.memory_space<hbm>>) dst(%arg7 : memref<6x2048xf32, #tpu.memory_space<vmem>>)
      %scan3A_42 = arith.constant 0 : i32
      %scan3A_43 = arith.constant 0 : i32
      %scan3A_44 = arith.constant 128 : i32
      %scan3A_45 = arith.addi %scan3A_43, %scan3A_44 : i32
      %scan3A_46 = arith.constant 2 : i32
      scf.for %scan3A_136 = %scan3A_43 to %scan3A_45 step %scan3A_46  : i32 {
        %mul3A_137 = arith.constant 16 : i32
        %mul3A_138 = arith.muli %scan3A_136, %mul3A_137 : i32
        %get3A = arith.constant 0 : i32
        %get3A_139 = arith.index_cast %get3A : i32 to index
        %get3A_140 = arith.index_cast %mul3A_138 : i32 to index
        %get3A_141 = tpu.vector_load %arg5[%get3A_139, %get3A_140] {strides = array<i32>} : memref<6x2048xf32, #tpu.memory_space<vmem>>, vector<16xf32>,
        %get3A_142 = arith.constant 1 : i32
        %get3A_143 = arith.index_cast %get3A_142 : i32 to index
        %get3A_144 = arith.index_cast %mul3A_138 : i32 to index
        %get3A_145 = tpu.vector_load %arg5[%get3A_143, %get3A_144] {strides = array<i32>} : memref<6x2048xf32, #tpu.memory_space<vmem>>, vector<16xf32>,
        %get3A_146 = arith.constant 2 : i32
        %get3A_147 = arith.index_cast %get3A_146 : i32 to index
        %get3A_148 = arith.index_cast %mul3A_138 : i32 to index
        %get3A_149 = tpu.vector_load %arg5[%get3A_147, %get3A_148] {strides = array<i32>} : memref<6x2048xf32, #tpu.memory_space<vmem>>, vector<16xf32>,
        %get3A_150 = arith.constant 3 : i32
        %get3A_151 = arith.index_cast %get3A_150 : i32 to index
        %get3A_152 = arith.index_cast %mul3A_138 : i32 to index
        %get3A_153 = tpu.vector_load %arg5[%get3A_151, %get3A_152] {strides = array<i32>} : memref<6x2048xf32, #tpu.memory_space<vmem>>, vector<16xf32>,
        %get3A_154 = arith.constant 4 : i32
        %get3A_155 = arith.index_cast %get3A_154 : i32 to index
        %get3A_156 = arith.index_cast %mul3A_138 : i32 to index
        %get3A_157 = tpu.vector_load %arg5[%get3A_155, %get3A_156] {strides = array<i32>} : memref<6x2048xf32, #tpu.memory_space<vmem>>, vector<16xf32>,
        %get3A_158 = arith.constant 5 : i32
        %get3A_159 = arith.index_cast %get3A_158 : i32 to index
        %get3A_160 = arith.index_cast %mul3A_138 : i32 to index
        %get3A_161 = tpu.vector_load %arg5[%get3A_159, %get3A_160] {strides = array<i32>} : memref<6x2048xf32, #tpu.memory_space<vmem>>, vector<16xf32>,
        %get3A_162 = arith.constant 0 : i32
        %get3A_163 = arith.index_cast %get3A_162 : i32 to index
        %get3A_164 = arith.index_cast %mul3A_138 : i32 to index
        %get3A_165 = tpu.vector_load %arg7[%get3A_163, %get3A_164] {strides = array<i32>} : memref<6x2048xf32, #tpu.memory_space<vmem>>, vector<16xf32>,
        %get3A_166 = arith.constant 1 : i32
        %get3A_167 = arith.index_cast %get3A_166 : i32 to index
        %get3A_168 = arith.index_cast %mul3A_138 : i32 to index
        %get3A_169 = tpu.vector_load %arg7[%get3A_167, %get3A_168] {strides = array<i32>} : memref<6x2048xf32, #tpu.memory_space<vmem>>, vector<16xf32>,
        %get3A_170 = arith.constant 2 : i32
        %get3A_171 = arith.index_cast %get3A_170 : i32 to index
        %get3A_172 = arith.index_cast %mul3A_138 : i32 to index
        %get3A_173 = tpu.vector_load %arg7[%get3A_171, %get3A_172] {strides = array<i32>} : memref<6x2048xf32, #tpu.memory_space<vmem>>, vector<16xf32>,
        %get3A_174 = arith.constant 3 : i32
        %get3A_175 = arith.index_cast %get3A_174 : i32 to index
        %get3A_176 = arith.index_cast %mul3A_138 : i32 to index
        %get3A_177 = tpu.vector_load %arg7[%get3A_175, %get3A_176] {strides = array<i32>} : memref<6x2048xf32, #tpu.memory_space<vmem>>, vector<16xf32>,
        %get3A_178 = arith.constant 4 : i32
        %get3A_179 = arith.index_cast %get3A_178 : i32 to index
        %get3A_180 = arith.index_cast %mul3A_138 : i32 to index
        %get3A_181 = tpu.vector_load %arg7[%get3A_179, %get3A_180] {strides = array<i32>} : memref<6x2048xf32, #tpu.memory_space<vmem>>, vector<16xf32>,
        %get3A_182 = arith.constant 5 : i32
        %get3A_183 = arith.index_cast %get3A_182 : i32 to index
        %get3A_184 = arith.index_cast %mul3A_138 : i32 to index
        %get3A_185 = tpu.vector_load %arg7[%get3A_183, %get3A_184] {strides = array<i32>} : memref<6x2048xf32, #tpu.memory_space<vmem>>, vector<16xf32>,
        %bitcast_convert_type3A = tpu.bitcast %get3A_165 : vector<16xf32> -> vector<16xi32>
        %shift_right_arithmetic3A = arith.constant 23 : i32
        %shift_right_arithmetic3A_186 = vector.broadcast %shift_right_arithmetic3A : i32 to vector<16xi32>
        %shift_right_arithmetic3A_187 = arith.shrsi %bitcast_convert_type3A, %shift_right_arithmetic3A_186 : vector<16xi32>
        %sub3A = arith.constant 127 : i32
        %sub3A_188 = vector.broadcast %sub3A : i32 to vector<16xi32>
        %sub3A_189 = arith.subi %shift_right_arithmetic3A_187, %sub3A_188 : vector<16xi32>
        %and3A = arith.constant 8388607 : i32
        %and3A_190 = vector.broadcast %and3A : i32 to vector<16xi32>
        %and3A_191 = arith.andi %bitcast_convert_type3A, %and3A_190 : vector<16xi32>
        %or3A = arith.constant 1065353216 : i32
        %or3A_192 = vector.broadcast %or3A : i32 to vector<16xi32>
        %or3A_193 = arith.ori %and3A_191, %or3A_192 : vector<16xi32>
        %bitcast_convert_type3A_194 = tpu.bitcast %or3A_193 : vector<16xi32> -> vector<16xf32>
        %gt3A = arith.constant 1.41421354 : f32
        %gt3A_195 = vector.broadcast %gt3A : f32 to vector<16xf32>
        %gt3A_196 = arith.cmpf ogt, %bitcast_convert_type3A_194, %gt3A_195 : vector<16xf32>
        %mul3A_197 = arith.constant 5.000000e-01 : f32
        %mul3A_198 = vector.broadcast %mul3A_197 : f32 to vector<16xf32>
        %mul3A_199 = arith.mulf %bitcast_convert_type3A_194, %mul3A_198 : vector<16xf32>
        %select_n3A = arith.select %gt3A_196, %mul3A_199, %bitcast_convert_type3A_194 : vector<16xi1>, vector<16xf32>
        %jit3A = arith.constant 1 : i32
        %jit3A_200 = arith.constant 0 : i32
        %broadcast_in_dim3A = vector.broadcast %jit3A : i32 to vector<16xi32>
        %broadcast_in_dim3A_201 = vector.broadcast %jit3A_200 : i32 to vector<16xi32>
        %select_n3A_202 = arith.select %gt3A_196, %broadcast_in_dim3A, %broadcast_in_dim3A_201 : vector<16xi1>, vector<16xi32>
        %add3A_203 = arith.addi %sub3A_189, %select_n3A_202 : vector<16xi32>
        %convert_element_type3A_204 = arith.sitofp %add3A_203 : vector<16xi32> to vector<16xf32>
        %sub3A_205 = arith.constant 1.000000e+00 : f32
        %sub3A_206 = vector.broadcast %sub3A_205 : f32 to vector<16xf32>
        %sub3A_207 = arith.subf %select_n3A, %sub3A_206 : vector<16xf32>
        %mul3A_208 = arith.constant 0.313053131 : f32
        %mul3A_209 = vector.broadcast %mul3A_208 : f32 to vector<16xf32>
        %mul3A_210 = arith.mulf %mul3A_209, %sub3A_207 : vector<16xf32>
        %add3A_211 = arith.constant -0.520837247 : f32
        %add3A_212 = vector.broadcast %add3A_211 : f32 to vector<16xf32>
        %add3A_213 = arith.addf %mul3A_210, %add3A_212 : vector<16xf32>
        %mul3A_214 = arith.mulf %add3A_213, %sub3A_207 : vector<16xf32>
        %add3A_215 = arith.constant 1.0009464 : f32
        %add3A_216 = vector.broadcast %add3A_215 : f32 to vector<16xf32>
        %add3A_217 = arith.addf %mul3A_214, %add3A_216 : vector<16xf32>
        %mul3A_218 = arith.constant 0.693147182 : f32
        %mul3A_219 = vector.broadcast %mul3A_218 : f32 to vector<16xf32>
        %mul3A_220 = arith.mulf %convert_element_type3A_204, %mul3A_219 : vector<16xf32>
        %mul3A_221 = arith.mulf %sub3A_207, %add3A_217 : vector<16xf32>
        %add3A_222 = arith.addf %mul3A_220, %mul3A_221 : vector<16xf32>
        %neg3A = arith.constant 0.000000e+00 : f32
        %neg3A_223 = vector.broadcast %neg3A : f32 to vector<16xf32>
        %neg3A_224 = arith.subf %neg3A_223, %add3A_222 : vector<16xf32>
        %mul3A_225 = arith.constant 333.333344 : f32
        %mul3A_226 = vector.broadcast %mul3A_225 : f32 to vector<16xf32>
        %mul3A_227 = arith.mulf %get3A_141, %mul3A_226 : vector<16xf32>
        %bitcast_convert_type3A_228 = tpu.bitcast %neg3A_224 : vector<16xf32> -> vector<16xi32>
        %shift_right_arithmetic3A_229 = arith.constant 23 : i32
        %shift_right_arithmetic3A_230 = vector.broadcast %shift_right_arithmetic3A_229 : i32 to vector<16xi32>
        %shift_right_arithmetic3A_231 = arith.shrsi %bitcast_convert_type3A_228, %shift_right_arithmetic3A_230 : vector<16xi32>
        %sub3A_232 = arith.constant 127 : i32
        %sub3A_233 = vector.broadcast %sub3A_232 : i32 to vector<16xi32>
        %sub3A_234 = arith.subi %shift_right_arithmetic3A_231, %sub3A_233 : vector<16xi32>
        %convert_element_type3A_235 = arith.sitofp %sub3A_234 : vector<16xi32> to vector<16xf32>
        %and3A_236 = arith.constant 8388607 : i32
        %and3A_237 = vector.broadcast %and3A_236 : i32 to vector<16xi32>
        %and3A_238 = arith.andi %bitcast_convert_type3A_228, %and3A_237 : vector<16xi32>
        %or3A_239 = arith.constant 1065353216 : i32
        %or3A_240 = vector.broadcast %or3A_239 : i32 to vector<16xi32>
        %or3A_241 = arith.ori %and3A_238, %or3A_240 : vector<16xi32>
        %bitcast_convert_type3A_242 = tpu.bitcast %or3A_241 : vector<16xi32> -> vector<16xf32>
        %sub3A_243 = arith.constant 1.000000e+00 : f32
        %sub3A_244 = vector.broadcast %sub3A_243 : f32 to vector<16xf32>
        %sub3A_245 = arith.subf %bitcast_convert_type3A_242, %sub3A_244 : vector<16xf32>
        %mul3A_246 = arith.constant -0.02491205 : f32
        %mul3A_247 = vector.broadcast %mul3A_246 : f32 to vector<16xf32>
        %mul3A_248 = arith.mulf %mul3A_247, %sub3A_245 : vector<16xf32>
        %add3A_249 = arith.constant 0.0848740711 : f32
        %add3A_250 = vector.broadcast %add3A_249 : f32 to vector<16xf32>
        %add3A_251 = arith.addf %mul3A_248, %add3A_250 : vector<16xf32>
        %mul3A_252 = arith.mulf %add3A_251, %sub3A_245 : vector<16xf32>
        %add3A_253 = arith.constant -0.162214354 : f32
        %add3A_254 = vector.broadcast %add3A_253 : f32 to vector<16xf32>
        %add3A_255 = arith.addf %mul3A_252, %add3A_254 : vector<16xf32>
        %mul3A_256 = arith.mulf %add3A_255, %sub3A_245 : vector<16xf32>
        %add3A_257 = arith.constant 0.333206803 : f32
        %add3A_258 = vector.broadcast %add3A_257 : f32 to vector<16xf32>
        %add3A_259 = arith.addf %mul3A_256, %add3A_258 : vector<16xf32>
        %mul3A_260 = arith.constant 0.231049061 : f32
        %mul3A_261 = vector.broadcast %mul3A_260 : f32 to vector<16xf32>
        %mul3A_262 = arith.mulf %convert_element_type3A_235, %mul3A_261 : vector<16xf32>
        %mul3A_263 = arith.mulf %sub3A_245, %add3A_259 : vector<16xf32>
        %add3A_264 = arith.addf %mul3A_262, %mul3A_263 : vector<16xf32>
        %sub3A_265 = arith.subf %mul3A_227, %add3A_264 : vector<16xf32>
        %exp3A = math.exp %sub3A_265 : vector<16xf32>
        %bitcast_convert_type3A_266 = tpu.bitcast %get3A_169 : vector<16xf32> -> vector<16xi32>
        %shift_right_arithmetic3A_267 = arith.constant 23 : i32
        %shift_right_arithmetic3A_268 = vector.broadcast %shift_right_arithmetic3A_267 : i32 to vector<16xi32>
        %shift_right_arithmetic3A_269 = arith.shrsi %bitcast_convert_type3A_266, %shift_right_arithmetic3A_268 : vector<16xi32>
        %sub3A_270 = arith.constant 127 : i32
        %sub3A_271 = vector.broadcast %sub3A_270 : i32 to vector<16xi32>
        %sub3A_272 = arith.subi %shift_right_arithmetic3A_269, %sub3A_271 : vector<16xi32>
        %and3A_273 = arith.constant 8388607 : i32
        %and3A_274 = vector.broadcast %and3A_273 : i32 to vector<16xi32>
        %and3A_275 = arith.andi %bitcast_convert_type3A_266, %and3A_274 : vector<16xi32>
        %or3A_276 = arith.constant 1065353216 : i32
        %or3A_277 = vector.broadcast %or3A_276 : i32 to vector<16xi32>
        %or3A_278 = arith.ori %and3A_275, %or3A_277 : vector<16xi32>
        %bitcast_convert_type3A_279 = tpu.bitcast %or3A_278 : vector<16xi32> -> vector<16xf32>
        %gt3A_280 = arith.constant 1.41421354 : f32
        %gt3A_281 = vector.broadcast %gt3A_280 : f32 to vector<16xf32>
        %gt3A_282 = arith.cmpf ogt, %bitcast_convert_type3A_279, %gt3A_281 : vector<16xf32>
        %mul3A_283 = arith.constant 5.000000e-01 : f32
        %mul3A_284 = vector.broadcast %mul3A_283 : f32 to vector<16xf32>
        %mul3A_285 = arith.mulf %bitcast_convert_type3A_279, %mul3A_284 : vector<16xf32>
        %select_n3A_286 = arith.select %gt3A_282, %mul3A_285, %bitcast_convert_type3A_279 : vector<16xi1>, vector<16xf32>
        %jit3A_287 = arith.constant 1 : i32
        %jit3A_288 = arith.constant 0 : i32
        %broadcast_in_dim3A_289 = vector.broadcast %jit3A_287 : i32 to vector<16xi32>
        %broadcast_in_dim3A_290 = vector.broadcast %jit3A_288 : i32 to vector<16xi32>
        %select_n3A_291 = arith.select %gt3A_282, %broadcast_in_dim3A_289, %broadcast_in_dim3A_290 : vector<16xi1>, vector<16xi32>
        %add3A_292 = arith.addi %sub3A_272, %select_n3A_291 : vector<16xi32>
        %convert_element_type3A_293 = arith.sitofp %add3A_292 : vector<16xi32> to vector<16xf32>
        %sub3A_294 = arith.constant 1.000000e+00 : f32
        %sub3A_295 = vector.broadcast %sub3A_294 : f32 to vector<16xf32>
        %sub3A_296 = arith.subf %select_n3A_286, %sub3A_295 : vector<16xf32>
        %mul3A_297 = arith.constant 0.313053131 : f32
        %mul3A_298 = vector.broadcast %mul3A_297 : f32 to vector<16xf32>
        %mul3A_299 = arith.mulf %mul3A_298, %sub3A_296 : vector<16xf32>
        %add3A_300 = arith.constant -0.520837247 : f32
        %add3A_301 = vector.broadcast %add3A_300 : f32 to vector<16xf32>
        %add3A_302 = arith.addf %mul3A_299, %add3A_301 : vector<16xf32>
        %mul3A_303 = arith.mulf %add3A_302, %sub3A_296 : vector<16xf32>
        %add3A_304 = arith.constant 1.0009464 : f32
        %add3A_305 = vector.broadcast %add3A_304 : f32 to vector<16xf32>
        %add3A_306 = arith.addf %mul3A_303, %add3A_305 : vector<16xf32>
        %mul3A_307 = arith.constant 0.693147182 : f32
        %mul3A_308 = vector.broadcast %mul3A_307 : f32 to vector<16xf32>
        %mul3A_309 = arith.mulf %convert_element_type3A_293, %mul3A_308 : vector<16xf32>
        %mul3A_310 = arith.mulf %sub3A_296, %add3A_306 : vector<16xf32>
        %add3A_311 = arith.addf %mul3A_309, %mul3A_310 : vector<16xf32>
        %neg3A_312 = arith.constant 0.000000e+00 : f32
        %neg3A_313 = vector.broadcast %neg3A_312 : f32 to vector<16xf32>
        %neg3A_314 = arith.subf %neg3A_313, %add3A_311 : vector<16xf32>
        %mul3A_315 = arith.constant 333.333344 : f32
        %mul3A_316 = vector.broadcast %mul3A_315 : f32 to vector<16xf32>
        %mul3A_317 = arith.mulf %get3A_145, %mul3A_316 : vector<16xf32>
        %bitcast_convert_type3A_318 = tpu.bitcast %neg3A_314 : vector<16xf32> -> vector<16xi32>
        %shift_right_arithmetic3A_319 = arith.constant 23 : i32
        %shift_right_arithmetic3A_320 = vector.broadcast %shift_right_arithmetic3A_319 : i32 to vector<16xi32>
        %shift_right_arithmetic3A_321 = arith.shrsi %bitcast_convert_type3A_318, %shift_right_arithmetic3A_320 : vector<16xi32>
        %sub3A_322 = arith.constant 127 : i32
        %sub3A_323 = vector.broadcast %sub3A_322 : i32 to vector<16xi32>
        %sub3A_324 = arith.subi %shift_right_arithmetic3A_321, %sub3A_323 : vector<16xi32>
        %convert_element_type3A_325 = arith.sitofp %sub3A_324 : vector<16xi32> to vector<16xf32>
        %and3A_326 = arith.constant 8388607 : i32
        %and3A_327 = vector.broadcast %and3A_326 : i32 to vector<16xi32>
        %and3A_328 = arith.andi %bitcast_convert_type3A_318, %and3A_327 : vector<16xi32>
        %or3A_329 = arith.constant 1065353216 : i32
        %or3A_330 = vector.broadcast %or3A_329 : i32 to vector<16xi32>
        %or3A_331 = arith.ori %and3A_328, %or3A_330 : vector<16xi32>
        %bitcast_convert_type3A_332 = tpu.bitcast %or3A_331 : vector<16xi32> -> vector<16xf32>
        %sub3A_333 = arith.constant 1.000000e+00 : f32
        %sub3A_334 = vector.broadcast %sub3A_333 : f32 to vector<16xf32>
        %sub3A_335 = arith.subf %bitcast_convert_type3A_332, %sub3A_334 : vector<16xf32>
        %mul3A_336 = arith.constant -0.02491205 : f32
        %mul3A_337 = vector.broadcast %mul3A_336 : f32 to vector<16xf32>
        %mul3A_338 = arith.mulf %mul3A_337, %sub3A_335 : vector<16xf32>
        %add3A_339 = arith.constant 0.0848740711 : f32
        %add3A_340 = vector.broadcast %add3A_339 : f32 to vector<16xf32>
        %add3A_341 = arith.addf %mul3A_338, %add3A_340 : vector<16xf32>
        %mul3A_342 = arith.mulf %add3A_341, %sub3A_335 : vector<16xf32>
        %add3A_343 = arith.constant -0.162214354 : f32
        %add3A_344 = vector.broadcast %add3A_343 : f32 to vector<16xf32>
        %add3A_345 = arith.addf %mul3A_342, %add3A_344 : vector<16xf32>
        %mul3A_346 = arith.mulf %add3A_345, %sub3A_335 : vector<16xf32>
        %add3A_347 = arith.constant 0.333206803 : f32
        %add3A_348 = vector.broadcast %add3A_347 : f32 to vector<16xf32>
        %add3A_349 = arith.addf %mul3A_346, %add3A_348 : vector<16xf32>
        %mul3A_350 = arith.constant 0.231049061 : f32
        %mul3A_351 = vector.broadcast %mul3A_350 : f32 to vector<16xf32>
        %mul3A_352 = arith.mulf %convert_element_type3A_325, %mul3A_351 : vector<16xf32>
        %mul3A_353 = arith.mulf %sub3A_335, %add3A_349 : vector<16xf32>
        %add3A_354 = arith.addf %mul3A_352, %mul3A_353 : vector<16xf32>
        %sub3A_355 = arith.subf %mul3A_317, %add3A_354 : vector<16xf32>
        %exp3A_356 = math.exp %sub3A_355 : vector<16xf32>
        %bitcast_convert_type3A_357 = tpu.bitcast %get3A_173 : vector<16xf32> -> vector<16xi32>
        %shift_right_arithmetic3A_358 = arith.constant 23 : i32
        %shift_right_arithmetic3A_359 = vector.broadcast %shift_right_arithmetic3A_358 : i32 to vector<16xi32>
        %shift_right_arithmetic3A_360 = arith.shrsi %bitcast_convert_type3A_357, %shift_right_arithmetic3A_359 : vector<16xi32>
        %sub3A_361 = arith.constant 127 : i32
        %sub3A_362 = vector.broadcast %sub3A_361 : i32 to vector<16xi32>
        %sub3A_363 = arith.subi %shift_right_arithmetic3A_360, %sub3A_362 : vector<16xi32>
        %and3A_364 = arith.constant 8388607 : i32
        %and3A_365 = vector.broadcast %and3A_364 : i32 to vector<16xi32>
        %and3A_366 = arith.andi %bitcast_convert_type3A_357, %and3A_365 : vector<16xi32>
        %or3A_367 = arith.constant 1065353216 : i32
        %or3A_368 = vector.broadcast %or3A_367 : i32 to vector<16xi32>
        %or3A_369 = arith.ori %and3A_366, %or3A_368 : vector<16xi32>
        %bitcast_convert_type3A_370 = tpu.bitcast %or3A_369 : vector<16xi32> -> vector<16xf32>
        %gt3A_371 = arith.constant 1.41421354 : f32
        %gt3A_372 = vector.broadcast %gt3A_371 : f32 to vector<16xf32>
        %gt3A_373 = arith.cmpf ogt, %bitcast_convert_type3A_370, %gt3A_372 : vector<16xf32>
        %mul3A_374 = arith.constant 5.000000e-01 : f32
        %mul3A_375 = vector.broadcast %mul3A_374 : f32 to vector<16xf32>
        %mul3A_376 = arith.mulf %bitcast_convert_type3A_370, %mul3A_375 : vector<16xf32>
        %select_n3A_377 = arith.select %gt3A_373, %mul3A_376, %bitcast_convert_type3A_370 : vector<16xi1>, vector<16xf32>
        %jit3A_378 = arith.constant 1 : i32
        %jit3A_379 = arith.constant 0 : i32
        %broadcast_in_dim3A_380 = vector.broadcast %jit3A_378 : i32 to vector<16xi32>
        %broadcast_in_dim3A_381 = vector.broadcast %jit3A_379 : i32 to vector<16xi32>
        %select_n3A_382 = arith.select %gt3A_373, %broadcast_in_dim3A_380, %broadcast_in_dim3A_381 : vector<16xi1>, vector<16xi32>
        %add3A_383 = arith.addi %sub3A_363, %select_n3A_382 : vector<16xi32>
        %convert_element_type3A_384 = arith.sitofp %add3A_383 : vector<16xi32> to vector<16xf32>
        %sub3A_385 = arith.constant 1.000000e+00 : f32
        %sub3A_386 = vector.broadcast %sub3A_385 : f32 to vector<16xf32>
        %sub3A_387 = arith.subf %select_n3A_377, %sub3A_386 : vector<16xf32>
        %mul3A_388 = arith.constant 0.313053131 : f32
        %mul3A_389 = vector.broadcast %mul3A_388 : f32 to vector<16xf32>
        %mul3A_390 = arith.mulf %mul3A_389, %sub3A_387 : vector<16xf32>
        %add3A_391 = arith.constant -0.520837247 : f32
        %add3A_392 = vector.broadcast %add3A_391 : f32 to vector<16xf32>
        %add3A_393 = arith.addf %mul3A_390, %add3A_392 : vector<16xf32>
        %mul3A_394 = arith.mulf %add3A_393, %sub3A_387 : vector<16xf32>
        %add3A_395 = arith.constant 1.0009464 : f32
        %add3A_396 = vector.broadcast %add3A_395 : f32 to vector<16xf32>
        %add3A_397 = arith.addf %mul3A_394, %add3A_396 : vector<16xf32>
        %mul3A_398 = arith.constant 0.693147182 : f32
        %mul3A_399 = vector.broadcast %mul3A_398 : f32 to vector<16xf32>
        %mul3A_400 = arith.mulf %convert_element_type3A_384, %mul3A_399 : vector<16xf32>
        %mul3A_401 = arith.mulf %sub3A_387, %add3A_397 : vector<16xf32>
        %add3A_402 = arith.addf %mul3A_400, %mul3A_401 : vector<16xf32>
        %neg3A_403 = arith.constant 0.000000e+00 : f32
        %neg3A_404 = vector.broadcast %neg3A_403 : f32 to vector<16xf32>
        %neg3A_405 = arith.subf %neg3A_404, %add3A_402 : vector<16xf32>
        %mul3A_406 = arith.constant 333.333344 : f32
        %mul3A_407 = vector.broadcast %mul3A_406 : f32 to vector<16xf32>
        %mul3A_408 = arith.mulf %get3A_149, %mul3A_407 : vector<16xf32>
        %bitcast_convert_type3A_409 = tpu.bitcast %neg3A_405 : vector<16xf32> -> vector<16xi32>
        %shift_right_arithmetic3A_410 = arith.constant 23 : i32
        %shift_right_arithmetic3A_411 = vector.broadcast %shift_right_arithmetic3A_410 : i32 to vector<16xi32>
        %shift_right_arithmetic3A_412 = arith.shrsi %bitcast_convert_type3A_409, %shift_right_arithmetic3A_411 : vector<16xi32>
        %sub3A_413 = arith.constant 127 : i32
        %sub3A_414 = vector.broadcast %sub3A_413 : i32 to vector<16xi32>
        %sub3A_415 = arith.subi %shift_right_arithmetic3A_412, %sub3A_414 : vector<16xi32>
        %convert_element_type3A_416 = arith.sitofp %sub3A_415 : vector<16xi32> to vector<16xf32>
        %and3A_417 = arith.constant 8388607 : i32
        %and3A_418 = vector.broadcast %and3A_417 : i32 to vector<16xi32>
        %and3A_419 = arith.andi %bitcast_convert_type3A_409, %and3A_418 : vector<16xi32>
        %or3A_420 = arith.constant 1065353216 : i32
        %or3A_421 = vector.broadcast %or3A_420 : i32 to vector<16xi32>
        %or3A_422 = arith.ori %and3A_419, %or3A_421 : vector<16xi32>
        %bitcast_convert_type3A_423 = tpu.bitcast %or3A_422 : vector<16xi32> -> vector<16xf32>
        %sub3A_424 = arith.constant 1.000000e+00 : f32
        %sub3A_425 = vector.broadcast %sub3A_424 : f32 to vector<16xf32>
        %sub3A_426 = arith.subf %bitcast_convert_type3A_423, %sub3A_425 : vector<16xf32>
        %mul3A_427 = arith.constant -0.02491205 : f32
        %mul3A_428 = vector.broadcast %mul3A_427 : f32 to vector<16xf32>
        %mul3A_429 = arith.mulf %mul3A_428, %sub3A_426 : vector<16xf32>
        %add3A_430 = arith.constant 0.0848740711 : f32
        %add3A_431 = vector.broadcast %add3A_430 : f32 to vector<16xf32>
        %add3A_432 = arith.addf %mul3A_429, %add3A_431 : vector<16xf32>
        %mul3A_433 = arith.mulf %add3A_432, %sub3A_426 : vector<16xf32>
        %add3A_434 = arith.constant -0.162214354 : f32
        %add3A_435 = vector.broadcast %add3A_434 : f32 to vector<16xf32>
        %add3A_436 = arith.addf %mul3A_433, %add3A_435 : vector<16xf32>
        %mul3A_437 = arith.mulf %add3A_436, %sub3A_426 : vector<16xf32>
        %add3A_438 = arith.constant 0.333206803 : f32
        %add3A_439 = vector.broadcast %add3A_438 : f32 to vector<16xf32>
        %add3A_440 = arith.addf %mul3A_437, %add3A_439 : vector<16xf32>
        %mul3A_441 = arith.constant 0.231049061 : f32
        %mul3A_442 = vector.broadcast %mul3A_441 : f32 to vector<16xf32>
        %mul3A_443 = arith.mulf %convert_element_type3A_416, %mul3A_442 : vector<16xf32>
        %mul3A_444 = arith.mulf %sub3A_426, %add3A_440 : vector<16xf32>
        %add3A_445 = arith.addf %mul3A_443, %mul3A_444 : vector<16xf32>
        %sub3A_446 = arith.subf %mul3A_408, %add3A_445 : vector<16xf32>
        %exp3A_447 = math.exp %sub3A_446 : vector<16xf32>
        %bitcast_convert_type3A_448 = tpu.bitcast %get3A_177 : vector<16xf32> -> vector<16xi32>
        %shift_right_arithmetic3A_449 = arith.constant 23 : i32
        %shift_right_arithmetic3A_450 = vector.broadcast %shift_right_arithmetic3A_449 : i32 to vector<16xi32>
        %shift_right_arithmetic3A_451 = arith.shrsi %bitcast_convert_type3A_448, %shift_right_arithmetic3A_450 : vector<16xi32>
        %sub3A_452 = arith.constant 127 : i32
        %sub3A_453 = vector.broadcast %sub3A_452 : i32 to vector<16xi32>
        %sub3A_454 = arith.subi %shift_right_arithmetic3A_451, %sub3A_453 : vector<16xi32>
        %and3A_455 = arith.constant 8388607 : i32
        %and3A_456 = vector.broadcast %and3A_455 : i32 to vector<16xi32>
        %and3A_457 = arith.andi %bitcast_convert_type3A_448, %and3A_456 : vector<16xi32>
        %or3A_458 = arith.constant 1065353216 : i32
        %or3A_459 = vector.broadcast %or3A_458 : i32 to vector<16xi32>
        %or3A_460 = arith.ori %and3A_457, %or3A_459 : vector<16xi32>
        %bitcast_convert_type3A_461 = tpu.bitcast %or3A_460 : vector<16xi32> -> vector<16xf32>
        %gt3A_462 = arith.constant 1.41421354 : f32
        %gt3A_463 = vector.broadcast %gt3A_462 : f32 to vector<16xf32>
        %gt3A_464 = arith.cmpf ogt, %bitcast_convert_type3A_461, %gt3A_463 : vector<16xf32>
        %mul3A_465 = arith.constant 5.000000e-01 : f32
        %mul3A_466 = vector.broadcast %mul3A_465 : f32 to vector<16xf32>
        %mul3A_467 = arith.mulf %bitcast_convert_type3A_461, %mul3A_466 : vector<16xf32>
        %select_n3A_468 = arith.select %gt3A_464, %mul3A_467, %bitcast_convert_type3A_461 : vector<16xi1>, vector<16xf32>
        %jit3A_469 = arith.constant 1 : i32
        %jit3A_470 = arith.constant 0 : i32
        %broadcast_in_dim3A_471 = vector.broadcast %jit3A_469 : i32 to vector<16xi32>
        %broadcast_in_dim3A_472 = vector.broadcast %jit3A_470 : i32 to vector<16xi32>
        %select_n3A_473 = arith.select %gt3A_464, %broadcast_in_dim3A_471, %broadcast_in_dim3A_472 : vector<16xi1>, vector<16xi32>
        %add3A_474 = arith.addi %sub3A_454, %select_n3A_473 : vector<16xi32>
        %convert_element_type3A_475 = arith.sitofp %add3A_474 : vector<16xi32> to vector<16xf32>
        %sub3A_476 = arith.constant 1.000000e+00 : f32
        %sub3A_477 = vector.broadcast %sub3A_476 : f32 to vector<16xf32>
        %sub3A_478 = arith.subf %select_n3A_468, %sub3A_477 : vector<16xf32>
        %mul3A_479 = arith.constant 0.313053131 : f32
        %mul3A_480 = vector.broadcast %mul3A_479 : f32 to vector<16xf32>
        %mul3A_481 = arith.mulf %mul3A_480, %sub3A_478 : vector<16xf32>
        %add3A_482 = arith.constant -0.520837247 : f32
        %add3A_483 = vector.broadcast %add3A_482 : f32 to vector<16xf32>
        %add3A_484 = arith.addf %mul3A_481, %add3A_483 : vector<16xf32>
        %mul3A_485 = arith.mulf %add3A_484, %sub3A_478 : vector<16xf32>
        %add3A_486 = arith.constant 1.0009464 : f32
        %add3A_487 = vector.broadcast %add3A_486 : f32 to vector<16xf32>
        %add3A_488 = arith.addf %mul3A_485, %add3A_487 : vector<16xf32>
        %mul3A_489 = arith.constant 0.693147182 : f32
        %mul3A_490 = vector.broadcast %mul3A_489 : f32 to vector<16xf32>
        %mul3A_491 = arith.mulf %convert_element_type3A_475, %mul3A_490 : vector<16xf32>
        %mul3A_492 = arith.mulf %sub3A_478, %add3A_488 : vector<16xf32>
        %add3A_493 = arith.addf %mul3A_491, %mul3A_492 : vector<16xf32>
        %neg3A_494 = arith.constant 0.000000e+00 : f32
        %neg3A_495 = vector.broadcast %neg3A_494 : f32 to vector<16xf32>
        %neg3A_496 = arith.subf %neg3A_495, %add3A_493 : vector<16xf32>
        %mul3A_497 = arith.constant 333.333344 : f32
        %mul3A_498 = vector.broadcast %mul3A_497 : f32 to vector<16xf32>
        %mul3A_499 = arith.mulf %get3A_153, %mul3A_498 : vector<16xf32>
        %bitcast_convert_type3A_500 = tpu.bitcast %neg3A_496 : vector<16xf32> -> vector<16xi32>
        %shift_right_arithmetic3A_501 = arith.constant 23 : i32
        %shift_right_arithmetic3A_502 = vector.broadcast %shift_right_arithmetic3A_501 : i32 to vector<16xi32>
        %shift_right_arithmetic3A_503 = arith.shrsi %bitcast_convert_type3A_500, %shift_right_arithmetic3A_502 : vector<16xi32>
        %sub3A_504 = arith.constant 127 : i32
        %sub3A_505 = vector.broadcast %sub3A_504 : i32 to vector<16xi32>
        %sub3A_506 = arith.subi %shift_right_arithmetic3A_503, %sub3A_505 : vector<16xi32>
        %convert_element_type3A_507 = arith.sitofp %sub3A_506 : vector<16xi32> to vector<16xf32>
        %and3A_508 = arith.constant 8388607 : i32
        %and3A_509 = vector.broadcast %and3A_508 : i32 to vector<16xi32>
        %and3A_510 = arith.andi %bitcast_convert_type3A_500, %and3A_509 : vector<16xi32>
        %or3A_511 = arith.constant 1065353216 : i32
        %or3A_512 = vector.broadcast %or3A_511 : i32 to vector<16xi32>
        %or3A_513 = arith.ori %and3A_510, %or3A_512 : vector<16xi32>
        %bitcast_convert_type3A_514 = tpu.bitcast %or3A_513 : vector<16xi32> -> vector<16xf32>
        %sub3A_515 = arith.constant 1.000000e+00 : f32
        %sub3A_516 = vector.broadcast %sub3A_515 : f32 to vector<16xf32>
        %sub3A_517 = arith.subf %bitcast_convert_type3A_514, %sub3A_516 : vector<16xf32>
        %mul3A_518 = arith.constant -0.02491205 : f32
        %mul3A_519 = vector.broadcast %mul3A_518 : f32 to vector<16xf32>
        %mul3A_520 = arith.mulf %mul3A_519, %sub3A_517 : vector<16xf32>
        %add3A_521 = arith.constant 0.0848740711 : f32
        %add3A_522 = vector.broadcast %add3A_521 : f32 to vector<16xf32>
        %add3A_523 = arith.addf %mul3A_520, %add3A_522 : vector<16xf32>
        %mul3A_524 = arith.mulf %add3A_523, %sub3A_517 : vector<16xf32>
        %add3A_525 = arith.constant -0.162214354 : f32
        %add3A_526 = vector.broadcast %add3A_525 : f32 to vector<16xf32>
        %add3A_527 = arith.addf %mul3A_524, %add3A_526 : vector<16xf32>
        %mul3A_528 = arith.mulf %add3A_527, %sub3A_517 : vector<16xf32>
        %add3A_529 = arith.constant 0.333206803 : f32
        %add3A_530 = vector.broadcast %add3A_529 : f32 to vector<16xf32>
        %add3A_531 = arith.addf %mul3A_528, %add3A_530 : vector<16xf32>
        %mul3A_532 = arith.constant 0.231049061 : f32
        %mul3A_533 = vector.broadcast %mul3A_532 : f32 to vector<16xf32>
        %mul3A_534 = arith.mulf %convert_element_type3A_507, %mul3A_533 : vector<16xf32>
        %mul3A_535 = arith.mulf %sub3A_517, %add3A_531 : vector<16xf32>
        %add3A_536 = arith.addf %mul3A_534, %mul3A_535 : vector<16xf32>
        %sub3A_537 = arith.subf %mul3A_499, %add3A_536 : vector<16xf32>
        %exp3A_538 = math.exp %sub3A_537 : vector<16xf32>
        %bitcast_convert_type3A_539 = tpu.bitcast %get3A_181 : vector<16xf32> -> vector<16xi32>
        %shift_right_arithmetic3A_540 = arith.constant 23 : i32
        %shift_right_arithmetic3A_541 = vector.broadcast %shift_right_arithmetic3A_540 : i32 to vector<16xi32>
        %shift_right_arithmetic3A_542 = arith.shrsi %bitcast_convert_type3A_539, %shift_right_arithmetic3A_541 : vector<16xi32>
        %sub3A_543 = arith.constant 127 : i32
        %sub3A_544 = vector.broadcast %sub3A_543 : i32 to vector<16xi32>
        %sub3A_545 = arith.subi %shift_right_arithmetic3A_542, %sub3A_544 : vector<16xi32>
        %and3A_546 = arith.constant 8388607 : i32
        %and3A_547 = vector.broadcast %and3A_546 : i32 to vector<16xi32>
        %and3A_548 = arith.andi %bitcast_convert_type3A_539, %and3A_547 : vector<16xi32>
        %or3A_549 = arith.constant 1065353216 : i32
        %or3A_550 = vector.broadcast %or3A_549 : i32 to vector<16xi32>
        %or3A_551 = arith.ori %and3A_548, %or3A_550 : vector<16xi32>
        %bitcast_convert_type3A_552 = tpu.bitcast %or3A_551 : vector<16xi32> -> vector<16xf32>
        %gt3A_553 = arith.constant 1.41421354 : f32
        %gt3A_554 = vector.broadcast %gt3A_553 : f32 to vector<16xf32>
        %gt3A_555 = arith.cmpf ogt, %bitcast_convert_type3A_552, %gt3A_554 : vector<16xf32>
        %mul3A_556 = arith.constant 5.000000e-01 : f32
        %mul3A_557 = vector.broadcast %mul3A_556 : f32 to vector<16xf32>
        %mul3A_558 = arith.mulf %bitcast_convert_type3A_552, %mul3A_557 : vector<16xf32>
        %select_n3A_559 = arith.select %gt3A_555, %mul3A_558, %bitcast_convert_type3A_552 : vector<16xi1>, vector<16xf32>
        %jit3A_560 = arith.constant 1 : i32
        %jit3A_561 = arith.constant 0 : i32
        %broadcast_in_dim3A_562 = vector.broadcast %jit3A_560 : i32 to vector<16xi32>
        %broadcast_in_dim3A_563 = vector.broadcast %jit3A_561 : i32 to vector<16xi32>
        %select_n3A_564 = arith.select %gt3A_555, %broadcast_in_dim3A_562, %broadcast_in_dim3A_563 : vector<16xi1>, vector<16xi32>
        %add3A_565 = arith.addi %sub3A_545, %select_n3A_564 : vector<16xi32>
        %convert_element_type3A_566 = arith.sitofp %add3A_565 : vector<16xi32> to vector<16xf32>
        %sub3A_567 = arith.constant 1.000000e+00 : f32
        %sub3A_568 = vector.broadcast %sub3A_567 : f32 to vector<16xf32>
        %sub3A_569 = arith.subf %select_n3A_559, %sub3A_568 : vector<16xf32>
        %mul3A_570 = arith.constant 0.313053131 : f32
        %mul3A_571 = vector.broadcast %mul3A_570 : f32 to vector<16xf32>
        %mul3A_572 = arith.mulf %mul3A_571, %sub3A_569 : vector<16xf32>
        %add3A_573 = arith.constant -0.520837247 : f32
        %add3A_574 = vector.broadcast %add3A_573 : f32 to vector<16xf32>
        %add3A_575 = arith.addf %mul3A_572, %add3A_574 : vector<16xf32>
        %mul3A_576 = arith.mulf %add3A_575, %sub3A_569 : vector<16xf32>
        %add3A_577 = arith.constant 1.0009464 : f32
        %add3A_578 = vector.broadcast %add3A_577 : f32 to vector<16xf32>
        %add3A_579 = arith.addf %mul3A_576, %add3A_578 : vector<16xf32>
        %mul3A_580 = arith.constant 0.693147182 : f32
        %mul3A_581 = vector.broadcast %mul3A_580 : f32 to vector<16xf32>
        %mul3A_582 = arith.mulf %convert_element_type3A_566, %mul3A_581 : vector<16xf32>
        %mul3A_583 = arith.mulf %sub3A_569, %add3A_579 : vector<16xf32>
        %add3A_584 = arith.addf %mul3A_582, %mul3A_583 : vector<16xf32>
        %neg3A_585 = arith.constant 0.000000e+00 : f32
        %neg3A_586 = vector.broadcast %neg3A_585 : f32 to vector<16xf32>
        %neg3A_587 = arith.subf %neg3A_586, %add3A_584 : vector<16xf32>
        %mul3A_588 = arith.constant 333.333344 : f32
        %mul3A_589 = vector.broadcast %mul3A_588 : f32 to vector<16xf32>
        %mul3A_590 = arith.mulf %get3A_157, %mul3A_589 : vector<16xf32>
        %bitcast_convert_type3A_591 = tpu.bitcast %neg3A_587 : vector<16xf32> -> vector<16xi32>
        %shift_right_arithmetic3A_592 = arith.constant 23 : i32
        %shift_right_arithmetic3A_593 = vector.broadcast %shift_right_arithmetic3A_592 : i32 to vector<16xi32>
        %shift_right_arithmetic3A_594 = arith.shrsi %bitcast_convert_type3A_591, %shift_right_arithmetic3A_593 : vector<16xi32>
        %sub3A_595 = arith.constant 127 : i32
        %sub3A_596 = vector.broadcast %sub3A_595 : i32 to vector<16xi32>
        %sub3A_597 = arith.subi %shift_right_arithmetic3A_594, %sub3A_596 : vector<16xi32>
        %convert_element_type3A_598 = arith.sitofp %sub3A_597 : vector<16xi32> to vector<16xf32>
        %and3A_599 = arith.constant 8388607 : i32
        %and3A_600 = vector.broadcast %and3A_599 : i32 to vector<16xi32>
        %and3A_601 = arith.andi %bitcast_convert_type3A_591, %and3A_600 : vector<16xi32>
        %or3A_602 = arith.constant 1065353216 : i32
        %or3A_603 = vector.broadcast %or3A_602 : i32 to vector<16xi32>
        %or3A_604 = arith.ori %and3A_601, %or3A_603 : vector<16xi32>
        %bitcast_convert_type3A_605 = tpu.bitcast %or3A_604 : vector<16xi32> -> vector<16xf32>
        %sub3A_606 = arith.constant 1.000000e+00 : f32
        %sub3A_607 = vector.broadcast %sub3A_606 : f32 to vector<16xf32>
        %sub3A_608 = arith.subf %bitcast_convert_type3A_605, %sub3A_607 : vector<16xf32>
        %mul3A_609 = arith.constant -0.02491205 : f32
        %mul3A_610 = vector.broadcast %mul3A_609 : f32 to vector<16xf32>
        %mul3A_611 = arith.mulf %mul3A_610, %sub3A_608 : vector<16xf32>
        %add3A_612 = arith.constant 0.0848740711 : f32
        %add3A_613 = vector.broadcast %add3A_612 : f32 to vector<16xf32>
        %add3A_614 = arith.addf %mul3A_611, %add3A_613 : vector<16xf32>
        %mul3A_615 = arith.mulf %add3A_614, %sub3A_608 : vector<16xf32>
        %add3A_616 = arith.constant -0.162214354 : f32
        %add3A_617 = vector.broadcast %add3A_616 : f32 to vector<16xf32>
        %add3A_618 = arith.addf %mul3A_615, %add3A_617 : vector<16xf32>
        %mul3A_619 = arith.mulf %add3A_618, %sub3A_608 : vector<16xf32>
        %add3A_620 = arith.constant 0.333206803 : f32
        %add3A_621 = vector.broadcast %add3A_620 : f32 to vector<16xf32>
        %add3A_622 = arith.addf %mul3A_619, %add3A_621 : vector<16xf32>
        %mul3A_623 = arith.constant 0.231049061 : f32
        %mul3A_624 = vector.broadcast %mul3A_623 : f32 to vector<16xf32>
        %mul3A_625 = arith.mulf %convert_element_type3A_598, %mul3A_624 : vector<16xf32>
        %mul3A_626 = arith.mulf %sub3A_608, %add3A_622 : vector<16xf32>
        %add3A_627 = arith.addf %mul3A_625, %mul3A_626 : vector<16xf32>
        %sub3A_628 = arith.subf %mul3A_590, %add3A_627 : vector<16xf32>
        %exp3A_629 = math.exp %sub3A_628 : vector<16xf32>
        %bitcast_convert_type3A_630 = tpu.bitcast %get3A_185 : vector<16xf32> -> vector<16xi32>
        %shift_right_arithmetic3A_631 = arith.constant 23 : i32
        %shift_right_arithmetic3A_632 = vector.broadcast %shift_right_arithmetic3A_631 : i32 to vector<16xi32>
        %shift_right_arithmetic3A_633 = arith.shrsi %bitcast_convert_type3A_630, %shift_right_arithmetic3A_632 : vector<16xi32>
        %sub3A_634 = arith.constant 127 : i32
        %sub3A_635 = vector.broadcast %sub3A_634 : i32 to vector<16xi32>
        %sub3A_636 = arith.subi %shift_right_arithmetic3A_633, %sub3A_635 : vector<16xi32>
        %and3A_637 = arith.constant 8388607 : i32
        %and3A_638 = vector.broadcast %and3A_637 : i32 to vector<16xi32>
        %and3A_639 = arith.andi %bitcast_convert_type3A_630, %and3A_638 : vector<16xi32>
        %or3A_640 = arith.constant 1065353216 : i32
        %or3A_641 = vector.broadcast %or3A_640 : i32 to vector<16xi32>
        %or3A_642 = arith.ori %and3A_639, %or3A_641 : vector<16xi32>
        %bitcast_convert_type3A_643 = tpu.bitcast %or3A_642 : vector<16xi32> -> vector<16xf32>
        %gt3A_644 = arith.constant 1.41421354 : f32
        %gt3A_645 = vector.broadcast %gt3A_644 : f32 to vector<16xf32>
        %gt3A_646 = arith.cmpf ogt, %bitcast_convert_type3A_643, %gt3A_645 : vector<16xf32>
        %mul3A_647 = arith.constant 5.000000e-01 : f32
        %mul3A_648 = vector.broadcast %mul3A_647 : f32 to vector<16xf32>
        %mul3A_649 = arith.mulf %bitcast_convert_type3A_643, %mul3A_648 : vector<16xf32>
        %select_n3A_650 = arith.select %gt3A_646, %mul3A_649, %bitcast_convert_type3A_643 : vector<16xi1>, vector<16xf32>
        %jit3A_651 = arith.constant 1 : i32
        %jit3A_652 = arith.constant 0 : i32
        %broadcast_in_dim3A_653 = vector.broadcast %jit3A_651 : i32 to vector<16xi32>
        %broadcast_in_dim3A_654 = vector.broadcast %jit3A_652 : i32 to vector<16xi32>
        %select_n3A_655 = arith.select %gt3A_646, %broadcast_in_dim3A_653, %broadcast_in_dim3A_654 : vector<16xi1>, vector<16xi32>
        %add3A_656 = arith.addi %sub3A_636, %select_n3A_655 : vector<16xi32>
        %convert_element_type3A_657 = arith.sitofp %add3A_656 : vector<16xi32> to vector<16xf32>
        %sub3A_658 = arith.constant 1.000000e+00 : f32
        %sub3A_659 = vector.broadcast %sub3A_658 : f32 to vector<16xf32>
        %sub3A_660 = arith.subf %select_n3A_650, %sub3A_659 : vector<16xf32>
        %mul3A_661 = arith.constant 0.313053131 : f32
        %mul3A_662 = vector.broadcast %mul3A_661 : f32 to vector<16xf32>
        %mul3A_663 = arith.mulf %mul3A_662, %sub3A_660 : vector<16xf32>
        %add3A_664 = arith.constant -0.520837247 : f32
        %add3A_665 = vector.broadcast %add3A_664 : f32 to vector<16xf32>
        %add3A_666 = arith.addf %mul3A_663, %add3A_665 : vector<16xf32>
        %mul3A_667 = arith.mulf %add3A_666, %sub3A_660 : vector<16xf32>
        %add3A_668 = arith.constant 1.0009464 : f32
        %add3A_669 = vector.broadcast %add3A_668 : f32 to vector<16xf32>
        %add3A_670 = arith.addf %mul3A_667, %add3A_669 : vector<16xf32>
        %mul3A_671 = arith.constant 0.693147182 : f32
        %mul3A_672 = vector.broadcast %mul3A_671 : f32 to vector<16xf32>
        %mul3A_673 = arith.mulf %convert_element_type3A_657, %mul3A_672 : vector<16xf32>
        %mul3A_674 = arith.mulf %sub3A_660, %add3A_670 : vector<16xf32>
        %add3A_675 = arith.addf %mul3A_673, %mul3A_674 : vector<16xf32>
        %neg3A_676 = arith.constant 0.000000e+00 : f32
        %neg3A_677 = vector.broadcast %neg3A_676 : f32 to vector<16xf32>
        %neg3A_678 = arith.subf %neg3A_677, %add3A_675 : vector<16xf32>
        %mul3A_679 = arith.constant 333.333344 : f32
        %mul3A_680 = vector.broadcast %mul3A_679 : f32 to vector<16xf32>
        %mul3A_681 = arith.mulf %get3A_161, %mul3A_680 : vector<16xf32>
        %bitcast_convert_type3A_682 = tpu.bitcast %neg3A_678 : vector<16xf32> -> vector<16xi32>
        %shift_right_arithmetic3A_683 = arith.constant 23 : i32
        %shift_right_arithmetic3A_684 = vector.broadcast %shift_right_arithmetic3A_683 : i32 to vector<16xi32>
        %shift_right_arithmetic3A_685 = arith.shrsi %bitcast_convert_type3A_682, %shift_right_arithmetic3A_684 : vector<16xi32>
        %sub3A_686 = arith.constant 127 : i32
        %sub3A_687 = vector.broadcast %sub3A_686 : i32 to vector<16xi32>
        %sub3A_688 = arith.subi %shift_right_arithmetic3A_685, %sub3A_687 : vector<16xi32>
        %convert_element_type3A_689 = arith.sitofp %sub3A_688 : vector<16xi32> to vector<16xf32>
        %and3A_690 = arith.constant 8388607 : i32
        %and3A_691 = vector.broadcast %and3A_690 : i32 to vector<16xi32>
        %and3A_692 = arith.andi %bitcast_convert_type3A_682, %and3A_691 : vector<16xi32>
        %or3A_693 = arith.constant 1065353216 : i32
        %or3A_694 = vector.broadcast %or3A_693 : i32 to vector<16xi32>
        %or3A_695 = arith.ori %and3A_692, %or3A_694 : vector<16xi32>
        %bitcast_convert_type3A_696 = tpu.bitcast %or3A_695 : vector<16xi32> -> vector<16xf32>
        %sub3A_697 = arith.constant 1.000000e+00 : f32
        %sub3A_698 = vector.broadcast %sub3A_697 : f32 to vector<16xf32>
        %sub3A_699 = arith.subf %bitcast_convert_type3A_696, %sub3A_698 : vector<16xf32>
        %mul3A_700 = arith.constant -0.02491205 : f32
        %mul3A_701 = vector.broadcast %mul3A_700 : f32 to vector<16xf32>
        %mul3A_702 = arith.mulf %mul3A_701, %sub3A_699 : vector<16xf32>
        %add3A_703 = arith.constant 0.0848740711 : f32
        %add3A_704 = vector.broadcast %add3A_703 : f32 to vector<16xf32>
        %add3A_705 = arith.addf %mul3A_702, %add3A_704 : vector<16xf32>
        %mul3A_706 = arith.mulf %add3A_705, %sub3A_699 : vector<16xf32>
        %add3A_707 = arith.constant -0.162214354 : f32
        %add3A_708 = vector.broadcast %add3A_707 : f32 to vector<16xf32>
        %add3A_709 = arith.addf %mul3A_706, %add3A_708 : vector<16xf32>
        %mul3A_710 = arith.mulf %add3A_709, %sub3A_699 : vector<16xf32>
        %add3A_711 = arith.constant 0.333206803 : f32
        %add3A_712 = vector.broadcast %add3A_711 : f32 to vector<16xf32>
        %add3A_713 = arith.addf %mul3A_710, %add3A_712 : vector<16xf32>
        %mul3A_714 = arith.constant 0.231049061 : f32
        %mul3A_715 = vector.broadcast %mul3A_714 : f32 to vector<16xf32>
        %mul3A_716 = arith.mulf %convert_element_type3A_689, %mul3A_715 : vector<16xf32>
        %mul3A_717 = arith.mulf %sub3A_699, %add3A_713 : vector<16xf32>
        %add3A_718 = arith.addf %mul3A_716, %mul3A_717 : vector<16xf32>
        %sub3A_719 = arith.subf %mul3A_681, %add3A_718 : vector<16xf32>
        %exp3A_720 = math.exp %sub3A_719 : vector<16xf32>
        %add3A_721 = arith.addf %exp3A, %exp3A_356 : vector<16xf32>
        %add3A_722 = arith.addf %add3A_721, %exp3A_447 : vector<16xf32>
        %add3A_723 = arith.addf %add3A_722, %exp3A_538 : vector<16xf32>
        %add3A_724 = arith.addf %add3A_723, %exp3A_629 : vector<16xf32>
        %add3A_725 = arith.addf %add3A_724, %exp3A_720 : vector<16xf32>
        %div3A = arith.constant 1.000000e+00 : f32
        %div3A_726 = vector.broadcast %div3A : f32 to vector<16xf32>
        %div3A_727 = arith.divf %div3A_726, %add3A_725 : vector<16xf32>
        %add3A_728 = arith.addf %exp3A, %exp3A_356 : vector<16xf32>
        %add3A_729 = arith.addf %add3A_728, %exp3A_447 : vector<16xf32>
        %mul3A_730 = arith.mulf %add3A_729, %div3A_727 : vector<16xf32>
        %add3A_731 = arith.addf %exp3A, %exp3A_538 : vector<16xf32>
        %add3A_732 = arith.addf %add3A_731, %exp3A_629 : vector<16xf32>
        %mul3A_733 = arith.mulf %add3A_732, %div3A_727 : vector<16xf32>
        %add3A_734 = arith.addf %exp3A_356, %exp3A_538 : vector<16xf32>
        %add3A_735 = arith.addf %add3A_734, %exp3A_720 : vector<16xf32>
        %mul3A_736 = arith.mulf %add3A_735, %div3A_727 : vector<16xf32>
        %add3A_737 = arith.addf %exp3A_447, %exp3A_629 : vector<16xf32>
        %add3A_738 = arith.addf %add3A_737, %exp3A_720 : vector<16xf32>
        %mul3A_739 = arith.mulf %add3A_738, %div3A_727 : vector<16xf32>
        %and3A_740 = arith.constant 63 : i32
        %and3A_741 = arith.andi %scan3A_136, %and3A_740 : i32
        %shift_right_arithmetic3A_742 = arith.constant 1 : i32
        %shift_right_arithmetic3A_743 = arith.shrsi %and3A_741, %shift_right_arithmetic3A_742 : i32
        %broadcast_in_dim3A_744 = vector.broadcast %shift_right_arithmetic3A_743 : i32 to vector<16xi32>
        %shift_right_arithmetic3A_745 = arith.constant 6 : i32
        %shift_right_arithmetic3A_746 = arith.shrsi %scan3A_136, %shift_right_arithmetic3A_745 : i32
        %add3A_747 = arith.constant 0 : i32
        %add3A_748 = arith.addi %add3A_747, %shift_right_arithmetic3A_746 : i32
        %broadcast_in_dim3A_749 = vector.broadcast %add3A_748 : i32 to vector<16xi32>
        %and3A_750 = arith.constant 1 : i32
        %and3A_751 = arith.andi %scan3A_136, %and3A_750 : i32
        %mul3A_752 = arith.constant 64 : i32
        %mul3A_753 = arith.muli %and3A_751, %mul3A_752 : i32
        %add3A_754 = arith.constant 0 : i32
        %add3A_755 = arith.addi %mul3A_753, %add3A_754 : i32
        %add3A_756 = vector.broadcast %add3A_755 : i32 to vector<16xi32>
        %add3A_757 = arith.addi %mul3A_7, %add3A_756 : vector<16xi32>
        tpu.vector_store_idx %arg9[%broadcast_in_dim3A_744, %broadcast_in_dim3A_749, %add3A_757], %mul3A_730 : memref<32x8x128xf32, #tpu.memory_space<vmem>>[vector<16xi32>, vector<16xi32>, vector<16xi32>], vector<16xf32>,
        %add3A_758 = arith.constant 1 : i32
        %add3A_759 = arith.addi %mul3A_753, %add3A_758 : i32
        %add3A_760 = vector.broadcast %add3A_759 : i32 to vector<16xi32>
        %add3A_761 = arith.addi %mul3A_7, %add3A_760 : vector<16xi32>
        tpu.vector_store_idx %arg9[%broadcast_in_dim3A_744, %broadcast_in_dim3A_749, %add3A_761], %mul3A_733 : memref<32x8x128xf32, #tpu.memory_space<vmem>>[vector<16xi32>, vector<16xi32>, vector<16xi32>], vector<16xf32>,
        %add3A_762 = arith.constant 2 : i32
        %add3A_763 = arith.addi %mul3A_753, %add3A_762 : i32
        %add3A_764 = vector.broadcast %add3A_763 : i32 to vector<16xi32>
        %add3A_765 = arith.addi %mul3A_7, %add3A_764 : vector<16xi32>
        tpu.vector_store_idx %arg9[%broadcast_in_dim3A_744, %broadcast_in_dim3A_749, %add3A_765], %mul3A_736 : memref<32x8x128xf32, #tpu.memory_space<vmem>>[vector<16xi32>, vector<16xi32>, vector<16xi32>], vector<16xf32>,
        %add3A_766 = arith.constant 3 : i32
        %add3A_767 = arith.addi %mul3A_753, %add3A_766 : i32
        %add3A_768 = vector.broadcast %add3A_767 : i32 to vector<16xi32>
        %add3A_769 = arith.addi %mul3A_7, %add3A_768 : vector<16xi32>
        tpu.vector_store_idx %arg9[%broadcast_in_dim3A_744, %broadcast_in_dim3A_749, %add3A_769], %mul3A_739 : memref<32x8x128xf32, #tpu.memory_space<vmem>>[vector<16xi32>, vector<16xi32>, vector<16xi32>], vector<16xf32>,
        %scan3A_770 = arith.constant 1 : i32
        %scan3A_771 = arith.addi %scan3A_136, %scan3A_770 : i32
        %mul3A_772 = arith.constant 16 : i32
        %mul3A_773 = arith.muli %scan3A_771, %mul3A_772 : i32
        %get3A_774 = arith.constant 0 : i32
        %get3A_775 = arith.index_cast %get3A_774 : i32 to index
        %get3A_776 = arith.index_cast %mul3A_773 : i32 to index
        %get3A_777 = tpu.vector_load %arg5[%get3A_775, %get3A_776] {strides = array<i32>} : memref<6x2048xf32, #tpu.memory_space<vmem>>, vector<16xf32>,
        %get3A_778 = arith.constant 1 : i32
        %get3A_779 = arith.index_cast %get3A_778 : i32 to index
        %get3A_780 = arith.index_cast %mul3A_773 : i32 to index
        %get3A_781 = tpu.vector_load %arg5[%get3A_779, %get3A_780] {strides = array<i32>} : memref<6x2048xf32, #tpu.memory_space<vmem>>, vector<16xf32>,
        %get3A_782 = arith.constant 2 : i32
        %get3A_783 = arith.index_cast %get3A_782 : i32 to index
        %get3A_784 = arith.index_cast %mul3A_773 : i32 to index
        %get3A_785 = tpu.vector_load %arg5[%get3A_783, %get3A_784] {strides = array<i32>} : memref<6x2048xf32, #tpu.memory_space<vmem>>, vector<16xf32>,
        %get3A_786 = arith.constant 3 : i32
        %get3A_787 = arith.index_cast %get3A_786 : i32 to index
        %get3A_788 = arith.index_cast %mul3A_773 : i32 to index
        %get3A_789 = tpu.vector_load %arg5[%get3A_787, %get3A_788] {strides = array<i32>} : memref<6x2048xf32, #tpu.memory_space<vmem>>, vector<16xf32>,
        %get3A_790 = arith.constant 4 : i32
        %get3A_791 = arith.index_cast %get3A_790 : i32 to index
        %get3A_792 = arith.index_cast %mul3A_773 : i32 to index
        %get3A_793 = tpu.vector_load %arg5[%get3A_791, %get3A_792] {strides = array<i32>} : memref<6x2048xf32, #tpu.memory_space<vmem>>, vector<16xf32>,
        %get3A_794 = arith.constant 5 : i32
        %get3A_795 = arith.index_cast %get3A_794 : i32 to index
        %get3A_796 = arith.index_cast %mul3A_773 : i32 to index
        %get3A_797 = tpu.vector_load %arg5[%get3A_795, %get3A_796] {strides = array<i32>} : memref<6x2048xf32, #tpu.memory_space<vmem>>, vector<16xf32>,
        %get3A_798 = arith.constant 0 : i32
        %get3A_799 = arith.index_cast %get3A_798 : i32 to index
        %get3A_800 = arith.index_cast %mul3A_773 : i32 to index
        %get3A_801 = tpu.vector_load %arg7[%get3A_799, %get3A_800] {strides = array<i32>} : memref<6x2048xf32, #tpu.memory_space<vmem>>, vector<16xf32>,
        %get3A_802 = arith.constant 1 : i32
        %get3A_803 = arith.index_cast %get3A_802 : i32 to index
        %get3A_804 = arith.index_cast %mul3A_773 : i32 to index
        %get3A_805 = tpu.vector_load %arg7[%get3A_803, %get3A_804] {strides = array<i32>} : memref<6x2048xf32, #tpu.memory_space<vmem>>, vector<16xf32>,
        %get3A_806 = arith.constant 2 : i32
        %get3A_807 = arith.index_cast %get3A_806 : i32 to index
        %get3A_808 = arith.index_cast %mul3A_773 : i32 to index
        %get3A_809 = tpu.vector_load %arg7[%get3A_807, %get3A_808] {strides = array<i32>} : memref<6x2048xf32, #tpu.memory_space<vmem>>, vector<16xf32>,
        %get3A_810 = arith.constant 3 : i32
        %get3A_811 = arith.index_cast %get3A_810 : i32 to index
        %get3A_812 = arith.index_cast %mul3A_773 : i32 to index
        %get3A_813 = tpu.vector_load %arg7[%get3A_811, %get3A_812] {strides = array<i32>} : memref<6x2048xf32, #tpu.memory_space<vmem>>, vector<16xf32>,
        %get3A_814 = arith.constant 4 : i32
        %get3A_815 = arith.index_cast %get3A_814 : i32 to index
        %get3A_816 = arith.index_cast %mul3A_773 : i32 to index
        %get3A_817 = tpu.vector_load %arg7[%get3A_815, %get3A_816] {strides = array<i32>} : memref<6x2048xf32, #tpu.memory_space<vmem>>, vector<16xf32>,
        %get3A_818 = arith.constant 5 : i32
        %get3A_819 = arith.index_cast %get3A_818 : i32 to index
        %get3A_820 = arith.index_cast %mul3A_773 : i32 to index
        %get3A_821 = tpu.vector_load %arg7[%get3A_819, %get3A_820] {strides = array<i32>} : memref<6x2048xf32, #tpu.memory_space<vmem>>, vector<16xf32>,
        %bitcast_convert_type3A_822 = tpu.bitcast %get3A_801 : vector<16xf32> -> vector<16xi32>
        %shift_right_arithmetic3A_823 = arith.constant 23 : i32
        %shift_right_arithmetic3A_824 = vector.broadcast %shift_right_arithmetic3A_823 : i32 to vector<16xi32>
        %shift_right_arithmetic3A_825 = arith.shrsi %bitcast_convert_type3A_822, %shift_right_arithmetic3A_824 : vector<16xi32>
        %sub3A_826 = arith.constant 127 : i32
        %sub3A_827 = vector.broadcast %sub3A_826 : i32 to vector<16xi32>
        %sub3A_828 = arith.subi %shift_right_arithmetic3A_825, %sub3A_827 : vector<16xi32>
        %and3A_829 = arith.constant 8388607 : i32
        %and3A_830 = vector.broadcast %and3A_829 : i32 to vector<16xi32>
        %and3A_831 = arith.andi %bitcast_convert_type3A_822, %and3A_830 : vector<16xi32>
        %or3A_832 = arith.constant 1065353216 : i32
        %or3A_833 = vector.broadcast %or3A_832 : i32 to vector<16xi32>
        %or3A_834 = arith.ori %and3A_831, %or3A_833 : vector<16xi32>
        %bitcast_convert_type3A_835 = tpu.bitcast %or3A_834 : vector<16xi32> -> vector<16xf32>
        %gt3A_836 = arith.constant 1.41421354 : f32
        %gt3A_837 = vector.broadcast %gt3A_836 : f32 to vector<16xf32>
        %gt3A_838 = arith.cmpf ogt, %bitcast_convert_type3A_835, %gt3A_837 : vector<16xf32>
        %mul3A_839 = arith.constant 5.000000e-01 : f32
        %mul3A_840 = vector.broadcast %mul3A_839 : f32 to vector<16xf32>
        %mul3A_841 = arith.mulf %bitcast_convert_type3A_835, %mul3A_840 : vector<16xf32>
        %select_n3A_842 = arith.select %gt3A_838, %mul3A_841, %bitcast_convert_type3A_835 : vector<16xi1>, vector<16xf32>
        %jit3A_843 = arith.constant 1 : i32
        %jit3A_844 = arith.constant 0 : i32
        %broadcast_in_dim3A_845 = vector.broadcast %jit3A_843 : i32 to vector<16xi32>
        %broadcast_in_dim3A_846 = vector.broadcast %jit3A_844 : i32 to vector<16xi32>
        %select_n3A_847 = arith.select %gt3A_838, %broadcast_in_dim3A_845, %broadcast_in_dim3A_846 : vector<16xi1>, vector<16xi32>
        %add3A_848 = arith.addi %sub3A_828, %select_n3A_847 : vector<16xi32>
        %convert_element_type3A_849 = arith.sitofp %add3A_848 : vector<16xi32> to vector<16xf32>
        %sub3A_850 = arith.constant 1.000000e+00 : f32
        %sub3A_851 = vector.broadcast %sub3A_850 : f32 to vector<16xf32>
        %sub3A_852 = arith.subf %select_n3A_842, %sub3A_851 : vector<16xf32>
        %mul3A_853 = arith.constant 0.313053131 : f32
        %mul3A_854 = vector.broadcast %mul3A_853 : f32 to vector<16xf32>
        %mul3A_855 = arith.mulf %mul3A_854, %sub3A_852 : vector<16xf32>
        %add3A_856 = arith.constant -0.520837247 : f32
        %add3A_857 = vector.broadcast %add3A_856 : f32 to vector<16xf32>
        %add3A_858 = arith.addf %mul3A_855, %add3A_857 : vector<16xf32>
        %mul3A_859 = arith.mulf %add3A_858, %sub3A_852 : vector<16xf32>
        %add3A_860 = arith.constant 1.0009464 : f32
        %add3A_861 = vector.broadcast %add3A_860 : f32 to vector<16xf32>
        %add3A_862 = arith.addf %mul3A_859, %add3A_861 : vector<16xf32>
        %mul3A_863 = arith.constant 0.693147182 : f32
        %mul3A_864 = vector.broadcast %mul3A_863 : f32 to vector<16xf32>
        %mul3A_865 = arith.mulf %convert_element_type3A_849, %mul3A_864 : vector<16xf32>
        %mul3A_866 = arith.mulf %sub3A_852, %add3A_862 : vector<16xf32>
        %add3A_867 = arith.addf %mul3A_865, %mul3A_866 : vector<16xf32>
        %neg3A_868 = arith.constant 0.000000e+00 : f32
        %neg3A_869 = vector.broadcast %neg3A_868 : f32 to vector<16xf32>
        %neg3A_870 = arith.subf %neg3A_869, %add3A_867 : vector<16xf32>
        %mul3A_871 = arith.constant 333.333344 : f32
        %mul3A_872 = vector.broadcast %mul3A_871 : f32 to vector<16xf32>
        %mul3A_873 = arith.mulf %get3A_777, %mul3A_872 : vector<16xf32>
        %bitcast_convert_type3A_874 = tpu.bitcast %neg3A_870 : vector<16xf32> -> vector<16xi32>
        %shift_right_arithmetic3A_875 = arith.constant 23 : i32
        %shift_right_arithmetic3A_876 = vector.broadcast %shift_right_arithmetic3A_875 : i32 to vector<16xi32>
        %shift_right_arithmetic3A_877 = arith.shrsi %bitcast_convert_type3A_874, %shift_right_arithmetic3A_876 : vector<16xi32>
        %sub3A_878 = arith.constant 127 : i32
        %sub3A_879 = vector.broadcast %sub3A_878 : i32 to vector<16xi32>
        %sub3A_880 = arith.subi %shift_right_arithmetic3A_877, %sub3A_879 : vector<16xi32>
        %convert_element_type3A_881 = arith.sitofp %sub3A_880 : vector<16xi32> to vector<16xf32>
        %and3A_882 = arith.constant 8388607 : i32
        %and3A_883 = vector.broadcast %and3A_882 : i32 to vector<16xi32>
        %and3A_884 = arith.andi %bitcast_convert_type3A_874, %and3A_883 : vector<16xi32>
        %or3A_885 = arith.constant 1065353216 : i32
        %or3A_886 = vector.broadcast %or3A_885 : i32 to vector<16xi32>
        %or3A_887 = arith.ori %and3A_884, %or3A_886 : vector<16xi32>
        %bitcast_convert_type3A_888 = tpu.bitcast %or3A_887 : vector<16xi32> -> vector<16xf32>
        %sub3A_889 = arith.constant 1.000000e+00 : f32
        %sub3A_890 = vector.broadcast %sub3A_889 : f32 to vector<16xf32>
        %sub3A_891 = arith.subf %bitcast_convert_type3A_888, %sub3A_890 : vector<16xf32>
        %mul3A_892 = arith.constant -0.02491205 : f32
        %mul3A_893 = vector.broadcast %mul3A_892 : f32 to vector<16xf32>
        %mul3A_894 = arith.mulf %mul3A_893, %sub3A_891 : vector<16xf32>
        %add3A_895 = arith.constant 0.0848740711 : f32
        %add3A_896 = vector.broadcast %add3A_895 : f32 to vector<16xf32>
        %add3A_897 = arith.addf %mul3A_894, %add3A_896 : vector<16xf32>
        %mul3A_898 = arith.mulf %add3A_897, %sub3A_891 : vector<16xf32>
        %add3A_899 = arith.constant -0.162214354 : f32
        %add3A_900 = vector.broadcast %add3A_899 : f32 to vector<16xf32>
        %add3A_901 = arith.addf %mul3A_898, %add3A_900 : vector<16xf32>
        %mul3A_902 = arith.mulf %add3A_901, %sub3A_891 : vector<16xf32>
        %add3A_903 = arith.constant 0.333206803 : f32
        %add3A_904 = vector.broadcast %add3A_903 : f32 to vector<16xf32>
        %add3A_905 = arith.addf %mul3A_902, %add3A_904 : vector<16xf32>
        %mul3A_906 = arith.constant 0.231049061 : f32
        %mul3A_907 = vector.broadcast %mul3A_906 : f32 to vector<16xf32>
        %mul3A_908 = arith.mulf %convert_element_type3A_881, %mul3A_907 : vector<16xf32>
        %mul3A_909 = arith.mulf %sub3A_891, %add3A_905 : vector<16xf32>
        %add3A_910 = arith.addf %mul3A_908, %mul3A_909 : vector<16xf32>
        %sub3A_911 = arith.subf %mul3A_873, %add3A_910 : vector<16xf32>
        %exp3A_912 = math.exp %sub3A_911 : vector<16xf32>
        %bitcast_convert_type3A_913 = tpu.bitcast %get3A_805 : vector<16xf32> -> vector<16xi32>
        %shift_right_arithmetic3A_914 = arith.constant 23 : i32
        %shift_right_arithmetic3A_915 = vector.broadcast %shift_right_arithmetic3A_914 : i32 to vector<16xi32>
        %shift_right_arithmetic3A_916 = arith.shrsi %bitcast_convert_type3A_913, %shift_right_arithmetic3A_915 : vector<16xi32>
        %sub3A_917 = arith.constant 127 : i32
        %sub3A_918 = vector.broadcast %sub3A_917 : i32 to vector<16xi32>
        %sub3A_919 = arith.subi %shift_right_arithmetic3A_916, %sub3A_918 : vector<16xi32>
        %and3A_920 = arith.constant 8388607 : i32
        %and3A_921 = vector.broadcast %and3A_920 : i32 to vector<16xi32>
        %and3A_922 = arith.andi %bitcast_convert_type3A_913, %and3A_921 : vector<16xi32>
        %or3A_923 = arith.constant 1065353216 : i32
        %or3A_924 = vector.broadcast %or3A_923 : i32 to vector<16xi32>
        %or3A_925 = arith.ori %and3A_922, %or3A_924 : vector<16xi32>
        %bitcast_convert_type3A_926 = tpu.bitcast %or3A_925 : vector<16xi32> -> vector<16xf32>
        %gt3A_927 = arith.constant 1.41421354 : f32
        %gt3A_928 = vector.broadcast %gt3A_927 : f32 to vector<16xf32>
        %gt3A_929 = arith.cmpf ogt, %bitcast_convert_type3A_926, %gt3A_928 : vector<16xf32>
        %mul3A_930 = arith.constant 5.000000e-01 : f32
        %mul3A_931 = vector.broadcast %mul3A_930 : f32 to vector<16xf32>
        %mul3A_932 = arith.mulf %bitcast_convert_type3A_926, %mul3A_931 : vector<16xf32>
        %select_n3A_933 = arith.select %gt3A_929, %mul3A_932, %bitcast_convert_type3A_926 : vector<16xi1>, vector<16xf32>
        %jit3A_934 = arith.constant 1 : i32
        %jit3A_935 = arith.constant 0 : i32
        %broadcast_in_dim3A_936 = vector.broadcast %jit3A_934 : i32 to vector<16xi32>
        %broadcast_in_dim3A_937 = vector.broadcast %jit3A_935 : i32 to vector<16xi32>
        %select_n3A_938 = arith.select %gt3A_929, %broadcast_in_dim3A_936, %broadcast_in_dim3A_937 : vector<16xi1>, vector<16xi32>
        %add3A_939 = arith.addi %sub3A_919, %select_n3A_938 : vector<16xi32>
        %convert_element_type3A_940 = arith.sitofp %add3A_939 : vector<16xi32> to vector<16xf32>
        %sub3A_941 = arith.constant 1.000000e+00 : f32
        %sub3A_942 = vector.broadcast %sub3A_941 : f32 to vector<16xf32>
        %sub3A_943 = arith.subf %select_n3A_933, %sub3A_942 : vector<16xf32>
        %mul3A_944 = arith.constant 0.313053131 : f32
        %mul3A_945 = vector.broadcast %mul3A_944 : f32 to vector<16xf32>
        %mul3A_946 = arith.mulf %mul3A_945, %sub3A_943 : vector<16xf32>
        %add3A_947 = arith.constant -0.520837247 : f32
        %add3A_948 = vector.broadcast %add3A_947 : f32 to vector<16xf32>
        %add3A_949 = arith.addf %mul3A_946, %add3A_948 : vector<16xf32>
        %mul3A_950 = arith.mulf %add3A_949, %sub3A_943 : vector<16xf32>
        %add3A_951 = arith.constant 1.0009464 : f32
        %add3A_952 = vector.broadcast %add3A_951 : f32 to vector<16xf32>
        %add3A_953 = arith.addf %mul3A_950, %add3A_952 : vector<16xf32>
        %mul3A_954 = arith.constant 0.693147182 : f32
        %mul3A_955 = vector.broadcast %mul3A_954 : f32 to vector<16xf32>
        %mul3A_956 = arith.mulf %convert_element_type3A_940, %mul3A_955 : vector<16xf32>
        %mul3A_957 = arith.mulf %sub3A_943, %add3A_953 : vector<16xf32>
        %add3A_958 = arith.addf %mul3A_956, %mul3A_957 : vector<16xf32>
        %neg3A_959 = arith.constant 0.000000e+00 : f32
        %neg3A_960 = vector.broadcast %neg3A_959 : f32 to vector<16xf32>
        %neg3A_961 = arith.subf %neg3A_960, %add3A_958 : vector<16xf32>
        %mul3A_962 = arith.constant 333.333344 : f32
        %mul3A_963 = vector.broadcast %mul3A_962 : f32 to vector<16xf32>
        %mul3A_964 = arith.mulf %get3A_781, %mul3A_963 : vector<16xf32>
        %bitcast_convert_type3A_965 = tpu.bitcast %neg3A_961 : vector<16xf32> -> vector<16xi32>
        %shift_right_arithmetic3A_966 = arith.constant 23 : i32
        %shift_right_arithmetic3A_967 = vector.broadcast %shift_right_arithmetic3A_966 : i32 to vector<16xi32>
        %shift_right_arithmetic3A_968 = arith.shrsi %bitcast_convert_type3A_965, %shift_right_arithmetic3A_967 : vector<16xi32>
        %sub3A_969 = arith.constant 127 : i32
        %sub3A_970 = vector.broadcast %sub3A_969 : i32 to vector<16xi32>
        %sub3A_971 = arith.subi %shift_right_arithmetic3A_968, %sub3A_970 : vector<16xi32>
        %convert_element_type3A_972 = arith.sitofp %sub3A_971 : vector<16xi32> to vector<16xf32>
        %and3A_973 = arith.constant 8388607 : i32
        %and3A_974 = vector.broadcast %and3A_973 : i32 to vector<16xi32>
        %and3A_975 = arith.andi %bitcast_convert_type3A_965, %and3A_974 : vector<16xi32>
        %or3A_976 = arith.constant 1065353216 : i32
        %or3A_977 = vector.broadcast %or3A_976 : i32 to vector<16xi32>
        %or3A_978 = arith.ori %and3A_975, %or3A_977 : vector<16xi32>
        %bitcast_convert_type3A_979 = tpu.bitcast %or3A_978 : vector<16xi32> -> vector<16xf32>
        %sub3A_980 = arith.constant 1.000000e+00 : f32
        %sub3A_981 = vector.broadcast %sub3A_980 : f32 to vector<16xf32>
        %sub3A_982 = arith.subf %bitcast_convert_type3A_979, %sub3A_981 : vector<16xf32>
        %mul3A_983 = arith.constant -0.02491205 : f32
        %mul3A_984 = vector.broadcast %mul3A_983 : f32 to vector<16xf32>
        %mul3A_985 = arith.mulf %mul3A_984, %sub3A_982 : vector<16xf32>
        %add3A_986 = arith.constant 0.0848740711 : f32
        %add3A_987 = vector.broadcast %add3A_986 : f32 to vector<16xf32>
        %add3A_988 = arith.addf %mul3A_985, %add3A_987 : vector<16xf32>
        %mul3A_989 = arith.mulf %add3A_988, %sub3A_982 : vector<16xf32>
        %add3A_990 = arith.constant -0.162214354 : f32
        %add3A_991 = vector.broadcast %add3A_990 : f32 to vector<16xf32>
        %add3A_992 = arith.addf %mul3A_989, %add3A_991 : vector<16xf32>
        %mul3A_993 = arith.mulf %add3A_992, %sub3A_982 : vector<16xf32>
        %add3A_994 = arith.constant 0.333206803 : f32
        %add3A_995 = vector.broadcast %add3A_994 : f32 to vector<16xf32>
        %add3A_996 = arith.addf %mul3A_993, %add3A_995 : vector<16xf32>
        %mul3A_997 = arith.constant 0.231049061 : f32
        %mul3A_998 = vector.broadcast %mul3A_997 : f32 to vector<16xf32>
        %mul3A_999 = arith.mulf %convert_element_type3A_972, %mul3A_998 : vector<16xf32>
        %mul3A_1000 = arith.mulf %sub3A_982, %add3A_996 : vector<16xf32>
        %add3A_1001 = arith.addf %mul3A_999, %mul3A_1000 : vector<16xf32>
        %sub3A_1002 = arith.subf %mul3A_964, %add3A_1001 : vector<16xf32>
        %exp3A_1003 = math.exp %sub3A_1002 : vector<16xf32>
        %bitcast_convert_type3A_1004 = tpu.bitcast %get3A_809 : vector<16xf32> -> vector<16xi32>
        %shift_right_arithmetic3A_1005 = arith.constant 23 : i32
        %shift_right_arithmetic3A_1006 = vector.broadcast %shift_right_arithmetic3A_1005 : i32 to vector<16xi32>
        %shift_right_arithmetic3A_1007 = arith.shrsi %bitcast_convert_type3A_1004, %shift_right_arithmetic3A_1006 : vector<16xi32>
        %sub3A_1008 = arith.constant 127 : i32
        %sub3A_1009 = vector.broadcast %sub3A_1008 : i32 to vector<16xi32>
        %sub3A_1010 = arith.subi %shift_right_arithmetic3A_1007, %sub3A_1009 : vector<16xi32>
        %and3A_1011 = arith.constant 8388607 : i32
        %and3A_1012 = vector.broadcast %and3A_1011 : i32 to vector<16xi32>
        %and3A_1013 = arith.andi %bitcast_convert_type3A_1004, %and3A_1012 : vector<16xi32>
        %or3A_1014 = arith.constant 1065353216 : i32
        %or3A_1015 = vector.broadcast %or3A_1014 : i32 to vector<16xi32>
        %or3A_1016 = arith.ori %and3A_1013, %or3A_1015 : vector<16xi32>
        %bitcast_convert_type3A_1017 = tpu.bitcast %or3A_1016 : vector<16xi32> -> vector<16xf32>
        %gt3A_1018 = arith.constant 1.41421354 : f32
        %gt3A_1019 = vector.broadcast %gt3A_1018 : f32 to vector<16xf32>
        %gt3A_1020 = arith.cmpf ogt, %bitcast_convert_type3A_1017, %gt3A_1019 : vector<16xf32>
        %mul3A_1021 = arith.constant 5.000000e-01 : f32
        %mul3A_1022 = vector.broadcast %mul3A_1021 : f32 to vector<16xf32>
        %mul3A_1023 = arith.mulf %bitcast_convert_type3A_1017, %mul3A_1022 : vector<16xf32>
        %select_n3A_1024 = arith.select %gt3A_1020, %mul3A_1023, %bitcast_convert_type3A_1017 : vector<16xi1>, vector<16xf32>
        %jit3A_1025 = arith.constant 1 : i32
        %jit3A_1026 = arith.constant 0 : i32
        %broadcast_in_dim3A_1027 = vector.broadcast %jit3A_1025 : i32 to vector<16xi32>
        %broadcast_in_dim3A_1028 = vector.broadcast %jit3A_1026 : i32 to vector<16xi32>
        %select_n3A_1029 = arith.select %gt3A_1020, %broadcast_in_dim3A_1027, %broadcast_in_dim3A_1028 : vector<16xi1>, vector<16xi32>
        %add3A_1030 = arith.addi %sub3A_1010, %select_n3A_1029 : vector<16xi32>
        %convert_element_type3A_1031 = arith.sitofp %add3A_1030 : vector<16xi32> to vector<16xf32>
        %sub3A_1032 = arith.constant 1.000000e+00 : f32
        %sub3A_1033 = vector.broadcast %sub3A_1032 : f32 to vector<16xf32>
        %sub3A_1034 = arith.subf %select_n3A_1024, %sub3A_1033 : vector<16xf32>
        %mul3A_1035 = arith.constant 0.313053131 : f32
        %mul3A_1036 = vector.broadcast %mul3A_1035 : f32 to vector<16xf32>
        %mul3A_1037 = arith.mulf %mul3A_1036, %sub3A_1034 : vector<16xf32>
        %add3A_1038 = arith.constant -0.520837247 : f32
        %add3A_1039 = vector.broadcast %add3A_1038 : f32 to vector<16xf32>
        %add3A_1040 = arith.addf %mul3A_1037, %add3A_1039 : vector<16xf32>
        %mul3A_1041 = arith.mulf %add3A_1040, %sub3A_1034 : vector<16xf32>
        %add3A_1042 = arith.constant 1.0009464 : f32
        %add3A_1043 = vector.broadcast %add3A_1042 : f32 to vector<16xf32>
        %add3A_1044 = arith.addf %mul3A_1041, %add3A_1043 : vector<16xf32>
        %mul3A_1045 = arith.constant 0.693147182 : f32
        %mul3A_1046 = vector.broadcast %mul3A_1045 : f32 to vector<16xf32>
        %mul3A_1047 = arith.mulf %convert_element_type3A_1031, %mul3A_1046 : vector<16xf32>
        %mul3A_1048 = arith.mulf %sub3A_1034, %add3A_1044 : vector<16xf32>
        %add3A_1049 = arith.addf %mul3A_1047, %mul3A_1048 : vector<16xf32>
        %neg3A_1050 = arith.constant 0.000000e+00 : f32
        %neg3A_1051 = vector.broadcast %neg3A_1050 : f32 to vector<16xf32>
        %neg3A_1052 = arith.subf %neg3A_1051, %add3A_1049 : vector<16xf32>
        %mul3A_1053 = arith.constant 333.333344 : f32
        %mul3A_1054 = vector.broadcast %mul3A_1053 : f32 to vector<16xf32>
        %mul3A_1055 = arith.mulf %get3A_785, %mul3A_1054 : vector<16xf32>
        %bitcast_convert_type3A_1056 = tpu.bitcast %neg3A_1052 : vector<16xf32> -> vector<16xi32>
        %shift_right_arithmetic3A_1057 = arith.constant 23 : i32
        %shift_right_arithmetic3A_1058 = vector.broadcast %shift_right_arithmetic3A_1057 : i32 to vector<16xi32>
        %shift_right_arithmetic3A_1059 = arith.shrsi %bitcast_convert_type3A_1056, %shift_right_arithmetic3A_1058 : vector<16xi32>
        %sub3A_1060 = arith.constant 127 : i32
        %sub3A_1061 = vector.broadcast %sub3A_1060 : i32 to vector<16xi32>
        %sub3A_1062 = arith.subi %shift_right_arithmetic3A_1059, %sub3A_1061 : vector<16xi32>
        %convert_element_type3A_1063 = arith.sitofp %sub3A_1062 : vector<16xi32> to vector<16xf32>
        %and3A_1064 = arith.constant 8388607 : i32
        %and3A_1065 = vector.broadcast %and3A_1064 : i32 to vector<16xi32>
        %and3A_1066 = arith.andi %bitcast_convert_type3A_1056, %and3A_1065 : vector<16xi32>
        %or3A_1067 = arith.constant 1065353216 : i32
        %or3A_1068 = vector.broadcast %or3A_1067 : i32 to vector<16xi32>
        %or3A_1069 = arith.ori %and3A_1066, %or3A_1068 : vector<16xi32>
        %bitcast_convert_type3A_1070 = tpu.bitcast %or3A_1069 : vector<16xi32> -> vector<16xf32>
        %sub3A_1071 = arith.constant 1.000000e+00 : f32
        %sub3A_1072 = vector.broadcast %sub3A_1071 : f32 to vector<16xf32>
        %sub3A_1073 = arith.subf %bitcast_convert_type3A_1070, %sub3A_1072 : vector<16xf32>
        %mul3A_1074 = arith.constant -0.02491205 : f32
        %mul3A_1075 = vector.broadcast %mul3A_1074 : f32 to vector<16xf32>
        %mul3A_1076 = arith.mulf %mul3A_1075, %sub3A_1073 : vector<16xf32>
        %add3A_1077 = arith.constant 0.0848740711 : f32
        %add3A_1078 = vector.broadcast %add3A_1077 : f32 to vector<16xf32>
        %add3A_1079 = arith.addf %mul3A_1076, %add3A_1078 : vector<16xf32>
        %mul3A_1080 = arith.mulf %add3A_1079, %sub3A_1073 : vector<16xf32>
        %add3A_1081 = arith.constant -0.162214354 : f32
        %add3A_1082 = vector.broadcast %add3A_1081 : f32 to vector<16xf32>
        %add3A_1083 = arith.addf %mul3A_1080, %add3A_1082 : vector<16xf32>
        %mul3A_1084 = arith.mulf %add3A_1083, %sub3A_1073 : vector<16xf32>
        %add3A_1085 = arith.constant 0.333206803 : f32
        %add3A_1086 = vector.broadcast %add3A_1085 : f32 to vector<16xf32>
        %add3A_1087 = arith.addf %mul3A_1084, %add3A_1086 : vector<16xf32>
        %mul3A_1088 = arith.constant 0.231049061 : f32
        %mul3A_1089 = vector.broadcast %mul3A_1088 : f32 to vector<16xf32>
        %mul3A_1090 = arith.mulf %convert_element_type3A_1063, %mul3A_1089 : vector<16xf32>
        %mul3A_1091 = arith.mulf %sub3A_1073, %add3A_1087 : vector<16xf32>
        %add3A_1092 = arith.addf %mul3A_1090, %mul3A_1091 : vector<16xf32>
        %sub3A_1093 = arith.subf %mul3A_1055, %add3A_1092 : vector<16xf32>
        %exp3A_1094 = math.exp %sub3A_1093 : vector<16xf32>
        %bitcast_convert_type3A_1095 = tpu.bitcast %get3A_813 : vector<16xf32> -> vector<16xi32>
        %shift_right_arithmetic3A_1096 = arith.constant 23 : i32
        %shift_right_arithmetic3A_1097 = vector.broadcast %shift_right_arithmetic3A_1096 : i32 to vector<16xi32>
        %shift_right_arithmetic3A_1098 = arith.shrsi %bitcast_convert_type3A_1095, %shift_right_arithmetic3A_1097 : vector<16xi32>
        %sub3A_1099 = arith.constant 127 : i32
        %sub3A_1100 = vector.broadcast %sub3A_1099 : i32 to vector<16xi32>
        %sub3A_1101 = arith.subi %shift_right_arithmetic3A_1098, %sub3A_1100 : vector<16xi32>
        %and3A_1102 = arith.constant 8388607 : i32
        %and3A_1103 = vector.broadcast %and3A_1102 : i32 to vector<16xi32>
        %and3A_1104 = arith.andi %bitcast_convert_type3A_1095, %and3A_1103 : vector<16xi32>
        %or3A_1105 = arith.constant 1065353216 : i32
        %or3A_1106 = vector.broadcast %or3A_1105 : i32 to vector<16xi32>
        %or3A_1107 = arith.ori %and3A_1104, %or3A_1106 : vector<16xi32>
        %bitcast_convert_type3A_1108 = tpu.bitcast %or3A_1107 : vector<16xi32> -> vector<16xf32>
        %gt3A_1109 = arith.constant 1.41421354 : f32
        %gt3A_1110 = vector.broadcast %gt3A_1109 : f32 to vector<16xf32>
        %gt3A_1111 = arith.cmpf ogt, %bitcast_convert_type3A_1108, %gt3A_1110 : vector<16xf32>
        %mul3A_1112 = arith.constant 5.000000e-01 : f32
        %mul3A_1113 = vector.broadcast %mul3A_1112 : f32 to vector<16xf32>
        %mul3A_1114 = arith.mulf %bitcast_convert_type3A_1108, %mul3A_1113 : vector<16xf32>
        %select_n3A_1115 = arith.select %gt3A_1111, %mul3A_1114, %bitcast_convert_type3A_1108 : vector<16xi1>, vector<16xf32>
        %jit3A_1116 = arith.constant 1 : i32
        %jit3A_1117 = arith.constant 0 : i32
        %broadcast_in_dim3A_1118 = vector.broadcast %jit3A_1116 : i32 to vector<16xi32>
        %broadcast_in_dim3A_1119 = vector.broadcast %jit3A_1117 : i32 to vector<16xi32>
        %select_n3A_1120 = arith.select %gt3A_1111, %broadcast_in_dim3A_1118, %broadcast_in_dim3A_1119 : vector<16xi1>, vector<16xi32>
        %add3A_1121 = arith.addi %sub3A_1101, %select_n3A_1120 : vector<16xi32>
        %convert_element_type3A_1122 = arith.sitofp %add3A_1121 : vector<16xi32> to vector<16xf32>
        %sub3A_1123 = arith.constant 1.000000e+00 : f32
        %sub3A_1124 = vector.broadcast %sub3A_1123 : f32 to vector<16xf32>
        %sub3A_1125 = arith.subf %select_n3A_1115, %sub3A_1124 : vector<16xf32>
        %mul3A_1126 = arith.constant 0.313053131 : f32
        %mul3A_1127 = vector.broadcast %mul3A_1126 : f32 to vector<16xf32>
        %mul3A_1128 = arith.mulf %mul3A_1127, %sub3A_1125 : vector<16xf32>
        %add3A_1129 = arith.constant -0.520837247 : f32
        %add3A_1130 = vector.broadcast %add3A_1129 : f32 to vector<16xf32>
        %add3A_1131 = arith.addf %mul3A_1128, %add3A_1130 : vector<16xf32>
        %mul3A_1132 = arith.mulf %add3A_1131, %sub3A_1125 : vector<16xf32>
        %add3A_1133 = arith.constant 1.0009464 : f32
        %add3A_1134 = vector.broadcast %add3A_1133 : f32 to vector<16xf32>
        %add3A_1135 = arith.addf %mul3A_1132, %add3A_1134 : vector<16xf32>
        %mul3A_1136 = arith.constant 0.693147182 : f32
        %mul3A_1137 = vector.broadcast %mul3A_1136 : f32 to vector<16xf32>
        %mul3A_1138 = arith.mulf %convert_element_type3A_1122, %mul3A_1137 : vector<16xf32>
        %mul3A_1139 = arith.mulf %sub3A_1125, %add3A_1135 : vector<16xf32>
        %add3A_1140 = arith.addf %mul3A_1138, %mul3A_1139 : vector<16xf32>
        %neg3A_1141 = arith.constant 0.000000e+00 : f32
        %neg3A_1142 = vector.broadcast %neg3A_1141 : f32 to vector<16xf32>
        %neg3A_1143 = arith.subf %neg3A_1142, %add3A_1140 : vector<16xf32>
        %mul3A_1144 = arith.constant 333.333344 : f32
        %mul3A_1145 = vector.broadcast %mul3A_1144 : f32 to vector<16xf32>
        %mul3A_1146 = arith.mulf %get3A_789, %mul3A_1145 : vector<16xf32>
        %bitcast_convert_type3A_1147 = tpu.bitcast %neg3A_1143 : vector<16xf32> -> vector<16xi32>
        %shift_right_arithmetic3A_1148 = arith.constant 23 : i32
        %shift_right_arithmetic3A_1149 = vector.broadcast %shift_right_arithmetic3A_1148 : i32 to vector<16xi32>
        %shift_right_arithmetic3A_1150 = arith.shrsi %bitcast_convert_type3A_1147, %shift_right_arithmetic3A_1149 : vector<16xi32>
        %sub3A_1151 = arith.constant 127 : i32
        %sub3A_1152 = vector.broadcast %sub3A_1151 : i32 to vector<16xi32>
        %sub3A_1153 = arith.subi %shift_right_arithmetic3A_1150, %sub3A_1152 : vector<16xi32>
        %convert_element_type3A_1154 = arith.sitofp %sub3A_1153 : vector<16xi32> to vector<16xf32>
        %and3A_1155 = arith.constant 8388607 : i32
        %and3A_1156 = vector.broadcast %and3A_1155 : i32 to vector<16xi32>
        %and3A_1157 = arith.andi %bitcast_convert_type3A_1147, %and3A_1156 : vector<16xi32>
        %or3A_1158 = arith.constant 1065353216 : i32
        %or3A_1159 = vector.broadcast %or3A_1158 : i32 to vector<16xi32>
        %or3A_1160 = arith.ori %and3A_1157, %or3A_1159 : vector<16xi32>
        %bitcast_convert_type3A_1161 = tpu.bitcast %or3A_1160 : vector<16xi32> -> vector<16xf32>
        %sub3A_1162 = arith.constant 1.000000e+00 : f32
        %sub3A_1163 = vector.broadcast %sub3A_1162 : f32 to vector<16xf32>
        %sub3A_1164 = arith.subf %bitcast_convert_type3A_1161, %sub3A_1163 : vector<16xf32>
        %mul3A_1165 = arith.constant -0.02491205 : f32
        %mul3A_1166 = vector.broadcast %mul3A_1165 : f32 to vector<16xf32>
        %mul3A_1167 = arith.mulf %mul3A_1166, %sub3A_1164 : vector<16xf32>
        %add3A_1168 = arith.constant 0.0848740711 : f32
        %add3A_1169 = vector.broadcast %add3A_1168 : f32 to vector<16xf32>
        %add3A_1170 = arith.addf %mul3A_1167, %add3A_1169 : vector<16xf32>
        %mul3A_1171 = arith.mulf %add3A_1170, %sub3A_1164 : vector<16xf32>
        %add3A_1172 = arith.constant -0.162214354 : f32
        %add3A_1173 = vector.broadcast %add3A_1172 : f32 to vector<16xf32>
        %add3A_1174 = arith.addf %mul3A_1171, %add3A_1173 : vector<16xf32>
        %mul3A_1175 = arith.mulf %add3A_1174, %sub3A_1164 : vector<16xf32>
        %add3A_1176 = arith.constant 0.333206803 : f32
        %add3A_1177 = vector.broadcast %add3A_1176 : f32 to vector<16xf32>
        %add3A_1178 = arith.addf %mul3A_1175, %add3A_1177 : vector<16xf32>
        %mul3A_1179 = arith.constant 0.231049061 : f32
        %mul3A_1180 = vector.broadcast %mul3A_1179 : f32 to vector<16xf32>
        %mul3A_1181 = arith.mulf %convert_element_type3A_1154, %mul3A_1180 : vector<16xf32>
        %mul3A_1182 = arith.mulf %sub3A_1164, %add3A_1178 : vector<16xf32>
        %add3A_1183 = arith.addf %mul3A_1181, %mul3A_1182 : vector<16xf32>
        %sub3A_1184 = arith.subf %mul3A_1146, %add3A_1183 : vector<16xf32>
        %exp3A_1185 = math.exp %sub3A_1184 : vector<16xf32>
        %bitcast_convert_type3A_1186 = tpu.bitcast %get3A_817 : vector<16xf32> -> vector<16xi32>
        %shift_right_arithmetic3A_1187 = arith.constant 23 : i32
        %shift_right_arithmetic3A_1188 = vector.broadcast %shift_right_arithmetic3A_1187 : i32 to vector<16xi32>
        %shift_right_arithmetic3A_1189 = arith.shrsi %bitcast_convert_type3A_1186, %shift_right_arithmetic3A_1188 : vector<16xi32>
        %sub3A_1190 = arith.constant 127 : i32
        %sub3A_1191 = vector.broadcast %sub3A_1190 : i32 to vector<16xi32>
        %sub3A_1192 = arith.subi %shift_right_arithmetic3A_1189, %sub3A_1191 : vector<16xi32>
        %and3A_1193 = arith.constant 8388607 : i32
        %and3A_1194 = vector.broadcast %and3A_1193 : i32 to vector<16xi32>
        %and3A_1195 = arith.andi %bitcast_convert_type3A_1186, %and3A_1194 : vector<16xi32>
        %or3A_1196 = arith.constant 1065353216 : i32
        %or3A_1197 = vector.broadcast %or3A_1196 : i32 to vector<16xi32>
        %or3A_1198 = arith.ori %and3A_1195, %or3A_1197 : vector<16xi32>
        %bitcast_convert_type3A_1199 = tpu.bitcast %or3A_1198 : vector<16xi32> -> vector<16xf32>
        %gt3A_1200 = arith.constant 1.41421354 : f32
        %gt3A_1201 = vector.broadcast %gt3A_1200 : f32 to vector<16xf32>
        %gt3A_1202 = arith.cmpf ogt, %bitcast_convert_type3A_1199, %gt3A_1201 : vector<16xf32>
        %mul3A_1203 = arith.constant 5.000000e-01 : f32
        %mul3A_1204 = vector.broadcast %mul3A_1203 : f32 to vector<16xf32>
        %mul3A_1205 = arith.mulf %bitcast_convert_type3A_1199, %mul3A_1204 : vector<16xf32>
        %select_n3A_1206 = arith.select %gt3A_1202, %mul3A_1205, %bitcast_convert_type3A_1199 : vector<16xi1>, vector<16xf32>
        %jit3A_1207 = arith.constant 1 : i32
        %jit3A_1208 = arith.constant 0 : i32
        %broadcast_in_dim3A_1209 = vector.broadcast %jit3A_1207 : i32 to vector<16xi32>
        %broadcast_in_dim3A_1210 = vector.broadcast %jit3A_1208 : i32 to vector<16xi32>
        %select_n3A_1211 = arith.select %gt3A_1202, %broadcast_in_dim3A_1209, %broadcast_in_dim3A_1210 : vector<16xi1>, vector<16xi32>
        %add3A_1212 = arith.addi %sub3A_1192, %select_n3A_1211 : vector<16xi32>
        %convert_element_type3A_1213 = arith.sitofp %add3A_1212 : vector<16xi32> to vector<16xf32>
        %sub3A_1214 = arith.constant 1.000000e+00 : f32
        %sub3A_1215 = vector.broadcast %sub3A_1214 : f32 to vector<16xf32>
        %sub3A_1216 = arith.subf %select_n3A_1206, %sub3A_1215 : vector<16xf32>
        %mul3A_1217 = arith.constant 0.313053131 : f32
        %mul3A_1218 = vector.broadcast %mul3A_1217 : f32 to vector<16xf32>
        %mul3A_1219 = arith.mulf %mul3A_1218, %sub3A_1216 : vector<16xf32>
        %add3A_1220 = arith.constant -0.520837247 : f32
        %add3A_1221 = vector.broadcast %add3A_1220 : f32 to vector<16xf32>
        %add3A_1222 = arith.addf %mul3A_1219, %add3A_1221 : vector<16xf32>
        %mul3A_1223 = arith.mulf %add3A_1222, %sub3A_1216 : vector<16xf32>
        %add3A_1224 = arith.constant 1.0009464 : f32
        %add3A_1225 = vector.broadcast %add3A_1224 : f32 to vector<16xf32>
        %add3A_1226 = arith.addf %mul3A_1223, %add3A_1225 : vector<16xf32>
        %mul3A_1227 = arith.constant 0.693147182 : f32
        %mul3A_1228 = vector.broadcast %mul3A_1227 : f32 to vector<16xf32>
        %mul3A_1229 = arith.mulf %convert_element_type3A_1213, %mul3A_1228 : vector<16xf32>
        %mul3A_1230 = arith.mulf %sub3A_1216, %add3A_1226 : vector<16xf32>
        %add3A_1231 = arith.addf %mul3A_1229, %mul3A_1230 : vector<16xf32>
        %neg3A_1232 = arith.constant 0.000000e+00 : f32
        %neg3A_1233 = vector.broadcast %neg3A_1232 : f32 to vector<16xf32>
        %neg3A_1234 = arith.subf %neg3A_1233, %add3A_1231 : vector<16xf32>
        %mul3A_1235 = arith.constant 333.333344 : f32
        %mul3A_1236 = vector.broadcast %mul3A_1235 : f32 to vector<16xf32>
        %mul3A_1237 = arith.mulf %get3A_793, %mul3A_1236 : vector<16xf32>
        %bitcast_convert_type3A_1238 = tpu.bitcast %neg3A_1234 : vector<16xf32> -> vector<16xi32>
        %shift_right_arithmetic3A_1239 = arith.constant 23 : i32
        %shift_right_arithmetic3A_1240 = vector.broadcast %shift_right_arithmetic3A_1239 : i32 to vector<16xi32>
        %shift_right_arithmetic3A_1241 = arith.shrsi %bitcast_convert_type3A_1238, %shift_right_arithmetic3A_1240 : vector<16xi32>
        %sub3A_1242 = arith.constant 127 : i32
        %sub3A_1243 = vector.broadcast %sub3A_1242 : i32 to vector<16xi32>
        %sub3A_1244 = arith.subi %shift_right_arithmetic3A_1241, %sub3A_1243 : vector<16xi32>
        %convert_element_type3A_1245 = arith.sitofp %sub3A_1244 : vector<16xi32> to vector<16xf32>
        %and3A_1246 = arith.constant 8388607 : i32
        %and3A_1247 = vector.broadcast %and3A_1246 : i32 to vector<16xi32>
        %and3A_1248 = arith.andi %bitcast_convert_type3A_1238, %and3A_1247 : vector<16xi32>
        %or3A_1249 = arith.constant 1065353216 : i32
        %or3A_1250 = vector.broadcast %or3A_1249 : i32 to vector<16xi32>
        %or3A_1251 = arith.ori %and3A_1248, %or3A_1250 : vector<16xi32>
        %bitcast_convert_type3A_1252 = tpu.bitcast %or3A_1251 : vector<16xi32> -> vector<16xf32>
        %sub3A_1253 = arith.constant 1.000000e+00 : f32
        %sub3A_1254 = vector.broadcast %sub3A_1253 : f32 to vector<16xf32>
        %sub3A_1255 = arith.subf %bitcast_convert_type3A_1252, %sub3A_1254 : vector<16xf32>
        %mul3A_1256 = arith.constant -0.02491205 : f32
        %mul3A_1257 = vector.broadcast %mul3A_1256 : f32 to vector<16xf32>
        %mul3A_1258 = arith.mulf %mul3A_1257, %sub3A_1255 : vector<16xf32>
        %add3A_1259 = arith.constant 0.0848740711 : f32
        %add3A_1260 = vector.broadcast %add3A_1259 : f32 to vector<16xf32>
        %add3A_1261 = arith.addf %mul3A_1258, %add3A_1260 : vector<16xf32>
        %mul3A_1262 = arith.mulf %add3A_1261, %sub3A_1255 : vector<16xf32>
        %add3A_1263 = arith.constant -0.162214354 : f32
        %add3A_1264 = vector.broadcast %add3A_1263 : f32 to vector<16xf32>
        %add3A_1265 = arith.addf %mul3A_1262, %add3A_1264 : vector<16xf32>
        %mul3A_1266 = arith.mulf %add3A_1265, %sub3A_1255 : vector<16xf32>
        %add3A_1267 = arith.constant 0.333206803 : f32
        %add3A_1268 = vector.broadcast %add3A_1267 : f32 to vector<16xf32>
        %add3A_1269 = arith.addf %mul3A_1266, %add3A_1268 : vector<16xf32>
        %mul3A_1270 = arith.constant 0.231049061 : f32
        %mul3A_1271 = vector.broadcast %mul3A_1270 : f32 to vector<16xf32>
        %mul3A_1272 = arith.mulf %convert_element_type3A_1245, %mul3A_1271 : vector<16xf32>
        %mul3A_1273 = arith.mulf %sub3A_1255, %add3A_1269 : vector<16xf32>
        %add3A_1274 = arith.addf %mul3A_1272, %mul3A_1273 : vector<16xf32>
        %sub3A_1275 = arith.subf %mul3A_1237, %add3A_1274 : vector<16xf32>
        %exp3A_1276 = math.exp %sub3A_1275 : vector<16xf32>
        %bitcast_convert_type3A_1277 = tpu.bitcast %get3A_821 : vector<16xf32> -> vector<16xi32>
        %shift_right_arithmetic3A_1278 = arith.constant 23 : i32
        %shift_right_arithmetic3A_1279 = vector.broadcast %shift_right_arithmetic3A_1278 : i32 to vector<16xi32>
        %shift_right_arithmetic3A_1280 = arith.shrsi %bitcast_convert_type3A_1277, %shift_right_arithmetic3A_1279 : vector<16xi32>
        %sub3A_1281 = arith.constant 127 : i32
        %sub3A_1282 = vector.broadcast %sub3A_1281 : i32 to vector<16xi32>
        %sub3A_1283 = arith.subi %shift_right_arithmetic3A_1280, %sub3A_1282 : vector<16xi32>
        %and3A_1284 = arith.constant 8388607 : i32
        %and3A_1285 = vector.broadcast %and3A_1284 : i32 to vector<16xi32>
        %and3A_1286 = arith.andi %bitcast_convert_type3A_1277, %and3A_1285 : vector<16xi32>
        %or3A_1287 = arith.constant 1065353216 : i32
        %or3A_1288 = vector.broadcast %or3A_1287 : i32 to vector<16xi32>
        %or3A_1289 = arith.ori %and3A_1286, %or3A_1288 : vector<16xi32>
        %bitcast_convert_type3A_1290 = tpu.bitcast %or3A_1289 : vector<16xi32> -> vector<16xf32>
        %gt3A_1291 = arith.constant 1.41421354 : f32
        %gt3A_1292 = vector.broadcast %gt3A_1291 : f32 to vector<16xf32>
        %gt3A_1293 = arith.cmpf ogt, %bitcast_convert_type3A_1290, %gt3A_1292 : vector<16xf32>
        %mul3A_1294 = arith.constant 5.000000e-01 : f32
        %mul3A_1295 = vector.broadcast %mul3A_1294 : f32 to vector<16xf32>
        %mul3A_1296 = arith.mulf %bitcast_convert_type3A_1290, %mul3A_1295 : vector<16xf32>
        %select_n3A_1297 = arith.select %gt3A_1293, %mul3A_1296, %bitcast_convert_type3A_1290 : vector<16xi1>, vector<16xf32>
        %jit3A_1298 = arith.constant 1 : i32
        %jit3A_1299 = arith.constant 0 : i32
        %broadcast_in_dim3A_1300 = vector.broadcast %jit3A_1298 : i32 to vector<16xi32>
        %broadcast_in_dim3A_1301 = vector.broadcast %jit3A_1299 : i32 to vector<16xi32>
        %select_n3A_1302 = arith.select %gt3A_1293, %broadcast_in_dim3A_1300, %broadcast_in_dim3A_1301 : vector<16xi1>, vector<16xi32>
        %add3A_1303 = arith.addi %sub3A_1283, %select_n3A_1302 : vector<16xi32>
        %convert_element_type3A_1304 = arith.sitofp %add3A_1303 : vector<16xi32> to vector<16xf32>
        %sub3A_1305 = arith.constant 1.000000e+00 : f32
        %sub3A_1306 = vector.broadcast %sub3A_1305 : f32 to vector<16xf32>
        %sub3A_1307 = arith.subf %select_n3A_1297, %sub3A_1306 : vector<16xf32>
        %mul3A_1308 = arith.constant 0.313053131 : f32
        %mul3A_1309 = vector.broadcast %mul3A_1308 : f32 to vector<16xf32>
        %mul3A_1310 = arith.mulf %mul3A_1309, %sub3A_1307 : vector<16xf32>
        %add3A_1311 = arith.constant -0.520837247 : f32
        %add3A_1312 = vector.broadcast %add3A_1311 : f32 to vector<16xf32>
        %add3A_1313 = arith.addf %mul3A_1310, %add3A_1312 : vector<16xf32>
        %mul3A_1314 = arith.mulf %add3A_1313, %sub3A_1307 : vector<16xf32>
        %add3A_1315 = arith.constant 1.0009464 : f32
        %add3A_1316 = vector.broadcast %add3A_1315 : f32 to vector<16xf32>
        %add3A_1317 = arith.addf %mul3A_1314, %add3A_1316 : vector<16xf32>
        %mul3A_1318 = arith.constant 0.693147182 : f32
        %mul3A_1319 = vector.broadcast %mul3A_1318 : f32 to vector<16xf32>
        %mul3A_1320 = arith.mulf %convert_element_type3A_1304, %mul3A_1319 : vector<16xf32>
        %mul3A_1321 = arith.mulf %sub3A_1307, %add3A_1317 : vector<16xf32>
        %add3A_1322 = arith.addf %mul3A_1320, %mul3A_1321 : vector<16xf32>
        %neg3A_1323 = arith.constant 0.000000e+00 : f32
        %neg3A_1324 = vector.broadcast %neg3A_1323 : f32 to vector<16xf32>
        %neg3A_1325 = arith.subf %neg3A_1324, %add3A_1322 : vector<16xf32>
        %mul3A_1326 = arith.constant 333.333344 : f32
        %mul3A_1327 = vector.broadcast %mul3A_1326 : f32 to vector<16xf32>
        %mul3A_1328 = arith.mulf %get3A_797, %mul3A_1327 : vector<16xf32>
        %bitcast_convert_type3A_1329 = tpu.bitcast %neg3A_1325 : vector<16xf32> -> vector<16xi32>
        %shift_right_arithmetic3A_1330 = arith.constant 23 : i32
        %shift_right_arithmetic3A_1331 = vector.broadcast %shift_right_arithmetic3A_1330 : i32 to vector<16xi32>
        %shift_right_arithmetic3A_1332 = arith.shrsi %bitcast_convert_type3A_1329, %shift_right_arithmetic3A_1331 : vector<16xi32>
        %sub3A_1333 = arith.constant 127 : i32
        %sub3A_1334 = vector.broadcast %sub3A_1333 : i32 to vector<16xi32>
        %sub3A_1335 = arith.subi %shift_right_arithmetic3A_1332, %sub3A_1334 : vector<16xi32>
        %convert_element_type3A_1336 = arith.sitofp %sub3A_1335 : vector<16xi32> to vector<16xf32>
        %and3A_1337 = arith.constant 8388607 : i32
        %and3A_1338 = vector.broadcast %and3A_1337 : i32 to vector<16xi32>
        %and3A_1339 = arith.andi %bitcast_convert_type3A_1329, %and3A_1338 : vector<16xi32>
        %or3A_1340 = arith.constant 1065353216 : i32
        %or3A_1341 = vector.broadcast %or3A_1340 : i32 to vector<16xi32>
        %or3A_1342 = arith.ori %and3A_1339, %or3A_1341 : vector<16xi32>
        %bitcast_convert_type3A_1343 = tpu.bitcast %or3A_1342 : vector<16xi32> -> vector<16xf32>
        %sub3A_1344 = arith.constant 1.000000e+00 : f32
        %sub3A_1345 = vector.broadcast %sub3A_1344 : f32 to vector<16xf32>
        %sub3A_1346 = arith.subf %bitcast_convert_type3A_1343, %sub3A_1345 : vector<16xf32>
        %mul3A_1347 = arith.constant -0.02491205 : f32
        %mul3A_1348 = vector.broadcast %mul3A_1347 : f32 to vector<16xf32>
        %mul3A_1349 = arith.mulf %mul3A_1348, %sub3A_1346 : vector<16xf32>
        %add3A_1350 = arith.constant 0.0848740711 : f32
        %add3A_1351 = vector.broadcast %add3A_1350 : f32 to vector<16xf32>
        %add3A_1352 = arith.addf %mul3A_1349, %add3A_1351 : vector<16xf32>
        %mul3A_1353 = arith.mulf %add3A_1352, %sub3A_1346 : vector<16xf32>
        %add3A_1354 = arith.constant -0.162214354 : f32
        %add3A_1355 = vector.broadcast %add3A_1354 : f32 to vector<16xf32>
        %add3A_1356 = arith.addf %mul3A_1353, %add3A_1355 : vector<16xf32>
        %mul3A_1357 = arith.mulf %add3A_1356, %sub3A_1346 : vector<16xf32>
        %add3A_1358 = arith.constant 0.333206803 : f32
        %add3A_1359 = vector.broadcast %add3A_1358 : f32 to vector<16xf32>
        %add3A_1360 = arith.addf %mul3A_1357, %add3A_1359 : vector<16xf32>
        %mul3A_1361 = arith.constant 0.231049061 : f32
        %mul3A_1362 = vector.broadcast %mul3A_1361 : f32 to vector<16xf32>
        %mul3A_1363 = arith.mulf %convert_element_type3A_1336, %mul3A_1362 : vector<16xf32>
        %mul3A_1364 = arith.mulf %sub3A_1346, %add3A_1360 : vector<16xf32>
        %add3A_1365 = arith.addf %mul3A_1363, %mul3A_1364 : vector<16xf32>
        %sub3A_1366 = arith.subf %mul3A_1328, %add3A_1365 : vector<16xf32>
        %exp3A_1367 = math.exp %sub3A_1366 : vector<16xf32>
        %add3A_1368 = arith.addf %exp3A_912, %exp3A_1003 : vector<16xf32>
        %add3A_1369 = arith.addf %add3A_1368, %exp3A_1094 : vector<16xf32>
        %add3A_1370 = arith.addf %add3A_1369, %exp3A_1185 : vector<16xf32>
        %add3A_1371 = arith.addf %add3A_1370, %exp3A_1276 : vector<16xf32>
        %add3A_1372 = arith.addf %add3A_1371, %exp3A_1367 : vector<16xf32>
        %div3A_1373 = arith.constant 1.000000e+00 : f32
        %div3A_1374 = vector.broadcast %div3A_1373 : f32 to vector<16xf32>
        %div3A_1375 = arith.divf %div3A_1374, %add3A_1372 : vector<16xf32>
        %add3A_1376 = arith.addf %exp3A_912, %exp3A_1003 : vector<16xf32>
        %add3A_1377 = arith.addf %add3A_1376, %exp3A_1094 : vector<16xf32>
        %mul3A_1378 = arith.mulf %add3A_1377, %div3A_1375 : vector<16xf32>
        %add3A_1379 = arith.addf %exp3A_912, %exp3A_1185 : vector<16xf32>
        %add3A_1380 = arith.addf %add3A_1379, %exp3A_1276 : vector<16xf32>
        %mul3A_1381 = arith.mulf %add3A_1380, %div3A_1375 : vector<16xf32>
        %add3A_1382 = arith.addf %exp3A_1003, %exp3A_1185 : vector<16xf32>
        %add3A_1383 = arith.addf %add3A_1382, %exp3A_1367 : vector<16xf32>
        %mul3A_1384 = arith.mulf %add3A_1383, %div3A_1375 : vector<16xf32>
        %add3A_1385 = arith.addf %exp3A_1094, %exp3A_1276 : vector<16xf32>
        %add3A_1386 = arith.addf %add3A_1385, %exp3A_1367 : vector<16xf32>
        %mul3A_1387 = arith.mulf %add3A_1386, %div3A_1375 : vector<16xf32>
        %and3A_1388 = arith.constant 63 : i32
        %and3A_1389 = arith.andi %scan3A_771, %and3A_1388 : i32
        %shift_right_arithmetic3A_1390 = arith.constant 1 : i32
        %shift_right_arithmetic3A_1391 = arith.shrsi %and3A_1389, %shift_right_arithmetic3A_1390 : i32
        %broadcast_in_dim3A_1392 = vector.broadcast %shift_right_arithmetic3A_1391 : i32 to vector<16xi32>
        %shift_right_arithmetic3A_1393 = arith.constant 6 : i32
        %shift_right_arithmetic3A_1394 = arith.shrsi %scan3A_771, %shift_right_arithmetic3A_1393 : i32
        %add3A_1395 = arith.constant 0 : i32
        %add3A_1396 = arith.addi %add3A_1395, %shift_right_arithmetic3A_1394 : i32
        %broadcast_in_dim3A_1397 = vector.broadcast %add3A_1396 : i32 to vector<16xi32>
        %and3A_1398 = arith.constant 1 : i32
        %and3A_1399 = arith.andi %scan3A_771, %and3A_1398 : i32
        %mul3A_1400 = arith.constant 64 : i32
        %mul3A_1401 = arith.muli %and3A_1399, %mul3A_1400 : i32
        %add3A_1402 = arith.constant 0 : i32
        %add3A_1403 = arith.addi %mul3A_1401, %add3A_1402 : i32
        %add3A_1404 = vector.broadcast %add3A_1403 : i32 to vector<16xi32>
        %add3A_1405 = arith.addi %mul3A_7, %add3A_1404 : vector<16xi32>
        tpu.vector_store_idx %arg9[%broadcast_in_dim3A_1392, %broadcast_in_dim3A_1397, %add3A_1405], %mul3A_1378 : memref<32x8x128xf32, #tpu.memory_space<vmem>>[vector<16xi32>, vector<16xi32>, vector<16xi32>], vector<16xf32>,
        %add3A_1406 = arith.constant 1 : i32
        %add3A_1407 = arith.addi %mul3A_1401, %add3A_1406 : i32
        %add3A_1408 = vector.broadcast %add3A_1407 : i32 to vector<16xi32>
        %add3A_1409 = arith.addi %mul3A_7, %add3A_1408 : vector<16xi32>
        tpu.vector_store_idx %arg9[%broadcast_in_dim3A_1392, %broadcast_in_dim3A_1397, %add3A_1409], %mul3A_1381 : memref<32x8x128xf32, #tpu.memory_space<vmem>>[vector<16xi32>, vector<16xi32>, vector<16xi32>], vector<16xf32>,
        %add3A_1410 = arith.constant 2 : i32
        %add3A_1411 = arith.addi %mul3A_1401, %add3A_1410 : i32
        %add3A_1412 = vector.broadcast %add3A_1411 : i32 to vector<16xi32>
        %add3A_1413 = arith.addi %mul3A_7, %add3A_1412 : vector<16xi32>
        tpu.vector_store_idx %arg9[%broadcast_in_dim3A_1392, %broadcast_in_dim3A_1397, %add3A_1413], %mul3A_1384 : memref<32x8x128xf32, #tpu.memory_space<vmem>>[vector<16xi32>, vector<16xi32>, vector<16xi32>], vector<16xf32>,
        %add3A_1414 = arith.constant 3 : i32
        %add3A_1415 = arith.addi %mul3A_1401, %add3A_1414 : i32
        %add3A_1416 = vector.broadcast %add3A_1415 : i32 to vector<16xi32>
        %add3A_1417 = arith.addi %mul3A_7, %add3A_1416 : vector<16xi32>
        tpu.vector_store_idx %arg9[%broadcast_in_dim3A_1392, %broadcast_in_dim3A_1397, %add3A_1417], %mul3A_1387 : memref<32x8x128xf32, #tpu.memory_space<vmem>>[vector<16xi32>, vector<16xi32>, vector<16xi32>], vector<16xf32>,
      }
      %scan3A_47 = arith.constant 128 : i32
      %mul3A_48 = arith.constant 4 : i32
      %mul3A_49 = arith.muli %scan3A_22, %mul3A_48 : i32
      %add3A_50 = arith.constant 1 : i32
      %add3A_51 = arith.addi %mul3A_49, %add3A_50 : i32
      %add3A_52 = arith.constant 1 : i32
      %add3A_53 = arith.addi %add3A_51, %add3A_52 : i32
      %lt3A_54 = arith.constant 64 : i32
      %lt3A_55 = arith.cmpi slt, %add3A_53, %lt3A_54 : i32
      %convert_element_type3A_56 = arith.extui %lt3A_55 : i1 to i32
      %cond3A_57 = arith.constant 0 : i32
      %cond3A_58 = arith.cmpi ne, %convert_element_type3A_56, %cond3A_57 : i32
      scf.if %cond3A_58 {
        %add3A_136 = arith.constant 1 : i32
        %add3A_137 = arith.addi %add3A_51, %add3A_136 : i32
        %mul3A_138 = arith.constant 2048 : i32
        %mul3A_139 = arith.muli %add3A_137, %mul3A_138 : i32
        %add3A_140 = arith.addi %mul3A_2, %mul3A_139 : i32
        %dma_start3A_141 = arith.constant 0 : i32
        %dma_start3A_142 = tpu.memref_slice %arg2[%dma_start3A_141, %add3A_140] : memref<6x4194304xf32, #tpu.memory_space<hbm>> -> memref<6x2048xf32, #tpu.memory_space<hbm>>
        %dma_start3A_143 = arith.constant 0 : i32
        %dma_start3A_144 = tpu.memref_slice %arg2[%dma_start3A_143, %add3A_140] : memref<6x4194304xf32, #tpu.memory_space<hbm>> -> memref<6x2048xf32, #tpu.memory_space<hbm>>
        tpu.enqueue_dma source(%dma_start3A_144 : memref<6x2048xf32, #tpu.memory_space<hbm>>) target(%arg5 : memref<6x2048xf32, #tpu.memory_space<vmem>>) target_semaphore(%arg10 : memref<!tpu.dma_semaphore, #tpu.memory_space<semaphore_mem>>)
        %dma_start3A_145 = arith.constant 0 : i32
        %dma_start3A_146 = tpu.memref_slice %arg3[%dma_start3A_145, %add3A_140] : memref<6x4194304xf32, #tpu.memory_space<hbm>> -> memref<6x2048xf32, #tpu.memory_space<hbm>>
        %dma_start3A_147 = arith.constant 0 : i32
        %dma_start3A_148 = tpu.memref_slice %arg3[%dma_start3A_147, %add3A_140] : memref<6x4194304xf32, #tpu.memory_space<hbm>> -> memref<6x2048xf32, #tpu.memory_space<hbm>>
        tpu.enqueue_dma source(%dma_start3A_148 : memref<6x2048xf32, #tpu.memory_space<hbm>>) target(%arg7 : memref<6x2048xf32, #tpu.memory_space<vmem>>) target_semaphore(%arg12 : memref<!tpu.dma_semaphore, #tpu.memory_space<semaphore_mem>>)
      } else {
      }
      %dma_wait3A_59 = arith.constant 0 : i32
      %dma_wait3A_60 = arith.constant 0 : i32
      %dma_wait3A_61 = tpu.memref_slice %arg2[%dma_wait3A_59, %dma_wait3A_60] : memref<6x4194304xf32, #tpu.memory_space<hbm>> -> memref<6x2048xf32, #tpu.memory_space<hbm>>
      %dma_wait3A_62 = arith.constant 0 : i32
      %dma_wait3A_63 = arith.constant 0 : i32
      %dma_wait3A_64 = tpu.memref_slice %arg2[%dma_wait3A_62, %dma_wait3A_63] : memref<6x4194304xf32, #tpu.memory_space<hbm>> -> memref<6x2048xf32, #tpu.memory_space<hbm>>
      tpu.wait_dma2 semaphore(%arg11 : memref<!tpu.dma_semaphore, #tpu.memory_space<semaphore_mem>>) src(%dma_wait3A_64 : memref<6x2048xf32, #tpu.memory_space<hbm>>) dst(%arg6 : memref<6x2048xf32, #tpu.memory_space<vmem>>)
      %dma_wait3A_65 = arith.constant 0 : i32
      %dma_wait3A_66 = arith.constant 0 : i32
      %dma_wait3A_67 = tpu.memref_slice %arg3[%dma_wait3A_65, %dma_wait3A_66] : memref<6x4194304xf32, #tpu.memory_space<hbm>> -> memref<6x2048xf32, #tpu.memory_space<hbm>>
      %dma_wait3A_68 = arith.constant 0 : i32
      %dma_wait3A_69 = arith.constant 0 : i32
      %dma_wait3A_70 = tpu.memref_slice %arg3[%dma_wait3A_68, %dma_wait3A_69] : memref<6x4194304xf32, #tpu.memory_space<hbm>> -> memref<6x2048xf32, #tpu.memory_space<hbm>>
      tpu.wait_dma2 semaphore(%arg13 : memref<!tpu.dma_semaphore, #tpu.memory_space<semaphore_mem>>) src(%dma_wait3A_70 : memref<6x2048xf32, #tpu.memory_space<hbm>>) dst(%arg8 : memref<6x2048xf32, #tpu.memory_space<vmem>>)
      %scan3A_71 = arith.constant 0 : i32
      %scan3A_72 = arith.constant 0 : i32
      %scan3A_73 = arith.constant 128 : i32
      %scan3A_74 = arith.addi %scan3A_72, %scan3A_73 : i32
      %scan3A_75 = arith.constant 2 : i32
      scf.for %scan3A_136 = %scan3A_72 to %scan3A_74 step %scan3A_75  : i32 {
        %mul3A_137 = arith.constant 16 : i32
        %mul3A_138 = arith.muli %scan3A_136, %mul3A_137 : i32
        %get3A = arith.constant 0 : i32
        %get3A_139 = arith.index_cast %get3A : i32 to index
        %get3A_140 = arith.index_cast %mul3A_138 : i32 to index
        %get3A_141 = tpu.vector_load %arg6[%get3A_139, %get3A_140] {strides = array<i32>} : memref<6x2048xf32, #tpu.memory_space<vmem>>, vector<16xf32>,
        %get3A_142 = arith.constant 1 : i32
        %get3A_143 = arith.index_cast %get3A_142 : i32 to index
        %get3A_144 = arith.index_cast %mul3A_138 : i32 to index
        %get3A_145 = tpu.vector_load %arg6[%get3A_143, %get3A_144] {strides = array<i32>} : memref<6x2048xf32, #tpu.memory_space<vmem>>, vector<16xf32>,
        %get3A_146 = arith.constant 2 : i32
        %get3A_147 = arith.index_cast %get3A_146 : i32 to index
        %get3A_148 = arith.index_cast %mul3A_138 : i32 to index
        %get3A_149 = tpu.vector_load %arg6[%get3A_147, %get3A_148] {strides = array<i32>} : memref<6x2048xf32, #tpu.memory_space<vmem>>, vector<16xf32>,
        %get3A_150 = arith.constant 3 : i32
        %get3A_151 = arith.index_cast %get3A_150 : i32 to index
        %get3A_152 = arith.index_cast %mul3A_138 : i32 to index
        %get3A_153 = tpu.vector_load %arg6[%get3A_151, %get3A_152] {strides = array<i32>} : memref<6x2048xf32, #tpu.memory_space<vmem>>, vector<16xf32>,
        %get3A_154 = arith.constant 4 : i32
        %get3A_155 = arith.index_cast %get3A_154 : i32 to index
        %get3A_156 = arith.index_cast %mul3A_138 : i32 to index
        %get3A_157 = tpu.vector_load %arg6[%get3A_155, %get3A_156] {strides = array<i32>} : memref<6x2048xf32, #tpu.memory_space<vmem>>, vector<16xf32>,
        %get3A_158 = arith.constant 5 : i32
        %get3A_159 = arith.index_cast %get3A_158 : i32 to index
        %get3A_160 = arith.index_cast %mul3A_138 : i32 to index
        %get3A_161 = tpu.vector_load %arg6[%get3A_159, %get3A_160] {strides = array<i32>} : memref<6x2048xf32, #tpu.memory_space<vmem>>, vector<16xf32>,
        %get3A_162 = arith.constant 0 : i32
        %get3A_163 = arith.index_cast %get3A_162 : i32 to index
        %get3A_164 = arith.index_cast %mul3A_138 : i32 to index
        %get3A_165 = tpu.vector_load %arg8[%get3A_163, %get3A_164] {strides = array<i32>} : memref<6x2048xf32, #tpu.memory_space<vmem>>, vector<16xf32>,
        %get3A_166 = arith.constant 1 : i32
        %get3A_167 = arith.index_cast %get3A_166 : i32 to index
        %get3A_168 = arith.index_cast %mul3A_138 : i32 to index
        %get3A_169 = tpu.vector_load %arg8[%get3A_167, %get3A_168] {strides = array<i32>} : memref<6x2048xf32, #tpu.memory_space<vmem>>, vector<16xf32>,
        %get3A_170 = arith.constant 2 : i32
        %get3A_171 = arith.index_cast %get3A_170 : i32 to index
        %get3A_172 = arith.index_cast %mul3A_138 : i32 to index
        %get3A_173 = tpu.vector_load %arg8[%get3A_171, %get3A_172] {strides = array<i32>} : memref<6x2048xf32, #tpu.memory_space<vmem>>, vector<16xf32>,
        %get3A_174 = arith.constant 3 : i32
        %get3A_175 = arith.index_cast %get3A_174 : i32 to index
        %get3A_176 = arith.index_cast %mul3A_138 : i32 to index
        %get3A_177 = tpu.vector_load %arg8[%get3A_175, %get3A_176] {strides = array<i32>} : memref<6x2048xf32, #tpu.memory_space<vmem>>, vector<16xf32>,
        %get3A_178 = arith.constant 4 : i32
        %get3A_179 = arith.index_cast %get3A_178 : i32 to index
        %get3A_180 = arith.index_cast %mul3A_138 : i32 to index
        %get3A_181 = tpu.vector_load %arg8[%get3A_179, %get3A_180] {strides = array<i32>} : memref<6x2048xf32, #tpu.memory_space<vmem>>, vector<16xf32>,
        %get3A_182 = arith.constant 5 : i32
        %get3A_183 = arith.index_cast %get3A_182 : i32 to index
        %get3A_184 = arith.index_cast %mul3A_138 : i32 to index
        %get3A_185 = tpu.vector_load %arg8[%get3A_183, %get3A_184] {strides = array<i32>} : memref<6x2048xf32, #tpu.memory_space<vmem>>, vector<16xf32>,
        %bitcast_convert_type3A = tpu.bitcast %get3A_165 : vector<16xf32> -> vector<16xi32>
        %shift_right_arithmetic3A = arith.constant 23 : i32
        %shift_right_arithmetic3A_186 = vector.broadcast %shift_right_arithmetic3A : i32 to vector<16xi32>
        %shift_right_arithmetic3A_187 = arith.shrsi %bitcast_convert_type3A, %shift_right_arithmetic3A_186 : vector<16xi32>
        %sub3A = arith.constant 127 : i32
        %sub3A_188 = vector.broadcast %sub3A : i32 to vector<16xi32>
        %sub3A_189 = arith.subi %shift_right_arithmetic3A_187, %sub3A_188 : vector<16xi32>
        %and3A = arith.constant 8388607 : i32
        %and3A_190 = vector.broadcast %and3A : i32 to vector<16xi32>
        %and3A_191 = arith.andi %bitcast_convert_type3A, %and3A_190 : vector<16xi32>
        %or3A = arith.constant 1065353216 : i32
        %or3A_192 = vector.broadcast %or3A : i32 to vector<16xi32>
        %or3A_193 = arith.ori %and3A_191, %or3A_192 : vector<16xi32>
        %bitcast_convert_type3A_194 = tpu.bitcast %or3A_193 : vector<16xi32> -> vector<16xf32>
        %gt3A = arith.constant 1.41421354 : f32
        %gt3A_195 = vector.broadcast %gt3A : f32 to vector<16xf32>
        %gt3A_196 = arith.cmpf ogt, %bitcast_convert_type3A_194, %gt3A_195 : vector<16xf32>
        %mul3A_197 = arith.constant 5.000000e-01 : f32
        %mul3A_198 = vector.broadcast %mul3A_197 : f32 to vector<16xf32>
        %mul3A_199 = arith.mulf %bitcast_convert_type3A_194, %mul3A_198 : vector<16xf32>
        %select_n3A = arith.select %gt3A_196, %mul3A_199, %bitcast_convert_type3A_194 : vector<16xi1>, vector<16xf32>
        %jit3A = arith.constant 1 : i32
        %jit3A_200 = arith.constant 0 : i32
        %broadcast_in_dim3A = vector.broadcast %jit3A : i32 to vector<16xi32>
        %broadcast_in_dim3A_201 = vector.broadcast %jit3A_200 : i32 to vector<16xi32>
        %select_n3A_202 = arith.select %gt3A_196, %broadcast_in_dim3A, %broadcast_in_dim3A_201 : vector<16xi1>, vector<16xi32>
        %add3A_203 = arith.addi %sub3A_189, %select_n3A_202 : vector<16xi32>
        %convert_element_type3A_204 = arith.sitofp %add3A_203 : vector<16xi32> to vector<16xf32>
        %sub3A_205 = arith.constant 1.000000e+00 : f32
        %sub3A_206 = vector.broadcast %sub3A_205 : f32 to vector<16xf32>
        %sub3A_207 = arith.subf %select_n3A, %sub3A_206 : vector<16xf32>
        %mul3A_208 = arith.constant 0.313053131 : f32
        %mul3A_209 = vector.broadcast %mul3A_208 : f32 to vector<16xf32>
        %mul3A_210 = arith.mulf %mul3A_209, %sub3A_207 : vector<16xf32>
        %add3A_211 = arith.constant -0.520837247 : f32
        %add3A_212 = vector.broadcast %add3A_211 : f32 to vector<16xf32>
        %add3A_213 = arith.addf %mul3A_210, %add3A_212 : vector<16xf32>
        %mul3A_214 = arith.mulf %add3A_213, %sub3A_207 : vector<16xf32>
        %add3A_215 = arith.constant 1.0009464 : f32
        %add3A_216 = vector.broadcast %add3A_215 : f32 to vector<16xf32>
        %add3A_217 = arith.addf %mul3A_214, %add3A_216 : vector<16xf32>
        %mul3A_218 = arith.constant 0.693147182 : f32
        %mul3A_219 = vector.broadcast %mul3A_218 : f32 to vector<16xf32>
        %mul3A_220 = arith.mulf %convert_element_type3A_204, %mul3A_219 : vector<16xf32>
        %mul3A_221 = arith.mulf %sub3A_207, %add3A_217 : vector<16xf32>
        %add3A_222 = arith.addf %mul3A_220, %mul3A_221 : vector<16xf32>
        %neg3A = arith.constant 0.000000e+00 : f32
        %neg3A_223 = vector.broadcast %neg3A : f32 to vector<16xf32>
        %neg3A_224 = arith.subf %neg3A_223, %add3A_222 : vector<16xf32>
        %mul3A_225 = arith.constant 333.333344 : f32
        %mul3A_226 = vector.broadcast %mul3A_225 : f32 to vector<16xf32>
        %mul3A_227 = arith.mulf %get3A_141, %mul3A_226 : vector<16xf32>
        %bitcast_convert_type3A_228 = tpu.bitcast %neg3A_224 : vector<16xf32> -> vector<16xi32>
        %shift_right_arithmetic3A_229 = arith.constant 23 : i32
        %shift_right_arithmetic3A_230 = vector.broadcast %shift_right_arithmetic3A_229 : i32 to vector<16xi32>
        %shift_right_arithmetic3A_231 = arith.shrsi %bitcast_convert_type3A_228, %shift_right_arithmetic3A_230 : vector<16xi32>
        %sub3A_232 = arith.constant 127 : i32
        %sub3A_233 = vector.broadcast %sub3A_232 : i32 to vector<16xi32>
        %sub3A_234 = arith.subi %shift_right_arithmetic3A_231, %sub3A_233 : vector<16xi32>
        %convert_element_type3A_235 = arith.sitofp %sub3A_234 : vector<16xi32> to vector<16xf32>
        %and3A_236 = arith.constant 8388607 : i32
        %and3A_237 = vector.broadcast %and3A_236 : i32 to vector<16xi32>
        %and3A_238 = arith.andi %bitcast_convert_type3A_228, %and3A_237 : vector<16xi32>
        %or3A_239 = arith.constant 1065353216 : i32
        %or3A_240 = vector.broadcast %or3A_239 : i32 to vector<16xi32>
        %or3A_241 = arith.ori %and3A_238, %or3A_240 : vector<16xi32>
        %bitcast_convert_type3A_242 = tpu.bitcast %or3A_241 : vector<16xi32> -> vector<16xf32>
        %sub3A_243 = arith.constant 1.000000e+00 : f32
        %sub3A_244 = vector.broadcast %sub3A_243 : f32 to vector<16xf32>
        %sub3A_245 = arith.subf %bitcast_convert_type3A_242, %sub3A_244 : vector<16xf32>
        %mul3A_246 = arith.constant -0.02491205 : f32
        %mul3A_247 = vector.broadcast %mul3A_246 : f32 to vector<16xf32>
        %mul3A_248 = arith.mulf %mul3A_247, %sub3A_245 : vector<16xf32>
        %add3A_249 = arith.constant 0.0848740711 : f32
        %add3A_250 = vector.broadcast %add3A_249 : f32 to vector<16xf32>
        %add3A_251 = arith.addf %mul3A_248, %add3A_250 : vector<16xf32>
        %mul3A_252 = arith.mulf %add3A_251, %sub3A_245 : vector<16xf32>
        %add3A_253 = arith.constant -0.162214354 : f32
        %add3A_254 = vector.broadcast %add3A_253 : f32 to vector<16xf32>
        %add3A_255 = arith.addf %mul3A_252, %add3A_254 : vector<16xf32>
        %mul3A_256 = arith.mulf %add3A_255, %sub3A_245 : vector<16xf32>
        %add3A_257 = arith.constant 0.333206803 : f32
        %add3A_258 = vector.broadcast %add3A_257 : f32 to vector<16xf32>
        %add3A_259 = arith.addf %mul3A_256, %add3A_258 : vector<16xf32>
        %mul3A_260 = arith.constant 0.231049061 : f32
        %mul3A_261 = vector.broadcast %mul3A_260 : f32 to vector<16xf32>
        %mul3A_262 = arith.mulf %convert_element_type3A_235, %mul3A_261 : vector<16xf32>
        %mul3A_263 = arith.mulf %sub3A_245, %add3A_259 : vector<16xf32>
        %add3A_264 = arith.addf %mul3A_262, %mul3A_263 : vector<16xf32>
        %sub3A_265 = arith.subf %mul3A_227, %add3A_264 : vector<16xf32>
        %exp3A = math.exp %sub3A_265 : vector<16xf32>
        %bitcast_convert_type3A_266 = tpu.bitcast %get3A_169 : vector<16xf32> -> vector<16xi32>
        %shift_right_arithmetic3A_267 = arith.constant 23 : i32
        %shift_right_arithmetic3A_268 = vector.broadcast %shift_right_arithmetic3A_267 : i32 to vector<16xi32>
        %shift_right_arithmetic3A_269 = arith.shrsi %bitcast_convert_type3A_266, %shift_right_arithmetic3A_268 : vector<16xi32>
        %sub3A_270 = arith.constant 127 : i32
        %sub3A_271 = vector.broadcast %sub3A_270 : i32 to vector<16xi32>
        %sub3A_272 = arith.subi %shift_right_arithmetic3A_269, %sub3A_271 : vector<16xi32>
        %and3A_273 = arith.constant 8388607 : i32
        %and3A_274 = vector.broadcast %and3A_273 : i32 to vector<16xi32>
        %and3A_275 = arith.andi %bitcast_convert_type3A_266, %and3A_274 : vector<16xi32>
        %or3A_276 = arith.constant 1065353216 : i32
        %or3A_277 = vector.broadcast %or3A_276 : i32 to vector<16xi32>
        %or3A_278 = arith.ori %and3A_275, %or3A_277 : vector<16xi32>
        %bitcast_convert_type3A_279 = tpu.bitcast %or3A_278 : vector<16xi32> -> vector<16xf32>
        %gt3A_280 = arith.constant 1.41421354 : f32
        %gt3A_281 = vector.broadcast %gt3A_280 : f32 to vector<16xf32>
        %gt3A_282 = arith.cmpf ogt, %bitcast_convert_type3A_279, %gt3A_281 : vector<16xf32>
        %mul3A_283 = arith.constant 5.000000e-01 : f32
        %mul3A_284 = vector.broadcast %mul3A_283 : f32 to vector<16xf32>
        %mul3A_285 = arith.mulf %bitcast_convert_type3A_279, %mul3A_284 : vector<16xf32>
        %select_n3A_286 = arith.select %gt3A_282, %mul3A_285, %bitcast_convert_type3A_279 : vector<16xi1>, vector<16xf32>
        %jit3A_287 = arith.constant 1 : i32
        %jit3A_288 = arith.constant 0 : i32
        %broadcast_in_dim3A_289 = vector.broadcast %jit3A_287 : i32 to vector<16xi32>
        %broadcast_in_dim3A_290 = vector.broadcast %jit3A_288 : i32 to vector<16xi32>
        %select_n3A_291 = arith.select %gt3A_282, %broadcast_in_dim3A_289, %broadcast_in_dim3A_290 : vector<16xi1>, vector<16xi32>
        %add3A_292 = arith.addi %sub3A_272, %select_n3A_291 : vector<16xi32>
        %convert_element_type3A_293 = arith.sitofp %add3A_292 : vector<16xi32> to vector<16xf32>
        %sub3A_294 = arith.constant 1.000000e+00 : f32
        %sub3A_295 = vector.broadcast %sub3A_294 : f32 to vector<16xf32>
        %sub3A_296 = arith.subf %select_n3A_286, %sub3A_295 : vector<16xf32>
        %mul3A_297 = arith.constant 0.313053131 : f32
        %mul3A_298 = vector.broadcast %mul3A_297 : f32 to vector<16xf32>
        %mul3A_299 = arith.mulf %mul3A_298, %sub3A_296 : vector<16xf32>
        %add3A_300 = arith.constant -0.520837247 : f32
        %add3A_301 = vector.broadcast %add3A_300 : f32 to vector<16xf32>
        %add3A_302 = arith.addf %mul3A_299, %add3A_301 : vector<16xf32>
        %mul3A_303 = arith.mulf %add3A_302, %sub3A_296 : vector<16xf32>
        %add3A_304 = arith.constant 1.0009464 : f32
        %add3A_305 = vector.broadcast %add3A_304 : f32 to vector<16xf32>
        %add3A_306 = arith.addf %mul3A_303, %add3A_305 : vector<16xf32>
        %mul3A_307 = arith.constant 0.693147182 : f32
        %mul3A_308 = vector.broadcast %mul3A_307 : f32 to vector<16xf32>
        %mul3A_309 = arith.mulf %convert_element_type3A_293, %mul3A_308 : vector<16xf32>
        %mul3A_310 = arith.mulf %sub3A_296, %add3A_306 : vector<16xf32>
        %add3A_311 = arith.addf %mul3A_309, %mul3A_310 : vector<16xf32>
        %neg3A_312 = arith.constant 0.000000e+00 : f32
        %neg3A_313 = vector.broadcast %neg3A_312 : f32 to vector<16xf32>
        %neg3A_314 = arith.subf %neg3A_313, %add3A_311 : vector<16xf32>
        %mul3A_315 = arith.constant 333.333344 : f32
        %mul3A_316 = vector.broadcast %mul3A_315 : f32 to vector<16xf32>
        %mul3A_317 = arith.mulf %get3A_145, %mul3A_316 : vector<16xf32>
        %bitcast_convert_type3A_318 = tpu.bitcast %neg3A_314 : vector<16xf32> -> vector<16xi32>
        %shift_right_arithmetic3A_319 = arith.constant 23 : i32
        %shift_right_arithmetic3A_320 = vector.broadcast %shift_right_arithmetic3A_319 : i32 to vector<16xi32>
        %shift_right_arithmetic3A_321 = arith.shrsi %bitcast_convert_type3A_318, %shift_right_arithmetic3A_320 : vector<16xi32>
        %sub3A_322 = arith.constant 127 : i32
        %sub3A_323 = vector.broadcast %sub3A_322 : i32 to vector<16xi32>
        %sub3A_324 = arith.subi %shift_right_arithmetic3A_321, %sub3A_323 : vector<16xi32>
        %convert_element_type3A_325 = arith.sitofp %sub3A_324 : vector<16xi32> to vector<16xf32>
        %and3A_326 = arith.constant 8388607 : i32
        %and3A_327 = vector.broadcast %and3A_326 : i32 to vector<16xi32>
        %and3A_328 = arith.andi %bitcast_convert_type3A_318, %and3A_327 : vector<16xi32>
        %or3A_329 = arith.constant 1065353216 : i32
        %or3A_330 = vector.broadcast %or3A_329 : i32 to vector<16xi32>
        %or3A_331 = arith.ori %and3A_328, %or3A_330 : vector<16xi32>
        %bitcast_convert_type3A_332 = tpu.bitcast %or3A_331 : vector<16xi32> -> vector<16xf32>
        %sub3A_333 = arith.constant 1.000000e+00 : f32
        %sub3A_334 = vector.broadcast %sub3A_333 : f32 to vector<16xf32>
        %sub3A_335 = arith.subf %bitcast_convert_type3A_332, %sub3A_334 : vector<16xf32>
        %mul3A_336 = arith.constant -0.02491205 : f32
        %mul3A_337 = vector.broadcast %mul3A_336 : f32 to vector<16xf32>
        %mul3A_338 = arith.mulf %mul3A_337, %sub3A_335 : vector<16xf32>
        %add3A_339 = arith.constant 0.0848740711 : f32
        %add3A_340 = vector.broadcast %add3A_339 : f32 to vector<16xf32>
        %add3A_341 = arith.addf %mul3A_338, %add3A_340 : vector<16xf32>
        %mul3A_342 = arith.mulf %add3A_341, %sub3A_335 : vector<16xf32>
        %add3A_343 = arith.constant -0.162214354 : f32
        %add3A_344 = vector.broadcast %add3A_343 : f32 to vector<16xf32>
        %add3A_345 = arith.addf %mul3A_342, %add3A_344 : vector<16xf32>
        %mul3A_346 = arith.mulf %add3A_345, %sub3A_335 : vector<16xf32>
        %add3A_347 = arith.constant 0.333206803 : f32
        %add3A_348 = vector.broadcast %add3A_347 : f32 to vector<16xf32>
        %add3A_349 = arith.addf %mul3A_346, %add3A_348 : vector<16xf32>
        %mul3A_350 = arith.constant 0.231049061 : f32
        %mul3A_351 = vector.broadcast %mul3A_350 : f32 to vector<16xf32>
        %mul3A_352 = arith.mulf %convert_element_type3A_325, %mul3A_351 : vector<16xf32>
        %mul3A_353 = arith.mulf %sub3A_335, %add3A_349 : vector<16xf32>
        %add3A_354 = arith.addf %mul3A_352, %mul3A_353 : vector<16xf32>
        %sub3A_355 = arith.subf %mul3A_317, %add3A_354 : vector<16xf32>
        %exp3A_356 = math.exp %sub3A_355 : vector<16xf32>
        %bitcast_convert_type3A_357 = tpu.bitcast %get3A_173 : vector<16xf32> -> vector<16xi32>
        %shift_right_arithmetic3A_358 = arith.constant 23 : i32
        %shift_right_arithmetic3A_359 = vector.broadcast %shift_right_arithmetic3A_358 : i32 to vector<16xi32>
        %shift_right_arithmetic3A_360 = arith.shrsi %bitcast_convert_type3A_357, %shift_right_arithmetic3A_359 : vector<16xi32>
        %sub3A_361 = arith.constant 127 : i32
        %sub3A_362 = vector.broadcast %sub3A_361 : i32 to vector<16xi32>
        %sub3A_363 = arith.subi %shift_right_arithmetic3A_360, %sub3A_362 : vector<16xi32>
        %and3A_364 = arith.constant 8388607 : i32
        %and3A_365 = vector.broadcast %and3A_364 : i32 to vector<16xi32>
        %and3A_366 = arith.andi %bitcast_convert_type3A_357, %and3A_365 : vector<16xi32>
        %or3A_367 = arith.constant 1065353216 : i32
        %or3A_368 = vector.broadcast %or3A_367 : i32 to vector<16xi32>
        %or3A_369 = arith.ori %and3A_366, %or3A_368 : vector<16xi32>
        %bitcast_convert_type3A_370 = tpu.bitcast %or3A_369 : vector<16xi32> -> vector<16xf32>
        %gt3A_371 = arith.constant 1.41421354 : f32
        %gt3A_372 = vector.broadcast %gt3A_371 : f32 to vector<16xf32>
        %gt3A_373 = arith.cmpf ogt, %bitcast_convert_type3A_370, %gt3A_372 : vector<16xf32>
        %mul3A_374 = arith.constant 5.000000e-01 : f32
        %mul3A_375 = vector.broadcast %mul3A_374 : f32 to vector<16xf32>
        %mul3A_376 = arith.mulf %bitcast_convert_type3A_370, %mul3A_375 : vector<16xf32>
        %select_n3A_377 = arith.select %gt3A_373, %mul3A_376, %bitcast_convert_type3A_370 : vector<16xi1>, vector<16xf32>
        %jit3A_378 = arith.constant 1 : i32
        %jit3A_379 = arith.constant 0 : i32
        %broadcast_in_dim3A_380 = vector.broadcast %jit3A_378 : i32 to vector<16xi32>
        %broadcast_in_dim3A_381 = vector.broadcast %jit3A_379 : i32 to vector<16xi32>
        %select_n3A_382 = arith.select %gt3A_373, %broadcast_in_dim3A_380, %broadcast_in_dim3A_381 : vector<16xi1>, vector<16xi32>
        %add3A_383 = arith.addi %sub3A_363, %select_n3A_382 : vector<16xi32>
        %convert_element_type3A_384 = arith.sitofp %add3A_383 : vector<16xi32> to vector<16xf32>
        %sub3A_385 = arith.constant 1.000000e+00 : f32
        %sub3A_386 = vector.broadcast %sub3A_385 : f32 to vector<16xf32>
        %sub3A_387 = arith.subf %select_n3A_377, %sub3A_386 : vector<16xf32>
        %mul3A_388 = arith.constant 0.313053131 : f32
        %mul3A_389 = vector.broadcast %mul3A_388 : f32 to vector<16xf32>
        %mul3A_390 = arith.mulf %mul3A_389, %sub3A_387 : vector<16xf32>
        %add3A_391 = arith.constant -0.520837247 : f32
        %add3A_392 = vector.broadcast %add3A_391 : f32 to vector<16xf32>
        %add3A_393 = arith.addf %mul3A_390, %add3A_392 : vector<16xf32>
        %mul3A_394 = arith.mulf %add3A_393, %sub3A_387 : vector<16xf32>
        %add3A_395 = arith.constant 1.0009464 : f32
        %add3A_396 = vector.broadcast %add3A_395 : f32 to vector<16xf32>
        %add3A_397 = arith.addf %mul3A_394, %add3A_396 : vector<16xf32>
        %mul3A_398 = arith.constant 0.693147182 : f32
        %mul3A_399 = vector.broadcast %mul3A_398 : f32 to vector<16xf32>
        %mul3A_400 = arith.mulf %convert_element_type3A_384, %mul3A_399 : vector<16xf32>
        %mul3A_401 = arith.mulf %sub3A_387, %add3A_397 : vector<16xf32>
        %add3A_402 = arith.addf %mul3A_400, %mul3A_401 : vector<16xf32>
        %neg3A_403 = arith.constant 0.000000e+00 : f32
        %neg3A_404 = vector.broadcast %neg3A_403 : f32 to vector<16xf32>
        %neg3A_405 = arith.subf %neg3A_404, %add3A_402 : vector<16xf32>
        %mul3A_406 = arith.constant 333.333344 : f32
        %mul3A_407 = vector.broadcast %mul3A_406 : f32 to vector<16xf32>
        %mul3A_408 = arith.mulf %get3A_149, %mul3A_407 : vector<16xf32>
        %bitcast_convert_type3A_409 = tpu.bitcast %neg3A_405 : vector<16xf32> -> vector<16xi32>
        %shift_right_arithmetic3A_410 = arith.constant 23 : i32
        %shift_right_arithmetic3A_411 = vector.broadcast %shift_right_arithmetic3A_410 : i32 to vector<16xi32>
        %shift_right_arithmetic3A_412 = arith.shrsi %bitcast_convert_type3A_409, %shift_right_arithmetic3A_411 : vector<16xi32>
        %sub3A_413 = arith.constant 127 : i32
        %sub3A_414 = vector.broadcast %sub3A_413 : i32 to vector<16xi32>
        %sub3A_415 = arith.subi %shift_right_arithmetic3A_412, %sub3A_414 : vector<16xi32>
        %convert_element_type3A_416 = arith.sitofp %sub3A_415 : vector<16xi32> to vector<16xf32>
        %and3A_417 = arith.constant 8388607 : i32
        %and3A_418 = vector.broadcast %and3A_417 : i32 to vector<16xi32>
        %and3A_419 = arith.andi %bitcast_convert_type3A_409, %and3A_418 : vector<16xi32>
        %or3A_420 = arith.constant 1065353216 : i32
        %or3A_421 = vector.broadcast %or3A_420 : i32 to vector<16xi32>
        %or3A_422 = arith.ori %and3A_419, %or3A_421 : vector<16xi32>
        %bitcast_convert_type3A_423 = tpu.bitcast %or3A_422 : vector<16xi32> -> vector<16xf32>
        %sub3A_424 = arith.constant 1.000000e+00 : f32
        %sub3A_425 = vector.broadcast %sub3A_424 : f32 to vector<16xf32>
        %sub3A_426 = arith.subf %bitcast_convert_type3A_423, %sub3A_425 : vector<16xf32>
        %mul3A_427 = arith.constant -0.02491205 : f32
        %mul3A_428 = vector.broadcast %mul3A_427 : f32 to vector<16xf32>
        %mul3A_429 = arith.mulf %mul3A_428, %sub3A_426 : vector<16xf32>
        %add3A_430 = arith.constant 0.0848740711 : f32
        %add3A_431 = vector.broadcast %add3A_430 : f32 to vector<16xf32>
        %add3A_432 = arith.addf %mul3A_429, %add3A_431 : vector<16xf32>
        %mul3A_433 = arith.mulf %add3A_432, %sub3A_426 : vector<16xf32>
        %add3A_434 = arith.constant -0.162214354 : f32
        %add3A_435 = vector.broadcast %add3A_434 : f32 to vector<16xf32>
        %add3A_436 = arith.addf %mul3A_433, %add3A_435 : vector<16xf32>
        %mul3A_437 = arith.mulf %add3A_436, %sub3A_426 : vector<16xf32>
        %add3A_438 = arith.constant 0.333206803 : f32
        %add3A_439 = vector.broadcast %add3A_438 : f32 to vector<16xf32>
        %add3A_440 = arith.addf %mul3A_437, %add3A_439 : vector<16xf32>
        %mul3A_441 = arith.constant 0.231049061 : f32
        %mul3A_442 = vector.broadcast %mul3A_441 : f32 to vector<16xf32>
        %mul3A_443 = arith.mulf %convert_element_type3A_416, %mul3A_442 : vector<16xf32>
        %mul3A_444 = arith.mulf %sub3A_426, %add3A_440 : vector<16xf32>
        %add3A_445 = arith.addf %mul3A_443, %mul3A_444 : vector<16xf32>
        %sub3A_446 = arith.subf %mul3A_408, %add3A_445 : vector<16xf32>
        %exp3A_447 = math.exp %sub3A_446 : vector<16xf32>
        %bitcast_convert_type3A_448 = tpu.bitcast %get3A_177 : vector<16xf32> -> vector<16xi32>
        %shift_right_arithmetic3A_449 = arith.constant 23 : i32
        %shift_right_arithmetic3A_450 = vector.broadcast %shift_right_arithmetic3A_449 : i32 to vector<16xi32>
        %shift_right_arithmetic3A_451 = arith.shrsi %bitcast_convert_type3A_448, %shift_right_arithmetic3A_450 : vector<16xi32>
        %sub3A_452 = arith.constant 127 : i32
        %sub3A_453 = vector.broadcast %sub3A_452 : i32 to vector<16xi32>
        %sub3A_454 = arith.subi %shift_right_arithmetic3A_451, %sub3A_453 : vector<16xi32>
        %and3A_455 = arith.constant 8388607 : i32
        %and3A_456 = vector.broadcast %and3A_455 : i32 to vector<16xi32>
        %and3A_457 = arith.andi %bitcast_convert_type3A_448, %and3A_456 : vector<16xi32>
        %or3A_458 = arith.constant 1065353216 : i32
        %or3A_459 = vector.broadcast %or3A_458 : i32 to vector<16xi32>
        %or3A_460 = arith.ori %and3A_457, %or3A_459 : vector<16xi32>
        %bitcast_convert_type3A_461 = tpu.bitcast %or3A_460 : vector<16xi32> -> vector<16xf32>
        %gt3A_462 = arith.constant 1.41421354 : f32
        %gt3A_463 = vector.broadcast %gt3A_462 : f32 to vector<16xf32>
        %gt3A_464 = arith.cmpf ogt, %bitcast_convert_type3A_461, %gt3A_463 : vector<16xf32>
        %mul3A_465 = arith.constant 5.000000e-01 : f32
        %mul3A_466 = vector.broadcast %mul3A_465 : f32 to vector<16xf32>
        %mul3A_467 = arith.mulf %bitcast_convert_type3A_461, %mul3A_466 : vector<16xf32>
        %select_n3A_468 = arith.select %gt3A_464, %mul3A_467, %bitcast_convert_type3A_461 : vector<16xi1>, vector<16xf32>
        %jit3A_469 = arith.constant 1 : i32
        %jit3A_470 = arith.constant 0 : i32
        %broadcast_in_dim3A_471 = vector.broadcast %jit3A_469 : i32 to vector<16xi32>
        %broadcast_in_dim3A_472 = vector.broadcast %jit3A_470 : i32 to vector<16xi32>
        %select_n3A_473 = arith.select %gt3A_464, %broadcast_in_dim3A_471, %broadcast_in_dim3A_472 : vector<16xi1>, vector<16xi32>
        %add3A_474 = arith.addi %sub3A_454, %select_n3A_473 : vector<16xi32>
        %convert_element_type3A_475 = arith.sitofp %add3A_474 : vector<16xi32> to vector<16xf32>
        %sub3A_476 = arith.constant 1.000000e+00 : f32
        %sub3A_477 = vector.broadcast %sub3A_476 : f32 to vector<16xf32>
        %sub3A_478 = arith.subf %select_n3A_468, %sub3A_477 : vector<16xf32>
        %mul3A_479 = arith.constant 0.313053131 : f32
        %mul3A_480 = vector.broadcast %mul3A_479 : f32 to vector<16xf32>
        %mul3A_481 = arith.mulf %mul3A_480, %sub3A_478 : vector<16xf32>
        %add3A_482 = arith.constant -0.520837247 : f32
        %add3A_483 = vector.broadcast %add3A_482 : f32 to vector<16xf32>
        %add3A_484 = arith.addf %mul3A_481, %add3A_483 : vector<16xf32>
        %mul3A_485 = arith.mulf %add3A_484, %sub3A_478 : vector<16xf32>
        %add3A_486 = arith.constant 1.0009464 : f32
        %add3A_487 = vector.broadcast %add3A_486 : f32 to vector<16xf32>
        %add3A_488 = arith.addf %mul3A_485, %add3A_487 : vector<16xf32>
        %mul3A_489 = arith.constant 0.693147182 : f32
        %mul3A_490 = vector.broadcast %mul3A_489 : f32 to vector<16xf32>
        %mul3A_491 = arith.mulf %convert_element_type3A_475, %mul3A_490 : vector<16xf32>
        %mul3A_492 = arith.mulf %sub3A_478, %add3A_488 : vector<16xf32>
        %add3A_493 = arith.addf %mul3A_491, %mul3A_492 : vector<16xf32>
        %neg3A_494 = arith.constant 0.000000e+00 : f32
        %neg3A_495 = vector.broadcast %neg3A_494 : f32 to vector<16xf32>
        %neg3A_496 = arith.subf %neg3A_495, %add3A_493 : vector<16xf32>
        %mul3A_497 = arith.constant 333.333344 : f32
        %mul3A_498 = vector.broadcast %mul3A_497 : f32 to vector<16xf32>
        %mul3A_499 = arith.mulf %get3A_153, %mul3A_498 : vector<16xf32>
        %bitcast_convert_type3A_500 = tpu.bitcast %neg3A_496 : vector<16xf32> -> vector<16xi32>
        %shift_right_arithmetic3A_501 = arith.constant 23 : i32
        %shift_right_arithmetic3A_502 = vector.broadcast %shift_right_arithmetic3A_501 : i32 to vector<16xi32>
        %shift_right_arithmetic3A_503 = arith.shrsi %bitcast_convert_type3A_500, %shift_right_arithmetic3A_502 : vector<16xi32>
        %sub3A_504 = arith.constant 127 : i32
        %sub3A_505 = vector.broadcast %sub3A_504 : i32 to vector<16xi32>
        %sub3A_506 = arith.subi %shift_right_arithmetic3A_503, %sub3A_505 : vector<16xi32>
        %convert_element_type3A_507 = arith.sitofp %sub3A_506 : vector<16xi32> to vector<16xf32>
        %and3A_508 = arith.constant 8388607 : i32
        %and3A_509 = vector.broadcast %and3A_508 : i32 to vector<16xi32>
        %and3A_510 = arith.andi %bitcast_convert_type3A_500, %and3A_509 : vector<16xi32>
        %or3A_511 = arith.constant 1065353216 : i32
        %or3A_512 = vector.broadcast %or3A_511 : i32 to vector<16xi32>
        %or3A_513 = arith.ori %and3A_510, %or3A_512 : vector<16xi32>
        %bitcast_convert_type3A_514 = tpu.bitcast %or3A_513 : vector<16xi32> -> vector<16xf32>
        %sub3A_515 = arith.constant 1.000000e+00 : f32
        %sub3A_516 = vector.broadcast %sub3A_515 : f32 to vector<16xf32>
        %sub3A_517 = arith.subf %bitcast_convert_type3A_514, %sub3A_516 : vector<16xf32>
        %mul3A_518 = arith.constant -0.02491205 : f32
        %mul3A_519 = vector.broadcast %mul3A_518 : f32 to vector<16xf32>
        %mul3A_520 = arith.mulf %mul3A_519, %sub3A_517 : vector<16xf32>
        %add3A_521 = arith.constant 0.0848740711 : f32
        %add3A_522 = vector.broadcast %add3A_521 : f32 to vector<16xf32>
        %add3A_523 = arith.addf %mul3A_520, %add3A_522 : vector<16xf32>
        %mul3A_524 = arith.mulf %add3A_523, %sub3A_517 : vector<16xf32>
        %add3A_525 = arith.constant -0.162214354 : f32
        %add3A_526 = vector.broadcast %add3A_525 : f32 to vector<16xf32>
        %add3A_527 = arith.addf %mul3A_524, %add3A_526 : vector<16xf32>
        %mul3A_528 = arith.mulf %add3A_527, %sub3A_517 : vector<16xf32>
        %add3A_529 = arith.constant 0.333206803 : f32
        %add3A_530 = vector.broadcast %add3A_529 : f32 to vector<16xf32>
        %add3A_531 = arith.addf %mul3A_528, %add3A_530 : vector<16xf32>
        %mul3A_532 = arith.constant 0.231049061 : f32
        %mul3A_533 = vector.broadcast %mul3A_532 : f32 to vector<16xf32>
        %mul3A_534 = arith.mulf %convert_element_type3A_507, %mul3A_533 : vector<16xf32>
        %mul3A_535 = arith.mulf %sub3A_517, %add3A_531 : vector<16xf32>
        %add3A_536 = arith.addf %mul3A_534, %mul3A_535 : vector<16xf32>
        %sub3A_537 = arith.subf %mul3A_499, %add3A_536 : vector<16xf32>
        %exp3A_538 = math.exp %sub3A_537 : vector<16xf32>
        %bitcast_convert_type3A_539 = tpu.bitcast %get3A_181 : vector<16xf32> -> vector<16xi32>
        %shift_right_arithmetic3A_540 = arith.constant 23 : i32
        %shift_right_arithmetic3A_541 = vector.broadcast %shift_right_arithmetic3A_540 : i32 to vector<16xi32>
        %shift_right_arithmetic3A_542 = arith.shrsi %bitcast_convert_type3A_539, %shift_right_arithmetic3A_541 : vector<16xi32>
        %sub3A_543 = arith.constant 127 : i32
        %sub3A_544 = vector.broadcast %sub3A_543 : i32 to vector<16xi32>
        %sub3A_545 = arith.subi %shift_right_arithmetic3A_542, %sub3A_544 : vector<16xi32>
        %and3A_546 = arith.constant 8388607 : i32
        %and3A_547 = vector.broadcast %and3A_546 : i32 to vector<16xi32>
        %and3A_548 = arith.andi %bitcast_convert_type3A_539, %and3A_547 : vector<16xi32>
        %or3A_549 = arith.constant 1065353216 : i32
        %or3A_550 = vector.broadcast %or3A_549 : i32 to vector<16xi32>
        %or3A_551 = arith.ori %and3A_548, %or3A_550 : vector<16xi32>
        %bitcast_convert_type3A_552 = tpu.bitcast %or3A_551 : vector<16xi32> -> vector<16xf32>
        %gt3A_553 = arith.constant 1.41421354 : f32
        %gt3A_554 = vector.broadcast %gt3A_553 : f32 to vector<16xf32>
        %gt3A_555 = arith.cmpf ogt, %bitcast_convert_type3A_552, %gt3A_554 : vector<16xf32>
        %mul3A_556 = arith.constant 5.000000e-01 : f32
        %mul3A_557 = vector.broadcast %mul3A_556 : f32 to vector<16xf32>
        %mul3A_558 = arith.mulf %bitcast_convert_type3A_552, %mul3A_557 : vector<16xf32>
        %select_n3A_559 = arith.select %gt3A_555, %mul3A_558, %bitcast_convert_type3A_552 : vector<16xi1>, vector<16xf32>
        %jit3A_560 = arith.constant 1 : i32
        %jit3A_561 = arith.constant 0 : i32
        %broadcast_in_dim3A_562 = vector.broadcast %jit3A_560 : i32 to vector<16xi32>
        %broadcast_in_dim3A_563 = vector.broadcast %jit3A_561 : i32 to vector<16xi32>
        %select_n3A_564 = arith.select %gt3A_555, %broadcast_in_dim3A_562, %broadcast_in_dim3A_563 : vector<16xi1>, vector<16xi32>
        %add3A_565 = arith.addi %sub3A_545, %select_n3A_564 : vector<16xi32>
        %convert_element_type3A_566 = arith.sitofp %add3A_565 : vector<16xi32> to vector<16xf32>
        %sub3A_567 = arith.constant 1.000000e+00 : f32
        %sub3A_568 = vector.broadcast %sub3A_567 : f32 to vector<16xf32>
        %sub3A_569 = arith.subf %select_n3A_559, %sub3A_568 : vector<16xf32>
        %mul3A_570 = arith.constant 0.313053131 : f32
        %mul3A_571 = vector.broadcast %mul3A_570 : f32 to vector<16xf32>
        %mul3A_572 = arith.mulf %mul3A_571, %sub3A_569 : vector<16xf32>
        %add3A_573 = arith.constant -0.520837247 : f32
        %add3A_574 = vector.broadcast %add3A_573 : f32 to vector<16xf32>
        %add3A_575 = arith.addf %mul3A_572, %add3A_574 : vector<16xf32>
        %mul3A_576 = arith.mulf %add3A_575, %sub3A_569 : vector<16xf32>
        %add3A_577 = arith.constant 1.0009464 : f32
        %add3A_578 = vector.broadcast %add3A_577 : f32 to vector<16xf32>
        %add3A_579 = arith.addf %mul3A_576, %add3A_578 : vector<16xf32>
        %mul3A_580 = arith.constant 0.693147182 : f32
        %mul3A_581 = vector.broadcast %mul3A_580 : f32 to vector<16xf32>
        %mul3A_582 = arith.mulf %convert_element_type3A_566, %mul3A_581 : vector<16xf32>
        %mul3A_583 = arith.mulf %sub3A_569, %add3A_579 : vector<16xf32>
        %add3A_584 = arith.addf %mul3A_582, %mul3A_583 : vector<16xf32>
        %neg3A_585 = arith.constant 0.000000e+00 : f32
        %neg3A_586 = vector.broadcast %neg3A_585 : f32 to vector<16xf32>
        %neg3A_587 = arith.subf %neg3A_586, %add3A_584 : vector<16xf32>
        %mul3A_588 = arith.constant 333.333344 : f32
        %mul3A_589 = vector.broadcast %mul3A_588 : f32 to vector<16xf32>
        %mul3A_590 = arith.mulf %get3A_157, %mul3A_589 : vector<16xf32>
        %bitcast_convert_type3A_591 = tpu.bitcast %neg3A_587 : vector<16xf32> -> vector<16xi32>
        %shift_right_arithmetic3A_592 = arith.constant 23 : i32
        %shift_right_arithmetic3A_593 = vector.broadcast %shift_right_arithmetic3A_592 : i32 to vector<16xi32>
        %shift_right_arithmetic3A_594 = arith.shrsi %bitcast_convert_type3A_591, %shift_right_arithmetic3A_593 : vector<16xi32>
        %sub3A_595 = arith.constant 127 : i32
        %sub3A_596 = vector.broadcast %sub3A_595 : i32 to vector<16xi32>
        %sub3A_597 = arith.subi %shift_right_arithmetic3A_594, %sub3A_596 : vector<16xi32>
        %convert_element_type3A_598 = arith.sitofp %sub3A_597 : vector<16xi32> to vector<16xf32>
        %and3A_599 = arith.constant 8388607 : i32
        %and3A_600 = vector.broadcast %and3A_599 : i32 to vector<16xi32>
        %and3A_601 = arith.andi %bitcast_convert_type3A_591, %and3A_600 : vector<16xi32>
        %or3A_602 = arith.constant 1065353216 : i32
        %or3A_603 = vector.broadcast %or3A_602 : i32 to vector<16xi32>
        %or3A_604 = arith.ori %and3A_601, %or3A_603 : vector<16xi32>
        %bitcast_convert_type3A_605 = tpu.bitcast %or3A_604 : vector<16xi32> -> vector<16xf32>
        %sub3A_606 = arith.constant 1.000000e+00 : f32
        %sub3A_607 = vector.broadcast %sub3A_606 : f32 to vector<16xf32>
        %sub3A_608 = arith.subf %bitcast_convert_type3A_605, %sub3A_607 : vector<16xf32>
        %mul3A_609 = arith.constant -0.02491205 : f32
        %mul3A_610 = vector.broadcast %mul3A_609 : f32 to vector<16xf32>
        %mul3A_611 = arith.mulf %mul3A_610, %sub3A_608 : vector<16xf32>
        %add3A_612 = arith.constant 0.0848740711 : f32
        %add3A_613 = vector.broadcast %add3A_612 : f32 to vector<16xf32>
        %add3A_614 = arith.addf %mul3A_611, %add3A_613 : vector<16xf32>
        %mul3A_615 = arith.mulf %add3A_614, %sub3A_608 : vector<16xf32>
        %add3A_616 = arith.constant -0.162214354 : f32
        %add3A_617 = vector.broadcast %add3A_616 : f32 to vector<16xf32>
        %add3A_618 = arith.addf %mul3A_615, %add3A_617 : vector<16xf32>
        %mul3A_619 = arith.mulf %add3A_618, %sub3A_608 : vector<16xf32>
        %add3A_620 = arith.constant 0.333206803 : f32
        %add3A_621 = vector.broadcast %add3A_620 : f32 to vector<16xf32>
        %add3A_622 = arith.addf %mul3A_619, %add3A_621 : vector<16xf32>
        %mul3A_623 = arith.constant 0.231049061 : f32
        %mul3A_624 = vector.broadcast %mul3A_623 : f32 to vector<16xf32>
        %mul3A_625 = arith.mulf %convert_element_type3A_598, %mul3A_624 : vector<16xf32>
        %mul3A_626 = arith.mulf %sub3A_608, %add3A_622 : vector<16xf32>
        %add3A_627 = arith.addf %mul3A_625, %mul3A_626 : vector<16xf32>
        %sub3A_628 = arith.subf %mul3A_590, %add3A_627 : vector<16xf32>
        %exp3A_629 = math.exp %sub3A_628 : vector<16xf32>
        %bitcast_convert_type3A_630 = tpu.bitcast %get3A_185 : vector<16xf32> -> vector<16xi32>
        %shift_right_arithmetic3A_631 = arith.constant 23 : i32
        %shift_right_arithmetic3A_632 = vector.broadcast %shift_right_arithmetic3A_631 : i32 to vector<16xi32>
        %shift_right_arithmetic3A_633 = arith.shrsi %bitcast_convert_type3A_630, %shift_right_arithmetic3A_632 : vector<16xi32>
        %sub3A_634 = arith.constant 127 : i32
        %sub3A_635 = vector.broadcast %sub3A_634 : i32 to vector<16xi32>
        %sub3A_636 = arith.subi %shift_right_arithmetic3A_633, %sub3A_635 : vector<16xi32>
        %and3A_637 = arith.constant 8388607 : i32
        %and3A_638 = vector.broadcast %and3A_637 : i32 to vector<16xi32>
        %and3A_639 = arith.andi %bitcast_convert_type3A_630, %and3A_638 : vector<16xi32>
        %or3A_640 = arith.constant 1065353216 : i32
        %or3A_641 = vector.broadcast %or3A_640 : i32 to vector<16xi32>
        %or3A_642 = arith.ori %and3A_639, %or3A_641 : vector<16xi32>
        %bitcast_convert_type3A_643 = tpu.bitcast %or3A_642 : vector<16xi32> -> vector<16xf32>
        %gt3A_644 = arith.constant 1.41421354 : f32
        %gt3A_645 = vector.broadcast %gt3A_644 : f32 to vector<16xf32>
        %gt3A_646 = arith.cmpf ogt, %bitcast_convert_type3A_643, %gt3A_645 : vector<16xf32>
        %mul3A_647 = arith.constant 5.000000e-01 : f32
        %mul3A_648 = vector.broadcast %mul3A_647 : f32 to vector<16xf32>
        %mul3A_649 = arith.mulf %bitcast_convert_type3A_643, %mul3A_648 : vector<16xf32>
        %select_n3A_650 = arith.select %gt3A_646, %mul3A_649, %bitcast_convert_type3A_643 : vector<16xi1>, vector<16xf32>
        %jit3A_651 = arith.constant 1 : i32
        %jit3A_652 = arith.constant 0 : i32
        %broadcast_in_dim3A_653 = vector.broadcast %jit3A_651 : i32 to vector<16xi32>
        %broadcast_in_dim3A_654 = vector.broadcast %jit3A_652 : i32 to vector<16xi32>
        %select_n3A_655 = arith.select %gt3A_646, %broadcast_in_dim3A_653, %broadcast_in_dim3A_654 : vector<16xi1>, vector<16xi32>
        %add3A_656 = arith.addi %sub3A_636, %select_n3A_655 : vector<16xi32>
        %convert_element_type3A_657 = arith.sitofp %add3A_656 : vector<16xi32> to vector<16xf32>
        %sub3A_658 = arith.constant 1.000000e+00 : f32
        %sub3A_659 = vector.broadcast %sub3A_658 : f32 to vector<16xf32>
        %sub3A_660 = arith.subf %select_n3A_650, %sub3A_659 : vector<16xf32>
        %mul3A_661 = arith.constant 0.313053131 : f32
        %mul3A_662 = vector.broadcast %mul3A_661 : f32 to vector<16xf32>
        %mul3A_663 = arith.mulf %mul3A_662, %sub3A_660 : vector<16xf32>
        %add3A_664 = arith.constant -0.520837247 : f32
        %add3A_665 = vector.broadcast %add3A_664 : f32 to vector<16xf32>
        %add3A_666 = arith.addf %mul3A_663, %add3A_665 : vector<16xf32>
        %mul3A_667 = arith.mulf %add3A_666, %sub3A_660 : vector<16xf32>
        %add3A_668 = arith.constant 1.0009464 : f32
        %add3A_669 = vector.broadcast %add3A_668 : f32 to vector<16xf32>
        %add3A_670 = arith.addf %mul3A_667, %add3A_669 : vector<16xf32>
        %mul3A_671 = arith.constant 0.693147182 : f32
        %mul3A_672 = vector.broadcast %mul3A_671 : f32 to vector<16xf32>
        %mul3A_673 = arith.mulf %convert_element_type3A_657, %mul3A_672 : vector<16xf32>
        %mul3A_674 = arith.mulf %sub3A_660, %add3A_670 : vector<16xf32>
        %add3A_675 = arith.addf %mul3A_673, %mul3A_674 : vector<16xf32>
        %neg3A_676 = arith.constant 0.000000e+00 : f32
        %neg3A_677 = vector.broadcast %neg3A_676 : f32 to vector<16xf32>
        %neg3A_678 = arith.subf %neg3A_677, %add3A_675 : vector<16xf32>
        %mul3A_679 = arith.constant 333.333344 : f32
        %mul3A_680 = vector.broadcast %mul3A_679 : f32 to vector<16xf32>
        %mul3A_681 = arith.mulf %get3A_161, %mul3A_680 : vector<16xf32>
        %bitcast_convert_type3A_682 = tpu.bitcast %neg3A_678 : vector<16xf32> -> vector<16xi32>
        %shift_right_arithmetic3A_683 = arith.constant 23 : i32
        %shift_right_arithmetic3A_684 = vector.broadcast %shift_right_arithmetic3A_683 : i32 to vector<16xi32>
        %shift_right_arithmetic3A_685 = arith.shrsi %bitcast_convert_type3A_682, %shift_right_arithmetic3A_684 : vector<16xi32>
        %sub3A_686 = arith.constant 127 : i32
        %sub3A_687 = vector.broadcast %sub3A_686 : i32 to vector<16xi32>
        %sub3A_688 = arith.subi %shift_right_arithmetic3A_685, %sub3A_687 : vector<16xi32>
        %convert_element_type3A_689 = arith.sitofp %sub3A_688 : vector<16xi32> to vector<16xf32>
        %and3A_690 = arith.constant 8388607 : i32
        %and3A_691 = vector.broadcast %and3A_690 : i32 to vector<16xi32>
        %and3A_692 = arith.andi %bitcast_convert_type3A_682, %and3A_691 : vector<16xi32>
        %or3A_693 = arith.constant 1065353216 : i32
        %or3A_694 = vector.broadcast %or3A_693 : i32 to vector<16xi32>
        %or3A_695 = arith.ori %and3A_692, %or3A_694 : vector<16xi32>
        %bitcast_convert_type3A_696 = tpu.bitcast %or3A_695 : vector<16xi32> -> vector<16xf32>
        %sub3A_697 = arith.constant 1.000000e+00 : f32
        %sub3A_698 = vector.broadcast %sub3A_697 : f32 to vector<16xf32>
        %sub3A_699 = arith.subf %bitcast_convert_type3A_696, %sub3A_698 : vector<16xf32>
        %mul3A_700 = arith.constant -0.02491205 : f32
        %mul3A_701 = vector.broadcast %mul3A_700 : f32 to vector<16xf32>
        %mul3A_702 = arith.mulf %mul3A_701, %sub3A_699 : vector<16xf32>
        %add3A_703 = arith.constant 0.0848740711 : f32
        %add3A_704 = vector.broadcast %add3A_703 : f32 to vector<16xf32>
        %add3A_705 = arith.addf %mul3A_702, %add3A_704 : vector<16xf32>
        %mul3A_706 = arith.mulf %add3A_705, %sub3A_699 : vector<16xf32>
        %add3A_707 = arith.constant -0.162214354 : f32
        %add3A_708 = vector.broadcast %add3A_707 : f32 to vector<16xf32>
        %add3A_709 = arith.addf %mul3A_706, %add3A_708 : vector<16xf32>
        %mul3A_710 = arith.mulf %add3A_709, %sub3A_699 : vector<16xf32>
        %add3A_711 = arith.constant 0.333206803 : f32
        %add3A_712 = vector.broadcast %add3A_711 : f32 to vector<16xf32>
        %add3A_713 = arith.addf %mul3A_710, %add3A_712 : vector<16xf32>
        %mul3A_714 = arith.constant 0.231049061 : f32
        %mul3A_715 = vector.broadcast %mul3A_714 : f32 to vector<16xf32>
        %mul3A_716 = arith.mulf %convert_element_type3A_689, %mul3A_715 : vector<16xf32>
        %mul3A_717 = arith.mulf %sub3A_699, %add3A_713 : vector<16xf32>
        %add3A_718 = arith.addf %mul3A_716, %mul3A_717 : vector<16xf32>
        %sub3A_719 = arith.subf %mul3A_681, %add3A_718 : vector<16xf32>
        %exp3A_720 = math.exp %sub3A_719 : vector<16xf32>
        %add3A_721 = arith.addf %exp3A, %exp3A_356 : vector<16xf32>
        %add3A_722 = arith.addf %add3A_721, %exp3A_447 : vector<16xf32>
        %add3A_723 = arith.addf %add3A_722, %exp3A_538 : vector<16xf32>
        %add3A_724 = arith.addf %add3A_723, %exp3A_629 : vector<16xf32>
        %add3A_725 = arith.addf %add3A_724, %exp3A_720 : vector<16xf32>
        %div3A = arith.constant 1.000000e+00 : f32
        %div3A_726 = vector.broadcast %div3A : f32 to vector<16xf32>
        %div3A_727 = arith.divf %div3A_726, %add3A_725 : vector<16xf32>
        %add3A_728 = arith.addf %exp3A, %exp3A_356 : vector<16xf32>
        %add3A_729 = arith.addf %add3A_728, %exp3A_447 : vector<16xf32>
        %mul3A_730 = arith.mulf %add3A_729, %div3A_727 : vector<16xf32>
        %add3A_731 = arith.addf %exp3A, %exp3A_538 : vector<16xf32>
        %add3A_732 = arith.addf %add3A_731, %exp3A_629 : vector<16xf32>
        %mul3A_733 = arith.mulf %add3A_732, %div3A_727 : vector<16xf32>
        %add3A_734 = arith.addf %exp3A_356, %exp3A_538 : vector<16xf32>
        %add3A_735 = arith.addf %add3A_734, %exp3A_720 : vector<16xf32>
        %mul3A_736 = arith.mulf %add3A_735, %div3A_727 : vector<16xf32>
        %add3A_737 = arith.addf %exp3A_447, %exp3A_629 : vector<16xf32>
        %add3A_738 = arith.addf %add3A_737, %exp3A_720 : vector<16xf32>
        %mul3A_739 = arith.mulf %add3A_738, %div3A_727 : vector<16xf32>
        %and3A_740 = arith.constant 63 : i32
        %and3A_741 = arith.andi %scan3A_136, %and3A_740 : i32
        %shift_right_arithmetic3A_742 = arith.constant 1 : i32
        %shift_right_arithmetic3A_743 = arith.shrsi %and3A_741, %shift_right_arithmetic3A_742 : i32
        %broadcast_in_dim3A_744 = vector.broadcast %shift_right_arithmetic3A_743 : i32 to vector<16xi32>
        %shift_right_arithmetic3A_745 = arith.constant 6 : i32
        %shift_right_arithmetic3A_746 = arith.shrsi %scan3A_136, %shift_right_arithmetic3A_745 : i32
        %add3A_747 = arith.constant 2 : i32
        %add3A_748 = arith.addi %add3A_747, %shift_right_arithmetic3A_746 : i32
        %broadcast_in_dim3A_749 = vector.broadcast %add3A_748 : i32 to vector<16xi32>
        %and3A_750 = arith.constant 1 : i32
        %and3A_751 = arith.andi %scan3A_136, %and3A_750 : i32
        %mul3A_752 = arith.constant 64 : i32
        %mul3A_753 = arith.muli %and3A_751, %mul3A_752 : i32
        %add3A_754 = arith.constant 0 : i32
        %add3A_755 = arith.addi %mul3A_753, %add3A_754 : i32
        %add3A_756 = vector.broadcast %add3A_755 : i32 to vector<16xi32>
        %add3A_757 = arith.addi %mul3A_7, %add3A_756 : vector<16xi32>
        tpu.vector_store_idx %arg9[%broadcast_in_dim3A_744, %broadcast_in_dim3A_749, %add3A_757], %mul3A_730 : memref<32x8x128xf32, #tpu.memory_space<vmem>>[vector<16xi32>, vector<16xi32>, vector<16xi32>], vector<16xf32>,
        %add3A_758 = arith.constant 1 : i32
        %add3A_759 = arith.addi %mul3A_753, %add3A_758 : i32
        %add3A_760 = vector.broadcast %add3A_759 : i32 to vector<16xi32>
        %add3A_761 = arith.addi %mul3A_7, %add3A_760 : vector<16xi32>
        tpu.vector_store_idx %arg9[%broadcast_in_dim3A_744, %broadcast_in_dim3A_749, %add3A_761], %mul3A_733 : memref<32x8x128xf32, #tpu.memory_space<vmem>>[vector<16xi32>, vector<16xi32>, vector<16xi32>], vector<16xf32>,
        %add3A_762 = arith.constant 2 : i32
        %add3A_763 = arith.addi %mul3A_753, %add3A_762 : i32
        %add3A_764 = vector.broadcast %add3A_763 : i32 to vector<16xi32>
        %add3A_765 = arith.addi %mul3A_7, %add3A_764 : vector<16xi32>
        tpu.vector_store_idx %arg9[%broadcast_in_dim3A_744, %broadcast_in_dim3A_749, %add3A_765], %mul3A_736 : memref<32x8x128xf32, #tpu.memory_space<vmem>>[vector<16xi32>, vector<16xi32>, vector<16xi32>], vector<16xf32>,
        %add3A_766 = arith.constant 3 : i32
        %add3A_767 = arith.addi %mul3A_753, %add3A_766 : i32
        %add3A_768 = vector.broadcast %add3A_767 : i32 to vector<16xi32>
        %add3A_769 = arith.addi %mul3A_7, %add3A_768 : vector<16xi32>
        tpu.vector_store_idx %arg9[%broadcast_in_dim3A_744, %broadcast_in_dim3A_749, %add3A_769], %mul3A_739 : memref<32x8x128xf32, #tpu.memory_space<vmem>>[vector<16xi32>, vector<16xi32>, vector<16xi32>], vector<16xf32>,
        %scan3A_770 = arith.constant 1 : i32
        %scan3A_771 = arith.addi %scan3A_136, %scan3A_770 : i32
        %mul3A_772 = arith.constant 16 : i32
        %mul3A_773 = arith.muli %scan3A_771, %mul3A_772 : i32
        %get3A_774 = arith.constant 0 : i32
        %get3A_775 = arith.index_cast %get3A_774 : i32 to index
        %get3A_776 = arith.index_cast %mul3A_773 : i32 to index
        %get3A_777 = tpu.vector_load %arg6[%get3A_775, %get3A_776] {strides = array<i32>} : memref<6x2048xf32, #tpu.memory_space<vmem>>, vector<16xf32>,
        %get3A_778 = arith.constant 1 : i32
        %get3A_779 = arith.index_cast %get3A_778 : i32 to index
        %get3A_780 = arith.index_cast %mul3A_773 : i32 to index
        %get3A_781 = tpu.vector_load %arg6[%get3A_779, %get3A_780] {strides = array<i32>} : memref<6x2048xf32, #tpu.memory_space<vmem>>, vector<16xf32>,
        %get3A_782 = arith.constant 2 : i32
        %get3A_783 = arith.index_cast %get3A_782 : i32 to index
        %get3A_784 = arith.index_cast %mul3A_773 : i32 to index
        %get3A_785 = tpu.vector_load %arg6[%get3A_783, %get3A_784] {strides = array<i32>} : memref<6x2048xf32, #tpu.memory_space<vmem>>, vector<16xf32>,
        %get3A_786 = arith.constant 3 : i32
        %get3A_787 = arith.index_cast %get3A_786 : i32 to index
        %get3A_788 = arith.index_cast %mul3A_773 : i32 to index
        %get3A_789 = tpu.vector_load %arg6[%get3A_787, %get3A_788] {strides = array<i32>} : memref<6x2048xf32, #tpu.memory_space<vmem>>, vector<16xf32>,
        %get3A_790 = arith.constant 4 : i32
        %get3A_791 = arith.index_cast %get3A_790 : i32 to index
        %get3A_792 = arith.index_cast %mul3A_773 : i32 to index
        %get3A_793 = tpu.vector_load %arg6[%get3A_791, %get3A_792] {strides = array<i32>} : memref<6x2048xf32, #tpu.memory_space<vmem>>, vector<16xf32>,
        %get3A_794 = arith.constant 5 : i32
        %get3A_795 = arith.index_cast %get3A_794 : i32 to index
        %get3A_796 = arith.index_cast %mul3A_773 : i32 to index
        %get3A_797 = tpu.vector_load %arg6[%get3A_795, %get3A_796] {strides = array<i32>} : memref<6x2048xf32, #tpu.memory_space<vmem>>, vector<16xf32>,
        %get3A_798 = arith.constant 0 : i32
        %get3A_799 = arith.index_cast %get3A_798 : i32 to index
        %get3A_800 = arith.index_cast %mul3A_773 : i32 to index
        %get3A_801 = tpu.vector_load %arg8[%get3A_799, %get3A_800] {strides = array<i32>} : memref<6x2048xf32, #tpu.memory_space<vmem>>, vector<16xf32>,
        %get3A_802 = arith.constant 1 : i32
        %get3A_803 = arith.index_cast %get3A_802 : i32 to index
        %get3A_804 = arith.index_cast %mul3A_773 : i32 to index
        %get3A_805 = tpu.vector_load %arg8[%get3A_803, %get3A_804] {strides = array<i32>} : memref<6x2048xf32, #tpu.memory_space<vmem>>, vector<16xf32>,
        %get3A_806 = arith.constant 2 : i32
        %get3A_807 = arith.index_cast %get3A_806 : i32 to index
        %get3A_808 = arith.index_cast %mul3A_773 : i32 to index
        %get3A_809 = tpu.vector_load %arg8[%get3A_807, %get3A_808] {strides = array<i32>} : memref<6x2048xf32, #tpu.memory_space<vmem>>, vector<16xf32>,
        %get3A_810 = arith.constant 3 : i32
        %get3A_811 = arith.index_cast %get3A_810 : i32 to index
        %get3A_812 = arith.index_cast %mul3A_773 : i32 to index
        %get3A_813 = tpu.vector_load %arg8[%get3A_811, %get3A_812] {strides = array<i32>} : memref<6x2048xf32, #tpu.memory_space<vmem>>, vector<16xf32>,
        %get3A_814 = arith.constant 4 : i32
        %get3A_815 = arith.index_cast %get3A_814 : i32 to index
        %get3A_816 = arith.index_cast %mul3A_773 : i32 to index
        %get3A_817 = tpu.vector_load %arg8[%get3A_815, %get3A_816] {strides = array<i32>} : memref<6x2048xf32, #tpu.memory_space<vmem>>, vector<16xf32>,
        %get3A_818 = arith.constant 5 : i32
        %get3A_819 = arith.index_cast %get3A_818 : i32 to index
        %get3A_820 = arith.index_cast %mul3A_773 : i32 to index
        %get3A_821 = tpu.vector_load %arg8[%get3A_819, %get3A_820] {strides = array<i32>} : memref<6x2048xf32, #tpu.memory_space<vmem>>, vector<16xf32>,
        %bitcast_convert_type3A_822 = tpu.bitcast %get3A_801 : vector<16xf32> -> vector<16xi32>
        %shift_right_arithmetic3A_823 = arith.constant 23 : i32
        %shift_right_arithmetic3A_824 = vector.broadcast %shift_right_arithmetic3A_823 : i32 to vector<16xi32>
        %shift_right_arithmetic3A_825 = arith.shrsi %bitcast_convert_type3A_822, %shift_right_arithmetic3A_824 : vector<16xi32>
        %sub3A_826 = arith.constant 127 : i32
        %sub3A_827 = vector.broadcast %sub3A_826 : i32 to vector<16xi32>
        %sub3A_828 = arith.subi %shift_right_arithmetic3A_825, %sub3A_827 : vector<16xi32>
        %and3A_829 = arith.constant 8388607 : i32
        %and3A_830 = vector.broadcast %and3A_829 : i32 to vector<16xi32>
        %and3A_831 = arith.andi %bitcast_convert_type3A_822, %and3A_830 : vector<16xi32>
        %or3A_832 = arith.constant 1065353216 : i32
        %or3A_833 = vector.broadcast %or3A_832 : i32 to vector<16xi32>
        %or3A_834 = arith.ori %and3A_831, %or3A_833 : vector<16xi32>
        %bitcast_convert_type3A_835 = tpu.bitcast %or3A_834 : vector<16xi32> -> vector<16xf32>
        %gt3A_836 = arith.constant 1.41421354 : f32
        %gt3A_837 = vector.broadcast %gt3A_836 : f32 to vector<16xf32>
        %gt3A_838 = arith.cmpf ogt, %bitcast_convert_type3A_835, %gt3A_837 : vector<16xf32>
        %mul3A_839 = arith.constant 5.000000e-01 : f32
        %mul3A_840 = vector.broadcast %mul3A_839 : f32 to vector<16xf32>
        %mul3A_841 = arith.mulf %bitcast_convert_type3A_835, %mul3A_840 : vector<16xf32>
        %select_n3A_842 = arith.select %gt3A_838, %mul3A_841, %bitcast_convert_type3A_835 : vector<16xi1>, vector<16xf32>
        %jit3A_843 = arith.constant 1 : i32
        %jit3A_844 = arith.constant 0 : i32
        %broadcast_in_dim3A_845 = vector.broadcast %jit3A_843 : i32 to vector<16xi32>
        %broadcast_in_dim3A_846 = vector.broadcast %jit3A_844 : i32 to vector<16xi32>
        %select_n3A_847 = arith.select %gt3A_838, %broadcast_in_dim3A_845, %broadcast_in_dim3A_846 : vector<16xi1>, vector<16xi32>
        %add3A_848 = arith.addi %sub3A_828, %select_n3A_847 : vector<16xi32>
        %convert_element_type3A_849 = arith.sitofp %add3A_848 : vector<16xi32> to vector<16xf32>
        %sub3A_850 = arith.constant 1.000000e+00 : f32
        %sub3A_851 = vector.broadcast %sub3A_850 : f32 to vector<16xf32>
        %sub3A_852 = arith.subf %select_n3A_842, %sub3A_851 : vector<16xf32>
        %mul3A_853 = arith.constant 0.313053131 : f32
        %mul3A_854 = vector.broadcast %mul3A_853 : f32 to vector<16xf32>
        %mul3A_855 = arith.mulf %mul3A_854, %sub3A_852 : vector<16xf32>
        %add3A_856 = arith.constant -0.520837247 : f32
        %add3A_857 = vector.broadcast %add3A_856 : f32 to vector<16xf32>
        %add3A_858 = arith.addf %mul3A_855, %add3A_857 : vector<16xf32>
        %mul3A_859 = arith.mulf %add3A_858, %sub3A_852 : vector<16xf32>
        %add3A_860 = arith.constant 1.0009464 : f32
        %add3A_861 = vector.broadcast %add3A_860 : f32 to vector<16xf32>
        %add3A_862 = arith.addf %mul3A_859, %add3A_861 : vector<16xf32>
        %mul3A_863 = arith.constant 0.693147182 : f32
        %mul3A_864 = vector.broadcast %mul3A_863 : f32 to vector<16xf32>
        %mul3A_865 = arith.mulf %convert_element_type3A_849, %mul3A_864 : vector<16xf32>
        %mul3A_866 = arith.mulf %sub3A_852, %add3A_862 : vector<16xf32>
        %add3A_867 = arith.addf %mul3A_865, %mul3A_866 : vector<16xf32>
        %neg3A_868 = arith.constant 0.000000e+00 : f32
        %neg3A_869 = vector.broadcast %neg3A_868 : f32 to vector<16xf32>
        %neg3A_870 = arith.subf %neg3A_869, %add3A_867 : vector<16xf32>
        %mul3A_871 = arith.constant 333.333344 : f32
        %mul3A_872 = vector.broadcast %mul3A_871 : f32 to vector<16xf32>
        %mul3A_873 = arith.mulf %get3A_777, %mul3A_872 : vector<16xf32>
        %bitcast_convert_type3A_874 = tpu.bitcast %neg3A_870 : vector<16xf32> -> vector<16xi32>
        %shift_right_arithmetic3A_875 = arith.constant 23 : i32
        %shift_right_arithmetic3A_876 = vector.broadcast %shift_right_arithmetic3A_875 : i32 to vector<16xi32>
        %shift_right_arithmetic3A_877 = arith.shrsi %bitcast_convert_type3A_874, %shift_right_arithmetic3A_876 : vector<16xi32>
        %sub3A_878 = arith.constant 127 : i32
        %sub3A_879 = vector.broadcast %sub3A_878 : i32 to vector<16xi32>
        %sub3A_880 = arith.subi %shift_right_arithmetic3A_877, %sub3A_879 : vector<16xi32>
        %convert_element_type3A_881 = arith.sitofp %sub3A_880 : vector<16xi32> to vector<16xf32>
        %and3A_882 = arith.constant 8388607 : i32
        %and3A_883 = vector.broadcast %and3A_882 : i32 to vector<16xi32>
        %and3A_884 = arith.andi %bitcast_convert_type3A_874, %and3A_883 : vector<16xi32>
        %or3A_885 = arith.constant 1065353216 : i32
        %or3A_886 = vector.broadcast %or3A_885 : i32 to vector<16xi32>
        %or3A_887 = arith.ori %and3A_884, %or3A_886 : vector<16xi32>
        %bitcast_convert_type3A_888 = tpu.bitcast %or3A_887 : vector<16xi32> -> vector<16xf32>
        %sub3A_889 = arith.constant 1.000000e+00 : f32
        %sub3A_890 = vector.broadcast %sub3A_889 : f32 to vector<16xf32>
        %sub3A_891 = arith.subf %bitcast_convert_type3A_888, %sub3A_890 : vector<16xf32>
        %mul3A_892 = arith.constant -0.02491205 : f32
        %mul3A_893 = vector.broadcast %mul3A_892 : f32 to vector<16xf32>
        %mul3A_894 = arith.mulf %mul3A_893, %sub3A_891 : vector<16xf32>
        %add3A_895 = arith.constant 0.0848740711 : f32
        %add3A_896 = vector.broadcast %add3A_895 : f32 to vector<16xf32>
        %add3A_897 = arith.addf %mul3A_894, %add3A_896 : vector<16xf32>
        %mul3A_898 = arith.mulf %add3A_897, %sub3A_891 : vector<16xf32>
        %add3A_899 = arith.constant -0.162214354 : f32
        %add3A_900 = vector.broadcast %add3A_899 : f32 to vector<16xf32>
        %add3A_901 = arith.addf %mul3A_898, %add3A_900 : vector<16xf32>
        %mul3A_902 = arith.mulf %add3A_901, %sub3A_891 : vector<16xf32>
        %add3A_903 = arith.constant 0.333206803 : f32
        %add3A_904 = vector.broadcast %add3A_903 : f32 to vector<16xf32>
        %add3A_905 = arith.addf %mul3A_902, %add3A_904 : vector<16xf32>
        %mul3A_906 = arith.constant 0.231049061 : f32
        %mul3A_907 = vector.broadcast %mul3A_906 : f32 to vector<16xf32>
        %mul3A_908 = arith.mulf %convert_element_type3A_881, %mul3A_907 : vector<16xf32>
        %mul3A_909 = arith.mulf %sub3A_891, %add3A_905 : vector<16xf32>
        %add3A_910 = arith.addf %mul3A_908, %mul3A_909 : vector<16xf32>
        %sub3A_911 = arith.subf %mul3A_873, %add3A_910 : vector<16xf32>
        %exp3A_912 = math.exp %sub3A_911 : vector<16xf32>
        %bitcast_convert_type3A_913 = tpu.bitcast %get3A_805 : vector<16xf32> -> vector<16xi32>
        %shift_right_arithmetic3A_914 = arith.constant 23 : i32
        %shift_right_arithmetic3A_915 = vector.broadcast %shift_right_arithmetic3A_914 : i32 to vector<16xi32>
        %shift_right_arithmetic3A_916 = arith.shrsi %bitcast_convert_type3A_913, %shift_right_arithmetic3A_915 : vector<16xi32>
        %sub3A_917 = arith.constant 127 : i32
        %sub3A_918 = vector.broadcast %sub3A_917 : i32 to vector<16xi32>
        %sub3A_919 = arith.subi %shift_right_arithmetic3A_916, %sub3A_918 : vector<16xi32>
        %and3A_920 = arith.constant 8388607 : i32
        %and3A_921 = vector.broadcast %and3A_920 : i32 to vector<16xi32>
        %and3A_922 = arith.andi %bitcast_convert_type3A_913, %and3A_921 : vector<16xi32>
        %or3A_923 = arith.constant 1065353216 : i32
        %or3A_924 = vector.broadcast %or3A_923 : i32 to vector<16xi32>
        %or3A_925 = arith.ori %and3A_922, %or3A_924 : vector<16xi32>
        %bitcast_convert_type3A_926 = tpu.bitcast %or3A_925 : vector<16xi32> -> vector<16xf32>
        %gt3A_927 = arith.constant 1.41421354 : f32
        %gt3A_928 = vector.broadcast %gt3A_927 : f32 to vector<16xf32>
        %gt3A_929 = arith.cmpf ogt, %bitcast_convert_type3A_926, %gt3A_928 : vector<16xf32>
        %mul3A_930 = arith.constant 5.000000e-01 : f32
        %mul3A_931 = vector.broadcast %mul3A_930 : f32 to vector<16xf32>
        %mul3A_932 = arith.mulf %bitcast_convert_type3A_926, %mul3A_931 : vector<16xf32>
        %select_n3A_933 = arith.select %gt3A_929, %mul3A_932, %bitcast_convert_type3A_926 : vector<16xi1>, vector<16xf32>
        %jit3A_934 = arith.constant 1 : i32
        %jit3A_935 = arith.constant 0 : i32
        %broadcast_in_dim3A_936 = vector.broadcast %jit3A_934 : i32 to vector<16xi32>
        %broadcast_in_dim3A_937 = vector.broadcast %jit3A_935 : i32 to vector<16xi32>
        %select_n3A_938 = arith.select %gt3A_929, %broadcast_in_dim3A_936, %broadcast_in_dim3A_937 : vector<16xi1>, vector<16xi32>
        %add3A_939 = arith.addi %sub3A_919, %select_n3A_938 : vector<16xi32>
        %convert_element_type3A_940 = arith.sitofp %add3A_939 : vector<16xi32> to vector<16xf32>
        %sub3A_941 = arith.constant 1.000000e+00 : f32
        %sub3A_942 = vector.broadcast %sub3A_941 : f32 to vector<16xf32>
        %sub3A_943 = arith.subf %select_n3A_933, %sub3A_942 : vector<16xf32>
        %mul3A_944 = arith.constant 0.313053131 : f32
        %mul3A_945 = vector.broadcast %mul3A_944 : f32 to vector<16xf32>
        %mul3A_946 = arith.mulf %mul3A_945, %sub3A_943 : vector<16xf32>
        %add3A_947 = arith.constant -0.520837247 : f32
        %add3A_948 = vector.broadcast %add3A_947 : f32 to vector<16xf32>
        %add3A_949 = arith.addf %mul3A_946, %add3A_948 : vector<16xf32>
        %mul3A_950 = arith.mulf %add3A_949, %sub3A_943 : vector<16xf32>
        %add3A_951 = arith.constant 1.0009464 : f32
        %add3A_952 = vector.broadcast %add3A_951 : f32 to vector<16xf32>
        %add3A_953 = arith.addf %mul3A_950, %add3A_952 : vector<16xf32>
        %mul3A_954 = arith.constant 0.693147182 : f32
        %mul3A_955 = vector.broadcast %mul3A_954 : f32 to vector<16xf32>
        %mul3A_956 = arith.mulf %convert_element_type3A_940, %mul3A_955 : vector<16xf32>
        %mul3A_957 = arith.mulf %sub3A_943, %add3A_953 : vector<16xf32>
        %add3A_958 = arith.addf %mul3A_956, %mul3A_957 : vector<16xf32>
        %neg3A_959 = arith.constant 0.000000e+00 : f32
        %neg3A_960 = vector.broadcast %neg3A_959 : f32 to vector<16xf32>
        %neg3A_961 = arith.subf %neg3A_960, %add3A_958 : vector<16xf32>
        %mul3A_962 = arith.constant 333.333344 : f32
        %mul3A_963 = vector.broadcast %mul3A_962 : f32 to vector<16xf32>
        %mul3A_964 = arith.mulf %get3A_781, %mul3A_963 : vector<16xf32>
        %bitcast_convert_type3A_965 = tpu.bitcast %neg3A_961 : vector<16xf32> -> vector<16xi32>
        %shift_right_arithmetic3A_966 = arith.constant 23 : i32
        %shift_right_arithmetic3A_967 = vector.broadcast %shift_right_arithmetic3A_966 : i32 to vector<16xi32>
        %shift_right_arithmetic3A_968 = arith.shrsi %bitcast_convert_type3A_965, %shift_right_arithmetic3A_967 : vector<16xi32>
        %sub3A_969 = arith.constant 127 : i32
        %sub3A_970 = vector.broadcast %sub3A_969 : i32 to vector<16xi32>
        %sub3A_971 = arith.subi %shift_right_arithmetic3A_968, %sub3A_970 : vector<16xi32>
        %convert_element_type3A_972 = arith.sitofp %sub3A_971 : vector<16xi32> to vector<16xf32>
        %and3A_973 = arith.constant 8388607 : i32
        %and3A_974 = vector.broadcast %and3A_973 : i32 to vector<16xi32>
        %and3A_975 = arith.andi %bitcast_convert_type3A_965, %and3A_974 : vector<16xi32>
        %or3A_976 = arith.constant 1065353216 : i32
        %or3A_977 = vector.broadcast %or3A_976 : i32 to vector<16xi32>
        %or3A_978 = arith.ori %and3A_975, %or3A_977 : vector<16xi32>
        %bitcast_convert_type3A_979 = tpu.bitcast %or3A_978 : vector<16xi32> -> vector<16xf32>
        %sub3A_980 = arith.constant 1.000000e+00 : f32
        %sub3A_981 = vector.broadcast %sub3A_980 : f32 to vector<16xf32>
        %sub3A_982 = arith.subf %bitcast_convert_type3A_979, %sub3A_981 : vector<16xf32>
        %mul3A_983 = arith.constant -0.02491205 : f32
        %mul3A_984 = vector.broadcast %mul3A_983 : f32 to vector<16xf32>
        %mul3A_985 = arith.mulf %mul3A_984, %sub3A_982 : vector<16xf32>
        %add3A_986 = arith.constant 0.0848740711 : f32
        %add3A_987 = vector.broadcast %add3A_986 : f32 to vector<16xf32>
        %add3A_988 = arith.addf %mul3A_985, %add3A_987 : vector<16xf32>
        %mul3A_989 = arith.mulf %add3A_988, %sub3A_982 : vector<16xf32>
        %add3A_990 = arith.constant -0.162214354 : f32
        %add3A_991 = vector.broadcast %add3A_990 : f32 to vector<16xf32>
        %add3A_992 = arith.addf %mul3A_989, %add3A_991 : vector<16xf32>
        %mul3A_993 = arith.mulf %add3A_992, %sub3A_982 : vector<16xf32>
        %add3A_994 = arith.constant 0.333206803 : f32
        %add3A_995 = vector.broadcast %add3A_994 : f32 to vector<16xf32>
        %add3A_996 = arith.addf %mul3A_993, %add3A_995 : vector<16xf32>
        %mul3A_997 = arith.constant 0.231049061 : f32
        %mul3A_998 = vector.broadcast %mul3A_997 : f32 to vector<16xf32>
        %mul3A_999 = arith.mulf %convert_element_type3A_972, %mul3A_998 : vector<16xf32>
        %mul3A_1000 = arith.mulf %sub3A_982, %add3A_996 : vector<16xf32>
        %add3A_1001 = arith.addf %mul3A_999, %mul3A_1000 : vector<16xf32>
        %sub3A_1002 = arith.subf %mul3A_964, %add3A_1001 : vector<16xf32>
        %exp3A_1003 = math.exp %sub3A_1002 : vector<16xf32>
        %bitcast_convert_type3A_1004 = tpu.bitcast %get3A_809 : vector<16xf32> -> vector<16xi32>
        %shift_right_arithmetic3A_1005 = arith.constant 23 : i32
        %shift_right_arithmetic3A_1006 = vector.broadcast %shift_right_arithmetic3A_1005 : i32 to vector<16xi32>
        %shift_right_arithmetic3A_1007 = arith.shrsi %bitcast_convert_type3A_1004, %shift_right_arithmetic3A_1006 : vector<16xi32>
        %sub3A_1008 = arith.constant 127 : i32
        %sub3A_1009 = vector.broadcast %sub3A_1008 : i32 to vector<16xi32>
        %sub3A_1010 = arith.subi %shift_right_arithmetic3A_1007, %sub3A_1009 : vector<16xi32>
        %and3A_1011 = arith.constant 8388607 : i32
        %and3A_1012 = vector.broadcast %and3A_1011 : i32 to vector<16xi32>
        %and3A_1013 = arith.andi %bitcast_convert_type3A_1004, %and3A_1012 : vector<16xi32>
        %or3A_1014 = arith.constant 1065353216 : i32
        %or3A_1015 = vector.broadcast %or3A_1014 : i32 to vector<16xi32>
        %or3A_1016 = arith.ori %and3A_1013, %or3A_1015 : vector<16xi32>
        %bitcast_convert_type3A_1017 = tpu.bitcast %or3A_1016 : vector<16xi32> -> vector<16xf32>
        %gt3A_1018 = arith.constant 1.41421354 : f32
        %gt3A_1019 = vector.broadcast %gt3A_1018 : f32 to vector<16xf32>
        %gt3A_1020 = arith.cmpf ogt, %bitcast_convert_type3A_1017, %gt3A_1019 : vector<16xf32>
        %mul3A_1021 = arith.constant 5.000000e-01 : f32
        %mul3A_1022 = vector.broadcast %mul3A_1021 : f32 to vector<16xf32>
        %mul3A_1023 = arith.mulf %bitcast_convert_type3A_1017, %mul3A_1022 : vector<16xf32>
        %select_n3A_1024 = arith.select %gt3A_1020, %mul3A_1023, %bitcast_convert_type3A_1017 : vector<16xi1>, vector<16xf32>
        %jit3A_1025 = arith.constant 1 : i32
        %jit3A_1026 = arith.constant 0 : i32
        %broadcast_in_dim3A_1027 = vector.broadcast %jit3A_1025 : i32 to vector<16xi32>
        %broadcast_in_dim3A_1028 = vector.broadcast %jit3A_1026 : i32 to vector<16xi32>
        %select_n3A_1029 = arith.select %gt3A_1020, %broadcast_in_dim3A_1027, %broadcast_in_dim3A_1028 : vector<16xi1>, vector<16xi32>
        %add3A_1030 = arith.addi %sub3A_1010, %select_n3A_1029 : vector<16xi32>
        %convert_element_type3A_1031 = arith.sitofp %add3A_1030 : vector<16xi32> to vector<16xf32>
        %sub3A_1032 = arith.constant 1.000000e+00 : f32
        %sub3A_1033 = vector.broadcast %sub3A_1032 : f32 to vector<16xf32>
        %sub3A_1034 = arith.subf %select_n3A_1024, %sub3A_1033 : vector<16xf32>
        %mul3A_1035 = arith.constant 0.313053131 : f32
        %mul3A_1036 = vector.broadcast %mul3A_1035 : f32 to vector<16xf32>
        %mul3A_1037 = arith.mulf %mul3A_1036, %sub3A_1034 : vector<16xf32>
        %add3A_1038 = arith.constant -0.520837247 : f32
        %add3A_1039 = vector.broadcast %add3A_1038 : f32 to vector<16xf32>
        %add3A_1040 = arith.addf %mul3A_1037, %add3A_1039 : vector<16xf32>
        %mul3A_1041 = arith.mulf %add3A_1040, %sub3A_1034 : vector<16xf32>
        %add3A_1042 = arith.constant 1.0009464 : f32
        %add3A_1043 = vector.broadcast %add3A_1042 : f32 to vector<16xf32>
        %add3A_1044 = arith.addf %mul3A_1041, %add3A_1043 : vector<16xf32>
        %mul3A_1045 = arith.constant 0.693147182 : f32
        %mul3A_1046 = vector.broadcast %mul3A_1045 : f32 to vector<16xf32>
        %mul3A_1047 = arith.mulf %convert_element_type3A_1031, %mul3A_1046 : vector<16xf32>
        %mul3A_1048 = arith.mulf %sub3A_1034, %add3A_1044 : vector<16xf32>
        %add3A_1049 = arith.addf %mul3A_1047, %mul3A_1048 : vector<16xf32>
        %neg3A_1050 = arith.constant 0.000000e+00 : f32
        %neg3A_1051 = vector.broadcast %neg3A_1050 : f32 to vector<16xf32>
        %neg3A_1052 = arith.subf %neg3A_1051, %add3A_1049 : vector<16xf32>
        %mul3A_1053 = arith.constant 333.333344 : f32
        %mul3A_1054 = vector.broadcast %mul3A_1053 : f32 to vector<16xf32>
        %mul3A_1055 = arith.mulf %get3A_785, %mul3A_1054 : vector<16xf32>
        %bitcast_convert_type3A_1056 = tpu.bitcast %neg3A_1052 : vector<16xf32> -> vector<16xi32>
        %shift_right_arithmetic3A_1057 = arith.constant 23 : i32
        %shift_right_arithmetic3A_1058 = vector.broadcast %shift_right_arithmetic3A_1057 : i32 to vector<16xi32>
        %shift_right_arithmetic3A_1059 = arith.shrsi %bitcast_convert_type3A_1056, %shift_right_arithmetic3A_1058 : vector<16xi32>
        %sub3A_1060 = arith.constant 127 : i32
        %sub3A_1061 = vector.broadcast %sub3A_1060 : i32 to vector<16xi32>
        %sub3A_1062 = arith.subi %shift_right_arithmetic3A_1059, %sub3A_1061 : vector<16xi32>
        %convert_element_type3A_1063 = arith.sitofp %sub3A_1062 : vector<16xi32> to vector<16xf32>
        %and3A_1064 = arith.constant 8388607 : i32
        %and3A_1065 = vector.broadcast %and3A_1064 : i32 to vector<16xi32>
        %and3A_1066 = arith.andi %bitcast_convert_type3A_1056, %and3A_1065 : vector<16xi32>
        %or3A_1067 = arith.constant 1065353216 : i32
        %or3A_1068 = vector.broadcast %or3A_1067 : i32 to vector<16xi32>
        %or3A_1069 = arith.ori %and3A_1066, %or3A_1068 : vector<16xi32>
        %bitcast_convert_type3A_1070 = tpu.bitcast %or3A_1069 : vector<16xi32> -> vector<16xf32>
        %sub3A_1071 = arith.constant 1.000000e+00 : f32
        %sub3A_1072 = vector.broadcast %sub3A_1071 : f32 to vector<16xf32>
        %sub3A_1073 = arith.subf %bitcast_convert_type3A_1070, %sub3A_1072 : vector<16xf32>
        %mul3A_1074 = arith.constant -0.02491205 : f32
        %mul3A_1075 = vector.broadcast %mul3A_1074 : f32 to vector<16xf32>
        %mul3A_1076 = arith.mulf %mul3A_1075, %sub3A_1073 : vector<16xf32>
        %add3A_1077 = arith.constant 0.0848740711 : f32
        %add3A_1078 = vector.broadcast %add3A_1077 : f32 to vector<16xf32>
        %add3A_1079 = arith.addf %mul3A_1076, %add3A_1078 : vector<16xf32>
        %mul3A_1080 = arith.mulf %add3A_1079, %sub3A_1073 : vector<16xf32>
        %add3A_1081 = arith.constant -0.162214354 : f32
        %add3A_1082 = vector.broadcast %add3A_1081 : f32 to vector<16xf32>
        %add3A_1083 = arith.addf %mul3A_1080, %add3A_1082 : vector<16xf32>
        %mul3A_1084 = arith.mulf %add3A_1083, %sub3A_1073 : vector<16xf32>
        %add3A_1085 = arith.constant 0.333206803 : f32
        %add3A_1086 = vector.broadcast %add3A_1085 : f32 to vector<16xf32>
        %add3A_1087 = arith.addf %mul3A_1084, %add3A_1086 : vector<16xf32>
        %mul3A_1088 = arith.constant 0.231049061 : f32
        %mul3A_1089 = vector.broadcast %mul3A_1088 : f32 to vector<16xf32>
        %mul3A_1090 = arith.mulf %convert_element_type3A_1063, %mul3A_1089 : vector<16xf32>
        %mul3A_1091 = arith.mulf %sub3A_1073, %add3A_1087 : vector<16xf32>
        %add3A_1092 = arith.addf %mul3A_1090, %mul3A_1091 : vector<16xf32>
        %sub3A_1093 = arith.subf %mul3A_1055, %add3A_1092 : vector<16xf32>
        %exp3A_1094 = math.exp %sub3A_1093 : vector<16xf32>
        %bitcast_convert_type3A_1095 = tpu.bitcast %get3A_813 : vector<16xf32> -> vector<16xi32>
        %shift_right_arithmetic3A_1096 = arith.constant 23 : i32
        %shift_right_arithmetic3A_1097 = vector.broadcast %shift_right_arithmetic3A_1096 : i32 to vector<16xi32>
        %shift_right_arithmetic3A_1098 = arith.shrsi %bitcast_convert_type3A_1095, %shift_right_arithmetic3A_1097 : vector<16xi32>
        %sub3A_1099 = arith.constant 127 : i32
        %sub3A_1100 = vector.broadcast %sub3A_1099 : i32 to vector<16xi32>
        %sub3A_1101 = arith.subi %shift_right_arithmetic3A_1098, %sub3A_1100 : vector<16xi32>
        %and3A_1102 = arith.constant 8388607 : i32
        %and3A_1103 = vector.broadcast %and3A_1102 : i32 to vector<16xi32>
        %and3A_1104 = arith.andi %bitcast_convert_type3A_1095, %and3A_1103 : vector<16xi32>
        %or3A_1105 = arith.constant 1065353216 : i32
        %or3A_1106 = vector.broadcast %or3A_1105 : i32 to vector<16xi32>
        %or3A_1107 = arith.ori %and3A_1104, %or3A_1106 : vector<16xi32>
        %bitcast_convert_type3A_1108 = tpu.bitcast %or3A_1107 : vector<16xi32> -> vector<16xf32>
        %gt3A_1109 = arith.constant 1.41421354 : f32
        %gt3A_1110 = vector.broadcast %gt3A_1109 : f32 to vector<16xf32>
        %gt3A_1111 = arith.cmpf ogt, %bitcast_convert_type3A_1108, %gt3A_1110 : vector<16xf32>
        %mul3A_1112 = arith.constant 5.000000e-01 : f32
        %mul3A_1113 = vector.broadcast %mul3A_1112 : f32 to vector<16xf32>
        %mul3A_1114 = arith.mulf %bitcast_convert_type3A_1108, %mul3A_1113 : vector<16xf32>
        %select_n3A_1115 = arith.select %gt3A_1111, %mul3A_1114, %bitcast_convert_type3A_1108 : vector<16xi1>, vector<16xf32>
        %jit3A_1116 = arith.constant 1 : i32
        %jit3A_1117 = arith.constant 0 : i32
        %broadcast_in_dim3A_1118 = vector.broadcast %jit3A_1116 : i32 to vector<16xi32>
        %broadcast_in_dim3A_1119 = vector.broadcast %jit3A_1117 : i32 to vector<16xi32>
        %select_n3A_1120 = arith.select %gt3A_1111, %broadcast_in_dim3A_1118, %broadcast_in_dim3A_1119 : vector<16xi1>, vector<16xi32>
        %add3A_1121 = arith.addi %sub3A_1101, %select_n3A_1120 : vector<16xi32>
        %convert_element_type3A_1122 = arith.sitofp %add3A_1121 : vector<16xi32> to vector<16xf32>
        %sub3A_1123 = arith.constant 1.000000e+00 : f32
        %sub3A_1124 = vector.broadcast %sub3A_1123 : f32 to vector<16xf32>
        %sub3A_1125 = arith.subf %select_n3A_1115, %sub3A_1124 : vector<16xf32>
        %mul3A_1126 = arith.constant 0.313053131 : f32
        %mul3A_1127 = vector.broadcast %mul3A_1126 : f32 to vector<16xf32>
        %mul3A_1128 = arith.mulf %mul3A_1127, %sub3A_1125 : vector<16xf32>
        %add3A_1129 = arith.constant -0.520837247 : f32
        %add3A_1130 = vector.broadcast %add3A_1129 : f32 to vector<16xf32>
        %add3A_1131 = arith.addf %mul3A_1128, %add3A_1130 : vector<16xf32>
        %mul3A_1132 = arith.mulf %add3A_1131, %sub3A_1125 : vector<16xf32>
        %add3A_1133 = arith.constant 1.0009464 : f32
        %add3A_1134 = vector.broadcast %add3A_1133 : f32 to vector<16xf32>
        %add3A_1135 = arith.addf %mul3A_1132, %add3A_1134 : vector<16xf32>
        %mul3A_1136 = arith.constant 0.693147182 : f32
        %mul3A_1137 = vector.broadcast %mul3A_1136 : f32 to vector<16xf32>
        %mul3A_1138 = arith.mulf %convert_element_type3A_1122, %mul3A_1137 : vector<16xf32>
        %mul3A_1139 = arith.mulf %sub3A_1125, %add3A_1135 : vector<16xf32>
        %add3A_1140 = arith.addf %mul3A_1138, %mul3A_1139 : vector<16xf32>
        %neg3A_1141 = arith.constant 0.000000e+00 : f32
        %neg3A_1142 = vector.broadcast %neg3A_1141 : f32 to vector<16xf32>
        %neg3A_1143 = arith.subf %neg3A_1142, %add3A_1140 : vector<16xf32>
        %mul3A_1144 = arith.constant 333.333344 : f32
        %mul3A_1145 = vector.broadcast %mul3A_1144 : f32 to vector<16xf32>
        %mul3A_1146 = arith.mulf %get3A_789, %mul3A_1145 : vector<16xf32>
        %bitcast_convert_type3A_1147 = tpu.bitcast %neg3A_1143 : vector<16xf32> -> vector<16xi32>
        %shift_right_arithmetic3A_1148 = arith.constant 23 : i32
        %shift_right_arithmetic3A_1149 = vector.broadcast %shift_right_arithmetic3A_1148 : i32 to vector<16xi32>
        %shift_right_arithmetic3A_1150 = arith.shrsi %bitcast_convert_type3A_1147, %shift_right_arithmetic3A_1149 : vector<16xi32>
        %sub3A_1151 = arith.constant 127 : i32
        %sub3A_1152 = vector.broadcast %sub3A_1151 : i32 to vector<16xi32>
        %sub3A_1153 = arith.subi %shift_right_arithmetic3A_1150, %sub3A_1152 : vector<16xi32>
        %convert_element_type3A_1154 = arith.sitofp %sub3A_1153 : vector<16xi32> to vector<16xf32>
        %and3A_1155 = arith.constant 8388607 : i32
        %and3A_1156 = vector.broadcast %and3A_1155 : i32 to vector<16xi32>
        %and3A_1157 = arith.andi %bitcast_convert_type3A_1147, %and3A_1156 : vector<16xi32>
        %or3A_1158 = arith.constant 1065353216 : i32
        %or3A_1159 = vector.broadcast %or3A_1158 : i32 to vector<16xi32>
        %or3A_1160 = arith.ori %and3A_1157, %or3A_1159 : vector<16xi32>
        %bitcast_convert_type3A_1161 = tpu.bitcast %or3A_1160 : vector<16xi32> -> vector<16xf32>
        %sub3A_1162 = arith.constant 1.000000e+00 : f32
        %sub3A_1163 = vector.broadcast %sub3A_1162 : f32 to vector<16xf32>
        %sub3A_1164 = arith.subf %bitcast_convert_type3A_1161, %sub3A_1163 : vector<16xf32>
        %mul3A_1165 = arith.constant -0.02491205 : f32
        %mul3A_1166 = vector.broadcast %mul3A_1165 : f32 to vector<16xf32>
        %mul3A_1167 = arith.mulf %mul3A_1166, %sub3A_1164 : vector<16xf32>
        %add3A_1168 = arith.constant 0.0848740711 : f32
        %add3A_1169 = vector.broadcast %add3A_1168 : f32 to vector<16xf32>
        %add3A_1170 = arith.addf %mul3A_1167, %add3A_1169 : vector<16xf32>
        %mul3A_1171 = arith.mulf %add3A_1170, %sub3A_1164 : vector<16xf32>
        %add3A_1172 = arith.constant -0.162214354 : f32
        %add3A_1173 = vector.broadcast %add3A_1172 : f32 to vector<16xf32>
        %add3A_1174 = arith.addf %mul3A_1171, %add3A_1173 : vector<16xf32>
        %mul3A_1175 = arith.mulf %add3A_1174, %sub3A_1164 : vector<16xf32>
        %add3A_1176 = arith.constant 0.333206803 : f32
        %add3A_1177 = vector.broadcast %add3A_1176 : f32 to vector<16xf32>
        %add3A_1178 = arith.addf %mul3A_1175, %add3A_1177 : vector<16xf32>
        %mul3A_1179 = arith.constant 0.231049061 : f32
        %mul3A_1180 = vector.broadcast %mul3A_1179 : f32 to vector<16xf32>
        %mul3A_1181 = arith.mulf %convert_element_type3A_1154, %mul3A_1180 : vector<16xf32>
        %mul3A_1182 = arith.mulf %sub3A_1164, %add3A_1178 : vector<16xf32>
        %add3A_1183 = arith.addf %mul3A_1181, %mul3A_1182 : vector<16xf32>
        %sub3A_1184 = arith.subf %mul3A_1146, %add3A_1183 : vector<16xf32>
        %exp3A_1185 = math.exp %sub3A_1184 : vector<16xf32>
        %bitcast_convert_type3A_1186 = tpu.bitcast %get3A_817 : vector<16xf32> -> vector<16xi32>
        %shift_right_arithmetic3A_1187 = arith.constant 23 : i32
        %shift_right_arithmetic3A_1188 = vector.broadcast %shift_right_arithmetic3A_1187 : i32 to vector<16xi32>
        %shift_right_arithmetic3A_1189 = arith.shrsi %bitcast_convert_type3A_1186, %shift_right_arithmetic3A_1188 : vector<16xi32>
        %sub3A_1190 = arith.constant 127 : i32
        %sub3A_1191 = vector.broadcast %sub3A_1190 : i32 to vector<16xi32>
        %sub3A_1192 = arith.subi %shift_right_arithmetic3A_1189, %sub3A_1191 : vector<16xi32>
        %and3A_1193 = arith.constant 8388607 : i32
        %and3A_1194 = vector.broadcast %and3A_1193 : i32 to vector<16xi32>
        %and3A_1195 = arith.andi %bitcast_convert_type3A_1186, %and3A_1194 : vector<16xi32>
        %or3A_1196 = arith.constant 1065353216 : i32
        %or3A_1197 = vector.broadcast %or3A_1196 : i32 to vector<16xi32>
        %or3A_1198 = arith.ori %and3A_1195, %or3A_1197 : vector<16xi32>
        %bitcast_convert_type3A_1199 = tpu.bitcast %or3A_1198 : vector<16xi32> -> vector<16xf32>
        %gt3A_1200 = arith.constant 1.41421354 : f32
        %gt3A_1201 = vector.broadcast %gt3A_1200 : f32 to vector<16xf32>
        %gt3A_1202 = arith.cmpf ogt, %bitcast_convert_type3A_1199, %gt3A_1201 : vector<16xf32>
        %mul3A_1203 = arith.constant 5.000000e-01 : f32
        %mul3A_1204 = vector.broadcast %mul3A_1203 : f32 to vector<16xf32>
        %mul3A_1205 = arith.mulf %bitcast_convert_type3A_1199, %mul3A_1204 : vector<16xf32>
        %select_n3A_1206 = arith.select %gt3A_1202, %mul3A_1205, %bitcast_convert_type3A_1199 : vector<16xi1>, vector<16xf32>
        %jit3A_1207 = arith.constant 1 : i32
        %jit3A_1208 = arith.constant 0 : i32
        %broadcast_in_dim3A_1209 = vector.broadcast %jit3A_1207 : i32 to vector<16xi32>
        %broadcast_in_dim3A_1210 = vector.broadcast %jit3A_1208 : i32 to vector<16xi32>
        %select_n3A_1211 = arith.select %gt3A_1202, %broadcast_in_dim3A_1209, %broadcast_in_dim3A_1210 : vector<16xi1>, vector<16xi32>
        %add3A_1212 = arith.addi %sub3A_1192, %select_n3A_1211 : vector<16xi32>
        %convert_element_type3A_1213 = arith.sitofp %add3A_1212 : vector<16xi32> to vector<16xf32>
        %sub3A_1214 = arith.constant 1.000000e+00 : f32
        %sub3A_1215 = vector.broadcast %sub3A_1214 : f32 to vector<16xf32>
        %sub3A_1216 = arith.subf %select_n3A_1206, %sub3A_1215 : vector<16xf32>
        %mul3A_1217 = arith.constant 0.313053131 : f32
        %mul3A_1218 = vector.broadcast %mul3A_1217 : f32 to vector<16xf32>
        %mul3A_1219 = arith.mulf %mul3A_1218, %sub3A_1216 : vector<16xf32>
        %add3A_1220 = arith.constant -0.520837247 : f32
        %add3A_1221 = vector.broadcast %add3A_1220 : f32 to vector<16xf32>
        %add3A_1222 = arith.addf %mul3A_1219, %add3A_1221 : vector<16xf32>
        %mul3A_1223 = arith.mulf %add3A_1222, %sub3A_1216 : vector<16xf32>
        %add3A_1224 = arith.constant 1.0009464 : f32
        %add3A_1225 = vector.broadcast %add3A_1224 : f32 to vector<16xf32>
        %add3A_1226 = arith.addf %mul3A_1223, %add3A_1225 : vector<16xf32>
        %mul3A_1227 = arith.constant 0.693147182 : f32
        %mul3A_1228 = vector.broadcast %mul3A_1227 : f32 to vector<16xf32>
        %mul3A_1229 = arith.mulf %convert_element_type3A_1213, %mul3A_1228 : vector<16xf32>
        %mul3A_1230 = arith.mulf %sub3A_1216, %add3A_1226 : vector<16xf32>
        %add3A_1231 = arith.addf %mul3A_1229, %mul3A_1230 : vector<16xf32>
        %neg3A_1232 = arith.constant 0.000000e+00 : f32
        %neg3A_1233 = vector.broadcast %neg3A_1232 : f32 to vector<16xf32>
        %neg3A_1234 = arith.subf %neg3A_1233, %add3A_1231 : vector<16xf32>
        %mul3A_1235 = arith.constant 333.333344 : f32
        %mul3A_1236 = vector.broadcast %mul3A_1235 : f32 to vector<16xf32>
        %mul3A_1237 = arith.mulf %get3A_793, %mul3A_1236 : vector<16xf32>
        %bitcast_convert_type3A_1238 = tpu.bitcast %neg3A_1234 : vector<16xf32> -> vector<16xi32>
        %shift_right_arithmetic3A_1239 = arith.constant 23 : i32
        %shift_right_arithmetic3A_1240 = vector.broadcast %shift_right_arithmetic3A_1239 : i32 to vector<16xi32>
        %shift_right_arithmetic3A_1241 = arith.shrsi %bitcast_convert_type3A_1238, %shift_right_arithmetic3A_1240 : vector<16xi32>
        %sub3A_1242 = arith.constant 127 : i32
        %sub3A_1243 = vector.broadcast %sub3A_1242 : i32 to vector<16xi32>
        %sub3A_1244 = arith.subi %shift_right_arithmetic3A_1241, %sub3A_1243 : vector<16xi32>
        %convert_element_type3A_1245 = arith.sitofp %sub3A_1244 : vector<16xi32> to vector<16xf32>
        %and3A_1246 = arith.constant 8388607 : i32
        %and3A_1247 = vector.broadcast %and3A_1246 : i32 to vector<16xi32>
        %and3A_1248 = arith.andi %bitcast_convert_type3A_1238, %and3A_1247 : vector<16xi32>
        %or3A_1249 = arith.constant 1065353216 : i32
        %or3A_1250 = vector.broadcast %or3A_1249 : i32 to vector<16xi32>
        %or3A_1251 = arith.ori %and3A_1248, %or3A_1250 : vector<16xi32>
        %bitcast_convert_type3A_1252 = tpu.bitcast %or3A_1251 : vector<16xi32> -> vector<16xf32>
        %sub3A_1253 = arith.constant 1.000000e+00 : f32
        %sub3A_1254 = vector.broadcast %sub3A_1253 : f32 to vector<16xf32>
        %sub3A_1255 = arith.subf %bitcast_convert_type3A_1252, %sub3A_1254 : vector<16xf32>
        %mul3A_1256 = arith.constant -0.02491205 : f32
        %mul3A_1257 = vector.broadcast %mul3A_1256 : f32 to vector<16xf32>
        %mul3A_1258 = arith.mulf %mul3A_1257, %sub3A_1255 : vector<16xf32>
        %add3A_1259 = arith.constant 0.0848740711 : f32
        %add3A_1260 = vector.broadcast %add3A_1259 : f32 to vector<16xf32>
        %add3A_1261 = arith.addf %mul3A_1258, %add3A_1260 : vector<16xf32>
        %mul3A_1262 = arith.mulf %add3A_1261, %sub3A_1255 : vector<16xf32>
        %add3A_1263 = arith.constant -0.162214354 : f32
        %add3A_1264 = vector.broadcast %add3A_1263 : f32 to vector<16xf32>
        %add3A_1265 = arith.addf %mul3A_1262, %add3A_1264 : vector<16xf32>
        %mul3A_1266 = arith.mulf %add3A_1265, %sub3A_1255 : vector<16xf32>
        %add3A_1267 = arith.constant 0.333206803 : f32
        %add3A_1268 = vector.broadcast %add3A_1267 : f32 to vector<16xf32>
        %add3A_1269 = arith.addf %mul3A_1266, %add3A_1268 : vector<16xf32>
        %mul3A_1270 = arith.constant 0.231049061 : f32
        %mul3A_1271 = vector.broadcast %mul3A_1270 : f32 to vector<16xf32>
        %mul3A_1272 = arith.mulf %convert_element_type3A_1245, %mul3A_1271 : vector<16xf32>
        %mul3A_1273 = arith.mulf %sub3A_1255, %add3A_1269 : vector<16xf32>
        %add3A_1274 = arith.addf %mul3A_1272, %mul3A_1273 : vector<16xf32>
        %sub3A_1275 = arith.subf %mul3A_1237, %add3A_1274 : vector<16xf32>
        %exp3A_1276 = math.exp %sub3A_1275 : vector<16xf32>
        %bitcast_convert_type3A_1277 = tpu.bitcast %get3A_821 : vector<16xf32> -> vector<16xi32>
        %shift_right_arithmetic3A_1278 = arith.constant 23 : i32
        %shift_right_arithmetic3A_1279 = vector.broadcast %shift_right_arithmetic3A_1278 : i32 to vector<16xi32>
        %shift_right_arithmetic3A_1280 = arith.shrsi %bitcast_convert_type3A_1277, %shift_right_arithmetic3A_1279 : vector<16xi32>
        %sub3A_1281 = arith.constant 127 : i32
        %sub3A_1282 = vector.broadcast %sub3A_1281 : i32 to vector<16xi32>
        %sub3A_1283 = arith.subi %shift_right_arithmetic3A_1280, %sub3A_1282 : vector<16xi32>
        %and3A_1284 = arith.constant 8388607 : i32
        %and3A_1285 = vector.broadcast %and3A_1284 : i32 to vector<16xi32>
        %and3A_1286 = arith.andi %bitcast_convert_type3A_1277, %and3A_1285 : vector<16xi32>
        %or3A_1287 = arith.constant 1065353216 : i32
        %or3A_1288 = vector.broadcast %or3A_1287 : i32 to vector<16xi32>
        %or3A_1289 = arith.ori %and3A_1286, %or3A_1288 : vector<16xi32>
        %bitcast_convert_type3A_1290 = tpu.bitcast %or3A_1289 : vector<16xi32> -> vector<16xf32>
        %gt3A_1291 = arith.constant 1.41421354 : f32
        %gt3A_1292 = vector.broadcast %gt3A_1291 : f32 to vector<16xf32>
        %gt3A_1293 = arith.cmpf ogt, %bitcast_convert_type3A_1290, %gt3A_1292 : vector<16xf32>
        %mul3A_1294 = arith.constant 5.000000e-01 : f32
        %mul3A_1295 = vector.broadcast %mul3A_1294 : f32 to vector<16xf32>
        %mul3A_1296 = arith.mulf %bitcast_convert_type3A_1290, %mul3A_1295 : vector<16xf32>
        %select_n3A_1297 = arith.select %gt3A_1293, %mul3A_1296, %bitcast_convert_type3A_1290 : vector<16xi1>, vector<16xf32>
        %jit3A_1298 = arith.constant 1 : i32
        %jit3A_1299 = arith.constant 0 : i32
        %broadcast_in_dim3A_1300 = vector.broadcast %jit3A_1298 : i32 to vector<16xi32>
        %broadcast_in_dim3A_1301 = vector.broadcast %jit3A_1299 : i32 to vector<16xi32>
        %select_n3A_1302 = arith.select %gt3A_1293, %broadcast_in_dim3A_1300, %broadcast_in_dim3A_1301 : vector<16xi1>, vector<16xi32>
        %add3A_1303 = arith.addi %sub3A_1283, %select_n3A_1302 : vector<16xi32>
        %convert_element_type3A_1304 = arith.sitofp %add3A_1303 : vector<16xi32> to vector<16xf32>
        %sub3A_1305 = arith.constant 1.000000e+00 : f32
        %sub3A_1306 = vector.broadcast %sub3A_1305 : f32 to vector<16xf32>
        %sub3A_1307 = arith.subf %select_n3A_1297, %sub3A_1306 : vector<16xf32>
        %mul3A_1308 = arith.constant 0.313053131 : f32
        %mul3A_1309 = vector.broadcast %mul3A_1308 : f32 to vector<16xf32>
        %mul3A_1310 = arith.mulf %mul3A_1309, %sub3A_1307 : vector<16xf32>
        %add3A_1311 = arith.constant -0.520837247 : f32
        %add3A_1312 = vector.broadcast %add3A_1311 : f32 to vector<16xf32>
        %add3A_1313 = arith.addf %mul3A_1310, %add3A_1312 : vector<16xf32>
        %mul3A_1314 = arith.mulf %add3A_1313, %sub3A_1307 : vector<16xf32>
        %add3A_1315 = arith.constant 1.0009464 : f32
        %add3A_1316 = vector.broadcast %add3A_1315 : f32 to vector<16xf32>
        %add3A_1317 = arith.addf %mul3A_1314, %add3A_1316 : vector<16xf32>
        %mul3A_1318 = arith.constant 0.693147182 : f32
        %mul3A_1319 = vector.broadcast %mul3A_1318 : f32 to vector<16xf32>
        %mul3A_1320 = arith.mulf %convert_element_type3A_1304, %mul3A_1319 : vector<16xf32>
        %mul3A_1321 = arith.mulf %sub3A_1307, %add3A_1317 : vector<16xf32>
        %add3A_1322 = arith.addf %mul3A_1320, %mul3A_1321 : vector<16xf32>
        %neg3A_1323 = arith.constant 0.000000e+00 : f32
        %neg3A_1324 = vector.broadcast %neg3A_1323 : f32 to vector<16xf32>
        %neg3A_1325 = arith.subf %neg3A_1324, %add3A_1322 : vector<16xf32>
        %mul3A_1326 = arith.constant 333.333344 : f32
        %mul3A_1327 = vector.broadcast %mul3A_1326 : f32 to vector<16xf32>
        %mul3A_1328 = arith.mulf %get3A_797, %mul3A_1327 : vector<16xf32>
        %bitcast_convert_type3A_1329 = tpu.bitcast %neg3A_1325 : vector<16xf32> -> vector<16xi32>
        %shift_right_arithmetic3A_1330 = arith.constant 23 : i32
        %shift_right_arithmetic3A_1331 = vector.broadcast %shift_right_arithmetic3A_1330 : i32 to vector<16xi32>
        %shift_right_arithmetic3A_1332 = arith.shrsi %bitcast_convert_type3A_1329, %shift_right_arithmetic3A_1331 : vector<16xi32>
        %sub3A_1333 = arith.constant 127 : i32
        %sub3A_1334 = vector.broadcast %sub3A_1333 : i32 to vector<16xi32>
        %sub3A_1335 = arith.subi %shift_right_arithmetic3A_1332, %sub3A_1334 : vector<16xi32>
        %convert_element_type3A_1336 = arith.sitofp %sub3A_1335 : vector<16xi32> to vector<16xf32>
        %and3A_1337 = arith.constant 8388607 : i32
        %and3A_1338 = vector.broadcast %and3A_1337 : i32 to vector<16xi32>
        %and3A_1339 = arith.andi %bitcast_convert_type3A_1329, %and3A_1338 : vector<16xi32>
        %or3A_1340 = arith.constant 1065353216 : i32
        %or3A_1341 = vector.broadcast %or3A_1340 : i32 to vector<16xi32>
        %or3A_1342 = arith.ori %and3A_1339, %or3A_1341 : vector<16xi32>
        %bitcast_convert_type3A_1343 = tpu.bitcast %or3A_1342 : vector<16xi32> -> vector<16xf32>
        %sub3A_1344 = arith.constant 1.000000e+00 : f32
        %sub3A_1345 = vector.broadcast %sub3A_1344 : f32 to vector<16xf32>
        %sub3A_1346 = arith.subf %bitcast_convert_type3A_1343, %sub3A_1345 : vector<16xf32>
        %mul3A_1347 = arith.constant -0.02491205 : f32
        %mul3A_1348 = vector.broadcast %mul3A_1347 : f32 to vector<16xf32>
        %mul3A_1349 = arith.mulf %mul3A_1348, %sub3A_1346 : vector<16xf32>
        %add3A_1350 = arith.constant 0.0848740711 : f32
        %add3A_1351 = vector.broadcast %add3A_1350 : f32 to vector<16xf32>
        %add3A_1352 = arith.addf %mul3A_1349, %add3A_1351 : vector<16xf32>
        %mul3A_1353 = arith.mulf %add3A_1352, %sub3A_1346 : vector<16xf32>
        %add3A_1354 = arith.constant -0.162214354 : f32
        %add3A_1355 = vector.broadcast %add3A_1354 : f32 to vector<16xf32>
        %add3A_1356 = arith.addf %mul3A_1353, %add3A_1355 : vector<16xf32>
        %mul3A_1357 = arith.mulf %add3A_1356, %sub3A_1346 : vector<16xf32>
        %add3A_1358 = arith.constant 0.333206803 : f32
        %add3A_1359 = vector.broadcast %add3A_1358 : f32 to vector<16xf32>
        %add3A_1360 = arith.addf %mul3A_1357, %add3A_1359 : vector<16xf32>
        %mul3A_1361 = arith.constant 0.231049061 : f32
        %mul3A_1362 = vector.broadcast %mul3A_1361 : f32 to vector<16xf32>
        %mul3A_1363 = arith.mulf %convert_element_type3A_1336, %mul3A_1362 : vector<16xf32>
        %mul3A_1364 = arith.mulf %sub3A_1346, %add3A_1360 : vector<16xf32>
        %add3A_1365 = arith.addf %mul3A_1363, %mul3A_1364 : vector<16xf32>
        %sub3A_1366 = arith.subf %mul3A_1328, %add3A_1365 : vector<16xf32>
        %exp3A_1367 = math.exp %sub3A_1366 : vector<16xf32>
        %add3A_1368 = arith.addf %exp3A_912, %exp3A_1003 : vector<16xf32>
        %add3A_1369 = arith.addf %add3A_1368, %exp3A_1094 : vector<16xf32>
        %add3A_1370 = arith.addf %add3A_1369, %exp3A_1185 : vector<16xf32>
        %add3A_1371 = arith.addf %add3A_1370, %exp3A_1276 : vector<16xf32>
        %add3A_1372 = arith.addf %add3A_1371, %exp3A_1367 : vector<16xf32>
        %div3A_1373 = arith.constant 1.000000e+00 : f32
        %div3A_1374 = vector.broadcast %div3A_1373 : f32 to vector<16xf32>
        %div3A_1375 = arith.divf %div3A_1374, %add3A_1372 : vector<16xf32>
        %add3A_1376 = arith.addf %exp3A_912, %exp3A_1003 : vector<16xf32>
        %add3A_1377 = arith.addf %add3A_1376, %exp3A_1094 : vector<16xf32>
        %mul3A_1378 = arith.mulf %add3A_1377, %div3A_1375 : vector<16xf32>
        %add3A_1379 = arith.addf %exp3A_912, %exp3A_1185 : vector<16xf32>
        %add3A_1380 = arith.addf %add3A_1379, %exp3A_1276 : vector<16xf32>
        %mul3A_1381 = arith.mulf %add3A_1380, %div3A_1375 : vector<16xf32>
        %add3A_1382 = arith.addf %exp3A_1003, %exp3A_1185 : vector<16xf32>
        %add3A_1383 = arith.addf %add3A_1382, %exp3A_1367 : vector<16xf32>
        %mul3A_1384 = arith.mulf %add3A_1383, %div3A_1375 : vector<16xf32>
        %add3A_1385 = arith.addf %exp3A_1094, %exp3A_1276 : vector<16xf32>
        %add3A_1386 = arith.addf %add3A_1385, %exp3A_1367 : vector<16xf32>
        %mul3A_1387 = arith.mulf %add3A_1386, %div3A_1375 : vector<16xf32>
        %and3A_1388 = arith.constant 63 : i32
        %and3A_1389 = arith.andi %scan3A_771, %and3A_1388 : i32
        %shift_right_arithmetic3A_1390 = arith.constant 1 : i32
        %shift_right_arithmetic3A_1391 = arith.shrsi %and3A_1389, %shift_right_arithmetic3A_1390 : i32
        %broadcast_in_dim3A_1392 = vector.broadcast %shift_right_arithmetic3A_1391 : i32 to vector<16xi32>
        %shift_right_arithmetic3A_1393 = arith.constant 6 : i32
        %shift_right_arithmetic3A_1394 = arith.shrsi %scan3A_771, %shift_right_arithmetic3A_1393 : i32
        %add3A_1395 = arith.constant 2 : i32
        %add3A_1396 = arith.addi %add3A_1395, %shift_right_arithmetic3A_1394 : i32
        %broadcast_in_dim3A_1397 = vector.broadcast %add3A_1396 : i32 to vector<16xi32>
        %and3A_1398 = arith.constant 1 : i32
        %and3A_1399 = arith.andi %scan3A_771, %and3A_1398 : i32
        %mul3A_1400 = arith.constant 64 : i32
        %mul3A_1401 = arith.muli %and3A_1399, %mul3A_1400 : i32
        %add3A_1402 = arith.constant 0 : i32
        %add3A_1403 = arith.addi %mul3A_1401, %add3A_1402 : i32
        %add3A_1404 = vector.broadcast %add3A_1403 : i32 to vector<16xi32>
        %add3A_1405 = arith.addi %mul3A_7, %add3A_1404 : vector<16xi32>
        tpu.vector_store_idx %arg9[%broadcast_in_dim3A_1392, %broadcast_in_dim3A_1397, %add3A_1405], %mul3A_1378 : memref<32x8x128xf32, #tpu.memory_space<vmem>>[vector<16xi32>, vector<16xi32>, vector<16xi32>], vector<16xf32>,
        %add3A_1406 = arith.constant 1 : i32
        %add3A_1407 = arith.addi %mul3A_1401, %add3A_1406 : i32
        %add3A_1408 = vector.broadcast %add3A_1407 : i32 to vector<16xi32>
        %add3A_1409 = arith.addi %mul3A_7, %add3A_1408 : vector<16xi32>
        tpu.vector_store_idx %arg9[%broadcast_in_dim3A_1392, %broadcast_in_dim3A_1397, %add3A_1409], %mul3A_1381 : memref<32x8x128xf32, #tpu.memory_space<vmem>>[vector<16xi32>, vector<16xi32>, vector<16xi32>], vector<16xf32>,
        %add3A_1410 = arith.constant 2 : i32
        %add3A_1411 = arith.addi %mul3A_1401, %add3A_1410 : i32
        %add3A_1412 = vector.broadcast %add3A_1411 : i32 to vector<16xi32>
        %add3A_1413 = arith.addi %mul3A_7, %add3A_1412 : vector<16xi32>
        tpu.vector_store_idx %arg9[%broadcast_in_dim3A_1392, %broadcast_in_dim3A_1397, %add3A_1413], %mul3A_1384 : memref<32x8x128xf32, #tpu.memory_space<vmem>>[vector<16xi32>, vector<16xi32>, vector<16xi32>], vector<16xf32>,
        %add3A_1414 = arith.constant 3 : i32
        %add3A_1415 = arith.addi %mul3A_1401, %add3A_1414 : i32
        %add3A_1416 = vector.broadcast %add3A_1415 : i32 to vector<16xi32>
        %add3A_1417 = arith.addi %mul3A_7, %add3A_1416 : vector<16xi32>
        tpu.vector_store_idx %arg9[%broadcast_in_dim3A_1392, %broadcast_in_dim3A_1397, %add3A_1417], %mul3A_1387 : memref<32x8x128xf32, #tpu.memory_space<vmem>>[vector<16xi32>, vector<16xi32>, vector<16xi32>], vector<16xf32>,
      }
      %scan3A_76 = arith.constant 128 : i32
      %mul3A_77 = arith.constant 4 : i32
      %mul3A_78 = arith.muli %scan3A_22, %mul3A_77 : i32
      %add3A_79 = arith.constant 2 : i32
      %add3A_80 = arith.addi %mul3A_78, %add3A_79 : i32
      %add3A_81 = arith.constant 1 : i32
      %add3A_82 = arith.addi %add3A_80, %add3A_81 : i32
      %lt3A_83 = arith.constant 64 : i32
      %lt3A_84 = arith.cmpi slt, %add3A_82, %lt3A_83 : i32
      %convert_element_type3A_85 = arith.extui %lt3A_84 : i1 to i32
      %cond3A_86 = arith.constant 0 : i32
      %cond3A_87 = arith.cmpi ne, %convert_element_type3A_85, %cond3A_86 : i32
      scf.if %cond3A_87 {
        %add3A_136 = arith.constant 1 : i32
        %add3A_137 = arith.addi %add3A_80, %add3A_136 : i32
        %mul3A_138 = arith.constant 2048 : i32
        %mul3A_139 = arith.muli %add3A_137, %mul3A_138 : i32
        %add3A_140 = arith.addi %mul3A_2, %mul3A_139 : i32
        %dma_start3A_141 = arith.constant 0 : i32
        %dma_start3A_142 = tpu.memref_slice %arg2[%dma_start3A_141, %add3A_140] : memref<6x4194304xf32, #tpu.memory_space<hbm>> -> memref<6x2048xf32, #tpu.memory_space<hbm>>
        %dma_start3A_143 = arith.constant 0 : i32
        %dma_start3A_144 = tpu.memref_slice %arg2[%dma_start3A_143, %add3A_140] : memref<6x4194304xf32, #tpu.memory_space<hbm>> -> memref<6x2048xf32, #tpu.memory_space<hbm>>
        tpu.enqueue_dma source(%dma_start3A_144 : memref<6x2048xf32, #tpu.memory_space<hbm>>) target(%arg6 : memref<6x2048xf32, #tpu.memory_space<vmem>>) target_semaphore(%arg11 : memref<!tpu.dma_semaphore, #tpu.memory_space<semaphore_mem>>)
        %dma_start3A_145 = arith.constant 0 : i32
        %dma_start3A_146 = tpu.memref_slice %arg3[%dma_start3A_145, %add3A_140] : memref<6x4194304xf32, #tpu.memory_space<hbm>> -> memref<6x2048xf32, #tpu.memory_space<hbm>>
        %dma_start3A_147 = arith.constant 0 : i32
        %dma_start3A_148 = tpu.memref_slice %arg3[%dma_start3A_147, %add3A_140] : memref<6x4194304xf32, #tpu.memory_space<hbm>> -> memref<6x2048xf32, #tpu.memory_space<hbm>>
        tpu.enqueue_dma source(%dma_start3A_148 : memref<6x2048xf32, #tpu.memory_space<hbm>>) target(%arg8 : memref<6x2048xf32, #tpu.memory_space<vmem>>) target_semaphore(%arg13 : memref<!tpu.dma_semaphore, #tpu.memory_space<semaphore_mem>>)
      } else {
      }
      %dma_wait3A_88 = arith.constant 0 : i32
      %dma_wait3A_89 = arith.constant 0 : i32
      %dma_wait3A_90 = tpu.memref_slice %arg2[%dma_wait3A_88, %dma_wait3A_89] : memref<6x4194304xf32, #tpu.memory_space<hbm>> -> memref<6x2048xf32, #tpu.memory_space<hbm>>
      %dma_wait3A_91 = arith.constant 0 : i32
      %dma_wait3A_92 = arith.constant 0 : i32
      %dma_wait3A_93 = tpu.memref_slice %arg2[%dma_wait3A_91, %dma_wait3A_92] : memref<6x4194304xf32, #tpu.memory_space<hbm>> -> memref<6x2048xf32, #tpu.memory_space<hbm>>
      tpu.wait_dma2 semaphore(%arg10 : memref<!tpu.dma_semaphore, #tpu.memory_space<semaphore_mem>>) src(%dma_wait3A_93 : memref<6x2048xf32, #tpu.memory_space<hbm>>) dst(%arg5 : memref<6x2048xf32, #tpu.memory_space<vmem>>)
      %dma_wait3A_94 = arith.constant 0 : i32
      %dma_wait3A_95 = arith.constant 0 : i32
      %dma_wait3A_96 = tpu.memref_slice %arg3[%dma_wait3A_94, %dma_wait3A_95] : memref<6x4194304xf32, #tpu.memory_space<hbm>> -> memref<6x2048xf32, #tpu.memory_space<hbm>>
      %dma_wait3A_97 = arith.constant 0 : i32
      %dma_wait3A_98 = arith.constant 0 : i32
      %dma_wait3A_99 = tpu.memref_slice %arg3[%dma_wait3A_97, %dma_wait3A_98] : memref<6x4194304xf32, #tpu.memory_space<hbm>> -> memref<6x2048xf32, #tpu.memory_space<hbm>>
      tpu.wait_dma2 semaphore(%arg12 : memref<!tpu.dma_semaphore, #tpu.memory_space<semaphore_mem>>) src(%dma_wait3A_99 : memref<6x2048xf32, #tpu.memory_space<hbm>>) dst(%arg7 : memref<6x2048xf32, #tpu.memory_space<vmem>>)
      %scan3A_100 = arith.constant 0 : i32
      %scan3A_101 = arith.constant 0 : i32
      %scan3A_102 = arith.constant 128 : i32
      %scan3A_103 = arith.addi %scan3A_101, %scan3A_102 : i32
      %scan3A_104 = arith.constant 2 : i32
      scf.for %scan3A_136 = %scan3A_101 to %scan3A_103 step %scan3A_104  : i32 {
        %mul3A_137 = arith.constant 16 : i32
        %mul3A_138 = arith.muli %scan3A_136, %mul3A_137 : i32
        %get3A = arith.constant 0 : i32
        %get3A_139 = arith.index_cast %get3A : i32 to index
        %get3A_140 = arith.index_cast %mul3A_138 : i32 to index
        %get3A_141 = tpu.vector_load %arg5[%get3A_139, %get3A_140] {strides = array<i32>} : memref<6x2048xf32, #tpu.memory_space<vmem>>, vector<16xf32>,
        %get3A_142 = arith.constant 1 : i32
        %get3A_143 = arith.index_cast %get3A_142 : i32 to index
        %get3A_144 = arith.index_cast %mul3A_138 : i32 to index
        %get3A_145 = tpu.vector_load %arg5[%get3A_143, %get3A_144] {strides = array<i32>} : memref<6x2048xf32, #tpu.memory_space<vmem>>, vector<16xf32>,
        %get3A_146 = arith.constant 2 : i32
        %get3A_147 = arith.index_cast %get3A_146 : i32 to index
        %get3A_148 = arith.index_cast %mul3A_138 : i32 to index
        %get3A_149 = tpu.vector_load %arg5[%get3A_147, %get3A_148] {strides = array<i32>} : memref<6x2048xf32, #tpu.memory_space<vmem>>, vector<16xf32>,
        %get3A_150 = arith.constant 3 : i32
        %get3A_151 = arith.index_cast %get3A_150 : i32 to index
        %get3A_152 = arith.index_cast %mul3A_138 : i32 to index
        %get3A_153 = tpu.vector_load %arg5[%get3A_151, %get3A_152] {strides = array<i32>} : memref<6x2048xf32, #tpu.memory_space<vmem>>, vector<16xf32>,
        %get3A_154 = arith.constant 4 : i32
        %get3A_155 = arith.index_cast %get3A_154 : i32 to index
        %get3A_156 = arith.index_cast %mul3A_138 : i32 to index
        %get3A_157 = tpu.vector_load %arg5[%get3A_155, %get3A_156] {strides = array<i32>} : memref<6x2048xf32, #tpu.memory_space<vmem>>, vector<16xf32>,
        %get3A_158 = arith.constant 5 : i32
        %get3A_159 = arith.index_cast %get3A_158 : i32 to index
        %get3A_160 = arith.index_cast %mul3A_138 : i32 to index
        %get3A_161 = tpu.vector_load %arg5[%get3A_159, %get3A_160] {strides = array<i32>} : memref<6x2048xf32, #tpu.memory_space<vmem>>, vector<16xf32>,
        %get3A_162 = arith.constant 0 : i32
        %get3A_163 = arith.index_cast %get3A_162 : i32 to index
        %get3A_164 = arith.index_cast %mul3A_138 : i32 to index
        %get3A_165 = tpu.vector_load %arg7[%get3A_163, %get3A_164] {strides = array<i32>} : memref<6x2048xf32, #tpu.memory_space<vmem>>, vector<16xf32>,
        %get3A_166 = arith.constant 1 : i32
        %get3A_167 = arith.index_cast %get3A_166 : i32 to index
        %get3A_168 = arith.index_cast %mul3A_138 : i32 to index
        %get3A_169 = tpu.vector_load %arg7[%get3A_167, %get3A_168] {strides = array<i32>} : memref<6x2048xf32, #tpu.memory_space<vmem>>, vector<16xf32>,
        %get3A_170 = arith.constant 2 : i32
        %get3A_171 = arith.index_cast %get3A_170 : i32 to index
        %get3A_172 = arith.index_cast %mul3A_138 : i32 to index
        %get3A_173 = tpu.vector_load %arg7[%get3A_171, %get3A_172] {strides = array<i32>} : memref<6x2048xf32, #tpu.memory_space<vmem>>, vector<16xf32>,
        %get3A_174 = arith.constant 3 : i32
        %get3A_175 = arith.index_cast %get3A_174 : i32 to index
        %get3A_176 = arith.index_cast %mul3A_138 : i32 to index
        %get3A_177 = tpu.vector_load %arg7[%get3A_175, %get3A_176] {strides = array<i32>} : memref<6x2048xf32, #tpu.memory_space<vmem>>, vector<16xf32>,
        %get3A_178 = arith.constant 4 : i32
        %get3A_179 = arith.index_cast %get3A_178 : i32 to index
        %get3A_180 = arith.index_cast %mul3A_138 : i32 to index
        %get3A_181 = tpu.vector_load %arg7[%get3A_179, %get3A_180] {strides = array<i32>} : memref<6x2048xf32, #tpu.memory_space<vmem>>, vector<16xf32>,
        %get3A_182 = arith.constant 5 : i32
        %get3A_183 = arith.index_cast %get3A_182 : i32 to index
        %get3A_184 = arith.index_cast %mul3A_138 : i32 to index
        %get3A_185 = tpu.vector_load %arg7[%get3A_183, %get3A_184] {strides = array<i32>} : memref<6x2048xf32, #tpu.memory_space<vmem>>, vector<16xf32>,
        %bitcast_convert_type3A = tpu.bitcast %get3A_165 : vector<16xf32> -> vector<16xi32>
        %shift_right_arithmetic3A = arith.constant 23 : i32
        %shift_right_arithmetic3A_186 = vector.broadcast %shift_right_arithmetic3A : i32 to vector<16xi32>
        %shift_right_arithmetic3A_187 = arith.shrsi %bitcast_convert_type3A, %shift_right_arithmetic3A_186 : vector<16xi32>
        %sub3A = arith.constant 127 : i32
        %sub3A_188 = vector.broadcast %sub3A : i32 to vector<16xi32>
        %sub3A_189 = arith.subi %shift_right_arithmetic3A_187, %sub3A_188 : vector<16xi32>
        %and3A = arith.constant 8388607 : i32
        %and3A_190 = vector.broadcast %and3A : i32 to vector<16xi32>
        %and3A_191 = arith.andi %bitcast_convert_type3A, %and3A_190 : vector<16xi32>
        %or3A = arith.constant 1065353216 : i32
        %or3A_192 = vector.broadcast %or3A : i32 to vector<16xi32>
        %or3A_193 = arith.ori %and3A_191, %or3A_192 : vector<16xi32>
        %bitcast_convert_type3A_194 = tpu.bitcast %or3A_193 : vector<16xi32> -> vector<16xf32>
        %gt3A = arith.constant 1.41421354 : f32
        %gt3A_195 = vector.broadcast %gt3A : f32 to vector<16xf32>
        %gt3A_196 = arith.cmpf ogt, %bitcast_convert_type3A_194, %gt3A_195 : vector<16xf32>
        %mul3A_197 = arith.constant 5.000000e-01 : f32
        %mul3A_198 = vector.broadcast %mul3A_197 : f32 to vector<16xf32>
        %mul3A_199 = arith.mulf %bitcast_convert_type3A_194, %mul3A_198 : vector<16xf32>
        %select_n3A = arith.select %gt3A_196, %mul3A_199, %bitcast_convert_type3A_194 : vector<16xi1>, vector<16xf32>
        %jit3A = arith.constant 1 : i32
        %jit3A_200 = arith.constant 0 : i32
        %broadcast_in_dim3A = vector.broadcast %jit3A : i32 to vector<16xi32>
        %broadcast_in_dim3A_201 = vector.broadcast %jit3A_200 : i32 to vector<16xi32>
        %select_n3A_202 = arith.select %gt3A_196, %broadcast_in_dim3A, %broadcast_in_dim3A_201 : vector<16xi1>, vector<16xi32>
        %add3A_203 = arith.addi %sub3A_189, %select_n3A_202 : vector<16xi32>
        %convert_element_type3A_204 = arith.sitofp %add3A_203 : vector<16xi32> to vector<16xf32>
        %sub3A_205 = arith.constant 1.000000e+00 : f32
        %sub3A_206 = vector.broadcast %sub3A_205 : f32 to vector<16xf32>
        %sub3A_207 = arith.subf %select_n3A, %sub3A_206 : vector<16xf32>
        %mul3A_208 = arith.constant 0.313053131 : f32
        %mul3A_209 = vector.broadcast %mul3A_208 : f32 to vector<16xf32>
        %mul3A_210 = arith.mulf %mul3A_209, %sub3A_207 : vector<16xf32>
        %add3A_211 = arith.constant -0.520837247 : f32
        %add3A_212 = vector.broadcast %add3A_211 : f32 to vector<16xf32>
        %add3A_213 = arith.addf %mul3A_210, %add3A_212 : vector<16xf32>
        %mul3A_214 = arith.mulf %add3A_213, %sub3A_207 : vector<16xf32>
        %add3A_215 = arith.constant 1.0009464 : f32
        %add3A_216 = vector.broadcast %add3A_215 : f32 to vector<16xf32>
        %add3A_217 = arith.addf %mul3A_214, %add3A_216 : vector<16xf32>
        %mul3A_218 = arith.constant 0.693147182 : f32
        %mul3A_219 = vector.broadcast %mul3A_218 : f32 to vector<16xf32>
        %mul3A_220 = arith.mulf %convert_element_type3A_204, %mul3A_219 : vector<16xf32>
        %mul3A_221 = arith.mulf %sub3A_207, %add3A_217 : vector<16xf32>
        %add3A_222 = arith.addf %mul3A_220, %mul3A_221 : vector<16xf32>
        %neg3A = arith.constant 0.000000e+00 : f32
        %neg3A_223 = vector.broadcast %neg3A : f32 to vector<16xf32>
        %neg3A_224 = arith.subf %neg3A_223, %add3A_222 : vector<16xf32>
        %mul3A_225 = arith.constant 333.333344 : f32
        %mul3A_226 = vector.broadcast %mul3A_225 : f32 to vector<16xf32>
        %mul3A_227 = arith.mulf %get3A_141, %mul3A_226 : vector<16xf32>
        %bitcast_convert_type3A_228 = tpu.bitcast %neg3A_224 : vector<16xf32> -> vector<16xi32>
        %shift_right_arithmetic3A_229 = arith.constant 23 : i32
        %shift_right_arithmetic3A_230 = vector.broadcast %shift_right_arithmetic3A_229 : i32 to vector<16xi32>
        %shift_right_arithmetic3A_231 = arith.shrsi %bitcast_convert_type3A_228, %shift_right_arithmetic3A_230 : vector<16xi32>
        %sub3A_232 = arith.constant 127 : i32
        %sub3A_233 = vector.broadcast %sub3A_232 : i32 to vector<16xi32>
        %sub3A_234 = arith.subi %shift_right_arithmetic3A_231, %sub3A_233 : vector<16xi32>
        %convert_element_type3A_235 = arith.sitofp %sub3A_234 : vector<16xi32> to vector<16xf32>
        %and3A_236 = arith.constant 8388607 : i32
        %and3A_237 = vector.broadcast %and3A_236 : i32 to vector<16xi32>
        %and3A_238 = arith.andi %bitcast_convert_type3A_228, %and3A_237 : vector<16xi32>
        %or3A_239 = arith.constant 1065353216 : i32
        %or3A_240 = vector.broadcast %or3A_239 : i32 to vector<16xi32>
        %or3A_241 = arith.ori %and3A_238, %or3A_240 : vector<16xi32>
        %bitcast_convert_type3A_242 = tpu.bitcast %or3A_241 : vector<16xi32> -> vector<16xf32>
        %sub3A_243 = arith.constant 1.000000e+00 : f32
        %sub3A_244 = vector.broadcast %sub3A_243 : f32 to vector<16xf32>
        %sub3A_245 = arith.subf %bitcast_convert_type3A_242, %sub3A_244 : vector<16xf32>
        %mul3A_246 = arith.constant -0.02491205 : f32
        %mul3A_247 = vector.broadcast %mul3A_246 : f32 to vector<16xf32>
        %mul3A_248 = arith.mulf %mul3A_247, %sub3A_245 : vector<16xf32>
        %add3A_249 = arith.constant 0.0848740711 : f32
        %add3A_250 = vector.broadcast %add3A_249 : f32 to vector<16xf32>
        %add3A_251 = arith.addf %mul3A_248, %add3A_250 : vector<16xf32>
        %mul3A_252 = arith.mulf %add3A_251, %sub3A_245 : vector<16xf32>
        %add3A_253 = arith.constant -0.162214354 : f32
        %add3A_254 = vector.broadcast %add3A_253 : f32 to vector<16xf32>
        %add3A_255 = arith.addf %mul3A_252, %add3A_254 : vector<16xf32>
        %mul3A_256 = arith.mulf %add3A_255, %sub3A_245 : vector<16xf32>
        %add3A_257 = arith.constant 0.333206803 : f32
        %add3A_258 = vector.broadcast %add3A_257 : f32 to vector<16xf32>
        %add3A_259 = arith.addf %mul3A_256, %add3A_258 : vector<16xf32>
        %mul3A_260 = arith.constant 0.231049061 : f32
        %mul3A_261 = vector.broadcast %mul3A_260 : f32 to vector<16xf32>
        %mul3A_262 = arith.mulf %convert_element_type3A_235, %mul3A_261 : vector<16xf32>
        %mul3A_263 = arith.mulf %sub3A_245, %add3A_259 : vector<16xf32>
        %add3A_264 = arith.addf %mul3A_262, %mul3A_263 : vector<16xf32>
        %sub3A_265 = arith.subf %mul3A_227, %add3A_264 : vector<16xf32>
        %exp3A = math.exp %sub3A_265 : vector<16xf32>
        %bitcast_convert_type3A_266 = tpu.bitcast %get3A_169 : vector<16xf32> -> vector<16xi32>
        %shift_right_arithmetic3A_267 = arith.constant 23 : i32
        %shift_right_arithmetic3A_268 = vector.broadcast %shift_right_arithmetic3A_267 : i32 to vector<16xi32>
        %shift_right_arithmetic3A_269 = arith.shrsi %bitcast_convert_type3A_266, %shift_right_arithmetic3A_268 : vector<16xi32>
        %sub3A_270 = arith.constant 127 : i32
        %sub3A_271 = vector.broadcast %sub3A_270 : i32 to vector<16xi32>
        %sub3A_272 = arith.subi %shift_right_arithmetic3A_269, %sub3A_271 : vector<16xi32>
        %and3A_273 = arith.constant 8388607 : i32
        %and3A_274 = vector.broadcast %and3A_273 : i32 to vector<16xi32>
        %and3A_275 = arith.andi %bitcast_convert_type3A_266, %and3A_274 : vector<16xi32>
        %or3A_276 = arith.constant 1065353216 : i32
        %or3A_277 = vector.broadcast %or3A_276 : i32 to vector<16xi32>
        %or3A_278 = arith.ori %and3A_275, %or3A_277 : vector<16xi32>
        %bitcast_convert_type3A_279 = tpu.bitcast %or3A_278 : vector<16xi32> -> vector<16xf32>
        %gt3A_280 = arith.constant 1.41421354 : f32
        %gt3A_281 = vector.broadcast %gt3A_280 : f32 to vector<16xf32>
        %gt3A_282 = arith.cmpf ogt, %bitcast_convert_type3A_279, %gt3A_281 : vector<16xf32>
        %mul3A_283 = arith.constant 5.000000e-01 : f32
        %mul3A_284 = vector.broadcast %mul3A_283 : f32 to vector<16xf32>
        %mul3A_285 = arith.mulf %bitcast_convert_type3A_279, %mul3A_284 : vector<16xf32>
        %select_n3A_286 = arith.select %gt3A_282, %mul3A_285, %bitcast_convert_type3A_279 : vector<16xi1>, vector<16xf32>
        %jit3A_287 = arith.constant 1 : i32
        %jit3A_288 = arith.constant 0 : i32
        %broadcast_in_dim3A_289 = vector.broadcast %jit3A_287 : i32 to vector<16xi32>
        %broadcast_in_dim3A_290 = vector.broadcast %jit3A_288 : i32 to vector<16xi32>
        %select_n3A_291 = arith.select %gt3A_282, %broadcast_in_dim3A_289, %broadcast_in_dim3A_290 : vector<16xi1>, vector<16xi32>
        %add3A_292 = arith.addi %sub3A_272, %select_n3A_291 : vector<16xi32>
        %convert_element_type3A_293 = arith.sitofp %add3A_292 : vector<16xi32> to vector<16xf32>
        %sub3A_294 = arith.constant 1.000000e+00 : f32
        %sub3A_295 = vector.broadcast %sub3A_294 : f32 to vector<16xf32>
        %sub3A_296 = arith.subf %select_n3A_286, %sub3A_295 : vector<16xf32>
        %mul3A_297 = arith.constant 0.313053131 : f32
        %mul3A_298 = vector.broadcast %mul3A_297 : f32 to vector<16xf32>
        %mul3A_299 = arith.mulf %mul3A_298, %sub3A_296 : vector<16xf32>
        %add3A_300 = arith.constant -0.520837247 : f32
        %add3A_301 = vector.broadcast %add3A_300 : f32 to vector<16xf32>
        %add3A_302 = arith.addf %mul3A_299, %add3A_301 : vector<16xf32>
        %mul3A_303 = arith.mulf %add3A_302, %sub3A_296 : vector<16xf32>
        %add3A_304 = arith.constant 1.0009464 : f32
        %add3A_305 = vector.broadcast %add3A_304 : f32 to vector<16xf32>
        %add3A_306 = arith.addf %mul3A_303, %add3A_305 : vector<16xf32>
        %mul3A_307 = arith.constant 0.693147182 : f32
        %mul3A_308 = vector.broadcast %mul3A_307 : f32 to vector<16xf32>
        %mul3A_309 = arith.mulf %convert_element_type3A_293, %mul3A_308 : vector<16xf32>
        %mul3A_310 = arith.mulf %sub3A_296, %add3A_306 : vector<16xf32>
        %add3A_311 = arith.addf %mul3A_309, %mul3A_310 : vector<16xf32>
        %neg3A_312 = arith.constant 0.000000e+00 : f32
        %neg3A_313 = vector.broadcast %neg3A_312 : f32 to vector<16xf32>
        %neg3A_314 = arith.subf %neg3A_313, %add3A_311 : vector<16xf32>
        %mul3A_315 = arith.constant 333.333344 : f32
        %mul3A_316 = vector.broadcast %mul3A_315 : f32 to vector<16xf32>
        %mul3A_317 = arith.mulf %get3A_145, %mul3A_316 : vector<16xf32>
        %bitcast_convert_type3A_318 = tpu.bitcast %neg3A_314 : vector<16xf32> -> vector<16xi32>
        %shift_right_arithmetic3A_319 = arith.constant 23 : i32
        %shift_right_arithmetic3A_320 = vector.broadcast %shift_right_arithmetic3A_319 : i32 to vector<16xi32>
        %shift_right_arithmetic3A_321 = arith.shrsi %bitcast_convert_type3A_318, %shift_right_arithmetic3A_320 : vector<16xi32>
        %sub3A_322 = arith.constant 127 : i32
        %sub3A_323 = vector.broadcast %sub3A_322 : i32 to vector<16xi32>
        %sub3A_324 = arith.subi %shift_right_arithmetic3A_321, %sub3A_323 : vector<16xi32>
        %convert_element_type3A_325 = arith.sitofp %sub3A_324 : vector<16xi32> to vector<16xf32>
        %and3A_326 = arith.constant 8388607 : i32
        %and3A_327 = vector.broadcast %and3A_326 : i32 to vector<16xi32>
        %and3A_328 = arith.andi %bitcast_convert_type3A_318, %and3A_327 : vector<16xi32>
        %or3A_329 = arith.constant 1065353216 : i32
        %or3A_330 = vector.broadcast %or3A_329 : i32 to vector<16xi32>
        %or3A_331 = arith.ori %and3A_328, %or3A_330 : vector<16xi32>
        %bitcast_convert_type3A_332 = tpu.bitcast %or3A_331 : vector<16xi32> -> vector<16xf32>
        %sub3A_333 = arith.constant 1.000000e+00 : f32
        %sub3A_334 = vector.broadcast %sub3A_333 : f32 to vector<16xf32>
        %sub3A_335 = arith.subf %bitcast_convert_type3A_332, %sub3A_334 : vector<16xf32>
        %mul3A_336 = arith.constant -0.02491205 : f32
        %mul3A_337 = vector.broadcast %mul3A_336 : f32 to vector<16xf32>
        %mul3A_338 = arith.mulf %mul3A_337, %sub3A_335 : vector<16xf32>
        %add3A_339 = arith.constant 0.0848740711 : f32
        %add3A_340 = vector.broadcast %add3A_339 : f32 to vector<16xf32>
        %add3A_341 = arith.addf %mul3A_338, %add3A_340 : vector<16xf32>
        %mul3A_342 = arith.mulf %add3A_341, %sub3A_335 : vector<16xf32>
        %add3A_343 = arith.constant -0.162214354 : f32
        %add3A_344 = vector.broadcast %add3A_343 : f32 to vector<16xf32>
        %add3A_345 = arith.addf %mul3A_342, %add3A_344 : vector<16xf32>
        %mul3A_346 = arith.mulf %add3A_345, %sub3A_335 : vector<16xf32>
        %add3A_347 = arith.constant 0.333206803 : f32
        %add3A_348 = vector.broadcast %add3A_347 : f32 to vector<16xf32>
        %add3A_349 = arith.addf %mul3A_346, %add3A_348 : vector<16xf32>
        %mul3A_350 = arith.constant 0.231049061 : f32
        %mul3A_351 = vector.broadcast %mul3A_350 : f32 to vector<16xf32>
        %mul3A_352 = arith.mulf %convert_element_type3A_325, %mul3A_351 : vector<16xf32>
        %mul3A_353 = arith.mulf %sub3A_335, %add3A_349 : vector<16xf32>
        %add3A_354 = arith.addf %mul3A_352, %mul3A_353 : vector<16xf32>
        %sub3A_355 = arith.subf %mul3A_317, %add3A_354 : vector<16xf32>
        %exp3A_356 = math.exp %sub3A_355 : vector<16xf32>
        %bitcast_convert_type3A_357 = tpu.bitcast %get3A_173 : vector<16xf32> -> vector<16xi32>
        %shift_right_arithmetic3A_358 = arith.constant 23 : i32
        %shift_right_arithmetic3A_359 = vector.broadcast %shift_right_arithmetic3A_358 : i32 to vector<16xi32>
        %shift_right_arithmetic3A_360 = arith.shrsi %bitcast_convert_type3A_357, %shift_right_arithmetic3A_359 : vector<16xi32>
        %sub3A_361 = arith.constant 127 : i32
        %sub3A_362 = vector.broadcast %sub3A_361 : i32 to vector<16xi32>
        %sub3A_363 = arith.subi %shift_right_arithmetic3A_360, %sub3A_362 : vector<16xi32>
        %and3A_364 = arith.constant 8388607 : i32
        %and3A_365 = vector.broadcast %and3A_364 : i32 to vector<16xi32>
        %and3A_366 = arith.andi %bitcast_convert_type3A_357, %and3A_365 : vector<16xi32>
        %or3A_367 = arith.constant 1065353216 : i32
        %or3A_368 = vector.broadcast %or3A_367 : i32 to vector<16xi32>
        %or3A_369 = arith.ori %and3A_366, %or3A_368 : vector<16xi32>
        %bitcast_convert_type3A_370 = tpu.bitcast %or3A_369 : vector<16xi32> -> vector<16xf32>
        %gt3A_371 = arith.constant 1.41421354 : f32
        %gt3A_372 = vector.broadcast %gt3A_371 : f32 to vector<16xf32>
        %gt3A_373 = arith.cmpf ogt, %bitcast_convert_type3A_370, %gt3A_372 : vector<16xf32>
        %mul3A_374 = arith.constant 5.000000e-01 : f32
        %mul3A_375 = vector.broadcast %mul3A_374 : f32 to vector<16xf32>
        %mul3A_376 = arith.mulf %bitcast_convert_type3A_370, %mul3A_375 : vector<16xf32>
        %select_n3A_377 = arith.select %gt3A_373, %mul3A_376, %bitcast_convert_type3A_370 : vector<16xi1>, vector<16xf32>
        %jit3A_378 = arith.constant 1 : i32
        %jit3A_379 = arith.constant 0 : i32
        %broadcast_in_dim3A_380 = vector.broadcast %jit3A_378 : i32 to vector<16xi32>
        %broadcast_in_dim3A_381 = vector.broadcast %jit3A_379 : i32 to vector<16xi32>
        %select_n3A_382 = arith.select %gt3A_373, %broadcast_in_dim3A_380, %broadcast_in_dim3A_381 : vector<16xi1>, vector<16xi32>
        %add3A_383 = arith.addi %sub3A_363, %select_n3A_382 : vector<16xi32>
        %convert_element_type3A_384 = arith.sitofp %add3A_383 : vector<16xi32> to vector<16xf32>
        %sub3A_385 = arith.constant 1.000000e+00 : f32
        %sub3A_386 = vector.broadcast %sub3A_385 : f32 to vector<16xf32>
        %sub3A_387 = arith.subf %select_n3A_377, %sub3A_386 : vector<16xf32>
        %mul3A_388 = arith.constant 0.313053131 : f32
        %mul3A_389 = vector.broadcast %mul3A_388 : f32 to vector<16xf32>
        %mul3A_390 = arith.mulf %mul3A_389, %sub3A_387 : vector<16xf32>
        %add3A_391 = arith.constant -0.520837247 : f32
        %add3A_392 = vector.broadcast %add3A_391 : f32 to vector<16xf32>
        %add3A_393 = arith.addf %mul3A_390, %add3A_392 : vector<16xf32>
        %mul3A_394 = arith.mulf %add3A_393, %sub3A_387 : vector<16xf32>
        %add3A_395 = arith.constant 1.0009464 : f32
        %add3A_396 = vector.broadcast %add3A_395 : f32 to vector<16xf32>
        %add3A_397 = arith.addf %mul3A_394, %add3A_396 : vector<16xf32>
        %mul3A_398 = arith.constant 0.693147182 : f32
        %mul3A_399 = vector.broadcast %mul3A_398 : f32 to vector<16xf32>
        %mul3A_400 = arith.mulf %convert_element_type3A_384, %mul3A_399 : vector<16xf32>
        %mul3A_401 = arith.mulf %sub3A_387, %add3A_397 : vector<16xf32>
        %add3A_402 = arith.addf %mul3A_400, %mul3A_401 : vector<16xf32>
        %neg3A_403 = arith.constant 0.000000e+00 : f32
        %neg3A_404 = vector.broadcast %neg3A_403 : f32 to vector<16xf32>
        %neg3A_405 = arith.subf %neg3A_404, %add3A_402 : vector<16xf32>
        %mul3A_406 = arith.constant 333.333344 : f32
        %mul3A_407 = vector.broadcast %mul3A_406 : f32 to vector<16xf32>
        %mul3A_408 = arith.mulf %get3A_149, %mul3A_407 : vector<16xf32>
        %bitcast_convert_type3A_409 = tpu.bitcast %neg3A_405 : vector<16xf32> -> vector<16xi32>
        %shift_right_arithmetic3A_410 = arith.constant 23 : i32
        %shift_right_arithmetic3A_411 = vector.broadcast %shift_right_arithmetic3A_410 : i32 to vector<16xi32>
        %shift_right_arithmetic3A_412 = arith.shrsi %bitcast_convert_type3A_409, %shift_right_arithmetic3A_411 : vector<16xi32>
        %sub3A_413 = arith.constant 127 : i32
        %sub3A_414 = vector.broadcast %sub3A_413 : i32 to vector<16xi32>
        %sub3A_415 = arith.subi %shift_right_arithmetic3A_412, %sub3A_414 : vector<16xi32>
        %convert_element_type3A_416 = arith.sitofp %sub3A_415 : vector<16xi32> to vector<16xf32>
        %and3A_417 = arith.constant 8388607 : i32
        %and3A_418 = vector.broadcast %and3A_417 : i32 to vector<16xi32>
        %and3A_419 = arith.andi %bitcast_convert_type3A_409, %and3A_418 : vector<16xi32>
        %or3A_420 = arith.constant 1065353216 : i32
        %or3A_421 = vector.broadcast %or3A_420 : i32 to vector<16xi32>
        %or3A_422 = arith.ori %and3A_419, %or3A_421 : vector<16xi32>
        %bitcast_convert_type3A_423 = tpu.bitcast %or3A_422 : vector<16xi32> -> vector<16xf32>
        %sub3A_424 = arith.constant 1.000000e+00 : f32
        %sub3A_425 = vector.broadcast %sub3A_424 : f32 to vector<16xf32>
        %sub3A_426 = arith.subf %bitcast_convert_type3A_423, %sub3A_425 : vector<16xf32>
        %mul3A_427 = arith.constant -0.02491205 : f32
        %mul3A_428 = vector.broadcast %mul3A_427 : f32 to vector<16xf32>
        %mul3A_429 = arith.mulf %mul3A_428, %sub3A_426 : vector<16xf32>
        %add3A_430 = arith.constant 0.0848740711 : f32
        %add3A_431 = vector.broadcast %add3A_430 : f32 to vector<16xf32>
        %add3A_432 = arith.addf %mul3A_429, %add3A_431 : vector<16xf32>
        %mul3A_433 = arith.mulf %add3A_432, %sub3A_426 : vector<16xf32>
        %add3A_434 = arith.constant -0.162214354 : f32
        %add3A_435 = vector.broadcast %add3A_434 : f32 to vector<16xf32>
        %add3A_436 = arith.addf %mul3A_433, %add3A_435 : vector<16xf32>
        %mul3A_437 = arith.mulf %add3A_436, %sub3A_426 : vector<16xf32>
        %add3A_438 = arith.constant 0.333206803 : f32
        %add3A_439 = vector.broadcast %add3A_438 : f32 to vector<16xf32>
        %add3A_440 = arith.addf %mul3A_437, %add3A_439 : vector<16xf32>
        %mul3A_441 = arith.constant 0.231049061 : f32
        %mul3A_442 = vector.broadcast %mul3A_441 : f32 to vector<16xf32>
        %mul3A_443 = arith.mulf %convert_element_type3A_416, %mul3A_442 : vector<16xf32>
        %mul3A_444 = arith.mulf %sub3A_426, %add3A_440 : vector<16xf32>
        %add3A_445 = arith.addf %mul3A_443, %mul3A_444 : vector<16xf32>
        %sub3A_446 = arith.subf %mul3A_408, %add3A_445 : vector<16xf32>
        %exp3A_447 = math.exp %sub3A_446 : vector<16xf32>
        %bitcast_convert_type3A_448 = tpu.bitcast %get3A_177 : vector<16xf32> -> vector<16xi32>
        %shift_right_arithmetic3A_449 = arith.constant 23 : i32
        %shift_right_arithmetic3A_450 = vector.broadcast %shift_right_arithmetic3A_449 : i32 to vector<16xi32>
        %shift_right_arithmetic3A_451 = arith.shrsi %bitcast_convert_type3A_448, %shift_right_arithmetic3A_450 : vector<16xi32>
        %sub3A_452 = arith.constant 127 : i32
        %sub3A_453 = vector.broadcast %sub3A_452 : i32 to vector<16xi32>
        %sub3A_454 = arith.subi %shift_right_arithmetic3A_451, %sub3A_453 : vector<16xi32>
        %and3A_455 = arith.constant 8388607 : i32
        %and3A_456 = vector.broadcast %and3A_455 : i32 to vector<16xi32>
        %and3A_457 = arith.andi %bitcast_convert_type3A_448, %and3A_456 : vector<16xi32>
        %or3A_458 = arith.constant 1065353216 : i32
        %or3A_459 = vector.broadcast %or3A_458 : i32 to vector<16xi32>
        %or3A_460 = arith.ori %and3A_457, %or3A_459 : vector<16xi32>
        %bitcast_convert_type3A_461 = tpu.bitcast %or3A_460 : vector<16xi32> -> vector<16xf32>
        %gt3A_462 = arith.constant 1.41421354 : f32
        %gt3A_463 = vector.broadcast %gt3A_462 : f32 to vector<16xf32>
        %gt3A_464 = arith.cmpf ogt, %bitcast_convert_type3A_461, %gt3A_463 : vector<16xf32>
        %mul3A_465 = arith.constant 5.000000e-01 : f32
        %mul3A_466 = vector.broadcast %mul3A_465 : f32 to vector<16xf32>
        %mul3A_467 = arith.mulf %bitcast_convert_type3A_461, %mul3A_466 : vector<16xf32>
        %select_n3A_468 = arith.select %gt3A_464, %mul3A_467, %bitcast_convert_type3A_461 : vector<16xi1>, vector<16xf32>
        %jit3A_469 = arith.constant 1 : i32
        %jit3A_470 = arith.constant 0 : i32
        %broadcast_in_dim3A_471 = vector.broadcast %jit3A_469 : i32 to vector<16xi32>
        %broadcast_in_dim3A_472 = vector.broadcast %jit3A_470 : i32 to vector<16xi32>
        %select_n3A_473 = arith.select %gt3A_464, %broadcast_in_dim3A_471, %broadcast_in_dim3A_472 : vector<16xi1>, vector<16xi32>
        %add3A_474 = arith.addi %sub3A_454, %select_n3A_473 : vector<16xi32>
        %convert_element_type3A_475 = arith.sitofp %add3A_474 : vector<16xi32> to vector<16xf32>
        %sub3A_476 = arith.constant 1.000000e+00 : f32
        %sub3A_477 = vector.broadcast %sub3A_476 : f32 to vector<16xf32>
        %sub3A_478 = arith.subf %select_n3A_468, %sub3A_477 : vector<16xf32>
        %mul3A_479 = arith.constant 0.313053131 : f32
        %mul3A_480 = vector.broadcast %mul3A_479 : f32 to vector<16xf32>
        %mul3A_481 = arith.mulf %mul3A_480, %sub3A_478 : vector<16xf32>
        %add3A_482 = arith.constant -0.520837247 : f32
        %add3A_483 = vector.broadcast %add3A_482 : f32 to vector<16xf32>
        %add3A_484 = arith.addf %mul3A_481, %add3A_483 : vector<16xf32>
        %mul3A_485 = arith.mulf %add3A_484, %sub3A_478 : vector<16xf32>
        %add3A_486 = arith.constant 1.0009464 : f32
        %add3A_487 = vector.broadcast %add3A_486 : f32 to vector<16xf32>
        %add3A_488 = arith.addf %mul3A_485, %add3A_487 : vector<16xf32>
        %mul3A_489 = arith.constant 0.693147182 : f32
        %mul3A_490 = vector.broadcast %mul3A_489 : f32 to vector<16xf32>
        %mul3A_491 = arith.mulf %convert_element_type3A_475, %mul3A_490 : vector<16xf32>
        %mul3A_492 = arith.mulf %sub3A_478, %add3A_488 : vector<16xf32>
        %add3A_493 = arith.addf %mul3A_491, %mul3A_492 : vector<16xf32>
        %neg3A_494 = arith.constant 0.000000e+00 : f32
        %neg3A_495 = vector.broadcast %neg3A_494 : f32 to vector<16xf32>
        %neg3A_496 = arith.subf %neg3A_495, %add3A_493 : vector<16xf32>
        %mul3A_497 = arith.constant 333.333344 : f32
        %mul3A_498 = vector.broadcast %mul3A_497 : f32 to vector<16xf32>
        %mul3A_499 = arith.mulf %get3A_153, %mul3A_498 : vector<16xf32>
        %bitcast_convert_type3A_500 = tpu.bitcast %neg3A_496 : vector<16xf32> -> vector<16xi32>
        %shift_right_arithmetic3A_501 = arith.constant 23 : i32
        %shift_right_arithmetic3A_502 = vector.broadcast %shift_right_arithmetic3A_501 : i32 to vector<16xi32>
        %shift_right_arithmetic3A_503 = arith.shrsi %bitcast_convert_type3A_500, %shift_right_arithmetic3A_502 : vector<16xi32>
        %sub3A_504 = arith.constant 127 : i32
        %sub3A_505 = vector.broadcast %sub3A_504 : i32 to vector<16xi32>
        %sub3A_506 = arith.subi %shift_right_arithmetic3A_503, %sub3A_505 : vector<16xi32>
        %convert_element_type3A_507 = arith.sitofp %sub3A_506 : vector<16xi32> to vector<16xf32>
        %and3A_508 = arith.constant 8388607 : i32
        %and3A_509 = vector.broadcast %and3A_508 : i32 to vector<16xi32>
        %and3A_510 = arith.andi %bitcast_convert_type3A_500, %and3A_509 : vector<16xi32>
        %or3A_511 = arith.constant 1065353216 : i32
        %or3A_512 = vector.broadcast %or3A_511 : i32 to vector<16xi32>
        %or3A_513 = arith.ori %and3A_510, %or3A_512 : vector<16xi32>
        %bitcast_convert_type3A_514 = tpu.bitcast %or3A_513 : vector<16xi32> -> vector<16xf32>
        %sub3A_515 = arith.constant 1.000000e+00 : f32
        %sub3A_516 = vector.broadcast %sub3A_515 : f32 to vector<16xf32>
        %sub3A_517 = arith.subf %bitcast_convert_type3A_514, %sub3A_516 : vector<16xf32>
        %mul3A_518 = arith.constant -0.02491205 : f32
        %mul3A_519 = vector.broadcast %mul3A_518 : f32 to vector<16xf32>
        %mul3A_520 = arith.mulf %mul3A_519, %sub3A_517 : vector<16xf32>
        %add3A_521 = arith.constant 0.0848740711 : f32
        %add3A_522 = vector.broadcast %add3A_521 : f32 to vector<16xf32>
        %add3A_523 = arith.addf %mul3A_520, %add3A_522 : vector<16xf32>
        %mul3A_524 = arith.mulf %add3A_523, %sub3A_517 : vector<16xf32>
        %add3A_525 = arith.constant -0.162214354 : f32
        %add3A_526 = vector.broadcast %add3A_525 : f32 to vector<16xf32>
        %add3A_527 = arith.addf %mul3A_524, %add3A_526 : vector<16xf32>
        %mul3A_528 = arith.mulf %add3A_527, %sub3A_517 : vector<16xf32>
        %add3A_529 = arith.constant 0.333206803 : f32
        %add3A_530 = vector.broadcast %add3A_529 : f32 to vector<16xf32>
        %add3A_531 = arith.addf %mul3A_528, %add3A_530 : vector<16xf32>
        %mul3A_532 = arith.constant 0.231049061 : f32
        %mul3A_533 = vector.broadcast %mul3A_532 : f32 to vector<16xf32>
        %mul3A_534 = arith.mulf %convert_element_type3A_507, %mul3A_533 : vector<16xf32>
        %mul3A_535 = arith.mulf %sub3A_517, %add3A_531 : vector<16xf32>
        %add3A_536 = arith.addf %mul3A_534, %mul3A_535 : vector<16xf32>
        %sub3A_537 = arith.subf %mul3A_499, %add3A_536 : vector<16xf32>
        %exp3A_538 = math.exp %sub3A_537 : vector<16xf32>
        %bitcast_convert_type3A_539 = tpu.bitcast %get3A_181 : vector<16xf32> -> vector<16xi32>
        %shift_right_arithmetic3A_540 = arith.constant 23 : i32
        %shift_right_arithmetic3A_541 = vector.broadcast %shift_right_arithmetic3A_540 : i32 to vector<16xi32>
        %shift_right_arithmetic3A_542 = arith.shrsi %bitcast_convert_type3A_539, %shift_right_arithmetic3A_541 : vector<16xi32>
        %sub3A_543 = arith.constant 127 : i32
        %sub3A_544 = vector.broadcast %sub3A_543 : i32 to vector<16xi32>
        %sub3A_545 = arith.subi %shift_right_arithmetic3A_542, %sub3A_544 : vector<16xi32>
        %and3A_546 = arith.constant 8388607 : i32
        %and3A_547 = vector.broadcast %and3A_546 : i32 to vector<16xi32>
        %and3A_548 = arith.andi %bitcast_convert_type3A_539, %and3A_547 : vector<16xi32>
        %or3A_549 = arith.constant 1065353216 : i32
        %or3A_550 = vector.broadcast %or3A_549 : i32 to vector<16xi32>
        %or3A_551 = arith.ori %and3A_548, %or3A_550 : vector<16xi32>
        %bitcast_convert_type3A_552 = tpu.bitcast %or3A_551 : vector<16xi32> -> vector<16xf32>
        %gt3A_553 = arith.constant 1.41421354 : f32
        %gt3A_554 = vector.broadcast %gt3A_553 : f32 to vector<16xf32>
        %gt3A_555 = arith.cmpf ogt, %bitcast_convert_type3A_552, %gt3A_554 : vector<16xf32>
        %mul3A_556 = arith.constant 5.000000e-01 : f32
        %mul3A_557 = vector.broadcast %mul3A_556 : f32 to vector<16xf32>
        %mul3A_558 = arith.mulf %bitcast_convert_type3A_552, %mul3A_557 : vector<16xf32>
        %select_n3A_559 = arith.select %gt3A_555, %mul3A_558, %bitcast_convert_type3A_552 : vector<16xi1>, vector<16xf32>
        %jit3A_560 = arith.constant 1 : i32
        %jit3A_561 = arith.constant 0 : i32
        %broadcast_in_dim3A_562 = vector.broadcast %jit3A_560 : i32 to vector<16xi32>
        %broadcast_in_dim3A_563 = vector.broadcast %jit3A_561 : i32 to vector<16xi32>
        %select_n3A_564 = arith.select %gt3A_555, %broadcast_in_dim3A_562, %broadcast_in_dim3A_563 : vector<16xi1>, vector<16xi32>
        %add3A_565 = arith.addi %sub3A_545, %select_n3A_564 : vector<16xi32>
        %convert_element_type3A_566 = arith.sitofp %add3A_565 : vector<16xi32> to vector<16xf32>
        %sub3A_567 = arith.constant 1.000000e+00 : f32
        %sub3A_568 = vector.broadcast %sub3A_567 : f32 to vector<16xf32>
        %sub3A_569 = arith.subf %select_n3A_559, %sub3A_568 : vector<16xf32>
        %mul3A_570 = arith.constant 0.313053131 : f32
        %mul3A_571 = vector.broadcast %mul3A_570 : f32 to vector<16xf32>
        %mul3A_572 = arith.mulf %mul3A_571, %sub3A_569 : vector<16xf32>
        %add3A_573 = arith.constant -0.520837247 : f32
        %add3A_574 = vector.broadcast %add3A_573 : f32 to vector<16xf32>
        %add3A_575 = arith.addf %mul3A_572, %add3A_574 : vector<16xf32>
        %mul3A_576 = arith.mulf %add3A_575, %sub3A_569 : vector<16xf32>
        %add3A_577 = arith.constant 1.0009464 : f32
        %add3A_578 = vector.broadcast %add3A_577 : f32 to vector<16xf32>
        %add3A_579 = arith.addf %mul3A_576, %add3A_578 : vector<16xf32>
        %mul3A_580 = arith.constant 0.693147182 : f32
        %mul3A_581 = vector.broadcast %mul3A_580 : f32 to vector<16xf32>
        %mul3A_582 = arith.mulf %convert_element_type3A_566, %mul3A_581 : vector<16xf32>
        %mul3A_583 = arith.mulf %sub3A_569, %add3A_579 : vector<16xf32>
        %add3A_584 = arith.addf %mul3A_582, %mul3A_583 : vector<16xf32>
        %neg3A_585 = arith.constant 0.000000e+00 : f32
        %neg3A_586 = vector.broadcast %neg3A_585 : f32 to vector<16xf32>
        %neg3A_587 = arith.subf %neg3A_586, %add3A_584 : vector<16xf32>
        %mul3A_588 = arith.constant 333.333344 : f32
        %mul3A_589 = vector.broadcast %mul3A_588 : f32 to vector<16xf32>
        %mul3A_590 = arith.mulf %get3A_157, %mul3A_589 : vector<16xf32>
        %bitcast_convert_type3A_591 = tpu.bitcast %neg3A_587 : vector<16xf32> -> vector<16xi32>
        %shift_right_arithmetic3A_592 = arith.constant 23 : i32
        %shift_right_arithmetic3A_593 = vector.broadcast %shift_right_arithmetic3A_592 : i32 to vector<16xi32>
        %shift_right_arithmetic3A_594 = arith.shrsi %bitcast_convert_type3A_591, %shift_right_arithmetic3A_593 : vector<16xi32>
        %sub3A_595 = arith.constant 127 : i32
        %sub3A_596 = vector.broadcast %sub3A_595 : i32 to vector<16xi32>
        %sub3A_597 = arith.subi %shift_right_arithmetic3A_594, %sub3A_596 : vector<16xi32>
        %convert_element_type3A_598 = arith.sitofp %sub3A_597 : vector<16xi32> to vector<16xf32>
        %and3A_599 = arith.constant 8388607 : i32
        %and3A_600 = vector.broadcast %and3A_599 : i32 to vector<16xi32>
        %and3A_601 = arith.andi %bitcast_convert_type3A_591, %and3A_600 : vector<16xi32>
        %or3A_602 = arith.constant 1065353216 : i32
        %or3A_603 = vector.broadcast %or3A_602 : i32 to vector<16xi32>
        %or3A_604 = arith.ori %and3A_601, %or3A_603 : vector<16xi32>
        %bitcast_convert_type3A_605 = tpu.bitcast %or3A_604 : vector<16xi32> -> vector<16xf32>
        %sub3A_606 = arith.constant 1.000000e+00 : f32
        %sub3A_607 = vector.broadcast %sub3A_606 : f32 to vector<16xf32>
        %sub3A_608 = arith.subf %bitcast_convert_type3A_605, %sub3A_607 : vector<16xf32>
        %mul3A_609 = arith.constant -0.02491205 : f32
        %mul3A_610 = vector.broadcast %mul3A_609 : f32 to vector<16xf32>
        %mul3A_611 = arith.mulf %mul3A_610, %sub3A_608 : vector<16xf32>
        %add3A_612 = arith.constant 0.0848740711 : f32
        %add3A_613 = vector.broadcast %add3A_612 : f32 to vector<16xf32>
        %add3A_614 = arith.addf %mul3A_611, %add3A_613 : vector<16xf32>
        %mul3A_615 = arith.mulf %add3A_614, %sub3A_608 : vector<16xf32>
        %add3A_616 = arith.constant -0.162214354 : f32
        %add3A_617 = vector.broadcast %add3A_616 : f32 to vector<16xf32>
        %add3A_618 = arith.addf %mul3A_615, %add3A_617 : vector<16xf32>
        %mul3A_619 = arith.mulf %add3A_618, %sub3A_608 : vector<16xf32>
        %add3A_620 = arith.constant 0.333206803 : f32
        %add3A_621 = vector.broadcast %add3A_620 : f32 to vector<16xf32>
        %add3A_622 = arith.addf %mul3A_619, %add3A_621 : vector<16xf32>
        %mul3A_623 = arith.constant 0.231049061 : f32
        %mul3A_624 = vector.broadcast %mul3A_623 : f32 to vector<16xf32>
        %mul3A_625 = arith.mulf %convert_element_type3A_598, %mul3A_624 : vector<16xf32>
        %mul3A_626 = arith.mulf %sub3A_608, %add3A_622 : vector<16xf32>
        %add3A_627 = arith.addf %mul3A_625, %mul3A_626 : vector<16xf32>
        %sub3A_628 = arith.subf %mul3A_590, %add3A_627 : vector<16xf32>
        %exp3A_629 = math.exp %sub3A_628 : vector<16xf32>
        %bitcast_convert_type3A_630 = tpu.bitcast %get3A_185 : vector<16xf32> -> vector<16xi32>
        %shift_right_arithmetic3A_631 = arith.constant 23 : i32
        %shift_right_arithmetic3A_632 = vector.broadcast %shift_right_arithmetic3A_631 : i32 to vector<16xi32>
        %shift_right_arithmetic3A_633 = arith.shrsi %bitcast_convert_type3A_630, %shift_right_arithmetic3A_632 : vector<16xi32>
        %sub3A_634 = arith.constant 127 : i32
        %sub3A_635 = vector.broadcast %sub3A_634 : i32 to vector<16xi32>
        %sub3A_636 = arith.subi %shift_right_arithmetic3A_633, %sub3A_635 : vector<16xi32>
        %and3A_637 = arith.constant 8388607 : i32
        %and3A_638 = vector.broadcast %and3A_637 : i32 to vector<16xi32>
        %and3A_639 = arith.andi %bitcast_convert_type3A_630, %and3A_638 : vector<16xi32>
        %or3A_640 = arith.constant 1065353216 : i32
        %or3A_641 = vector.broadcast %or3A_640 : i32 to vector<16xi32>
        %or3A_642 = arith.ori %and3A_639, %or3A_641 : vector<16xi32>
        %bitcast_convert_type3A_643 = tpu.bitcast %or3A_642 : vector<16xi32> -> vector<16xf32>
        %gt3A_644 = arith.constant 1.41421354 : f32
        %gt3A_645 = vector.broadcast %gt3A_644 : f32 to vector<16xf32>
        %gt3A_646 = arith.cmpf ogt, %bitcast_convert_type3A_643, %gt3A_645 : vector<16xf32>
        %mul3A_647 = arith.constant 5.000000e-01 : f32
        %mul3A_648 = vector.broadcast %mul3A_647 : f32 to vector<16xf32>
        %mul3A_649 = arith.mulf %bitcast_convert_type3A_643, %mul3A_648 : vector<16xf32>
        %select_n3A_650 = arith.select %gt3A_646, %mul3A_649, %bitcast_convert_type3A_643 : vector<16xi1>, vector<16xf32>
        %jit3A_651 = arith.constant 1 : i32
        %jit3A_652 = arith.constant 0 : i32
        %broadcast_in_dim3A_653 = vector.broadcast %jit3A_651 : i32 to vector<16xi32>
        %broadcast_in_dim3A_654 = vector.broadcast %jit3A_652 : i32 to vector<16xi32>
        %select_n3A_655 = arith.select %gt3A_646, %broadcast_in_dim3A_653, %broadcast_in_dim3A_654 : vector<16xi1>, vector<16xi32>
        %add3A_656 = arith.addi %sub3A_636, %select_n3A_655 : vector<16xi32>
        %convert_element_type3A_657 = arith.sitofp %add3A_656 : vector<16xi32> to vector<16xf32>
        %sub3A_658 = arith.constant 1.000000e+00 : f32
        %sub3A_659 = vector.broadcast %sub3A_658 : f32 to vector<16xf32>
        %sub3A_660 = arith.subf %select_n3A_650, %sub3A_659 : vector<16xf32>
        %mul3A_661 = arith.constant 0.313053131 : f32
        %mul3A_662 = vector.broadcast %mul3A_661 : f32 to vector<16xf32>
        %mul3A_663 = arith.mulf %mul3A_662, %sub3A_660 : vector<16xf32>
        %add3A_664 = arith.constant -0.520837247 : f32
        %add3A_665 = vector.broadcast %add3A_664 : f32 to vector<16xf32>
        %add3A_666 = arith.addf %mul3A_663, %add3A_665 : vector<16xf32>
        %mul3A_667 = arith.mulf %add3A_666, %sub3A_660 : vector<16xf32>
        %add3A_668 = arith.constant 1.0009464 : f32
        %add3A_669 = vector.broadcast %add3A_668 : f32 to vector<16xf32>
        %add3A_670 = arith.addf %mul3A_667, %add3A_669 : vector<16xf32>
        %mul3A_671 = arith.constant 0.693147182 : f32
        %mul3A_672 = vector.broadcast %mul3A_671 : f32 to vector<16xf32>
        %mul3A_673 = arith.mulf %convert_element_type3A_657, %mul3A_672 : vector<16xf32>
        %mul3A_674 = arith.mulf %sub3A_660, %add3A_670 : vector<16xf32>
        %add3A_675 = arith.addf %mul3A_673, %mul3A_674 : vector<16xf32>
        %neg3A_676 = arith.constant 0.000000e+00 : f32
        %neg3A_677 = vector.broadcast %neg3A_676 : f32 to vector<16xf32>
        %neg3A_678 = arith.subf %neg3A_677, %add3A_675 : vector<16xf32>
        %mul3A_679 = arith.constant 333.333344 : f32
        %mul3A_680 = vector.broadcast %mul3A_679 : f32 to vector<16xf32>
        %mul3A_681 = arith.mulf %get3A_161, %mul3A_680 : vector<16xf32>
        %bitcast_convert_type3A_682 = tpu.bitcast %neg3A_678 : vector<16xf32> -> vector<16xi32>
        %shift_right_arithmetic3A_683 = arith.constant 23 : i32
        %shift_right_arithmetic3A_684 = vector.broadcast %shift_right_arithmetic3A_683 : i32 to vector<16xi32>
        %shift_right_arithmetic3A_685 = arith.shrsi %bitcast_convert_type3A_682, %shift_right_arithmetic3A_684 : vector<16xi32>
        %sub3A_686 = arith.constant 127 : i32
        %sub3A_687 = vector.broadcast %sub3A_686 : i32 to vector<16xi32>
        %sub3A_688 = arith.subi %shift_right_arithmetic3A_685, %sub3A_687 : vector<16xi32>
        %convert_element_type3A_689 = arith.sitofp %sub3A_688 : vector<16xi32> to vector<16xf32>
        %and3A_690 = arith.constant 8388607 : i32
        %and3A_691 = vector.broadcast %and3A_690 : i32 to vector<16xi32>
        %and3A_692 = arith.andi %bitcast_convert_type3A_682, %and3A_691 : vector<16xi32>
        %or3A_693 = arith.constant 1065353216 : i32
        %or3A_694 = vector.broadcast %or3A_693 : i32 to vector<16xi32>
        %or3A_695 = arith.ori %and3A_692, %or3A_694 : vector<16xi32>
        %bitcast_convert_type3A_696 = tpu.bitcast %or3A_695 : vector<16xi32> -> vector<16xf32>
        %sub3A_697 = arith.constant 1.000000e+00 : f32
        %sub3A_698 = vector.broadcast %sub3A_697 : f32 to vector<16xf32>
        %sub3A_699 = arith.subf %bitcast_convert_type3A_696, %sub3A_698 : vector<16xf32>
        %mul3A_700 = arith.constant -0.02491205 : f32
        %mul3A_701 = vector.broadcast %mul3A_700 : f32 to vector<16xf32>
        %mul3A_702 = arith.mulf %mul3A_701, %sub3A_699 : vector<16xf32>
        %add3A_703 = arith.constant 0.0848740711 : f32
        %add3A_704 = vector.broadcast %add3A_703 : f32 to vector<16xf32>
        %add3A_705 = arith.addf %mul3A_702, %add3A_704 : vector<16xf32>
        %mul3A_706 = arith.mulf %add3A_705, %sub3A_699 : vector<16xf32>
        %add3A_707 = arith.constant -0.162214354 : f32
        %add3A_708 = vector.broadcast %add3A_707 : f32 to vector<16xf32>
        %add3A_709 = arith.addf %mul3A_706, %add3A_708 : vector<16xf32>
        %mul3A_710 = arith.mulf %add3A_709, %sub3A_699 : vector<16xf32>
        %add3A_711 = arith.constant 0.333206803 : f32
        %add3A_712 = vector.broadcast %add3A_711 : f32 to vector<16xf32>
        %add3A_713 = arith.addf %mul3A_710, %add3A_712 : vector<16xf32>
        %mul3A_714 = arith.constant 0.231049061 : f32
        %mul3A_715 = vector.broadcast %mul3A_714 : f32 to vector<16xf32>
        %mul3A_716 = arith.mulf %convert_element_type3A_689, %mul3A_715 : vector<16xf32>
        %mul3A_717 = arith.mulf %sub3A_699, %add3A_713 : vector<16xf32>
        %add3A_718 = arith.addf %mul3A_716, %mul3A_717 : vector<16xf32>
        %sub3A_719 = arith.subf %mul3A_681, %add3A_718 : vector<16xf32>
        %exp3A_720 = math.exp %sub3A_719 : vector<16xf32>
        %add3A_721 = arith.addf %exp3A, %exp3A_356 : vector<16xf32>
        %add3A_722 = arith.addf %add3A_721, %exp3A_447 : vector<16xf32>
        %add3A_723 = arith.addf %add3A_722, %exp3A_538 : vector<16xf32>
        %add3A_724 = arith.addf %add3A_723, %exp3A_629 : vector<16xf32>
        %add3A_725 = arith.addf %add3A_724, %exp3A_720 : vector<16xf32>
        %div3A = arith.constant 1.000000e+00 : f32
        %div3A_726 = vector.broadcast %div3A : f32 to vector<16xf32>
        %div3A_727 = arith.divf %div3A_726, %add3A_725 : vector<16xf32>
        %add3A_728 = arith.addf %exp3A, %exp3A_356 : vector<16xf32>
        %add3A_729 = arith.addf %add3A_728, %exp3A_447 : vector<16xf32>
        %mul3A_730 = arith.mulf %add3A_729, %div3A_727 : vector<16xf32>
        %add3A_731 = arith.addf %exp3A, %exp3A_538 : vector<16xf32>
        %add3A_732 = arith.addf %add3A_731, %exp3A_629 : vector<16xf32>
        %mul3A_733 = arith.mulf %add3A_732, %div3A_727 : vector<16xf32>
        %add3A_734 = arith.addf %exp3A_356, %exp3A_538 : vector<16xf32>
        %add3A_735 = arith.addf %add3A_734, %exp3A_720 : vector<16xf32>
        %mul3A_736 = arith.mulf %add3A_735, %div3A_727 : vector<16xf32>
        %add3A_737 = arith.addf %exp3A_447, %exp3A_629 : vector<16xf32>
        %add3A_738 = arith.addf %add3A_737, %exp3A_720 : vector<16xf32>
        %mul3A_739 = arith.mulf %add3A_738, %div3A_727 : vector<16xf32>
        %and3A_740 = arith.constant 63 : i32
        %and3A_741 = arith.andi %scan3A_136, %and3A_740 : i32
        %shift_right_arithmetic3A_742 = arith.constant 1 : i32
        %shift_right_arithmetic3A_743 = arith.shrsi %and3A_741, %shift_right_arithmetic3A_742 : i32
        %broadcast_in_dim3A_744 = vector.broadcast %shift_right_arithmetic3A_743 : i32 to vector<16xi32>
        %shift_right_arithmetic3A_745 = arith.constant 6 : i32
        %shift_right_arithmetic3A_746 = arith.shrsi %scan3A_136, %shift_right_arithmetic3A_745 : i32
        %add3A_747 = arith.constant 4 : i32
        %add3A_748 = arith.addi %add3A_747, %shift_right_arithmetic3A_746 : i32
        %broadcast_in_dim3A_749 = vector.broadcast %add3A_748 : i32 to vector<16xi32>
        %and3A_750 = arith.constant 1 : i32
        %and3A_751 = arith.andi %scan3A_136, %and3A_750 : i32
        %mul3A_752 = arith.constant 64 : i32
        %mul3A_753 = arith.muli %and3A_751, %mul3A_752 : i32
        %add3A_754 = arith.constant 0 : i32
        %add3A_755 = arith.addi %mul3A_753, %add3A_754 : i32
        %add3A_756 = vector.broadcast %add3A_755 : i32 to vector<16xi32>
        %add3A_757 = arith.addi %mul3A_7, %add3A_756 : vector<16xi32>
        tpu.vector_store_idx %arg9[%broadcast_in_dim3A_744, %broadcast_in_dim3A_749, %add3A_757], %mul3A_730 : memref<32x8x128xf32, #tpu.memory_space<vmem>>[vector<16xi32>, vector<16xi32>, vector<16xi32>], vector<16xf32>,
        %add3A_758 = arith.constant 1 : i32
        %add3A_759 = arith.addi %mul3A_753, %add3A_758 : i32
        %add3A_760 = vector.broadcast %add3A_759 : i32 to vector<16xi32>
        %add3A_761 = arith.addi %mul3A_7, %add3A_760 : vector<16xi32>
        tpu.vector_store_idx %arg9[%broadcast_in_dim3A_744, %broadcast_in_dim3A_749, %add3A_761], %mul3A_733 : memref<32x8x128xf32, #tpu.memory_space<vmem>>[vector<16xi32>, vector<16xi32>, vector<16xi32>], vector<16xf32>,
        %add3A_762 = arith.constant 2 : i32
        %add3A_763 = arith.addi %mul3A_753, %add3A_762 : i32
        %add3A_764 = vector.broadcast %add3A_763 : i32 to vector<16xi32>
        %add3A_765 = arith.addi %mul3A_7, %add3A_764 : vector<16xi32>
        tpu.vector_store_idx %arg9[%broadcast_in_dim3A_744, %broadcast_in_dim3A_749, %add3A_765], %mul3A_736 : memref<32x8x128xf32, #tpu.memory_space<vmem>>[vector<16xi32>, vector<16xi32>, vector<16xi32>], vector<16xf32>,
        %add3A_766 = arith.constant 3 : i32
        %add3A_767 = arith.addi %mul3A_753, %add3A_766 : i32
        %add3A_768 = vector.broadcast %add3A_767 : i32 to vector<16xi32>
        %add3A_769 = arith.addi %mul3A_7, %add3A_768 : vector<16xi32>
        tpu.vector_store_idx %arg9[%broadcast_in_dim3A_744, %broadcast_in_dim3A_749, %add3A_769], %mul3A_739 : memref<32x8x128xf32, #tpu.memory_space<vmem>>[vector<16xi32>, vector<16xi32>, vector<16xi32>], vector<16xf32>,
        %scan3A_770 = arith.constant 1 : i32
        %scan3A_771 = arith.addi %scan3A_136, %scan3A_770 : i32
        %mul3A_772 = arith.constant 16 : i32
        %mul3A_773 = arith.muli %scan3A_771, %mul3A_772 : i32
        %get3A_774 = arith.constant 0 : i32
        %get3A_775 = arith.index_cast %get3A_774 : i32 to index
        %get3A_776 = arith.index_cast %mul3A_773 : i32 to index
        %get3A_777 = tpu.vector_load %arg5[%get3A_775, %get3A_776] {strides = array<i32>} : memref<6x2048xf32, #tpu.memory_space<vmem>>, vector<16xf32>,
        %get3A_778 = arith.constant 1 : i32
        %get3A_779 = arith.index_cast %get3A_778 : i32 to index
        %get3A_780 = arith.index_cast %mul3A_773 : i32 to index
        %get3A_781 = tpu.vector_load %arg5[%get3A_779, %get3A_780] {strides = array<i32>} : memref<6x2048xf32, #tpu.memory_space<vmem>>, vector<16xf32>,
        %get3A_782 = arith.constant 2 : i32
        %get3A_783 = arith.index_cast %get3A_782 : i32 to index
        %get3A_784 = arith.index_cast %mul3A_773 : i32 to index
        %get3A_785 = tpu.vector_load %arg5[%get3A_783, %get3A_784] {strides = array<i32>} : memref<6x2048xf32, #tpu.memory_space<vmem>>, vector<16xf32>,
        %get3A_786 = arith.constant 3 : i32
        %get3A_787 = arith.index_cast %get3A_786 : i32 to index
        %get3A_788 = arith.index_cast %mul3A_773 : i32 to index
        %get3A_789 = tpu.vector_load %arg5[%get3A_787, %get3A_788] {strides = array<i32>} : memref<6x2048xf32, #tpu.memory_space<vmem>>, vector<16xf32>,
        %get3A_790 = arith.constant 4 : i32
        %get3A_791 = arith.index_cast %get3A_790 : i32 to index
        %get3A_792 = arith.index_cast %mul3A_773 : i32 to index
        %get3A_793 = tpu.vector_load %arg5[%get3A_791, %get3A_792] {strides = array<i32>} : memref<6x2048xf32, #tpu.memory_space<vmem>>, vector<16xf32>,
        %get3A_794 = arith.constant 5 : i32
        %get3A_795 = arith.index_cast %get3A_794 : i32 to index
        %get3A_796 = arith.index_cast %mul3A_773 : i32 to index
        %get3A_797 = tpu.vector_load %arg5[%get3A_795, %get3A_796] {strides = array<i32>} : memref<6x2048xf32, #tpu.memory_space<vmem>>, vector<16xf32>,
        %get3A_798 = arith.constant 0 : i32
        %get3A_799 = arith.index_cast %get3A_798 : i32 to index
        %get3A_800 = arith.index_cast %mul3A_773 : i32 to index
        %get3A_801 = tpu.vector_load %arg7[%get3A_799, %get3A_800] {strides = array<i32>} : memref<6x2048xf32, #tpu.memory_space<vmem>>, vector<16xf32>,
        %get3A_802 = arith.constant 1 : i32
        %get3A_803 = arith.index_cast %get3A_802 : i32 to index
        %get3A_804 = arith.index_cast %mul3A_773 : i32 to index
        %get3A_805 = tpu.vector_load %arg7[%get3A_803, %get3A_804] {strides = array<i32>} : memref<6x2048xf32, #tpu.memory_space<vmem>>, vector<16xf32>,
        %get3A_806 = arith.constant 2 : i32
        %get3A_807 = arith.index_cast %get3A_806 : i32 to index
        %get3A_808 = arith.index_cast %mul3A_773 : i32 to index
        %get3A_809 = tpu.vector_load %arg7[%get3A_807, %get3A_808] {strides = array<i32>} : memref<6x2048xf32, #tpu.memory_space<vmem>>, vector<16xf32>,
        %get3A_810 = arith.constant 3 : i32
        %get3A_811 = arith.index_cast %get3A_810 : i32 to index
        %get3A_812 = arith.index_cast %mul3A_773 : i32 to index
        %get3A_813 = tpu.vector_load %arg7[%get3A_811, %get3A_812] {strides = array<i32>} : memref<6x2048xf32, #tpu.memory_space<vmem>>, vector<16xf32>,
        %get3A_814 = arith.constant 4 : i32
        %get3A_815 = arith.index_cast %get3A_814 : i32 to index
        %get3A_816 = arith.index_cast %mul3A_773 : i32 to index
        %get3A_817 = tpu.vector_load %arg7[%get3A_815, %get3A_816] {strides = array<i32>} : memref<6x2048xf32, #tpu.memory_space<vmem>>, vector<16xf32>,
        %get3A_818 = arith.constant 5 : i32
        %get3A_819 = arith.index_cast %get3A_818 : i32 to index
        %get3A_820 = arith.index_cast %mul3A_773 : i32 to index
        %get3A_821 = tpu.vector_load %arg7[%get3A_819, %get3A_820] {strides = array<i32>} : memref<6x2048xf32, #tpu.memory_space<vmem>>, vector<16xf32>,
        %bitcast_convert_type3A_822 = tpu.bitcast %get3A_801 : vector<16xf32> -> vector<16xi32>
        %shift_right_arithmetic3A_823 = arith.constant 23 : i32
        %shift_right_arithmetic3A_824 = vector.broadcast %shift_right_arithmetic3A_823 : i32 to vector<16xi32>
        %shift_right_arithmetic3A_825 = arith.shrsi %bitcast_convert_type3A_822, %shift_right_arithmetic3A_824 : vector<16xi32>
        %sub3A_826 = arith.constant 127 : i32
        %sub3A_827 = vector.broadcast %sub3A_826 : i32 to vector<16xi32>
        %sub3A_828 = arith.subi %shift_right_arithmetic3A_825, %sub3A_827 : vector<16xi32>
        %and3A_829 = arith.constant 8388607 : i32
        %and3A_830 = vector.broadcast %and3A_829 : i32 to vector<16xi32>
        %and3A_831 = arith.andi %bitcast_convert_type3A_822, %and3A_830 : vector<16xi32>
        %or3A_832 = arith.constant 1065353216 : i32
        %or3A_833 = vector.broadcast %or3A_832 : i32 to vector<16xi32>
        %or3A_834 = arith.ori %and3A_831, %or3A_833 : vector<16xi32>
        %bitcast_convert_type3A_835 = tpu.bitcast %or3A_834 : vector<16xi32> -> vector<16xf32>
        %gt3A_836 = arith.constant 1.41421354 : f32
        %gt3A_837 = vector.broadcast %gt3A_836 : f32 to vector<16xf32>
        %gt3A_838 = arith.cmpf ogt, %bitcast_convert_type3A_835, %gt3A_837 : vector<16xf32>
        %mul3A_839 = arith.constant 5.000000e-01 : f32
        %mul3A_840 = vector.broadcast %mul3A_839 : f32 to vector<16xf32>
        %mul3A_841 = arith.mulf %bitcast_convert_type3A_835, %mul3A_840 : vector<16xf32>
        %select_n3A_842 = arith.select %gt3A_838, %mul3A_841, %bitcast_convert_type3A_835 : vector<16xi1>, vector<16xf32>
        %jit3A_843 = arith.constant 1 : i32
        %jit3A_844 = arith.constant 0 : i32
        %broadcast_in_dim3A_845 = vector.broadcast %jit3A_843 : i32 to vector<16xi32>
        %broadcast_in_dim3A_846 = vector.broadcast %jit3A_844 : i32 to vector<16xi32>
        %select_n3A_847 = arith.select %gt3A_838, %broadcast_in_dim3A_845, %broadcast_in_dim3A_846 : vector<16xi1>, vector<16xi32>
        %add3A_848 = arith.addi %sub3A_828, %select_n3A_847 : vector<16xi32>
        %convert_element_type3A_849 = arith.sitofp %add3A_848 : vector<16xi32> to vector<16xf32>
        %sub3A_850 = arith.constant 1.000000e+00 : f32
        %sub3A_851 = vector.broadcast %sub3A_850 : f32 to vector<16xf32>
        %sub3A_852 = arith.subf %select_n3A_842, %sub3A_851 : vector<16xf32>
        %mul3A_853 = arith.constant 0.313053131 : f32
        %mul3A_854 = vector.broadcast %mul3A_853 : f32 to vector<16xf32>
        %mul3A_855 = arith.mulf %mul3A_854, %sub3A_852 : vector<16xf32>
        %add3A_856 = arith.constant -0.520837247 : f32
        %add3A_857 = vector.broadcast %add3A_856 : f32 to vector<16xf32>
        %add3A_858 = arith.addf %mul3A_855, %add3A_857 : vector<16xf32>
        %mul3A_859 = arith.mulf %add3A_858, %sub3A_852 : vector<16xf32>
        %add3A_860 = arith.constant 1.0009464 : f32
        %add3A_861 = vector.broadcast %add3A_860 : f32 to vector<16xf32>
        %add3A_862 = arith.addf %mul3A_859, %add3A_861 : vector<16xf32>
        %mul3A_863 = arith.constant 0.693147182 : f32
        %mul3A_864 = vector.broadcast %mul3A_863 : f32 to vector<16xf32>
        %mul3A_865 = arith.mulf %convert_element_type3A_849, %mul3A_864 : vector<16xf32>
        %mul3A_866 = arith.mulf %sub3A_852, %add3A_862 : vector<16xf32>
        %add3A_867 = arith.addf %mul3A_865, %mul3A_866 : vector<16xf32>
        %neg3A_868 = arith.constant 0.000000e+00 : f32
        %neg3A_869 = vector.broadcast %neg3A_868 : f32 to vector<16xf32>
        %neg3A_870 = arith.subf %neg3A_869, %add3A_867 : vector<16xf32>
        %mul3A_871 = arith.constant 333.333344 : f32
        %mul3A_872 = vector.broadcast %mul3A_871 : f32 to vector<16xf32>
        %mul3A_873 = arith.mulf %get3A_777, %mul3A_872 : vector<16xf32>
        %bitcast_convert_type3A_874 = tpu.bitcast %neg3A_870 : vector<16xf32> -> vector<16xi32>
        %shift_right_arithmetic3A_875 = arith.constant 23 : i32
        %shift_right_arithmetic3A_876 = vector.broadcast %shift_right_arithmetic3A_875 : i32 to vector<16xi32>
        %shift_right_arithmetic3A_877 = arith.shrsi %bitcast_convert_type3A_874, %shift_right_arithmetic3A_876 : vector<16xi32>
        %sub3A_878 = arith.constant 127 : i32
        %sub3A_879 = vector.broadcast %sub3A_878 : i32 to vector<16xi32>
        %sub3A_880 = arith.subi %shift_right_arithmetic3A_877, %sub3A_879 : vector<16xi32>
        %convert_element_type3A_881 = arith.sitofp %sub3A_880 : vector<16xi32> to vector<16xf32>
        %and3A_882 = arith.constant 8388607 : i32
        %and3A_883 = vector.broadcast %and3A_882 : i32 to vector<16xi32>
        %and3A_884 = arith.andi %bitcast_convert_type3A_874, %and3A_883 : vector<16xi32>
        %or3A_885 = arith.constant 1065353216 : i32
        %or3A_886 = vector.broadcast %or3A_885 : i32 to vector<16xi32>
        %or3A_887 = arith.ori %and3A_884, %or3A_886 : vector<16xi32>
        %bitcast_convert_type3A_888 = tpu.bitcast %or3A_887 : vector<16xi32> -> vector<16xf32>
        %sub3A_889 = arith.constant 1.000000e+00 : f32
        %sub3A_890 = vector.broadcast %sub3A_889 : f32 to vector<16xf32>
        %sub3A_891 = arith.subf %bitcast_convert_type3A_888, %sub3A_890 : vector<16xf32>
        %mul3A_892 = arith.constant -0.02491205 : f32
        %mul3A_893 = vector.broadcast %mul3A_892 : f32 to vector<16xf32>
        %mul3A_894 = arith.mulf %mul3A_893, %sub3A_891 : vector<16xf32>
        %add3A_895 = arith.constant 0.0848740711 : f32
        %add3A_896 = vector.broadcast %add3A_895 : f32 to vector<16xf32>
        %add3A_897 = arith.addf %mul3A_894, %add3A_896 : vector<16xf32>
        %mul3A_898 = arith.mulf %add3A_897, %sub3A_891 : vector<16xf32>
        %add3A_899 = arith.constant -0.162214354 : f32
        %add3A_900 = vector.broadcast %add3A_899 : f32 to vector<16xf32>
        %add3A_901 = arith.addf %mul3A_898, %add3A_900 : vector<16xf32>
        %mul3A_902 = arith.mulf %add3A_901, %sub3A_891 : vector<16xf32>
        %add3A_903 = arith.constant 0.333206803 : f32
        %add3A_904 = vector.broadcast %add3A_903 : f32 to vector<16xf32>
        %add3A_905 = arith.addf %mul3A_902, %add3A_904 : vector<16xf32>
        %mul3A_906 = arith.constant 0.231049061 : f32
        %mul3A_907 = vector.broadcast %mul3A_906 : f32 to vector<16xf32>
        %mul3A_908 = arith.mulf %convert_element_type3A_881, %mul3A_907 : vector<16xf32>
        %mul3A_909 = arith.mulf %sub3A_891, %add3A_905 : vector<16xf32>
        %add3A_910 = arith.addf %mul3A_908, %mul3A_909 : vector<16xf32>
        %sub3A_911 = arith.subf %mul3A_873, %add3A_910 : vector<16xf32>
        %exp3A_912 = math.exp %sub3A_911 : vector<16xf32>
        %bitcast_convert_type3A_913 = tpu.bitcast %get3A_805 : vector<16xf32> -> vector<16xi32>
        %shift_right_arithmetic3A_914 = arith.constant 23 : i32
        %shift_right_arithmetic3A_915 = vector.broadcast %shift_right_arithmetic3A_914 : i32 to vector<16xi32>
        %shift_right_arithmetic3A_916 = arith.shrsi %bitcast_convert_type3A_913, %shift_right_arithmetic3A_915 : vector<16xi32>
        %sub3A_917 = arith.constant 127 : i32
        %sub3A_918 = vector.broadcast %sub3A_917 : i32 to vector<16xi32>
        %sub3A_919 = arith.subi %shift_right_arithmetic3A_916, %sub3A_918 : vector<16xi32>
        %and3A_920 = arith.constant 8388607 : i32
        %and3A_921 = vector.broadcast %and3A_920 : i32 to vector<16xi32>
        %and3A_922 = arith.andi %bitcast_convert_type3A_913, %and3A_921 : vector<16xi32>
        %or3A_923 = arith.constant 1065353216 : i32
        %or3A_924 = vector.broadcast %or3A_923 : i32 to vector<16xi32>
        %or3A_925 = arith.ori %and3A_922, %or3A_924 : vector<16xi32>
        %bitcast_convert_type3A_926 = tpu.bitcast %or3A_925 : vector<16xi32> -> vector<16xf32>
        %gt3A_927 = arith.constant 1.41421354 : f32
        %gt3A_928 = vector.broadcast %gt3A_927 : f32 to vector<16xf32>
        %gt3A_929 = arith.cmpf ogt, %bitcast_convert_type3A_926, %gt3A_928 : vector<16xf32>
        %mul3A_930 = arith.constant 5.000000e-01 : f32
        %mul3A_931 = vector.broadcast %mul3A_930 : f32 to vector<16xf32>
        %mul3A_932 = arith.mulf %bitcast_convert_type3A_926, %mul3A_931 : vector<16xf32>
        %select_n3A_933 = arith.select %gt3A_929, %mul3A_932, %bitcast_convert_type3A_926 : vector<16xi1>, vector<16xf32>
        %jit3A_934 = arith.constant 1 : i32
        %jit3A_935 = arith.constant 0 : i32
        %broadcast_in_dim3A_936 = vector.broadcast %jit3A_934 : i32 to vector<16xi32>
        %broadcast_in_dim3A_937 = vector.broadcast %jit3A_935 : i32 to vector<16xi32>
        %select_n3A_938 = arith.select %gt3A_929, %broadcast_in_dim3A_936, %broadcast_in_dim3A_937 : vector<16xi1>, vector<16xi32>
        %add3A_939 = arith.addi %sub3A_919, %select_n3A_938 : vector<16xi32>
        %convert_element_type3A_940 = arith.sitofp %add3A_939 : vector<16xi32> to vector<16xf32>
        %sub3A_941 = arith.constant 1.000000e+00 : f32
        %sub3A_942 = vector.broadcast %sub3A_941 : f32 to vector<16xf32>
        %sub3A_943 = arith.subf %select_n3A_933, %sub3A_942 : vector<16xf32>
        %mul3A_944 = arith.constant 0.313053131 : f32
        %mul3A_945 = vector.broadcast %mul3A_944 : f32 to vector<16xf32>
        %mul3A_946 = arith.mulf %mul3A_945, %sub3A_943 : vector<16xf32>
        %add3A_947 = arith.constant -0.520837247 : f32
        %add3A_948 = vector.broadcast %add3A_947 : f32 to vector<16xf32>
        %add3A_949 = arith.addf %mul3A_946, %add3A_948 : vector<16xf32>
        %mul3A_950 = arith.mulf %add3A_949, %sub3A_943 : vector<16xf32>
        %add3A_951 = arith.constant 1.0009464 : f32
        %add3A_952 = vector.broadcast %add3A_951 : f32 to vector<16xf32>
        %add3A_953 = arith.addf %mul3A_950, %add3A_952 : vector<16xf32>
        %mul3A_954 = arith.constant 0.693147182 : f32
        %mul3A_955 = vector.broadcast %mul3A_954 : f32 to vector<16xf32>
        %mul3A_956 = arith.mulf %convert_element_type3A_940, %mul3A_955 : vector<16xf32>
        %mul3A_957 = arith.mulf %sub3A_943, %add3A_953 : vector<16xf32>
        %add3A_958 = arith.addf %mul3A_956, %mul3A_957 : vector<16xf32>
        %neg3A_959 = arith.constant 0.000000e+00 : f32
        %neg3A_960 = vector.broadcast %neg3A_959 : f32 to vector<16xf32>
        %neg3A_961 = arith.subf %neg3A_960, %add3A_958 : vector<16xf32>
        %mul3A_962 = arith.constant 333.333344 : f32
        %mul3A_963 = vector.broadcast %mul3A_962 : f32 to vector<16xf32>
        %mul3A_964 = arith.mulf %get3A_781, %mul3A_963 : vector<16xf32>
        %bitcast_convert_type3A_965 = tpu.bitcast %neg3A_961 : vector<16xf32> -> vector<16xi32>
        %shift_right_arithmetic3A_966 = arith.constant 23 : i32
        %shift_right_arithmetic3A_967 = vector.broadcast %shift_right_arithmetic3A_966 : i32 to vector<16xi32>
        %shift_right_arithmetic3A_968 = arith.shrsi %bitcast_convert_type3A_965, %shift_right_arithmetic3A_967 : vector<16xi32>
        %sub3A_969 = arith.constant 127 : i32
        %sub3A_970 = vector.broadcast %sub3A_969 : i32 to vector<16xi32>
        %sub3A_971 = arith.subi %shift_right_arithmetic3A_968, %sub3A_970 : vector<16xi32>
        %convert_element_type3A_972 = arith.sitofp %sub3A_971 : vector<16xi32> to vector<16xf32>
        %and3A_973 = arith.constant 8388607 : i32
        %and3A_974 = vector.broadcast %and3A_973 : i32 to vector<16xi32>
        %and3A_975 = arith.andi %bitcast_convert_type3A_965, %and3A_974 : vector<16xi32>
        %or3A_976 = arith.constant 1065353216 : i32
        %or3A_977 = vector.broadcast %or3A_976 : i32 to vector<16xi32>
        %or3A_978 = arith.ori %and3A_975, %or3A_977 : vector<16xi32>
        %bitcast_convert_type3A_979 = tpu.bitcast %or3A_978 : vector<16xi32> -> vector<16xf32>
        %sub3A_980 = arith.constant 1.000000e+00 : f32
        %sub3A_981 = vector.broadcast %sub3A_980 : f32 to vector<16xf32>
        %sub3A_982 = arith.subf %bitcast_convert_type3A_979, %sub3A_981 : vector<16xf32>
        %mul3A_983 = arith.constant -0.02491205 : f32
        %mul3A_984 = vector.broadcast %mul3A_983 : f32 to vector<16xf32>
        %mul3A_985 = arith.mulf %mul3A_984, %sub3A_982 : vector<16xf32>
        %add3A_986 = arith.constant 0.0848740711 : f32
        %add3A_987 = vector.broadcast %add3A_986 : f32 to vector<16xf32>
        %add3A_988 = arith.addf %mul3A_985, %add3A_987 : vector<16xf32>
        %mul3A_989 = arith.mulf %add3A_988, %sub3A_982 : vector<16xf32>
        %add3A_990 = arith.constant -0.162214354 : f32
        %add3A_991 = vector.broadcast %add3A_990 : f32 to vector<16xf32>
        %add3A_992 = arith.addf %mul3A_989, %add3A_991 : vector<16xf32>
        %mul3A_993 = arith.mulf %add3A_992, %sub3A_982 : vector<16xf32>
        %add3A_994 = arith.constant 0.333206803 : f32
        %add3A_995 = vector.broadcast %add3A_994 : f32 to vector<16xf32>
        %add3A_996 = arith.addf %mul3A_993, %add3A_995 : vector<16xf32>
        %mul3A_997 = arith.constant 0.231049061 : f32
        %mul3A_998 = vector.broadcast %mul3A_997 : f32 to vector<16xf32>
        %mul3A_999 = arith.mulf %convert_element_type3A_972, %mul3A_998 : vector<16xf32>
        %mul3A_1000 = arith.mulf %sub3A_982, %add3A_996 : vector<16xf32>
        %add3A_1001 = arith.addf %mul3A_999, %mul3A_1000 : vector<16xf32>
        %sub3A_1002 = arith.subf %mul3A_964, %add3A_1001 : vector<16xf32>
        %exp3A_1003 = math.exp %sub3A_1002 : vector<16xf32>
        %bitcast_convert_type3A_1004 = tpu.bitcast %get3A_809 : vector<16xf32> -> vector<16xi32>
        %shift_right_arithmetic3A_1005 = arith.constant 23 : i32
        %shift_right_arithmetic3A_1006 = vector.broadcast %shift_right_arithmetic3A_1005 : i32 to vector<16xi32>
        %shift_right_arithmetic3A_1007 = arith.shrsi %bitcast_convert_type3A_1004, %shift_right_arithmetic3A_1006 : vector<16xi32>
        %sub3A_1008 = arith.constant 127 : i32
        %sub3A_1009 = vector.broadcast %sub3A_1008 : i32 to vector<16xi32>
        %sub3A_1010 = arith.subi %shift_right_arithmetic3A_1007, %sub3A_1009 : vector<16xi32>
        %and3A_1011 = arith.constant 8388607 : i32
        %and3A_1012 = vector.broadcast %and3A_1011 : i32 to vector<16xi32>
        %and3A_1013 = arith.andi %bitcast_convert_type3A_1004, %and3A_1012 : vector<16xi32>
        %or3A_1014 = arith.constant 1065353216 : i32
        %or3A_1015 = vector.broadcast %or3A_1014 : i32 to vector<16xi32>
        %or3A_1016 = arith.ori %and3A_1013, %or3A_1015 : vector<16xi32>
        %bitcast_convert_type3A_1017 = tpu.bitcast %or3A_1016 : vector<16xi32> -> vector<16xf32>
        %gt3A_1018 = arith.constant 1.41421354 : f32
        %gt3A_1019 = vector.broadcast %gt3A_1018 : f32 to vector<16xf32>
        %gt3A_1020 = arith.cmpf ogt, %bitcast_convert_type3A_1017, %gt3A_1019 : vector<16xf32>
        %mul3A_1021 = arith.constant 5.000000e-01 : f32
        %mul3A_1022 = vector.broadcast %mul3A_1021 : f32 to vector<16xf32>
        %mul3A_1023 = arith.mulf %bitcast_convert_type3A_1017, %mul3A_1022 : vector<16xf32>
        %select_n3A_1024 = arith.select %gt3A_1020, %mul3A_1023, %bitcast_convert_type3A_1017 : vector<16xi1>, vector<16xf32>
        %jit3A_1025 = arith.constant 1 : i32
        %jit3A_1026 = arith.constant 0 : i32
        %broadcast_in_dim3A_1027 = vector.broadcast %jit3A_1025 : i32 to vector<16xi32>
        %broadcast_in_dim3A_1028 = vector.broadcast %jit3A_1026 : i32 to vector<16xi32>
        %select_n3A_1029 = arith.select %gt3A_1020, %broadcast_in_dim3A_1027, %broadcast_in_dim3A_1028 : vector<16xi1>, vector<16xi32>
        %add3A_1030 = arith.addi %sub3A_1010, %select_n3A_1029 : vector<16xi32>
        %convert_element_type3A_1031 = arith.sitofp %add3A_1030 : vector<16xi32> to vector<16xf32>
        %sub3A_1032 = arith.constant 1.000000e+00 : f32
        %sub3A_1033 = vector.broadcast %sub3A_1032 : f32 to vector<16xf32>
        %sub3A_1034 = arith.subf %select_n3A_1024, %sub3A_1033 : vector<16xf32>
        %mul3A_1035 = arith.constant 0.313053131 : f32
        %mul3A_1036 = vector.broadcast %mul3A_1035 : f32 to vector<16xf32>
        %mul3A_1037 = arith.mulf %mul3A_1036, %sub3A_1034 : vector<16xf32>
        %add3A_1038 = arith.constant -0.520837247 : f32
        %add3A_1039 = vector.broadcast %add3A_1038 : f32 to vector<16xf32>
        %add3A_1040 = arith.addf %mul3A_1037, %add3A_1039 : vector<16xf32>
        %mul3A_1041 = arith.mulf %add3A_1040, %sub3A_1034 : vector<16xf32>
        %add3A_1042 = arith.constant 1.0009464 : f32
        %add3A_1043 = vector.broadcast %add3A_1042 : f32 to vector<16xf32>
        %add3A_1044 = arith.addf %mul3A_1041, %add3A_1043 : vector<16xf32>
        %mul3A_1045 = arith.constant 0.693147182 : f32
        %mul3A_1046 = vector.broadcast %mul3A_1045 : f32 to vector<16xf32>
        %mul3A_1047 = arith.mulf %convert_element_type3A_1031, %mul3A_1046 : vector<16xf32>
        %mul3A_1048 = arith.mulf %sub3A_1034, %add3A_1044 : vector<16xf32>
        %add3A_1049 = arith.addf %mul3A_1047, %mul3A_1048 : vector<16xf32>
        %neg3A_1050 = arith.constant 0.000000e+00 : f32
        %neg3A_1051 = vector.broadcast %neg3A_1050 : f32 to vector<16xf32>
        %neg3A_1052 = arith.subf %neg3A_1051, %add3A_1049 : vector<16xf32>
        %mul3A_1053 = arith.constant 333.333344 : f32
        %mul3A_1054 = vector.broadcast %mul3A_1053 : f32 to vector<16xf32>
        %mul3A_1055 = arith.mulf %get3A_785, %mul3A_1054 : vector<16xf32>
        %bitcast_convert_type3A_1056 = tpu.bitcast %neg3A_1052 : vector<16xf32> -> vector<16xi32>
        %shift_right_arithmetic3A_1057 = arith.constant 23 : i32
        %shift_right_arithmetic3A_1058 = vector.broadcast %shift_right_arithmetic3A_1057 : i32 to vector<16xi32>
        %shift_right_arithmetic3A_1059 = arith.shrsi %bitcast_convert_type3A_1056, %shift_right_arithmetic3A_1058 : vector<16xi32>
        %sub3A_1060 = arith.constant 127 : i32
        %sub3A_1061 = vector.broadcast %sub3A_1060 : i32 to vector<16xi32>
        %sub3A_1062 = arith.subi %shift_right_arithmetic3A_1059, %sub3A_1061 : vector<16xi32>
        %convert_element_type3A_1063 = arith.sitofp %sub3A_1062 : vector<16xi32> to vector<16xf32>
        %and3A_1064 = arith.constant 8388607 : i32
        %and3A_1065 = vector.broadcast %and3A_1064 : i32 to vector<16xi32>
        %and3A_1066 = arith.andi %bitcast_convert_type3A_1056, %and3A_1065 : vector<16xi32>
        %or3A_1067 = arith.constant 1065353216 : i32
        %or3A_1068 = vector.broadcast %or3A_1067 : i32 to vector<16xi32>
        %or3A_1069 = arith.ori %and3A_1066, %or3A_1068 : vector<16xi32>
        %bitcast_convert_type3A_1070 = tpu.bitcast %or3A_1069 : vector<16xi32> -> vector<16xf32>
        %sub3A_1071 = arith.constant 1.000000e+00 : f32
        %sub3A_1072 = vector.broadcast %sub3A_1071 : f32 to vector<16xf32>
        %sub3A_1073 = arith.subf %bitcast_convert_type3A_1070, %sub3A_1072 : vector<16xf32>
        %mul3A_1074 = arith.constant -0.02491205 : f32
        %mul3A_1075 = vector.broadcast %mul3A_1074 : f32 to vector<16xf32>
        %mul3A_1076 = arith.mulf %mul3A_1075, %sub3A_1073 : vector<16xf32>
        %add3A_1077 = arith.constant 0.0848740711 : f32
        %add3A_1078 = vector.broadcast %add3A_1077 : f32 to vector<16xf32>
        %add3A_1079 = arith.addf %mul3A_1076, %add3A_1078 : vector<16xf32>
        %mul3A_1080 = arith.mulf %add3A_1079, %sub3A_1073 : vector<16xf32>
        %add3A_1081 = arith.constant -0.162214354 : f32
        %add3A_1082 = vector.broadcast %add3A_1081 : f32 to vector<16xf32>
        %add3A_1083 = arith.addf %mul3A_1080, %add3A_1082 : vector<16xf32>
        %mul3A_1084 = arith.mulf %add3A_1083, %sub3A_1073 : vector<16xf32>
        %add3A_1085 = arith.constant 0.333206803 : f32
        %add3A_1086 = vector.broadcast %add3A_1085 : f32 to vector<16xf32>
        %add3A_1087 = arith.addf %mul3A_1084, %add3A_1086 : vector<16xf32>
        %mul3A_1088 = arith.constant 0.231049061 : f32
        %mul3A_1089 = vector.broadcast %mul3A_1088 : f32 to vector<16xf32>
        %mul3A_1090 = arith.mulf %convert_element_type3A_1063, %mul3A_1089 : vector<16xf32>
        %mul3A_1091 = arith.mulf %sub3A_1073, %add3A_1087 : vector<16xf32>
        %add3A_1092 = arith.addf %mul3A_1090, %mul3A_1091 : vector<16xf32>
        %sub3A_1093 = arith.subf %mul3A_1055, %add3A_1092 : vector<16xf32>
        %exp3A_1094 = math.exp %sub3A_1093 : vector<16xf32>
        %bitcast_convert_type3A_1095 = tpu.bitcast %get3A_813 : vector<16xf32> -> vector<16xi32>
        %shift_right_arithmetic3A_1096 = arith.constant 23 : i32
        %shift_right_arithmetic3A_1097 = vector.broadcast %shift_right_arithmetic3A_1096 : i32 to vector<16xi32>
        %shift_right_arithmetic3A_1098 = arith.shrsi %bitcast_convert_type3A_1095, %shift_right_arithmetic3A_1097 : vector<16xi32>
        %sub3A_1099 = arith.constant 127 : i32
        %sub3A_1100 = vector.broadcast %sub3A_1099 : i32 to vector<16xi32>
        %sub3A_1101 = arith.subi %shift_right_arithmetic3A_1098, %sub3A_1100 : vector<16xi32>
        %and3A_1102 = arith.constant 8388607 : i32
        %and3A_1103 = vector.broadcast %and3A_1102 : i32 to vector<16xi32>
        %and3A_1104 = arith.andi %bitcast_convert_type3A_1095, %and3A_1103 : vector<16xi32>
        %or3A_1105 = arith.constant 1065353216 : i32
        %or3A_1106 = vector.broadcast %or3A_1105 : i32 to vector<16xi32>
        %or3A_1107 = arith.ori %and3A_1104, %or3A_1106 : vector<16xi32>
        %bitcast_convert_type3A_1108 = tpu.bitcast %or3A_1107 : vector<16xi32> -> vector<16xf32>
        %gt3A_1109 = arith.constant 1.41421354 : f32
        %gt3A_1110 = vector.broadcast %gt3A_1109 : f32 to vector<16xf32>
        %gt3A_1111 = arith.cmpf ogt, %bitcast_convert_type3A_1108, %gt3A_1110 : vector<16xf32>
        %mul3A_1112 = arith.constant 5.000000e-01 : f32
        %mul3A_1113 = vector.broadcast %mul3A_1112 : f32 to vector<16xf32>
        %mul3A_1114 = arith.mulf %bitcast_convert_type3A_1108, %mul3A_1113 : vector<16xf32>
        %select_n3A_1115 = arith.select %gt3A_1111, %mul3A_1114, %bitcast_convert_type3A_1108 : vector<16xi1>, vector<16xf32>
        %jit3A_1116 = arith.constant 1 : i32
        %jit3A_1117 = arith.constant 0 : i32
        %broadcast_in_dim3A_1118 = vector.broadcast %jit3A_1116 : i32 to vector<16xi32>
        %broadcast_in_dim3A_1119 = vector.broadcast %jit3A_1117 : i32 to vector<16xi32>
        %select_n3A_1120 = arith.select %gt3A_1111, %broadcast_in_dim3A_1118, %broadcast_in_dim3A_1119 : vector<16xi1>, vector<16xi32>
        %add3A_1121 = arith.addi %sub3A_1101, %select_n3A_1120 : vector<16xi32>
        %convert_element_type3A_1122 = arith.sitofp %add3A_1121 : vector<16xi32> to vector<16xf32>
        %sub3A_1123 = arith.constant 1.000000e+00 : f32
        %sub3A_1124 = vector.broadcast %sub3A_1123 : f32 to vector<16xf32>
        %sub3A_1125 = arith.subf %select_n3A_1115, %sub3A_1124 : vector<16xf32>
        %mul3A_1126 = arith.constant 0.313053131 : f32
        %mul3A_1127 = vector.broadcast %mul3A_1126 : f32 to vector<16xf32>
        %mul3A_1128 = arith.mulf %mul3A_1127, %sub3A_1125 : vector<16xf32>
        %add3A_1129 = arith.constant -0.520837247 : f32
        %add3A_1130 = vector.broadcast %add3A_1129 : f32 to vector<16xf32>
        %add3A_1131 = arith.addf %mul3A_1128, %add3A_1130 : vector<16xf32>
        %mul3A_1132 = arith.mulf %add3A_1131, %sub3A_1125 : vector<16xf32>
        %add3A_1133 = arith.constant 1.0009464 : f32
        %add3A_1134 = vector.broadcast %add3A_1133 : f32 to vector<16xf32>
        %add3A_1135 = arith.addf %mul3A_1132, %add3A_1134 : vector<16xf32>
        %mul3A_1136 = arith.constant 0.693147182 : f32
        %mul3A_1137 = vector.broadcast %mul3A_1136 : f32 to vector<16xf32>
        %mul3A_1138 = arith.mulf %convert_element_type3A_1122, %mul3A_1137 : vector<16xf32>
        %mul3A_1139 = arith.mulf %sub3A_1125, %add3A_1135 : vector<16xf32>
        %add3A_1140 = arith.addf %mul3A_1138, %mul3A_1139 : vector<16xf32>
        %neg3A_1141 = arith.constant 0.000000e+00 : f32
        %neg3A_1142 = vector.broadcast %neg3A_1141 : f32 to vector<16xf32>
        %neg3A_1143 = arith.subf %neg3A_1142, %add3A_1140 : vector<16xf32>
        %mul3A_1144 = arith.constant 333.333344 : f32
        %mul3A_1145 = vector.broadcast %mul3A_1144 : f32 to vector<16xf32>
        %mul3A_1146 = arith.mulf %get3A_789, %mul3A_1145 : vector<16xf32>
        %bitcast_convert_type3A_1147 = tpu.bitcast %neg3A_1143 : vector<16xf32> -> vector<16xi32>
        %shift_right_arithmetic3A_1148 = arith.constant 23 : i32
        %shift_right_arithmetic3A_1149 = vector.broadcast %shift_right_arithmetic3A_1148 : i32 to vector<16xi32>
        %shift_right_arithmetic3A_1150 = arith.shrsi %bitcast_convert_type3A_1147, %shift_right_arithmetic3A_1149 : vector<16xi32>
        %sub3A_1151 = arith.constant 127 : i32
        %sub3A_1152 = vector.broadcast %sub3A_1151 : i32 to vector<16xi32>
        %sub3A_1153 = arith.subi %shift_right_arithmetic3A_1150, %sub3A_1152 : vector<16xi32>
        %convert_element_type3A_1154 = arith.sitofp %sub3A_1153 : vector<16xi32> to vector<16xf32>
        %and3A_1155 = arith.constant 8388607 : i32
        %and3A_1156 = vector.broadcast %and3A_1155 : i32 to vector<16xi32>
        %and3A_1157 = arith.andi %bitcast_convert_type3A_1147, %and3A_1156 : vector<16xi32>
        %or3A_1158 = arith.constant 1065353216 : i32
        %or3A_1159 = vector.broadcast %or3A_1158 : i32 to vector<16xi32>
        %or3A_1160 = arith.ori %and3A_1157, %or3A_1159 : vector<16xi32>
        %bitcast_convert_type3A_1161 = tpu.bitcast %or3A_1160 : vector<16xi32> -> vector<16xf32>
        %sub3A_1162 = arith.constant 1.000000e+00 : f32
        %sub3A_1163 = vector.broadcast %sub3A_1162 : f32 to vector<16xf32>
        %sub3A_1164 = arith.subf %bitcast_convert_type3A_1161, %sub3A_1163 : vector<16xf32>
        %mul3A_1165 = arith.constant -0.02491205 : f32
        %mul3A_1166 = vector.broadcast %mul3A_1165 : f32 to vector<16xf32>
        %mul3A_1167 = arith.mulf %mul3A_1166, %sub3A_1164 : vector<16xf32>
        %add3A_1168 = arith.constant 0.0848740711 : f32
        %add3A_1169 = vector.broadcast %add3A_1168 : f32 to vector<16xf32>
        %add3A_1170 = arith.addf %mul3A_1167, %add3A_1169 : vector<16xf32>
        %mul3A_1171 = arith.mulf %add3A_1170, %sub3A_1164 : vector<16xf32>
        %add3A_1172 = arith.constant -0.162214354 : f32
        %add3A_1173 = vector.broadcast %add3A_1172 : f32 to vector<16xf32>
        %add3A_1174 = arith.addf %mul3A_1171, %add3A_1173 : vector<16xf32>
        %mul3A_1175 = arith.mulf %add3A_1174, %sub3A_1164 : vector<16xf32>
        %add3A_1176 = arith.constant 0.333206803 : f32
        %add3A_1177 = vector.broadcast %add3A_1176 : f32 to vector<16xf32>
        %add3A_1178 = arith.addf %mul3A_1175, %add3A_1177 : vector<16xf32>
        %mul3A_1179 = arith.constant 0.231049061 : f32
        %mul3A_1180 = vector.broadcast %mul3A_1179 : f32 to vector<16xf32>
        %mul3A_1181 = arith.mulf %convert_element_type3A_1154, %mul3A_1180 : vector<16xf32>
        %mul3A_1182 = arith.mulf %sub3A_1164, %add3A_1178 : vector<16xf32>
        %add3A_1183 = arith.addf %mul3A_1181, %mul3A_1182 : vector<16xf32>
        %sub3A_1184 = arith.subf %mul3A_1146, %add3A_1183 : vector<16xf32>
        %exp3A_1185 = math.exp %sub3A_1184 : vector<16xf32>
        %bitcast_convert_type3A_1186 = tpu.bitcast %get3A_817 : vector<16xf32> -> vector<16xi32>
        %shift_right_arithmetic3A_1187 = arith.constant 23 : i32
        %shift_right_arithmetic3A_1188 = vector.broadcast %shift_right_arithmetic3A_1187 : i32 to vector<16xi32>
        %shift_right_arithmetic3A_1189 = arith.shrsi %bitcast_convert_type3A_1186, %shift_right_arithmetic3A_1188 : vector<16xi32>
        %sub3A_1190 = arith.constant 127 : i32
        %sub3A_1191 = vector.broadcast %sub3A_1190 : i32 to vector<16xi32>
        %sub3A_1192 = arith.subi %shift_right_arithmetic3A_1189, %sub3A_1191 : vector<16xi32>
        %and3A_1193 = arith.constant 8388607 : i32
        %and3A_1194 = vector.broadcast %and3A_1193 : i32 to vector<16xi32>
        %and3A_1195 = arith.andi %bitcast_convert_type3A_1186, %and3A_1194 : vector<16xi32>
        %or3A_1196 = arith.constant 1065353216 : i32
        %or3A_1197 = vector.broadcast %or3A_1196 : i32 to vector<16xi32>
        %or3A_1198 = arith.ori %and3A_1195, %or3A_1197 : vector<16xi32>
        %bitcast_convert_type3A_1199 = tpu.bitcast %or3A_1198 : vector<16xi32> -> vector<16xf32>
        %gt3A_1200 = arith.constant 1.41421354 : f32
        %gt3A_1201 = vector.broadcast %gt3A_1200 : f32 to vector<16xf32>
        %gt3A_1202 = arith.cmpf ogt, %bitcast_convert_type3A_1199, %gt3A_1201 : vector<16xf32>
        %mul3A_1203 = arith.constant 5.000000e-01 : f32
        %mul3A_1204 = vector.broadcast %mul3A_1203 : f32 to vector<16xf32>
        %mul3A_1205 = arith.mulf %bitcast_convert_type3A_1199, %mul3A_1204 : vector<16xf32>
        %select_n3A_1206 = arith.select %gt3A_1202, %mul3A_1205, %bitcast_convert_type3A_1199 : vector<16xi1>, vector<16xf32>
        %jit3A_1207 = arith.constant 1 : i32
        %jit3A_1208 = arith.constant 0 : i32
        %broadcast_in_dim3A_1209 = vector.broadcast %jit3A_1207 : i32 to vector<16xi32>
        %broadcast_in_dim3A_1210 = vector.broadcast %jit3A_1208 : i32 to vector<16xi32>
        %select_n3A_1211 = arith.select %gt3A_1202, %broadcast_in_dim3A_1209, %broadcast_in_dim3A_1210 : vector<16xi1>, vector<16xi32>
        %add3A_1212 = arith.addi %sub3A_1192, %select_n3A_1211 : vector<16xi32>
        %convert_element_type3A_1213 = arith.sitofp %add3A_1212 : vector<16xi32> to vector<16xf32>
        %sub3A_1214 = arith.constant 1.000000e+00 : f32
        %sub3A_1215 = vector.broadcast %sub3A_1214 : f32 to vector<16xf32>
        %sub3A_1216 = arith.subf %select_n3A_1206, %sub3A_1215 : vector<16xf32>
        %mul3A_1217 = arith.constant 0.313053131 : f32
        %mul3A_1218 = vector.broadcast %mul3A_1217 : f32 to vector<16xf32>
        %mul3A_1219 = arith.mulf %mul3A_1218, %sub3A_1216 : vector<16xf32>
        %add3A_1220 = arith.constant -0.520837247 : f32
        %add3A_1221 = vector.broadcast %add3A_1220 : f32 to vector<16xf32>
        %add3A_1222 = arith.addf %mul3A_1219, %add3A_1221 : vector<16xf32>
        %mul3A_1223 = arith.mulf %add3A_1222, %sub3A_1216 : vector<16xf32>
        %add3A_1224 = arith.constant 1.0009464 : f32
        %add3A_1225 = vector.broadcast %add3A_1224 : f32 to vector<16xf32>
        %add3A_1226 = arith.addf %mul3A_1223, %add3A_1225 : vector<16xf32>
        %mul3A_1227 = arith.constant 0.693147182 : f32
        %mul3A_1228 = vector.broadcast %mul3A_1227 : f32 to vector<16xf32>
        %mul3A_1229 = arith.mulf %convert_element_type3A_1213, %mul3A_1228 : vector<16xf32>
        %mul3A_1230 = arith.mulf %sub3A_1216, %add3A_1226 : vector<16xf32>
        %add3A_1231 = arith.addf %mul3A_1229, %mul3A_1230 : vector<16xf32>
        %neg3A_1232 = arith.constant 0.000000e+00 : f32
        %neg3A_1233 = vector.broadcast %neg3A_1232 : f32 to vector<16xf32>
        %neg3A_1234 = arith.subf %neg3A_1233, %add3A_1231 : vector<16xf32>
        %mul3A_1235 = arith.constant 333.333344 : f32
        %mul3A_1236 = vector.broadcast %mul3A_1235 : f32 to vector<16xf32>
        %mul3A_1237 = arith.mulf %get3A_793, %mul3A_1236 : vector<16xf32>
        %bitcast_convert_type3A_1238 = tpu.bitcast %neg3A_1234 : vector<16xf32> -> vector<16xi32>
        %shift_right_arithmetic3A_1239 = arith.constant 23 : i32
        %shift_right_arithmetic3A_1240 = vector.broadcast %shift_right_arithmetic3A_1239 : i32 to vector<16xi32>
        %shift_right_arithmetic3A_1241 = arith.shrsi %bitcast_convert_type3A_1238, %shift_right_arithmetic3A_1240 : vector<16xi32>
        %sub3A_1242 = arith.constant 127 : i32
        %sub3A_1243 = vector.broadcast %sub3A_1242 : i32 to vector<16xi32>
        %sub3A_1244 = arith.subi %shift_right_arithmetic3A_1241, %sub3A_1243 : vector<16xi32>
        %convert_element_type3A_1245 = arith.sitofp %sub3A_1244 : vector<16xi32> to vector<16xf32>
        %and3A_1246 = arith.constant 8388607 : i32
        %and3A_1247 = vector.broadcast %and3A_1246 : i32 to vector<16xi32>
        %and3A_1248 = arith.andi %bitcast_convert_type3A_1238, %and3A_1247 : vector<16xi32>
        %or3A_1249 = arith.constant 1065353216 : i32
        %or3A_1250 = vector.broadcast %or3A_1249 : i32 to vector<16xi32>
        %or3A_1251 = arith.ori %and3A_1248, %or3A_1250 : vector<16xi32>
        %bitcast_convert_type3A_1252 = tpu.bitcast %or3A_1251 : vector<16xi32> -> vector<16xf32>
        %sub3A_1253 = arith.constant 1.000000e+00 : f32
        %sub3A_1254 = vector.broadcast %sub3A_1253 : f32 to vector<16xf32>
        %sub3A_1255 = arith.subf %bitcast_convert_type3A_1252, %sub3A_1254 : vector<16xf32>
        %mul3A_1256 = arith.constant -0.02491205 : f32
        %mul3A_1257 = vector.broadcast %mul3A_1256 : f32 to vector<16xf32>
        %mul3A_1258 = arith.mulf %mul3A_1257, %sub3A_1255 : vector<16xf32>
        %add3A_1259 = arith.constant 0.0848740711 : f32
        %add3A_1260 = vector.broadcast %add3A_1259 : f32 to vector<16xf32>
        %add3A_1261 = arith.addf %mul3A_1258, %add3A_1260 : vector<16xf32>
        %mul3A_1262 = arith.mulf %add3A_1261, %sub3A_1255 : vector<16xf32>
        %add3A_1263 = arith.constant -0.162214354 : f32
        %add3A_1264 = vector.broadcast %add3A_1263 : f32 to vector<16xf32>
        %add3A_1265 = arith.addf %mul3A_1262, %add3A_1264 : vector<16xf32>
        %mul3A_1266 = arith.mulf %add3A_1265, %sub3A_1255 : vector<16xf32>
        %add3A_1267 = arith.constant 0.333206803 : f32
        %add3A_1268 = vector.broadcast %add3A_1267 : f32 to vector<16xf32>
        %add3A_1269 = arith.addf %mul3A_1266, %add3A_1268 : vector<16xf32>
        %mul3A_1270 = arith.constant 0.231049061 : f32
        %mul3A_1271 = vector.broadcast %mul3A_1270 : f32 to vector<16xf32>
        %mul3A_1272 = arith.mulf %convert_element_type3A_1245, %mul3A_1271 : vector<16xf32>
        %mul3A_1273 = arith.mulf %sub3A_1255, %add3A_1269 : vector<16xf32>
        %add3A_1274 = arith.addf %mul3A_1272, %mul3A_1273 : vector<16xf32>
        %sub3A_1275 = arith.subf %mul3A_1237, %add3A_1274 : vector<16xf32>
        %exp3A_1276 = math.exp %sub3A_1275 : vector<16xf32>
        %bitcast_convert_type3A_1277 = tpu.bitcast %get3A_821 : vector<16xf32> -> vector<16xi32>
        %shift_right_arithmetic3A_1278 = arith.constant 23 : i32
        %shift_right_arithmetic3A_1279 = vector.broadcast %shift_right_arithmetic3A_1278 : i32 to vector<16xi32>
        %shift_right_arithmetic3A_1280 = arith.shrsi %bitcast_convert_type3A_1277, %shift_right_arithmetic3A_1279 : vector<16xi32>
        %sub3A_1281 = arith.constant 127 : i32
        %sub3A_1282 = vector.broadcast %sub3A_1281 : i32 to vector<16xi32>
        %sub3A_1283 = arith.subi %shift_right_arithmetic3A_1280, %sub3A_1282 : vector<16xi32>
        %and3A_1284 = arith.constant 8388607 : i32
        %and3A_1285 = vector.broadcast %and3A_1284 : i32 to vector<16xi32>
        %and3A_1286 = arith.andi %bitcast_convert_type3A_1277, %and3A_1285 : vector<16xi32>
        %or3A_1287 = arith.constant 1065353216 : i32
        %or3A_1288 = vector.broadcast %or3A_1287 : i32 to vector<16xi32>
        %or3A_1289 = arith.ori %and3A_1286, %or3A_1288 : vector<16xi32>
        %bitcast_convert_type3A_1290 = tpu.bitcast %or3A_1289 : vector<16xi32> -> vector<16xf32>
        %gt3A_1291 = arith.constant 1.41421354 : f32
        %gt3A_1292 = vector.broadcast %gt3A_1291 : f32 to vector<16xf32>
        %gt3A_1293 = arith.cmpf ogt, %bitcast_convert_type3A_1290, %gt3A_1292 : vector<16xf32>
        %mul3A_1294 = arith.constant 5.000000e-01 : f32
        %mul3A_1295 = vector.broadcast %mul3A_1294 : f32 to vector<16xf32>
        %mul3A_1296 = arith.mulf %bitcast_convert_type3A_1290, %mul3A_1295 : vector<16xf32>
        %select_n3A_1297 = arith.select %gt3A_1293, %mul3A_1296, %bitcast_convert_type3A_1290 : vector<16xi1>, vector<16xf32>
        %jit3A_1298 = arith.constant 1 : i32
        %jit3A_1299 = arith.constant 0 : i32
        %broadcast_in_dim3A_1300 = vector.broadcast %jit3A_1298 : i32 to vector<16xi32>
        %broadcast_in_dim3A_1301 = vector.broadcast %jit3A_1299 : i32 to vector<16xi32>
        %select_n3A_1302 = arith.select %gt3A_1293, %broadcast_in_dim3A_1300, %broadcast_in_dim3A_1301 : vector<16xi1>, vector<16xi32>
        %add3A_1303 = arith.addi %sub3A_1283, %select_n3A_1302 : vector<16xi32>
        %convert_element_type3A_1304 = arith.sitofp %add3A_1303 : vector<16xi32> to vector<16xf32>
        %sub3A_1305 = arith.constant 1.000000e+00 : f32
        %sub3A_1306 = vector.broadcast %sub3A_1305 : f32 to vector<16xf32>
        %sub3A_1307 = arith.subf %select_n3A_1297, %sub3A_1306 : vector<16xf32>
        %mul3A_1308 = arith.constant 0.313053131 : f32
        %mul3A_1309 = vector.broadcast %mul3A_1308 : f32 to vector<16xf32>
        %mul3A_1310 = arith.mulf %mul3A_1309, %sub3A_1307 : vector<16xf32>
        %add3A_1311 = arith.constant -0.520837247 : f32
        %add3A_1312 = vector.broadcast %add3A_1311 : f32 to vector<16xf32>
        %add3A_1313 = arith.addf %mul3A_1310, %add3A_1312 : vector<16xf32>
        %mul3A_1314 = arith.mulf %add3A_1313, %sub3A_1307 : vector<16xf32>
        %add3A_1315 = arith.constant 1.0009464 : f32
        %add3A_1316 = vector.broadcast %add3A_1315 : f32 to vector<16xf32>
        %add3A_1317 = arith.addf %mul3A_1314, %add3A_1316 : vector<16xf32>
        %mul3A_1318 = arith.constant 0.693147182 : f32
        %mul3A_1319 = vector.broadcast %mul3A_1318 : f32 to vector<16xf32>
        %mul3A_1320 = arith.mulf %convert_element_type3A_1304, %mul3A_1319 : vector<16xf32>
        %mul3A_1321 = arith.mulf %sub3A_1307, %add3A_1317 : vector<16xf32>
        %add3A_1322 = arith.addf %mul3A_1320, %mul3A_1321 : vector<16xf32>
        %neg3A_1323 = arith.constant 0.000000e+00 : f32
        %neg3A_1324 = vector.broadcast %neg3A_1323 : f32 to vector<16xf32>
        %neg3A_1325 = arith.subf %neg3A_1324, %add3A_1322 : vector<16xf32>
        %mul3A_1326 = arith.constant 333.333344 : f32
        %mul3A_1327 = vector.broadcast %mul3A_1326 : f32 to vector<16xf32>
        %mul3A_1328 = arith.mulf %get3A_797, %mul3A_1327 : vector<16xf32>
        %bitcast_convert_type3A_1329 = tpu.bitcast %neg3A_1325 : vector<16xf32> -> vector<16xi32>
        %shift_right_arithmetic3A_1330 = arith.constant 23 : i32
        %shift_right_arithmetic3A_1331 = vector.broadcast %shift_right_arithmetic3A_1330 : i32 to vector<16xi32>
        %shift_right_arithmetic3A_1332 = arith.shrsi %bitcast_convert_type3A_1329, %shift_right_arithmetic3A_1331 : vector<16xi32>
        %sub3A_1333 = arith.constant 127 : i32
        %sub3A_1334 = vector.broadcast %sub3A_1333 : i32 to vector<16xi32>
        %sub3A_1335 = arith.subi %shift_right_arithmetic3A_1332, %sub3A_1334 : vector<16xi32>
        %convert_element_type3A_1336 = arith.sitofp %sub3A_1335 : vector<16xi32> to vector<16xf32>
        %and3A_1337 = arith.constant 8388607 : i32
        %and3A_1338 = vector.broadcast %and3A_1337 : i32 to vector<16xi32>
        %and3A_1339 = arith.andi %bitcast_convert_type3A_1329, %and3A_1338 : vector<16xi32>
        %or3A_1340 = arith.constant 1065353216 : i32
        %or3A_1341 = vector.broadcast %or3A_1340 : i32 to vector<16xi32>
        %or3A_1342 = arith.ori %and3A_1339, %or3A_1341 : vector<16xi32>
        %bitcast_convert_type3A_1343 = tpu.bitcast %or3A_1342 : vector<16xi32> -> vector<16xf32>
        %sub3A_1344 = arith.constant 1.000000e+00 : f32
        %sub3A_1345 = vector.broadcast %sub3A_1344 : f32 to vector<16xf32>
        %sub3A_1346 = arith.subf %bitcast_convert_type3A_1343, %sub3A_1345 : vector<16xf32>
        %mul3A_1347 = arith.constant -0.02491205 : f32
        %mul3A_1348 = vector.broadcast %mul3A_1347 : f32 to vector<16xf32>
        %mul3A_1349 = arith.mulf %mul3A_1348, %sub3A_1346 : vector<16xf32>
        %add3A_1350 = arith.constant 0.0848740711 : f32
        %add3A_1351 = vector.broadcast %add3A_1350 : f32 to vector<16xf32>
        %add3A_1352 = arith.addf %mul3A_1349, %add3A_1351 : vector<16xf32>
        %mul3A_1353 = arith.mulf %add3A_1352, %sub3A_1346 : vector<16xf32>
        %add3A_1354 = arith.constant -0.162214354 : f32
        %add3A_1355 = vector.broadcast %add3A_1354 : f32 to vector<16xf32>
        %add3A_1356 = arith.addf %mul3A_1353, %add3A_1355 : vector<16xf32>
        %mul3A_1357 = arith.mulf %add3A_1356, %sub3A_1346 : vector<16xf32>
        %add3A_1358 = arith.constant 0.333206803 : f32
        %add3A_1359 = vector.broadcast %add3A_1358 : f32 to vector<16xf32>
        %add3A_1360 = arith.addf %mul3A_1357, %add3A_1359 : vector<16xf32>
        %mul3A_1361 = arith.constant 0.231049061 : f32
        %mul3A_1362 = vector.broadcast %mul3A_1361 : f32 to vector<16xf32>
        %mul3A_1363 = arith.mulf %convert_element_type3A_1336, %mul3A_1362 : vector<16xf32>
        %mul3A_1364 = arith.mulf %sub3A_1346, %add3A_1360 : vector<16xf32>
        %add3A_1365 = arith.addf %mul3A_1363, %mul3A_1364 : vector<16xf32>
        %sub3A_1366 = arith.subf %mul3A_1328, %add3A_1365 : vector<16xf32>
        %exp3A_1367 = math.exp %sub3A_1366 : vector<16xf32>
        %add3A_1368 = arith.addf %exp3A_912, %exp3A_1003 : vector<16xf32>
        %add3A_1369 = arith.addf %add3A_1368, %exp3A_1094 : vector<16xf32>
        %add3A_1370 = arith.addf %add3A_1369, %exp3A_1185 : vector<16xf32>
        %add3A_1371 = arith.addf %add3A_1370, %exp3A_1276 : vector<16xf32>
        %add3A_1372 = arith.addf %add3A_1371, %exp3A_1367 : vector<16xf32>
        %div3A_1373 = arith.constant 1.000000e+00 : f32
        %div3A_1374 = vector.broadcast %div3A_1373 : f32 to vector<16xf32>
        %div3A_1375 = arith.divf %div3A_1374, %add3A_1372 : vector<16xf32>
        %add3A_1376 = arith.addf %exp3A_912, %exp3A_1003 : vector<16xf32>
        %add3A_1377 = arith.addf %add3A_1376, %exp3A_1094 : vector<16xf32>
        %mul3A_1378 = arith.mulf %add3A_1377, %div3A_1375 : vector<16xf32>
        %add3A_1379 = arith.addf %exp3A_912, %exp3A_1185 : vector<16xf32>
        %add3A_1380 = arith.addf %add3A_1379, %exp3A_1276 : vector<16xf32>
        %mul3A_1381 = arith.mulf %add3A_1380, %div3A_1375 : vector<16xf32>
        %add3A_1382 = arith.addf %exp3A_1003, %exp3A_1185 : vector<16xf32>
        %add3A_1383 = arith.addf %add3A_1382, %exp3A_1367 : vector<16xf32>
        %mul3A_1384 = arith.mulf %add3A_1383, %div3A_1375 : vector<16xf32>
        %add3A_1385 = arith.addf %exp3A_1094, %exp3A_1276 : vector<16xf32>
        %add3A_1386 = arith.addf %add3A_1385, %exp3A_1367 : vector<16xf32>
        %mul3A_1387 = arith.mulf %add3A_1386, %div3A_1375 : vector<16xf32>
        %and3A_1388 = arith.constant 63 : i32
        %and3A_1389 = arith.andi %scan3A_771, %and3A_1388 : i32
        %shift_right_arithmetic3A_1390 = arith.constant 1 : i32
        %shift_right_arithmetic3A_1391 = arith.shrsi %and3A_1389, %shift_right_arithmetic3A_1390 : i32
        %broadcast_in_dim3A_1392 = vector.broadcast %shift_right_arithmetic3A_1391 : i32 to vector<16xi32>
        %shift_right_arithmetic3A_1393 = arith.constant 6 : i32
        %shift_right_arithmetic3A_1394 = arith.shrsi %scan3A_771, %shift_right_arithmetic3A_1393 : i32
        %add3A_1395 = arith.constant 4 : i32
        %add3A_1396 = arith.addi %add3A_1395, %shift_right_arithmetic3A_1394 : i32
        %broadcast_in_dim3A_1397 = vector.broadcast %add3A_1396 : i32 to vector<16xi32>
        %and3A_1398 = arith.constant 1 : i32
        %and3A_1399 = arith.andi %scan3A_771, %and3A_1398 : i32
        %mul3A_1400 = arith.constant 64 : i32
        %mul3A_1401 = arith.muli %and3A_1399, %mul3A_1400 : i32
        %add3A_1402 = arith.constant 0 : i32
        %add3A_1403 = arith.addi %mul3A_1401, %add3A_1402 : i32
        %add3A_1404 = vector.broadcast %add3A_1403 : i32 to vector<16xi32>
        %add3A_1405 = arith.addi %mul3A_7, %add3A_1404 : vector<16xi32>
        tpu.vector_store_idx %arg9[%broadcast_in_dim3A_1392, %broadcast_in_dim3A_1397, %add3A_1405], %mul3A_1378 : memref<32x8x128xf32, #tpu.memory_space<vmem>>[vector<16xi32>, vector<16xi32>, vector<16xi32>], vector<16xf32>,
        %add3A_1406 = arith.constant 1 : i32
        %add3A_1407 = arith.addi %mul3A_1401, %add3A_1406 : i32
        %add3A_1408 = vector.broadcast %add3A_1407 : i32 to vector<16xi32>
        %add3A_1409 = arith.addi %mul3A_7, %add3A_1408 : vector<16xi32>
        tpu.vector_store_idx %arg9[%broadcast_in_dim3A_1392, %broadcast_in_dim3A_1397, %add3A_1409], %mul3A_1381 : memref<32x8x128xf32, #tpu.memory_space<vmem>>[vector<16xi32>, vector<16xi32>, vector<16xi32>], vector<16xf32>,
        %add3A_1410 = arith.constant 2 : i32
        %add3A_1411 = arith.addi %mul3A_1401, %add3A_1410 : i32
        %add3A_1412 = vector.broadcast %add3A_1411 : i32 to vector<16xi32>
        %add3A_1413 = arith.addi %mul3A_7, %add3A_1412 : vector<16xi32>
        tpu.vector_store_idx %arg9[%broadcast_in_dim3A_1392, %broadcast_in_dim3A_1397, %add3A_1413], %mul3A_1384 : memref<32x8x128xf32, #tpu.memory_space<vmem>>[vector<16xi32>, vector<16xi32>, vector<16xi32>], vector<16xf32>,
        %add3A_1414 = arith.constant 3 : i32
        %add3A_1415 = arith.addi %mul3A_1401, %add3A_1414 : i32
        %add3A_1416 = vector.broadcast %add3A_1415 : i32 to vector<16xi32>
        %add3A_1417 = arith.addi %mul3A_7, %add3A_1416 : vector<16xi32>
        tpu.vector_store_idx %arg9[%broadcast_in_dim3A_1392, %broadcast_in_dim3A_1397, %add3A_1417], %mul3A_1387 : memref<32x8x128xf32, #tpu.memory_space<vmem>>[vector<16xi32>, vector<16xi32>, vector<16xi32>], vector<16xf32>,
      }
      %scan3A_105 = arith.constant 128 : i32
      %mul3A_106 = arith.constant 4 : i32
      %mul3A_107 = arith.muli %scan3A_22, %mul3A_106 : i32
      %add3A_108 = arith.constant 3 : i32
      %add3A_109 = arith.addi %mul3A_107, %add3A_108 : i32
      %add3A_110 = arith.constant 1 : i32
      %add3A_111 = arith.addi %add3A_109, %add3A_110 : i32
      %lt3A_112 = arith.constant 64 : i32
      %lt3A_113 = arith.cmpi slt, %add3A_111, %lt3A_112 : i32
      %convert_element_type3A_114 = arith.extui %lt3A_113 : i1 to i32
      %cond3A_115 = arith.constant 0 : i32
      %cond3A_116 = arith.cmpi ne, %convert_element_type3A_114, %cond3A_115 : i32
      scf.if %cond3A_116 {
        %add3A_136 = arith.constant 1 : i32
        %add3A_137 = arith.addi %add3A_109, %add3A_136 : i32
        %mul3A_138 = arith.constant 2048 : i32
        %mul3A_139 = arith.muli %add3A_137, %mul3A_138 : i32
        %add3A_140 = arith.addi %mul3A_2, %mul3A_139 : i32
        %dma_start3A_141 = arith.constant 0 : i32
        %dma_start3A_142 = tpu.memref_slice %arg2[%dma_start3A_141, %add3A_140] : memref<6x4194304xf32, #tpu.memory_space<hbm>> -> memref<6x2048xf32, #tpu.memory_space<hbm>>
        %dma_start3A_143 = arith.constant 0 : i32
        %dma_start3A_144 = tpu.memref_slice %arg2[%dma_start3A_143, %add3A_140] : memref<6x4194304xf32, #tpu.memory_space<hbm>> -> memref<6x2048xf32, #tpu.memory_space<hbm>>
        tpu.enqueue_dma source(%dma_start3A_144 : memref<6x2048xf32, #tpu.memory_space<hbm>>) target(%arg5 : memref<6x2048xf32, #tpu.memory_space<vmem>>) target_semaphore(%arg10 : memref<!tpu.dma_semaphore, #tpu.memory_space<semaphore_mem>>)
        %dma_start3A_145 = arith.constant 0 : i32
        %dma_start3A_146 = tpu.memref_slice %arg3[%dma_start3A_145, %add3A_140] : memref<6x4194304xf32, #tpu.memory_space<hbm>> -> memref<6x2048xf32, #tpu.memory_space<hbm>>
        %dma_start3A_147 = arith.constant 0 : i32
        %dma_start3A_148 = tpu.memref_slice %arg3[%dma_start3A_147, %add3A_140] : memref<6x4194304xf32, #tpu.memory_space<hbm>> -> memref<6x2048xf32, #tpu.memory_space<hbm>>
        tpu.enqueue_dma source(%dma_start3A_148 : memref<6x2048xf32, #tpu.memory_space<hbm>>) target(%arg7 : memref<6x2048xf32, #tpu.memory_space<vmem>>) target_semaphore(%arg12 : memref<!tpu.dma_semaphore, #tpu.memory_space<semaphore_mem>>)
      } else {
      }
      %dma_wait3A_117 = arith.constant 0 : i32
      %dma_wait3A_118 = arith.constant 0 : i32
      %dma_wait3A_119 = tpu.memref_slice %arg2[%dma_wait3A_117, %dma_wait3A_118] : memref<6x4194304xf32, #tpu.memory_space<hbm>> -> memref<6x2048xf32, #tpu.memory_space<hbm>>
      %dma_wait3A_120 = arith.constant 0 : i32
      %dma_wait3A_121 = arith.constant 0 : i32
      %dma_wait3A_122 = tpu.memref_slice %arg2[%dma_wait3A_120, %dma_wait3A_121] : memref<6x4194304xf32, #tpu.memory_space<hbm>> -> memref<6x2048xf32, #tpu.memory_space<hbm>>
      tpu.wait_dma2 semaphore(%arg11 : memref<!tpu.dma_semaphore, #tpu.memory_space<semaphore_mem>>) src(%dma_wait3A_122 : memref<6x2048xf32, #tpu.memory_space<hbm>>) dst(%arg6 : memref<6x2048xf32, #tpu.memory_space<vmem>>)
      %dma_wait3A_123 = arith.constant 0 : i32
      %dma_wait3A_124 = arith.constant 0 : i32
      %dma_wait3A_125 = tpu.memref_slice %arg3[%dma_wait3A_123, %dma_wait3A_124] : memref<6x4194304xf32, #tpu.memory_space<hbm>> -> memref<6x2048xf32, #tpu.memory_space<hbm>>
      %dma_wait3A_126 = arith.constant 0 : i32
      %dma_wait3A_127 = arith.constant 0 : i32
      %dma_wait3A_128 = tpu.memref_slice %arg3[%dma_wait3A_126, %dma_wait3A_127] : memref<6x4194304xf32, #tpu.memory_space<hbm>> -> memref<6x2048xf32, #tpu.memory_space<hbm>>
      tpu.wait_dma2 semaphore(%arg13 : memref<!tpu.dma_semaphore, #tpu.memory_space<semaphore_mem>>) src(%dma_wait3A_128 : memref<6x2048xf32, #tpu.memory_space<hbm>>) dst(%arg8 : memref<6x2048xf32, #tpu.memory_space<vmem>>)
      %scan3A_129 = arith.constant 0 : i32
      %scan3A_130 = arith.constant 0 : i32
      %scan3A_131 = arith.constant 128 : i32
      %scan3A_132 = arith.addi %scan3A_130, %scan3A_131 : i32
      %scan3A_133 = arith.constant 2 : i32
      scf.for %scan3A_136 = %scan3A_130 to %scan3A_132 step %scan3A_133  : i32 {
        %mul3A_137 = arith.constant 16 : i32
        %mul3A_138 = arith.muli %scan3A_136, %mul3A_137 : i32
        %get3A = arith.constant 0 : i32
        %get3A_139 = arith.index_cast %get3A : i32 to index
        %get3A_140 = arith.index_cast %mul3A_138 : i32 to index
        %get3A_141 = tpu.vector_load %arg6[%get3A_139, %get3A_140] {strides = array<i32>} : memref<6x2048xf32, #tpu.memory_space<vmem>>, vector<16xf32>,
        %get3A_142 = arith.constant 1 : i32
        %get3A_143 = arith.index_cast %get3A_142 : i32 to index
        %get3A_144 = arith.index_cast %mul3A_138 : i32 to index
        %get3A_145 = tpu.vector_load %arg6[%get3A_143, %get3A_144] {strides = array<i32>} : memref<6x2048xf32, #tpu.memory_space<vmem>>, vector<16xf32>,
        %get3A_146 = arith.constant 2 : i32
        %get3A_147 = arith.index_cast %get3A_146 : i32 to index
        %get3A_148 = arith.index_cast %mul3A_138 : i32 to index
        %get3A_149 = tpu.vector_load %arg6[%get3A_147, %get3A_148] {strides = array<i32>} : memref<6x2048xf32, #tpu.memory_space<vmem>>, vector<16xf32>,
        %get3A_150 = arith.constant 3 : i32
        %get3A_151 = arith.index_cast %get3A_150 : i32 to index
        %get3A_152 = arith.index_cast %mul3A_138 : i32 to index
        %get3A_153 = tpu.vector_load %arg6[%get3A_151, %get3A_152] {strides = array<i32>} : memref<6x2048xf32, #tpu.memory_space<vmem>>, vector<16xf32>,
        %get3A_154 = arith.constant 4 : i32
        %get3A_155 = arith.index_cast %get3A_154 : i32 to index
        %get3A_156 = arith.index_cast %mul3A_138 : i32 to index
        %get3A_157 = tpu.vector_load %arg6[%get3A_155, %get3A_156] {strides = array<i32>} : memref<6x2048xf32, #tpu.memory_space<vmem>>, vector<16xf32>,
        %get3A_158 = arith.constant 5 : i32
        %get3A_159 = arith.index_cast %get3A_158 : i32 to index
        %get3A_160 = arith.index_cast %mul3A_138 : i32 to index
        %get3A_161 = tpu.vector_load %arg6[%get3A_159, %get3A_160] {strides = array<i32>} : memref<6x2048xf32, #tpu.memory_space<vmem>>, vector<16xf32>,
        %get3A_162 = arith.constant 0 : i32
        %get3A_163 = arith.index_cast %get3A_162 : i32 to index
        %get3A_164 = arith.index_cast %mul3A_138 : i32 to index
        %get3A_165 = tpu.vector_load %arg8[%get3A_163, %get3A_164] {strides = array<i32>} : memref<6x2048xf32, #tpu.memory_space<vmem>>, vector<16xf32>,
        %get3A_166 = arith.constant 1 : i32
        %get3A_167 = arith.index_cast %get3A_166 : i32 to index
        %get3A_168 = arith.index_cast %mul3A_138 : i32 to index
        %get3A_169 = tpu.vector_load %arg8[%get3A_167, %get3A_168] {strides = array<i32>} : memref<6x2048xf32, #tpu.memory_space<vmem>>, vector<16xf32>,
        %get3A_170 = arith.constant 2 : i32
        %get3A_171 = arith.index_cast %get3A_170 : i32 to index
        %get3A_172 = arith.index_cast %mul3A_138 : i32 to index
        %get3A_173 = tpu.vector_load %arg8[%get3A_171, %get3A_172] {strides = array<i32>} : memref<6x2048xf32, #tpu.memory_space<vmem>>, vector<16xf32>,
        %get3A_174 = arith.constant 3 : i32
        %get3A_175 = arith.index_cast %get3A_174 : i32 to index
        %get3A_176 = arith.index_cast %mul3A_138 : i32 to index
        %get3A_177 = tpu.vector_load %arg8[%get3A_175, %get3A_176] {strides = array<i32>} : memref<6x2048xf32, #tpu.memory_space<vmem>>, vector<16xf32>,
        %get3A_178 = arith.constant 4 : i32
        %get3A_179 = arith.index_cast %get3A_178 : i32 to index
        %get3A_180 = arith.index_cast %mul3A_138 : i32 to index
        %get3A_181 = tpu.vector_load %arg8[%get3A_179, %get3A_180] {strides = array<i32>} : memref<6x2048xf32, #tpu.memory_space<vmem>>, vector<16xf32>,
        %get3A_182 = arith.constant 5 : i32
        %get3A_183 = arith.index_cast %get3A_182 : i32 to index
        %get3A_184 = arith.index_cast %mul3A_138 : i32 to index
        %get3A_185 = tpu.vector_load %arg8[%get3A_183, %get3A_184] {strides = array<i32>} : memref<6x2048xf32, #tpu.memory_space<vmem>>, vector<16xf32>,
        %bitcast_convert_type3A = tpu.bitcast %get3A_165 : vector<16xf32> -> vector<16xi32>
        %shift_right_arithmetic3A = arith.constant 23 : i32
        %shift_right_arithmetic3A_186 = vector.broadcast %shift_right_arithmetic3A : i32 to vector<16xi32>
        %shift_right_arithmetic3A_187 = arith.shrsi %bitcast_convert_type3A, %shift_right_arithmetic3A_186 : vector<16xi32>
        %sub3A = arith.constant 127 : i32
        %sub3A_188 = vector.broadcast %sub3A : i32 to vector<16xi32>
        %sub3A_189 = arith.subi %shift_right_arithmetic3A_187, %sub3A_188 : vector<16xi32>
        %and3A = arith.constant 8388607 : i32
        %and3A_190 = vector.broadcast %and3A : i32 to vector<16xi32>
        %and3A_191 = arith.andi %bitcast_convert_type3A, %and3A_190 : vector<16xi32>
        %or3A = arith.constant 1065353216 : i32
        %or3A_192 = vector.broadcast %or3A : i32 to vector<16xi32>
        %or3A_193 = arith.ori %and3A_191, %or3A_192 : vector<16xi32>
        %bitcast_convert_type3A_194 = tpu.bitcast %or3A_193 : vector<16xi32> -> vector<16xf32>
        %gt3A = arith.constant 1.41421354 : f32
        %gt3A_195 = vector.broadcast %gt3A : f32 to vector<16xf32>
        %gt3A_196 = arith.cmpf ogt, %bitcast_convert_type3A_194, %gt3A_195 : vector<16xf32>
        %mul3A_197 = arith.constant 5.000000e-01 : f32
        %mul3A_198 = vector.broadcast %mul3A_197 : f32 to vector<16xf32>
        %mul3A_199 = arith.mulf %bitcast_convert_type3A_194, %mul3A_198 : vector<16xf32>
        %select_n3A = arith.select %gt3A_196, %mul3A_199, %bitcast_convert_type3A_194 : vector<16xi1>, vector<16xf32>
        %jit3A = arith.constant 1 : i32
        %jit3A_200 = arith.constant 0 : i32
        %broadcast_in_dim3A = vector.broadcast %jit3A : i32 to vector<16xi32>
        %broadcast_in_dim3A_201 = vector.broadcast %jit3A_200 : i32 to vector<16xi32>
        %select_n3A_202 = arith.select %gt3A_196, %broadcast_in_dim3A, %broadcast_in_dim3A_201 : vector<16xi1>, vector<16xi32>
        %add3A_203 = arith.addi %sub3A_189, %select_n3A_202 : vector<16xi32>
        %convert_element_type3A_204 = arith.sitofp %add3A_203 : vector<16xi32> to vector<16xf32>
        %sub3A_205 = arith.constant 1.000000e+00 : f32
        %sub3A_206 = vector.broadcast %sub3A_205 : f32 to vector<16xf32>
        %sub3A_207 = arith.subf %select_n3A, %sub3A_206 : vector<16xf32>
        %mul3A_208 = arith.constant 0.313053131 : f32
        %mul3A_209 = vector.broadcast %mul3A_208 : f32 to vector<16xf32>
        %mul3A_210 = arith.mulf %mul3A_209, %sub3A_207 : vector<16xf32>
        %add3A_211 = arith.constant -0.520837247 : f32
        %add3A_212 = vector.broadcast %add3A_211 : f32 to vector<16xf32>
        %add3A_213 = arith.addf %mul3A_210, %add3A_212 : vector<16xf32>
        %mul3A_214 = arith.mulf %add3A_213, %sub3A_207 : vector<16xf32>
        %add3A_215 = arith.constant 1.0009464 : f32
        %add3A_216 = vector.broadcast %add3A_215 : f32 to vector<16xf32>
        %add3A_217 = arith.addf %mul3A_214, %add3A_216 : vector<16xf32>
        %mul3A_218 = arith.constant 0.693147182 : f32
        %mul3A_219 = vector.broadcast %mul3A_218 : f32 to vector<16xf32>
        %mul3A_220 = arith.mulf %convert_element_type3A_204, %mul3A_219 : vector<16xf32>
        %mul3A_221 = arith.mulf %sub3A_207, %add3A_217 : vector<16xf32>
        %add3A_222 = arith.addf %mul3A_220, %mul3A_221 : vector<16xf32>
        %neg3A = arith.constant 0.000000e+00 : f32
        %neg3A_223 = vector.broadcast %neg3A : f32 to vector<16xf32>
        %neg3A_224 = arith.subf %neg3A_223, %add3A_222 : vector<16xf32>
        %mul3A_225 = arith.constant 333.333344 : f32
        %mul3A_226 = vector.broadcast %mul3A_225 : f32 to vector<16xf32>
        %mul3A_227 = arith.mulf %get3A_141, %mul3A_226 : vector<16xf32>
        %bitcast_convert_type3A_228 = tpu.bitcast %neg3A_224 : vector<16xf32> -> vector<16xi32>
        %shift_right_arithmetic3A_229 = arith.constant 23 : i32
        %shift_right_arithmetic3A_230 = vector.broadcast %shift_right_arithmetic3A_229 : i32 to vector<16xi32>
        %shift_right_arithmetic3A_231 = arith.shrsi %bitcast_convert_type3A_228, %shift_right_arithmetic3A_230 : vector<16xi32>
        %sub3A_232 = arith.constant 127 : i32
        %sub3A_233 = vector.broadcast %sub3A_232 : i32 to vector<16xi32>
        %sub3A_234 = arith.subi %shift_right_arithmetic3A_231, %sub3A_233 : vector<16xi32>
        %convert_element_type3A_235 = arith.sitofp %sub3A_234 : vector<16xi32> to vector<16xf32>
        %and3A_236 = arith.constant 8388607 : i32
        %and3A_237 = vector.broadcast %and3A_236 : i32 to vector<16xi32>
        %and3A_238 = arith.andi %bitcast_convert_type3A_228, %and3A_237 : vector<16xi32>
        %or3A_239 = arith.constant 1065353216 : i32
        %or3A_240 = vector.broadcast %or3A_239 : i32 to vector<16xi32>
        %or3A_241 = arith.ori %and3A_238, %or3A_240 : vector<16xi32>
        %bitcast_convert_type3A_242 = tpu.bitcast %or3A_241 : vector<16xi32> -> vector<16xf32>
        %sub3A_243 = arith.constant 1.000000e+00 : f32
        %sub3A_244 = vector.broadcast %sub3A_243 : f32 to vector<16xf32>
        %sub3A_245 = arith.subf %bitcast_convert_type3A_242, %sub3A_244 : vector<16xf32>
        %mul3A_246 = arith.constant -0.02491205 : f32
        %mul3A_247 = vector.broadcast %mul3A_246 : f32 to vector<16xf32>
        %mul3A_248 = arith.mulf %mul3A_247, %sub3A_245 : vector<16xf32>
        %add3A_249 = arith.constant 0.0848740711 : f32
        %add3A_250 = vector.broadcast %add3A_249 : f32 to vector<16xf32>
        %add3A_251 = arith.addf %mul3A_248, %add3A_250 : vector<16xf32>
        %mul3A_252 = arith.mulf %add3A_251, %sub3A_245 : vector<16xf32>
        %add3A_253 = arith.constant -0.162214354 : f32
        %add3A_254 = vector.broadcast %add3A_253 : f32 to vector<16xf32>
        %add3A_255 = arith.addf %mul3A_252, %add3A_254 : vector<16xf32>
        %mul3A_256 = arith.mulf %add3A_255, %sub3A_245 : vector<16xf32>
        %add3A_257 = arith.constant 0.333206803 : f32
        %add3A_258 = vector.broadcast %add3A_257 : f32 to vector<16xf32>
        %add3A_259 = arith.addf %mul3A_256, %add3A_258 : vector<16xf32>
        %mul3A_260 = arith.constant 0.231049061 : f32
        %mul3A_261 = vector.broadcast %mul3A_260 : f32 to vector<16xf32>
        %mul3A_262 = arith.mulf %convert_element_type3A_235, %mul3A_261 : vector<16xf32>
        %mul3A_263 = arith.mulf %sub3A_245, %add3A_259 : vector<16xf32>
        %add3A_264 = arith.addf %mul3A_262, %mul3A_263 : vector<16xf32>
        %sub3A_265 = arith.subf %mul3A_227, %add3A_264 : vector<16xf32>
        %exp3A = math.exp %sub3A_265 : vector<16xf32>
        %bitcast_convert_type3A_266 = tpu.bitcast %get3A_169 : vector<16xf32> -> vector<16xi32>
        %shift_right_arithmetic3A_267 = arith.constant 23 : i32
        %shift_right_arithmetic3A_268 = vector.broadcast %shift_right_arithmetic3A_267 : i32 to vector<16xi32>
        %shift_right_arithmetic3A_269 = arith.shrsi %bitcast_convert_type3A_266, %shift_right_arithmetic3A_268 : vector<16xi32>
        %sub3A_270 = arith.constant 127 : i32
        %sub3A_271 = vector.broadcast %sub3A_270 : i32 to vector<16xi32>
        %sub3A_272 = arith.subi %shift_right_arithmetic3A_269, %sub3A_271 : vector<16xi32>
        %and3A_273 = arith.constant 8388607 : i32
        %and3A_274 = vector.broadcast %and3A_273 : i32 to vector<16xi32>
        %and3A_275 = arith.andi %bitcast_convert_type3A_266, %and3A_274 : vector<16xi32>
        %or3A_276 = arith.constant 1065353216 : i32
        %or3A_277 = vector.broadcast %or3A_276 : i32 to vector<16xi32>
        %or3A_278 = arith.ori %and3A_275, %or3A_277 : vector<16xi32>
        %bitcast_convert_type3A_279 = tpu.bitcast %or3A_278 : vector<16xi32> -> vector<16xf32>
        %gt3A_280 = arith.constant 1.41421354 : f32
        %gt3A_281 = vector.broadcast %gt3A_280 : f32 to vector<16xf32>
        %gt3A_282 = arith.cmpf ogt, %bitcast_convert_type3A_279, %gt3A_281 : vector<16xf32>
        %mul3A_283 = arith.constant 5.000000e-01 : f32
        %mul3A_284 = vector.broadcast %mul3A_283 : f32 to vector<16xf32>
        %mul3A_285 = arith.mulf %bitcast_convert_type3A_279, %mul3A_284 : vector<16xf32>
        %select_n3A_286 = arith.select %gt3A_282, %mul3A_285, %bitcast_convert_type3A_279 : vector<16xi1>, vector<16xf32>
        %jit3A_287 = arith.constant 1 : i32
        %jit3A_288 = arith.constant 0 : i32
        %broadcast_in_dim3A_289 = vector.broadcast %jit3A_287 : i32 to vector<16xi32>
        %broadcast_in_dim3A_290 = vector.broadcast %jit3A_288 : i32 to vector<16xi32>
        %select_n3A_291 = arith.select %gt3A_282, %broadcast_in_dim3A_289, %broadcast_in_dim3A_290 : vector<16xi1>, vector<16xi32>
        %add3A_292 = arith.addi %sub3A_272, %select_n3A_291 : vector<16xi32>
        %convert_element_type3A_293 = arith.sitofp %add3A_292 : vector<16xi32> to vector<16xf32>
        %sub3A_294 = arith.constant 1.000000e+00 : f32
        %sub3A_295 = vector.broadcast %sub3A_294 : f32 to vector<16xf32>
        %sub3A_296 = arith.subf %select_n3A_286, %sub3A_295 : vector<16xf32>
        %mul3A_297 = arith.constant 0.313053131 : f32
        %mul3A_298 = vector.broadcast %mul3A_297 : f32 to vector<16xf32>
        %mul3A_299 = arith.mulf %mul3A_298, %sub3A_296 : vector<16xf32>
        %add3A_300 = arith.constant -0.520837247 : f32
        %add3A_301 = vector.broadcast %add3A_300 : f32 to vector<16xf32>
        %add3A_302 = arith.addf %mul3A_299, %add3A_301 : vector<16xf32>
        %mul3A_303 = arith.mulf %add3A_302, %sub3A_296 : vector<16xf32>
        %add3A_304 = arith.constant 1.0009464 : f32
        %add3A_305 = vector.broadcast %add3A_304 : f32 to vector<16xf32>
        %add3A_306 = arith.addf %mul3A_303, %add3A_305 : vector<16xf32>
        %mul3A_307 = arith.constant 0.693147182 : f32
        %mul3A_308 = vector.broadcast %mul3A_307 : f32 to vector<16xf32>
        %mul3A_309 = arith.mulf %convert_element_type3A_293, %mul3A_308 : vector<16xf32>
        %mul3A_310 = arith.mulf %sub3A_296, %add3A_306 : vector<16xf32>
        %add3A_311 = arith.addf %mul3A_309, %mul3A_310 : vector<16xf32>
        %neg3A_312 = arith.constant 0.000000e+00 : f32
        %neg3A_313 = vector.broadcast %neg3A_312 : f32 to vector<16xf32>
        %neg3A_314 = arith.subf %neg3A_313, %add3A_311 : vector<16xf32>
        %mul3A_315 = arith.constant 333.333344 : f32
        %mul3A_316 = vector.broadcast %mul3A_315 : f32 to vector<16xf32>
        %mul3A_317 = arith.mulf %get3A_145, %mul3A_316 : vector<16xf32>
        %bitcast_convert_type3A_318 = tpu.bitcast %neg3A_314 : vector<16xf32> -> vector<16xi32>
        %shift_right_arithmetic3A_319 = arith.constant 23 : i32
        %shift_right_arithmetic3A_320 = vector.broadcast %shift_right_arithmetic3A_319 : i32 to vector<16xi32>
        %shift_right_arithmetic3A_321 = arith.shrsi %bitcast_convert_type3A_318, %shift_right_arithmetic3A_320 : vector<16xi32>
        %sub3A_322 = arith.constant 127 : i32
        %sub3A_323 = vector.broadcast %sub3A_322 : i32 to vector<16xi32>
        %sub3A_324 = arith.subi %shift_right_arithmetic3A_321, %sub3A_323 : vector<16xi32>
        %convert_element_type3A_325 = arith.sitofp %sub3A_324 : vector<16xi32> to vector<16xf32>
        %and3A_326 = arith.constant 8388607 : i32
        %and3A_327 = vector.broadcast %and3A_326 : i32 to vector<16xi32>
        %and3A_328 = arith.andi %bitcast_convert_type3A_318, %and3A_327 : vector<16xi32>
        %or3A_329 = arith.constant 1065353216 : i32
        %or3A_330 = vector.broadcast %or3A_329 : i32 to vector<16xi32>
        %or3A_331 = arith.ori %and3A_328, %or3A_330 : vector<16xi32>
        %bitcast_convert_type3A_332 = tpu.bitcast %or3A_331 : vector<16xi32> -> vector<16xf32>
        %sub3A_333 = arith.constant 1.000000e+00 : f32
        %sub3A_334 = vector.broadcast %sub3A_333 : f32 to vector<16xf32>
        %sub3A_335 = arith.subf %bitcast_convert_type3A_332, %sub3A_334 : vector<16xf32>
        %mul3A_336 = arith.constant -0.02491205 : f32
        %mul3A_337 = vector.broadcast %mul3A_336 : f32 to vector<16xf32>
        %mul3A_338 = arith.mulf %mul3A_337, %sub3A_335 : vector<16xf32>
        %add3A_339 = arith.constant 0.0848740711 : f32
        %add3A_340 = vector.broadcast %add3A_339 : f32 to vector<16xf32>
        %add3A_341 = arith.addf %mul3A_338, %add3A_340 : vector<16xf32>
        %mul3A_342 = arith.mulf %add3A_341, %sub3A_335 : vector<16xf32>
        %add3A_343 = arith.constant -0.162214354 : f32
        %add3A_344 = vector.broadcast %add3A_343 : f32 to vector<16xf32>
        %add3A_345 = arith.addf %mul3A_342, %add3A_344 : vector<16xf32>
        %mul3A_346 = arith.mulf %add3A_345, %sub3A_335 : vector<16xf32>
        %add3A_347 = arith.constant 0.333206803 : f32
        %add3A_348 = vector.broadcast %add3A_347 : f32 to vector<16xf32>
        %add3A_349 = arith.addf %mul3A_346, %add3A_348 : vector<16xf32>
        %mul3A_350 = arith.constant 0.231049061 : f32
        %mul3A_351 = vector.broadcast %mul3A_350 : f32 to vector<16xf32>
        %mul3A_352 = arith.mulf %convert_element_type3A_325, %mul3A_351 : vector<16xf32>
        %mul3A_353 = arith.mulf %sub3A_335, %add3A_349 : vector<16xf32>
        %add3A_354 = arith.addf %mul3A_352, %mul3A_353 : vector<16xf32>
        %sub3A_355 = arith.subf %mul3A_317, %add3A_354 : vector<16xf32>
        %exp3A_356 = math.exp %sub3A_355 : vector<16xf32>
        %bitcast_convert_type3A_357 = tpu.bitcast %get3A_173 : vector<16xf32> -> vector<16xi32>
        %shift_right_arithmetic3A_358 = arith.constant 23 : i32
        %shift_right_arithmetic3A_359 = vector.broadcast %shift_right_arithmetic3A_358 : i32 to vector<16xi32>
        %shift_right_arithmetic3A_360 = arith.shrsi %bitcast_convert_type3A_357, %shift_right_arithmetic3A_359 : vector<16xi32>
        %sub3A_361 = arith.constant 127 : i32
        %sub3A_362 = vector.broadcast %sub3A_361 : i32 to vector<16xi32>
        %sub3A_363 = arith.subi %shift_right_arithmetic3A_360, %sub3A_362 : vector<16xi32>
        %and3A_364 = arith.constant 8388607 : i32
        %and3A_365 = vector.broadcast %and3A_364 : i32 to vector<16xi32>
        %and3A_366 = arith.andi %bitcast_convert_type3A_357, %and3A_365 : vector<16xi32>
        %or3A_367 = arith.constant 1065353216 : i32
        %or3A_368 = vector.broadcast %or3A_367 : i32 to vector<16xi32>
        %or3A_369 = arith.ori %and3A_366, %or3A_368 : vector<16xi32>
        %bitcast_convert_type3A_370 = tpu.bitcast %or3A_369 : vector<16xi32> -> vector<16xf32>
        %gt3A_371 = arith.constant 1.41421354 : f32
        %gt3A_372 = vector.broadcast %gt3A_371 : f32 to vector<16xf32>
        %gt3A_373 = arith.cmpf ogt, %bitcast_convert_type3A_370, %gt3A_372 : vector<16xf32>
        %mul3A_374 = arith.constant 5.000000e-01 : f32
        %mul3A_375 = vector.broadcast %mul3A_374 : f32 to vector<16xf32>
        %mul3A_376 = arith.mulf %bitcast_convert_type3A_370, %mul3A_375 : vector<16xf32>
        %select_n3A_377 = arith.select %gt3A_373, %mul3A_376, %bitcast_convert_type3A_370 : vector<16xi1>, vector<16xf32>
        %jit3A_378 = arith.constant 1 : i32
        %jit3A_379 = arith.constant 0 : i32
        %broadcast_in_dim3A_380 = vector.broadcast %jit3A_378 : i32 to vector<16xi32>
        %broadcast_in_dim3A_381 = vector.broadcast %jit3A_379 : i32 to vector<16xi32>
        %select_n3A_382 = arith.select %gt3A_373, %broadcast_in_dim3A_380, %broadcast_in_dim3A_381 : vector<16xi1>, vector<16xi32>
        %add3A_383 = arith.addi %sub3A_363, %select_n3A_382 : vector<16xi32>
        %convert_element_type3A_384 = arith.sitofp %add3A_383 : vector<16xi32> to vector<16xf32>
        %sub3A_385 = arith.constant 1.000000e+00 : f32
        %sub3A_386 = vector.broadcast %sub3A_385 : f32 to vector<16xf32>
        %sub3A_387 = arith.subf %select_n3A_377, %sub3A_386 : vector<16xf32>
        %mul3A_388 = arith.constant 0.313053131 : f32
        %mul3A_389 = vector.broadcast %mul3A_388 : f32 to vector<16xf32>
        %mul3A_390 = arith.mulf %mul3A_389, %sub3A_387 : vector<16xf32>
        %add3A_391 = arith.constant -0.520837247 : f32
        %add3A_392 = vector.broadcast %add3A_391 : f32 to vector<16xf32>
        %add3A_393 = arith.addf %mul3A_390, %add3A_392 : vector<16xf32>
        %mul3A_394 = arith.mulf %add3A_393, %sub3A_387 : vector<16xf32>
        %add3A_395 = arith.constant 1.0009464 : f32
        %add3A_396 = vector.broadcast %add3A_395 : f32 to vector<16xf32>
        %add3A_397 = arith.addf %mul3A_394, %add3A_396 : vector<16xf32>
        %mul3A_398 = arith.constant 0.693147182 : f32
        %mul3A_399 = vector.broadcast %mul3A_398 : f32 to vector<16xf32>
        %mul3A_400 = arith.mulf %convert_element_type3A_384, %mul3A_399 : vector<16xf32>
        %mul3A_401 = arith.mulf %sub3A_387, %add3A_397 : vector<16xf32>
        %add3A_402 = arith.addf %mul3A_400, %mul3A_401 : vector<16xf32>
        %neg3A_403 = arith.constant 0.000000e+00 : f32
        %neg3A_404 = vector.broadcast %neg3A_403 : f32 to vector<16xf32>
        %neg3A_405 = arith.subf %neg3A_404, %add3A_402 : vector<16xf32>
        %mul3A_406 = arith.constant 333.333344 : f32
        %mul3A_407 = vector.broadcast %mul3A_406 : f32 to vector<16xf32>
        %mul3A_408 = arith.mulf %get3A_149, %mul3A_407 : vector<16xf32>
        %bitcast_convert_type3A_409 = tpu.bitcast %neg3A_405 : vector<16xf32> -> vector<16xi32>
        %shift_right_arithmetic3A_410 = arith.constant 23 : i32
        %shift_right_arithmetic3A_411 = vector.broadcast %shift_right_arithmetic3A_410 : i32 to vector<16xi32>
        %shift_right_arithmetic3A_412 = arith.shrsi %bitcast_convert_type3A_409, %shift_right_arithmetic3A_411 : vector<16xi32>
        %sub3A_413 = arith.constant 127 : i32
        %sub3A_414 = vector.broadcast %sub3A_413 : i32 to vector<16xi32>
        %sub3A_415 = arith.subi %shift_right_arithmetic3A_412, %sub3A_414 : vector<16xi32>
        %convert_element_type3A_416 = arith.sitofp %sub3A_415 : vector<16xi32> to vector<16xf32>
        %and3A_417 = arith.constant 8388607 : i32
        %and3A_418 = vector.broadcast %and3A_417 : i32 to vector<16xi32>
        %and3A_419 = arith.andi %bitcast_convert_type3A_409, %and3A_418 : vector<16xi32>
        %or3A_420 = arith.constant 1065353216 : i32
        %or3A_421 = vector.broadcast %or3A_420 : i32 to vector<16xi32>
        %or3A_422 = arith.ori %and3A_419, %or3A_421 : vector<16xi32>
        %bitcast_convert_type3A_423 = tpu.bitcast %or3A_422 : vector<16xi32> -> vector<16xf32>
        %sub3A_424 = arith.constant 1.000000e+00 : f32
        %sub3A_425 = vector.broadcast %sub3A_424 : f32 to vector<16xf32>
        %sub3A_426 = arith.subf %bitcast_convert_type3A_423, %sub3A_425 : vector<16xf32>
        %mul3A_427 = arith.constant -0.02491205 : f32
        %mul3A_428 = vector.broadcast %mul3A_427 : f32 to vector<16xf32>
        %mul3A_429 = arith.mulf %mul3A_428, %sub3A_426 : vector<16xf32>
        %add3A_430 = arith.constant 0.0848740711 : f32
        %add3A_431 = vector.broadcast %add3A_430 : f32 to vector<16xf32>
        %add3A_432 = arith.addf %mul3A_429, %add3A_431 : vector<16xf32>
        %mul3A_433 = arith.mulf %add3A_432, %sub3A_426 : vector<16xf32>
        %add3A_434 = arith.constant -0.162214354 : f32
        %add3A_435 = vector.broadcast %add3A_434 : f32 to vector<16xf32>
        %add3A_436 = arith.addf %mul3A_433, %add3A_435 : vector<16xf32>
        %mul3A_437 = arith.mulf %add3A_436, %sub3A_426 : vector<16xf32>
        %add3A_438 = arith.constant 0.333206803 : f32
        %add3A_439 = vector.broadcast %add3A_438 : f32 to vector<16xf32>
        %add3A_440 = arith.addf %mul3A_437, %add3A_439 : vector<16xf32>
        %mul3A_441 = arith.constant 0.231049061 : f32
        %mul3A_442 = vector.broadcast %mul3A_441 : f32 to vector<16xf32>
        %mul3A_443 = arith.mulf %convert_element_type3A_416, %mul3A_442 : vector<16xf32>
        %mul3A_444 = arith.mulf %sub3A_426, %add3A_440 : vector<16xf32>
        %add3A_445 = arith.addf %mul3A_443, %mul3A_444 : vector<16xf32>
        %sub3A_446 = arith.subf %mul3A_408, %add3A_445 : vector<16xf32>
        %exp3A_447 = math.exp %sub3A_446 : vector<16xf32>
        %bitcast_convert_type3A_448 = tpu.bitcast %get3A_177 : vector<16xf32> -> vector<16xi32>
        %shift_right_arithmetic3A_449 = arith.constant 23 : i32
        %shift_right_arithmetic3A_450 = vector.broadcast %shift_right_arithmetic3A_449 : i32 to vector<16xi32>
        %shift_right_arithmetic3A_451 = arith.shrsi %bitcast_convert_type3A_448, %shift_right_arithmetic3A_450 : vector<16xi32>
        %sub3A_452 = arith.constant 127 : i32
        %sub3A_453 = vector.broadcast %sub3A_452 : i32 to vector<16xi32>
        %sub3A_454 = arith.subi %shift_right_arithmetic3A_451, %sub3A_453 : vector<16xi32>
        %and3A_455 = arith.constant 8388607 : i32
        %and3A_456 = vector.broadcast %and3A_455 : i32 to vector<16xi32>
        %and3A_457 = arith.andi %bitcast_convert_type3A_448, %and3A_456 : vector<16xi32>
        %or3A_458 = arith.constant 1065353216 : i32
        %or3A_459 = vector.broadcast %or3A_458 : i32 to vector<16xi32>
        %or3A_460 = arith.ori %and3A_457, %or3A_459 : vector<16xi32>
        %bitcast_convert_type3A_461 = tpu.bitcast %or3A_460 : vector<16xi32> -> vector<16xf32>
        %gt3A_462 = arith.constant 1.41421354 : f32
        %gt3A_463 = vector.broadcast %gt3A_462 : f32 to vector<16xf32>
        %gt3A_464 = arith.cmpf ogt, %bitcast_convert_type3A_461, %gt3A_463 : vector<16xf32>
        %mul3A_465 = arith.constant 5.000000e-01 : f32
        %mul3A_466 = vector.broadcast %mul3A_465 : f32 to vector<16xf32>
        %mul3A_467 = arith.mulf %bitcast_convert_type3A_461, %mul3A_466 : vector<16xf32>
        %select_n3A_468 = arith.select %gt3A_464, %mul3A_467, %bitcast_convert_type3A_461 : vector<16xi1>, vector<16xf32>
        %jit3A_469 = arith.constant 1 : i32
        %jit3A_470 = arith.constant 0 : i32
        %broadcast_in_dim3A_471 = vector.broadcast %jit3A_469 : i32 to vector<16xi32>
        %broadcast_in_dim3A_472 = vector.broadcast %jit3A_470 : i32 to vector<16xi32>
        %select_n3A_473 = arith.select %gt3A_464, %broadcast_in_dim3A_471, %broadcast_in_dim3A_472 : vector<16xi1>, vector<16xi32>
        %add3A_474 = arith.addi %sub3A_454, %select_n3A_473 : vector<16xi32>
        %convert_element_type3A_475 = arith.sitofp %add3A_474 : vector<16xi32> to vector<16xf32>
        %sub3A_476 = arith.constant 1.000000e+00 : f32
        %sub3A_477 = vector.broadcast %sub3A_476 : f32 to vector<16xf32>
        %sub3A_478 = arith.subf %select_n3A_468, %sub3A_477 : vector<16xf32>
        %mul3A_479 = arith.constant 0.313053131 : f32
        %mul3A_480 = vector.broadcast %mul3A_479 : f32 to vector<16xf32>
        %mul3A_481 = arith.mulf %mul3A_480, %sub3A_478 : vector<16xf32>
        %add3A_482 = arith.constant -0.520837247 : f32
        %add3A_483 = vector.broadcast %add3A_482 : f32 to vector<16xf32>
        %add3A_484 = arith.addf %mul3A_481, %add3A_483 : vector<16xf32>
        %mul3A_485 = arith.mulf %add3A_484, %sub3A_478 : vector<16xf32>
        %add3A_486 = arith.constant 1.0009464 : f32
        %add3A_487 = vector.broadcast %add3A_486 : f32 to vector<16xf32>
        %add3A_488 = arith.addf %mul3A_485, %add3A_487 : vector<16xf32>
        %mul3A_489 = arith.constant 0.693147182 : f32
        %mul3A_490 = vector.broadcast %mul3A_489 : f32 to vector<16xf32>
        %mul3A_491 = arith.mulf %convert_element_type3A_475, %mul3A_490 : vector<16xf32>
        %mul3A_492 = arith.mulf %sub3A_478, %add3A_488 : vector<16xf32>
        %add3A_493 = arith.addf %mul3A_491, %mul3A_492 : vector<16xf32>
        %neg3A_494 = arith.constant 0.000000e+00 : f32
        %neg3A_495 = vector.broadcast %neg3A_494 : f32 to vector<16xf32>
        %neg3A_496 = arith.subf %neg3A_495, %add3A_493 : vector<16xf32>
        %mul3A_497 = arith.constant 333.333344 : f32
        %mul3A_498 = vector.broadcast %mul3A_497 : f32 to vector<16xf32>
        %mul3A_499 = arith.mulf %get3A_153, %mul3A_498 : vector<16xf32>
        %bitcast_convert_type3A_500 = tpu.bitcast %neg3A_496 : vector<16xf32> -> vector<16xi32>
        %shift_right_arithmetic3A_501 = arith.constant 23 : i32
        %shift_right_arithmetic3A_502 = vector.broadcast %shift_right_arithmetic3A_501 : i32 to vector<16xi32>
        %shift_right_arithmetic3A_503 = arith.shrsi %bitcast_convert_type3A_500, %shift_right_arithmetic3A_502 : vector<16xi32>
        %sub3A_504 = arith.constant 127 : i32
        %sub3A_505 = vector.broadcast %sub3A_504 : i32 to vector<16xi32>
        %sub3A_506 = arith.subi %shift_right_arithmetic3A_503, %sub3A_505 : vector<16xi32>
        %convert_element_type3A_507 = arith.sitofp %sub3A_506 : vector<16xi32> to vector<16xf32>
        %and3A_508 = arith.constant 8388607 : i32
        %and3A_509 = vector.broadcast %and3A_508 : i32 to vector<16xi32>
        %and3A_510 = arith.andi %bitcast_convert_type3A_500, %and3A_509 : vector<16xi32>
        %or3A_511 = arith.constant 1065353216 : i32
        %or3A_512 = vector.broadcast %or3A_511 : i32 to vector<16xi32>
        %or3A_513 = arith.ori %and3A_510, %or3A_512 : vector<16xi32>
        %bitcast_convert_type3A_514 = tpu.bitcast %or3A_513 : vector<16xi32> -> vector<16xf32>
        %sub3A_515 = arith.constant 1.000000e+00 : f32
        %sub3A_516 = vector.broadcast %sub3A_515 : f32 to vector<16xf32>
        %sub3A_517 = arith.subf %bitcast_convert_type3A_514, %sub3A_516 : vector<16xf32>
        %mul3A_518 = arith.constant -0.02491205 : f32
        %mul3A_519 = vector.broadcast %mul3A_518 : f32 to vector<16xf32>
        %mul3A_520 = arith.mulf %mul3A_519, %sub3A_517 : vector<16xf32>
        %add3A_521 = arith.constant 0.0848740711 : f32
        %add3A_522 = vector.broadcast %add3A_521 : f32 to vector<16xf32>
        %add3A_523 = arith.addf %mul3A_520, %add3A_522 : vector<16xf32>
        %mul3A_524 = arith.mulf %add3A_523, %sub3A_517 : vector<16xf32>
        %add3A_525 = arith.constant -0.162214354 : f32
        %add3A_526 = vector.broadcast %add3A_525 : f32 to vector<16xf32>
        %add3A_527 = arith.addf %mul3A_524, %add3A_526 : vector<16xf32>
        %mul3A_528 = arith.mulf %add3A_527, %sub3A_517 : vector<16xf32>
        %add3A_529 = arith.constant 0.333206803 : f32
        %add3A_530 = vector.broadcast %add3A_529 : f32 to vector<16xf32>
        %add3A_531 = arith.addf %mul3A_528, %add3A_530 : vector<16xf32>
        %mul3A_532 = arith.constant 0.231049061 : f32
        %mul3A_533 = vector.broadcast %mul3A_532 : f32 to vector<16xf32>
        %mul3A_534 = arith.mulf %convert_element_type3A_507, %mul3A_533 : vector<16xf32>
        %mul3A_535 = arith.mulf %sub3A_517, %add3A_531 : vector<16xf32>
        %add3A_536 = arith.addf %mul3A_534, %mul3A_535 : vector<16xf32>
        %sub3A_537 = arith.subf %mul3A_499, %add3A_536 : vector<16xf32>
        %exp3A_538 = math.exp %sub3A_537 : vector<16xf32>
        %bitcast_convert_type3A_539 = tpu.bitcast %get3A_181 : vector<16xf32> -> vector<16xi32>
        %shift_right_arithmetic3A_540 = arith.constant 23 : i32
        %shift_right_arithmetic3A_541 = vector.broadcast %shift_right_arithmetic3A_540 : i32 to vector<16xi32>
        %shift_right_arithmetic3A_542 = arith.shrsi %bitcast_convert_type3A_539, %shift_right_arithmetic3A_541 : vector<16xi32>
        %sub3A_543 = arith.constant 127 : i32
        %sub3A_544 = vector.broadcast %sub3A_543 : i32 to vector<16xi32>
        %sub3A_545 = arith.subi %shift_right_arithmetic3A_542, %sub3A_544 : vector<16xi32>
        %and3A_546 = arith.constant 8388607 : i32
        %and3A_547 = vector.broadcast %and3A_546 : i32 to vector<16xi32>
        %and3A_548 = arith.andi %bitcast_convert_type3A_539, %and3A_547 : vector<16xi32>
        %or3A_549 = arith.constant 1065353216 : i32
        %or3A_550 = vector.broadcast %or3A_549 : i32 to vector<16xi32>
        %or3A_551 = arith.ori %and3A_548, %or3A_550 : vector<16xi32>
        %bitcast_convert_type3A_552 = tpu.bitcast %or3A_551 : vector<16xi32> -> vector<16xf32>
        %gt3A_553 = arith.constant 1.41421354 : f32
        %gt3A_554 = vector.broadcast %gt3A_553 : f32 to vector<16xf32>
        %gt3A_555 = arith.cmpf ogt, %bitcast_convert_type3A_552, %gt3A_554 : vector<16xf32>
        %mul3A_556 = arith.constant 5.000000e-01 : f32
        %mul3A_557 = vector.broadcast %mul3A_556 : f32 to vector<16xf32>
        %mul3A_558 = arith.mulf %bitcast_convert_type3A_552, %mul3A_557 : vector<16xf32>
        %select_n3A_559 = arith.select %gt3A_555, %mul3A_558, %bitcast_convert_type3A_552 : vector<16xi1>, vector<16xf32>
        %jit3A_560 = arith.constant 1 : i32
        %jit3A_561 = arith.constant 0 : i32
        %broadcast_in_dim3A_562 = vector.broadcast %jit3A_560 : i32 to vector<16xi32>
        %broadcast_in_dim3A_563 = vector.broadcast %jit3A_561 : i32 to vector<16xi32>
        %select_n3A_564 = arith.select %gt3A_555, %broadcast_in_dim3A_562, %broadcast_in_dim3A_563 : vector<16xi1>, vector<16xi32>
        %add3A_565 = arith.addi %sub3A_545, %select_n3A_564 : vector<16xi32>
        %convert_element_type3A_566 = arith.sitofp %add3A_565 : vector<16xi32> to vector<16xf32>
        %sub3A_567 = arith.constant 1.000000e+00 : f32
        %sub3A_568 = vector.broadcast %sub3A_567 : f32 to vector<16xf32>
        %sub3A_569 = arith.subf %select_n3A_559, %sub3A_568 : vector<16xf32>
        %mul3A_570 = arith.constant 0.313053131 : f32
        %mul3A_571 = vector.broadcast %mul3A_570 : f32 to vector<16xf32>
        %mul3A_572 = arith.mulf %mul3A_571, %sub3A_569 : vector<16xf32>
        %add3A_573 = arith.constant -0.520837247 : f32
        %add3A_574 = vector.broadcast %add3A_573 : f32 to vector<16xf32>
        %add3A_575 = arith.addf %mul3A_572, %add3A_574 : vector<16xf32>
        %mul3A_576 = arith.mulf %add3A_575, %sub3A_569 : vector<16xf32>
        %add3A_577 = arith.constant 1.0009464 : f32
        %add3A_578 = vector.broadcast %add3A_577 : f32 to vector<16xf32>
        %add3A_579 = arith.addf %mul3A_576, %add3A_578 : vector<16xf32>
        %mul3A_580 = arith.constant 0.693147182 : f32
        %mul3A_581 = vector.broadcast %mul3A_580 : f32 to vector<16xf32>
        %mul3A_582 = arith.mulf %convert_element_type3A_566, %mul3A_581 : vector<16xf32>
        %mul3A_583 = arith.mulf %sub3A_569, %add3A_579 : vector<16xf32>
        %add3A_584 = arith.addf %mul3A_582, %mul3A_583 : vector<16xf32>
        %neg3A_585 = arith.constant 0.000000e+00 : f32
        %neg3A_586 = vector.broadcast %neg3A_585 : f32 to vector<16xf32>
        %neg3A_587 = arith.subf %neg3A_586, %add3A_584 : vector<16xf32>
        %mul3A_588 = arith.constant 333.333344 : f32
        %mul3A_589 = vector.broadcast %mul3A_588 : f32 to vector<16xf32>
        %mul3A_590 = arith.mulf %get3A_157, %mul3A_589 : vector<16xf32>
        %bitcast_convert_type3A_591 = tpu.bitcast %neg3A_587 : vector<16xf32> -> vector<16xi32>
        %shift_right_arithmetic3A_592 = arith.constant 23 : i32
        %shift_right_arithmetic3A_593 = vector.broadcast %shift_right_arithmetic3A_592 : i32 to vector<16xi32>
        %shift_right_arithmetic3A_594 = arith.shrsi %bitcast_convert_type3A_591, %shift_right_arithmetic3A_593 : vector<16xi32>
        %sub3A_595 = arith.constant 127 : i32
        %sub3A_596 = vector.broadcast %sub3A_595 : i32 to vector<16xi32>
        %sub3A_597 = arith.subi %shift_right_arithmetic3A_594, %sub3A_596 : vector<16xi32>
        %convert_element_type3A_598 = arith.sitofp %sub3A_597 : vector<16xi32> to vector<16xf32>
        %and3A_599 = arith.constant 8388607 : i32
        %and3A_600 = vector.broadcast %and3A_599 : i32 to vector<16xi32>
        %and3A_601 = arith.andi %bitcast_convert_type3A_591, %and3A_600 : vector<16xi32>
        %or3A_602 = arith.constant 1065353216 : i32
        %or3A_603 = vector.broadcast %or3A_602 : i32 to vector<16xi32>
        %or3A_604 = arith.ori %and3A_601, %or3A_603 : vector<16xi32>
        %bitcast_convert_type3A_605 = tpu.bitcast %or3A_604 : vector<16xi32> -> vector<16xf32>
        %sub3A_606 = arith.constant 1.000000e+00 : f32
        %sub3A_607 = vector.broadcast %sub3A_606 : f32 to vector<16xf32>
        %sub3A_608 = arith.subf %bitcast_convert_type3A_605, %sub3A_607 : vector<16xf32>
        %mul3A_609 = arith.constant -0.02491205 : f32
        %mul3A_610 = vector.broadcast %mul3A_609 : f32 to vector<16xf32>
        %mul3A_611 = arith.mulf %mul3A_610, %sub3A_608 : vector<16xf32>
        %add3A_612 = arith.constant 0.0848740711 : f32
        %add3A_613 = vector.broadcast %add3A_612 : f32 to vector<16xf32>
        %add3A_614 = arith.addf %mul3A_611, %add3A_613 : vector<16xf32>
        %mul3A_615 = arith.mulf %add3A_614, %sub3A_608 : vector<16xf32>
        %add3A_616 = arith.constant -0.162214354 : f32
        %add3A_617 = vector.broadcast %add3A_616 : f32 to vector<16xf32>
        %add3A_618 = arith.addf %mul3A_615, %add3A_617 : vector<16xf32>
        %mul3A_619 = arith.mulf %add3A_618, %sub3A_608 : vector<16xf32>
        %add3A_620 = arith.constant 0.333206803 : f32
        %add3A_621 = vector.broadcast %add3A_620 : f32 to vector<16xf32>
        %add3A_622 = arith.addf %mul3A_619, %add3A_621 : vector<16xf32>
        %mul3A_623 = arith.constant 0.231049061 : f32
        %mul3A_624 = vector.broadcast %mul3A_623 : f32 to vector<16xf32>
        %mul3A_625 = arith.mulf %convert_element_type3A_598, %mul3A_624 : vector<16xf32>
        %mul3A_626 = arith.mulf %sub3A_608, %add3A_622 : vector<16xf32>
        %add3A_627 = arith.addf %mul3A_625, %mul3A_626 : vector<16xf32>
        %sub3A_628 = arith.subf %mul3A_590, %add3A_627 : vector<16xf32>
        %exp3A_629 = math.exp %sub3A_628 : vector<16xf32>
        %bitcast_convert_type3A_630 = tpu.bitcast %get3A_185 : vector<16xf32> -> vector<16xi32>
        %shift_right_arithmetic3A_631 = arith.constant 23 : i32
        %shift_right_arithmetic3A_632 = vector.broadcast %shift_right_arithmetic3A_631 : i32 to vector<16xi32>
        %shift_right_arithmetic3A_633 = arith.shrsi %bitcast_convert_type3A_630, %shift_right_arithmetic3A_632 : vector<16xi32>
        %sub3A_634 = arith.constant 127 : i32
        %sub3A_635 = vector.broadcast %sub3A_634 : i32 to vector<16xi32>
        %sub3A_636 = arith.subi %shift_right_arithmetic3A_633, %sub3A_635 : vector<16xi32>
        %and3A_637 = arith.constant 8388607 : i32
        %and3A_638 = vector.broadcast %and3A_637 : i32 to vector<16xi32>
        %and3A_639 = arith.andi %bitcast_convert_type3A_630, %and3A_638 : vector<16xi32>
        %or3A_640 = arith.constant 1065353216 : i32
        %or3A_641 = vector.broadcast %or3A_640 : i32 to vector<16xi32>
        %or3A_642 = arith.ori %and3A_639, %or3A_641 : vector<16xi32>
        %bitcast_convert_type3A_643 = tpu.bitcast %or3A_642 : vector<16xi32> -> vector<16xf32>
        %gt3A_644 = arith.constant 1.41421354 : f32
        %gt3A_645 = vector.broadcast %gt3A_644 : f32 to vector<16xf32>
        %gt3A_646 = arith.cmpf ogt, %bitcast_convert_type3A_643, %gt3A_645 : vector<16xf32>
        %mul3A_647 = arith.constant 5.000000e-01 : f32
        %mul3A_648 = vector.broadcast %mul3A_647 : f32 to vector<16xf32>
        %mul3A_649 = arith.mulf %bitcast_convert_type3A_643, %mul3A_648 : vector<16xf32>
        %select_n3A_650 = arith.select %gt3A_646, %mul3A_649, %bitcast_convert_type3A_643 : vector<16xi1>, vector<16xf32>
        %jit3A_651 = arith.constant 1 : i32
        %jit3A_652 = arith.constant 0 : i32
        %broadcast_in_dim3A_653 = vector.broadcast %jit3A_651 : i32 to vector<16xi32>
        %broadcast_in_dim3A_654 = vector.broadcast %jit3A_652 : i32 to vector<16xi32>
        %select_n3A_655 = arith.select %gt3A_646, %broadcast_in_dim3A_653, %broadcast_in_dim3A_654 : vector<16xi1>, vector<16xi32>
        %add3A_656 = arith.addi %sub3A_636, %select_n3A_655 : vector<16xi32>
        %convert_element_type3A_657 = arith.sitofp %add3A_656 : vector<16xi32> to vector<16xf32>
        %sub3A_658 = arith.constant 1.000000e+00 : f32
        %sub3A_659 = vector.broadcast %sub3A_658 : f32 to vector<16xf32>
        %sub3A_660 = arith.subf %select_n3A_650, %sub3A_659 : vector<16xf32>
        %mul3A_661 = arith.constant 0.313053131 : f32
        %mul3A_662 = vector.broadcast %mul3A_661 : f32 to vector<16xf32>
        %mul3A_663 = arith.mulf %mul3A_662, %sub3A_660 : vector<16xf32>
        %add3A_664 = arith.constant -0.520837247 : f32
        %add3A_665 = vector.broadcast %add3A_664 : f32 to vector<16xf32>
        %add3A_666 = arith.addf %mul3A_663, %add3A_665 : vector<16xf32>
        %mul3A_667 = arith.mulf %add3A_666, %sub3A_660 : vector<16xf32>
        %add3A_668 = arith.constant 1.0009464 : f32
        %add3A_669 = vector.broadcast %add3A_668 : f32 to vector<16xf32>
        %add3A_670 = arith.addf %mul3A_667, %add3A_669 : vector<16xf32>
        %mul3A_671 = arith.constant 0.693147182 : f32
        %mul3A_672 = vector.broadcast %mul3A_671 : f32 to vector<16xf32>
        %mul3A_673 = arith.mulf %convert_element_type3A_657, %mul3A_672 : vector<16xf32>
        %mul3A_674 = arith.mulf %sub3A_660, %add3A_670 : vector<16xf32>
        %add3A_675 = arith.addf %mul3A_673, %mul3A_674 : vector<16xf32>
        %neg3A_676 = arith.constant 0.000000e+00 : f32
        %neg3A_677 = vector.broadcast %neg3A_676 : f32 to vector<16xf32>
        %neg3A_678 = arith.subf %neg3A_677, %add3A_675 : vector<16xf32>
        %mul3A_679 = arith.constant 333.333344 : f32
        %mul3A_680 = vector.broadcast %mul3A_679 : f32 to vector<16xf32>
        %mul3A_681 = arith.mulf %get3A_161, %mul3A_680 : vector<16xf32>
        %bitcast_convert_type3A_682 = tpu.bitcast %neg3A_678 : vector<16xf32> -> vector<16xi32>
        %shift_right_arithmetic3A_683 = arith.constant 23 : i32
        %shift_right_arithmetic3A_684 = vector.broadcast %shift_right_arithmetic3A_683 : i32 to vector<16xi32>
        %shift_right_arithmetic3A_685 = arith.shrsi %bitcast_convert_type3A_682, %shift_right_arithmetic3A_684 : vector<16xi32>
        %sub3A_686 = arith.constant 127 : i32
        %sub3A_687 = vector.broadcast %sub3A_686 : i32 to vector<16xi32>
        %sub3A_688 = arith.subi %shift_right_arithmetic3A_685, %sub3A_687 : vector<16xi32>
        %convert_element_type3A_689 = arith.sitofp %sub3A_688 : vector<16xi32> to vector<16xf32>
        %and3A_690 = arith.constant 8388607 : i32
        %and3A_691 = vector.broadcast %and3A_690 : i32 to vector<16xi32>
        %and3A_692 = arith.andi %bitcast_convert_type3A_682, %and3A_691 : vector<16xi32>
        %or3A_693 = arith.constant 1065353216 : i32
        %or3A_694 = vector.broadcast %or3A_693 : i32 to vector<16xi32>
        %or3A_695 = arith.ori %and3A_692, %or3A_694 : vector<16xi32>
        %bitcast_convert_type3A_696 = tpu.bitcast %or3A_695 : vector<16xi32> -> vector<16xf32>
        %sub3A_697 = arith.constant 1.000000e+00 : f32
        %sub3A_698 = vector.broadcast %sub3A_697 : f32 to vector<16xf32>
        %sub3A_699 = arith.subf %bitcast_convert_type3A_696, %sub3A_698 : vector<16xf32>
        %mul3A_700 = arith.constant -0.02491205 : f32
        %mul3A_701 = vector.broadcast %mul3A_700 : f32 to vector<16xf32>
        %mul3A_702 = arith.mulf %mul3A_701, %sub3A_699 : vector<16xf32>
        %add3A_703 = arith.constant 0.0848740711 : f32
        %add3A_704 = vector.broadcast %add3A_703 : f32 to vector<16xf32>
        %add3A_705 = arith.addf %mul3A_702, %add3A_704 : vector<16xf32>
        %mul3A_706 = arith.mulf %add3A_705, %sub3A_699 : vector<16xf32>
        %add3A_707 = arith.constant -0.162214354 : f32
        %add3A_708 = vector.broadcast %add3A_707 : f32 to vector<16xf32>
        %add3A_709 = arith.addf %mul3A_706, %add3A_708 : vector<16xf32>
        %mul3A_710 = arith.mulf %add3A_709, %sub3A_699 : vector<16xf32>
        %add3A_711 = arith.constant 0.333206803 : f32
        %add3A_712 = vector.broadcast %add3A_711 : f32 to vector<16xf32>
        %add3A_713 = arith.addf %mul3A_710, %add3A_712 : vector<16xf32>
        %mul3A_714 = arith.constant 0.231049061 : f32
        %mul3A_715 = vector.broadcast %mul3A_714 : f32 to vector<16xf32>
        %mul3A_716 = arith.mulf %convert_element_type3A_689, %mul3A_715 : vector<16xf32>
        %mul3A_717 = arith.mulf %sub3A_699, %add3A_713 : vector<16xf32>
        %add3A_718 = arith.addf %mul3A_716, %mul3A_717 : vector<16xf32>
        %sub3A_719 = arith.subf %mul3A_681, %add3A_718 : vector<16xf32>
        %exp3A_720 = math.exp %sub3A_719 : vector<16xf32>
        %add3A_721 = arith.addf %exp3A, %exp3A_356 : vector<16xf32>
        %add3A_722 = arith.addf %add3A_721, %exp3A_447 : vector<16xf32>
        %add3A_723 = arith.addf %add3A_722, %exp3A_538 : vector<16xf32>
        %add3A_724 = arith.addf %add3A_723, %exp3A_629 : vector<16xf32>
        %add3A_725 = arith.addf %add3A_724, %exp3A_720 : vector<16xf32>
        %div3A = arith.constant 1.000000e+00 : f32
        %div3A_726 = vector.broadcast %div3A : f32 to vector<16xf32>
        %div3A_727 = arith.divf %div3A_726, %add3A_725 : vector<16xf32>
        %add3A_728 = arith.addf %exp3A, %exp3A_356 : vector<16xf32>
        %add3A_729 = arith.addf %add3A_728, %exp3A_447 : vector<16xf32>
        %mul3A_730 = arith.mulf %add3A_729, %div3A_727 : vector<16xf32>
        %add3A_731 = arith.addf %exp3A, %exp3A_538 : vector<16xf32>
        %add3A_732 = arith.addf %add3A_731, %exp3A_629 : vector<16xf32>
        %mul3A_733 = arith.mulf %add3A_732, %div3A_727 : vector<16xf32>
        %add3A_734 = arith.addf %exp3A_356, %exp3A_538 : vector<16xf32>
        %add3A_735 = arith.addf %add3A_734, %exp3A_720 : vector<16xf32>
        %mul3A_736 = arith.mulf %add3A_735, %div3A_727 : vector<16xf32>
        %add3A_737 = arith.addf %exp3A_447, %exp3A_629 : vector<16xf32>
        %add3A_738 = arith.addf %add3A_737, %exp3A_720 : vector<16xf32>
        %mul3A_739 = arith.mulf %add3A_738, %div3A_727 : vector<16xf32>
        %and3A_740 = arith.constant 63 : i32
        %and3A_741 = arith.andi %scan3A_136, %and3A_740 : i32
        %shift_right_arithmetic3A_742 = arith.constant 1 : i32
        %shift_right_arithmetic3A_743 = arith.shrsi %and3A_741, %shift_right_arithmetic3A_742 : i32
        %broadcast_in_dim3A_744 = vector.broadcast %shift_right_arithmetic3A_743 : i32 to vector<16xi32>
        %shift_right_arithmetic3A_745 = arith.constant 6 : i32
        %shift_right_arithmetic3A_746 = arith.shrsi %scan3A_136, %shift_right_arithmetic3A_745 : i32
        %add3A_747 = arith.constant 6 : i32
        %add3A_748 = arith.addi %add3A_747, %shift_right_arithmetic3A_746 : i32
        %broadcast_in_dim3A_749 = vector.broadcast %add3A_748 : i32 to vector<16xi32>
        %and3A_750 = arith.constant 1 : i32
        %and3A_751 = arith.andi %scan3A_136, %and3A_750 : i32
        %mul3A_752 = arith.constant 64 : i32
        %mul3A_753 = arith.muli %and3A_751, %mul3A_752 : i32
        %add3A_754 = arith.constant 0 : i32
        %add3A_755 = arith.addi %mul3A_753, %add3A_754 : i32
        %add3A_756 = vector.broadcast %add3A_755 : i32 to vector<16xi32>
        %add3A_757 = arith.addi %mul3A_7, %add3A_756 : vector<16xi32>
        tpu.vector_store_idx %arg9[%broadcast_in_dim3A_744, %broadcast_in_dim3A_749, %add3A_757], %mul3A_730 : memref<32x8x128xf32, #tpu.memory_space<vmem>>[vector<16xi32>, vector<16xi32>, vector<16xi32>], vector<16xf32>,
        %add3A_758 = arith.constant 1 : i32
        %add3A_759 = arith.addi %mul3A_753, %add3A_758 : i32
        %add3A_760 = vector.broadcast %add3A_759 : i32 to vector<16xi32>
        %add3A_761 = arith.addi %mul3A_7, %add3A_760 : vector<16xi32>
        tpu.vector_store_idx %arg9[%broadcast_in_dim3A_744, %broadcast_in_dim3A_749, %add3A_761], %mul3A_733 : memref<32x8x128xf32, #tpu.memory_space<vmem>>[vector<16xi32>, vector<16xi32>, vector<16xi32>], vector<16xf32>,
        %add3A_762 = arith.constant 2 : i32
        %add3A_763 = arith.addi %mul3A_753, %add3A_762 : i32
        %add3A_764 = vector.broadcast %add3A_763 : i32 to vector<16xi32>
        %add3A_765 = arith.addi %mul3A_7, %add3A_764 : vector<16xi32>
        tpu.vector_store_idx %arg9[%broadcast_in_dim3A_744, %broadcast_in_dim3A_749, %add3A_765], %mul3A_736 : memref<32x8x128xf32, #tpu.memory_space<vmem>>[vector<16xi32>, vector<16xi32>, vector<16xi32>], vector<16xf32>,
        %add3A_766 = arith.constant 3 : i32
        %add3A_767 = arith.addi %mul3A_753, %add3A_766 : i32
        %add3A_768 = vector.broadcast %add3A_767 : i32 to vector<16xi32>
        %add3A_769 = arith.addi %mul3A_7, %add3A_768 : vector<16xi32>
        tpu.vector_store_idx %arg9[%broadcast_in_dim3A_744, %broadcast_in_dim3A_749, %add3A_769], %mul3A_739 : memref<32x8x128xf32, #tpu.memory_space<vmem>>[vector<16xi32>, vector<16xi32>, vector<16xi32>], vector<16xf32>,
        %scan3A_770 = arith.constant 1 : i32
        %scan3A_771 = arith.addi %scan3A_136, %scan3A_770 : i32
        %mul3A_772 = arith.constant 16 : i32
        %mul3A_773 = arith.muli %scan3A_771, %mul3A_772 : i32
        %get3A_774 = arith.constant 0 : i32
        %get3A_775 = arith.index_cast %get3A_774 : i32 to index
        %get3A_776 = arith.index_cast %mul3A_773 : i32 to index
        %get3A_777 = tpu.vector_load %arg6[%get3A_775, %get3A_776] {strides = array<i32>} : memref<6x2048xf32, #tpu.memory_space<vmem>>, vector<16xf32>,
        %get3A_778 = arith.constant 1 : i32
        %get3A_779 = arith.index_cast %get3A_778 : i32 to index
        %get3A_780 = arith.index_cast %mul3A_773 : i32 to index
        %get3A_781 = tpu.vector_load %arg6[%get3A_779, %get3A_780] {strides = array<i32>} : memref<6x2048xf32, #tpu.memory_space<vmem>>, vector<16xf32>,
        %get3A_782 = arith.constant 2 : i32
        %get3A_783 = arith.index_cast %get3A_782 : i32 to index
        %get3A_784 = arith.index_cast %mul3A_773 : i32 to index
        %get3A_785 = tpu.vector_load %arg6[%get3A_783, %get3A_784] {strides = array<i32>} : memref<6x2048xf32, #tpu.memory_space<vmem>>, vector<16xf32>,
        %get3A_786 = arith.constant 3 : i32
        %get3A_787 = arith.index_cast %get3A_786 : i32 to index
        %get3A_788 = arith.index_cast %mul3A_773 : i32 to index
        %get3A_789 = tpu.vector_load %arg6[%get3A_787, %get3A_788] {strides = array<i32>} : memref<6x2048xf32, #tpu.memory_space<vmem>>, vector<16xf32>,
        %get3A_790 = arith.constant 4 : i32
        %get3A_791 = arith.index_cast %get3A_790 : i32 to index
        %get3A_792 = arith.index_cast %mul3A_773 : i32 to index
        %get3A_793 = tpu.vector_load %arg6[%get3A_791, %get3A_792] {strides = array<i32>} : memref<6x2048xf32, #tpu.memory_space<vmem>>, vector<16xf32>,
        %get3A_794 = arith.constant 5 : i32
        %get3A_795 = arith.index_cast %get3A_794 : i32 to index
        %get3A_796 = arith.index_cast %mul3A_773 : i32 to index
        %get3A_797 = tpu.vector_load %arg6[%get3A_795, %get3A_796] {strides = array<i32>} : memref<6x2048xf32, #tpu.memory_space<vmem>>, vector<16xf32>,
        %get3A_798 = arith.constant 0 : i32
        %get3A_799 = arith.index_cast %get3A_798 : i32 to index
        %get3A_800 = arith.index_cast %mul3A_773 : i32 to index
        %get3A_801 = tpu.vector_load %arg8[%get3A_799, %get3A_800] {strides = array<i32>} : memref<6x2048xf32, #tpu.memory_space<vmem>>, vector<16xf32>,
        %get3A_802 = arith.constant 1 : i32
        %get3A_803 = arith.index_cast %get3A_802 : i32 to index
        %get3A_804 = arith.index_cast %mul3A_773 : i32 to index
        %get3A_805 = tpu.vector_load %arg8[%get3A_803, %get3A_804] {strides = array<i32>} : memref<6x2048xf32, #tpu.memory_space<vmem>>, vector<16xf32>,
        %get3A_806 = arith.constant 2 : i32
        %get3A_807 = arith.index_cast %get3A_806 : i32 to index
        %get3A_808 = arith.index_cast %mul3A_773 : i32 to index
        %get3A_809 = tpu.vector_load %arg8[%get3A_807, %get3A_808] {strides = array<i32>} : memref<6x2048xf32, #tpu.memory_space<vmem>>, vector<16xf32>,
        %get3A_810 = arith.constant 3 : i32
        %get3A_811 = arith.index_cast %get3A_810 : i32 to index
        %get3A_812 = arith.index_cast %mul3A_773 : i32 to index
        %get3A_813 = tpu.vector_load %arg8[%get3A_811, %get3A_812] {strides = array<i32>} : memref<6x2048xf32, #tpu.memory_space<vmem>>, vector<16xf32>,
        %get3A_814 = arith.constant 4 : i32
        %get3A_815 = arith.index_cast %get3A_814 : i32 to index
        %get3A_816 = arith.index_cast %mul3A_773 : i32 to index
        %get3A_817 = tpu.vector_load %arg8[%get3A_815, %get3A_816] {strides = array<i32>} : memref<6x2048xf32, #tpu.memory_space<vmem>>, vector<16xf32>,
        %get3A_818 = arith.constant 5 : i32
        %get3A_819 = arith.index_cast %get3A_818 : i32 to index
        %get3A_820 = arith.index_cast %mul3A_773 : i32 to index
        %get3A_821 = tpu.vector_load %arg8[%get3A_819, %get3A_820] {strides = array<i32>} : memref<6x2048xf32, #tpu.memory_space<vmem>>, vector<16xf32>,
        %bitcast_convert_type3A_822 = tpu.bitcast %get3A_801 : vector<16xf32> -> vector<16xi32>
        %shift_right_arithmetic3A_823 = arith.constant 23 : i32
        %shift_right_arithmetic3A_824 = vector.broadcast %shift_right_arithmetic3A_823 : i32 to vector<16xi32>
        %shift_right_arithmetic3A_825 = arith.shrsi %bitcast_convert_type3A_822, %shift_right_arithmetic3A_824 : vector<16xi32>
        %sub3A_826 = arith.constant 127 : i32
        %sub3A_827 = vector.broadcast %sub3A_826 : i32 to vector<16xi32>
        %sub3A_828 = arith.subi %shift_right_arithmetic3A_825, %sub3A_827 : vector<16xi32>
        %and3A_829 = arith.constant 8388607 : i32
        %and3A_830 = vector.broadcast %and3A_829 : i32 to vector<16xi32>
        %and3A_831 = arith.andi %bitcast_convert_type3A_822, %and3A_830 : vector<16xi32>
        %or3A_832 = arith.constant 1065353216 : i32
        %or3A_833 = vector.broadcast %or3A_832 : i32 to vector<16xi32>
        %or3A_834 = arith.ori %and3A_831, %or3A_833 : vector<16xi32>
        %bitcast_convert_type3A_835 = tpu.bitcast %or3A_834 : vector<16xi32> -> vector<16xf32>
        %gt3A_836 = arith.constant 1.41421354 : f32
        %gt3A_837 = vector.broadcast %gt3A_836 : f32 to vector<16xf32>
        %gt3A_838 = arith.cmpf ogt, %bitcast_convert_type3A_835, %gt3A_837 : vector<16xf32>
        %mul3A_839 = arith.constant 5.000000e-01 : f32
        %mul3A_840 = vector.broadcast %mul3A_839 : f32 to vector<16xf32>
        %mul3A_841 = arith.mulf %bitcast_convert_type3A_835, %mul3A_840 : vector<16xf32>
        %select_n3A_842 = arith.select %gt3A_838, %mul3A_841, %bitcast_convert_type3A_835 : vector<16xi1>, vector<16xf32>
        %jit3A_843 = arith.constant 1 : i32
        %jit3A_844 = arith.constant 0 : i32
        %broadcast_in_dim3A_845 = vector.broadcast %jit3A_843 : i32 to vector<16xi32>
        %broadcast_in_dim3A_846 = vector.broadcast %jit3A_844 : i32 to vector<16xi32>
        %select_n3A_847 = arith.select %gt3A_838, %broadcast_in_dim3A_845, %broadcast_in_dim3A_846 : vector<16xi1>, vector<16xi32>
        %add3A_848 = arith.addi %sub3A_828, %select_n3A_847 : vector<16xi32>
        %convert_element_type3A_849 = arith.sitofp %add3A_848 : vector<16xi32> to vector<16xf32>
        %sub3A_850 = arith.constant 1.000000e+00 : f32
        %sub3A_851 = vector.broadcast %sub3A_850 : f32 to vector<16xf32>
        %sub3A_852 = arith.subf %select_n3A_842, %sub3A_851 : vector<16xf32>
        %mul3A_853 = arith.constant 0.313053131 : f32
        %mul3A_854 = vector.broadcast %mul3A_853 : f32 to vector<16xf32>
        %mul3A_855 = arith.mulf %mul3A_854, %sub3A_852 : vector<16xf32>
        %add3A_856 = arith.constant -0.520837247 : f32
        %add3A_857 = vector.broadcast %add3A_856 : f32 to vector<16xf32>
        %add3A_858 = arith.addf %mul3A_855, %add3A_857 : vector<16xf32>
        %mul3A_859 = arith.mulf %add3A_858, %sub3A_852 : vector<16xf32>
        %add3A_860 = arith.constant 1.0009464 : f32
        %add3A_861 = vector.broadcast %add3A_860 : f32 to vector<16xf32>
        %add3A_862 = arith.addf %mul3A_859, %add3A_861 : vector<16xf32>
        %mul3A_863 = arith.constant 0.693147182 : f32
        %mul3A_864 = vector.broadcast %mul3A_863 : f32 to vector<16xf32>
        %mul3A_865 = arith.mulf %convert_element_type3A_849, %mul3A_864 : vector<16xf32>
        %mul3A_866 = arith.mulf %sub3A_852, %add3A_862 : vector<16xf32>
        %add3A_867 = arith.addf %mul3A_865, %mul3A_866 : vector<16xf32>
        %neg3A_868 = arith.constant 0.000000e+00 : f32
        %neg3A_869 = vector.broadcast %neg3A_868 : f32 to vector<16xf32>
        %neg3A_870 = arith.subf %neg3A_869, %add3A_867 : vector<16xf32>
        %mul3A_871 = arith.constant 333.333344 : f32
        %mul3A_872 = vector.broadcast %mul3A_871 : f32 to vector<16xf32>
        %mul3A_873 = arith.mulf %get3A_777, %mul3A_872 : vector<16xf32>
        %bitcast_convert_type3A_874 = tpu.bitcast %neg3A_870 : vector<16xf32> -> vector<16xi32>
        %shift_right_arithmetic3A_875 = arith.constant 23 : i32
        %shift_right_arithmetic3A_876 = vector.broadcast %shift_right_arithmetic3A_875 : i32 to vector<16xi32>
        %shift_right_arithmetic3A_877 = arith.shrsi %bitcast_convert_type3A_874, %shift_right_arithmetic3A_876 : vector<16xi32>
        %sub3A_878 = arith.constant 127 : i32
        %sub3A_879 = vector.broadcast %sub3A_878 : i32 to vector<16xi32>
        %sub3A_880 = arith.subi %shift_right_arithmetic3A_877, %sub3A_879 : vector<16xi32>
        %convert_element_type3A_881 = arith.sitofp %sub3A_880 : vector<16xi32> to vector<16xf32>
        %and3A_882 = arith.constant 8388607 : i32
        %and3A_883 = vector.broadcast %and3A_882 : i32 to vector<16xi32>
        %and3A_884 = arith.andi %bitcast_convert_type3A_874, %and3A_883 : vector<16xi32>
        %or3A_885 = arith.constant 1065353216 : i32
        %or3A_886 = vector.broadcast %or3A_885 : i32 to vector<16xi32>
        %or3A_887 = arith.ori %and3A_884, %or3A_886 : vector<16xi32>
        %bitcast_convert_type3A_888 = tpu.bitcast %or3A_887 : vector<16xi32> -> vector<16xf32>
        %sub3A_889 = arith.constant 1.000000e+00 : f32
        %sub3A_890 = vector.broadcast %sub3A_889 : f32 to vector<16xf32>
        %sub3A_891 = arith.subf %bitcast_convert_type3A_888, %sub3A_890 : vector<16xf32>
        %mul3A_892 = arith.constant -0.02491205 : f32
        %mul3A_893 = vector.broadcast %mul3A_892 : f32 to vector<16xf32>
        %mul3A_894 = arith.mulf %mul3A_893, %sub3A_891 : vector<16xf32>
        %add3A_895 = arith.constant 0.0848740711 : f32
        %add3A_896 = vector.broadcast %add3A_895 : f32 to vector<16xf32>
        %add3A_897 = arith.addf %mul3A_894, %add3A_896 : vector<16xf32>
        %mul3A_898 = arith.mulf %add3A_897, %sub3A_891 : vector<16xf32>
        %add3A_899 = arith.constant -0.162214354 : f32
        %add3A_900 = vector.broadcast %add3A_899 : f32 to vector<16xf32>
        %add3A_901 = arith.addf %mul3A_898, %add3A_900 : vector<16xf32>
        %mul3A_902 = arith.mulf %add3A_901, %sub3A_891 : vector<16xf32>
        %add3A_903 = arith.constant 0.333206803 : f32
        %add3A_904 = vector.broadcast %add3A_903 : f32 to vector<16xf32>
        %add3A_905 = arith.addf %mul3A_902, %add3A_904 : vector<16xf32>
        %mul3A_906 = arith.constant 0.231049061 : f32
        %mul3A_907 = vector.broadcast %mul3A_906 : f32 to vector<16xf32>
        %mul3A_908 = arith.mulf %convert_element_type3A_881, %mul3A_907 : vector<16xf32>
        %mul3A_909 = arith.mulf %sub3A_891, %add3A_905 : vector<16xf32>
        %add3A_910 = arith.addf %mul3A_908, %mul3A_909 : vector<16xf32>
        %sub3A_911 = arith.subf %mul3A_873, %add3A_910 : vector<16xf32>
        %exp3A_912 = math.exp %sub3A_911 : vector<16xf32>
        %bitcast_convert_type3A_913 = tpu.bitcast %get3A_805 : vector<16xf32> -> vector<16xi32>
        %shift_right_arithmetic3A_914 = arith.constant 23 : i32
        %shift_right_arithmetic3A_915 = vector.broadcast %shift_right_arithmetic3A_914 : i32 to vector<16xi32>
        %shift_right_arithmetic3A_916 = arith.shrsi %bitcast_convert_type3A_913, %shift_right_arithmetic3A_915 : vector<16xi32>
        %sub3A_917 = arith.constant 127 : i32
        %sub3A_918 = vector.broadcast %sub3A_917 : i32 to vector<16xi32>
        %sub3A_919 = arith.subi %shift_right_arithmetic3A_916, %sub3A_918 : vector<16xi32>
        %and3A_920 = arith.constant 8388607 : i32
        %and3A_921 = vector.broadcast %and3A_920 : i32 to vector<16xi32>
        %and3A_922 = arith.andi %bitcast_convert_type3A_913, %and3A_921 : vector<16xi32>
        %or3A_923 = arith.constant 1065353216 : i32
        %or3A_924 = vector.broadcast %or3A_923 : i32 to vector<16xi32>
        %or3A_925 = arith.ori %and3A_922, %or3A_924 : vector<16xi32>
        %bitcast_convert_type3A_926 = tpu.bitcast %or3A_925 : vector<16xi32> -> vector<16xf32>
        %gt3A_927 = arith.constant 1.41421354 : f32
        %gt3A_928 = vector.broadcast %gt3A_927 : f32 to vector<16xf32>
        %gt3A_929 = arith.cmpf ogt, %bitcast_convert_type3A_926, %gt3A_928 : vector<16xf32>
        %mul3A_930 = arith.constant 5.000000e-01 : f32
        %mul3A_931 = vector.broadcast %mul3A_930 : f32 to vector<16xf32>
        %mul3A_932 = arith.mulf %bitcast_convert_type3A_926, %mul3A_931 : vector<16xf32>
        %select_n3A_933 = arith.select %gt3A_929, %mul3A_932, %bitcast_convert_type3A_926 : vector<16xi1>, vector<16xf32>
        %jit3A_934 = arith.constant 1 : i32
        %jit3A_935 = arith.constant 0 : i32
        %broadcast_in_dim3A_936 = vector.broadcast %jit3A_934 : i32 to vector<16xi32>
        %broadcast_in_dim3A_937 = vector.broadcast %jit3A_935 : i32 to vector<16xi32>
        %select_n3A_938 = arith.select %gt3A_929, %broadcast_in_dim3A_936, %broadcast_in_dim3A_937 : vector<16xi1>, vector<16xi32>
        %add3A_939 = arith.addi %sub3A_919, %select_n3A_938 : vector<16xi32>
        %convert_element_type3A_940 = arith.sitofp %add3A_939 : vector<16xi32> to vector<16xf32>
        %sub3A_941 = arith.constant 1.000000e+00 : f32
        %sub3A_942 = vector.broadcast %sub3A_941 : f32 to vector<16xf32>
        %sub3A_943 = arith.subf %select_n3A_933, %sub3A_942 : vector<16xf32>
        %mul3A_944 = arith.constant 0.313053131 : f32
        %mul3A_945 = vector.broadcast %mul3A_944 : f32 to vector<16xf32>
        %mul3A_946 = arith.mulf %mul3A_945, %sub3A_943 : vector<16xf32>
        %add3A_947 = arith.constant -0.520837247 : f32
        %add3A_948 = vector.broadcast %add3A_947 : f32 to vector<16xf32>
        %add3A_949 = arith.addf %mul3A_946, %add3A_948 : vector<16xf32>
        %mul3A_950 = arith.mulf %add3A_949, %sub3A_943 : vector<16xf32>
        %add3A_951 = arith.constant 1.0009464 : f32
        %add3A_952 = vector.broadcast %add3A_951 : f32 to vector<16xf32>
        %add3A_953 = arith.addf %mul3A_950, %add3A_952 : vector<16xf32>
        %mul3A_954 = arith.constant 0.693147182 : f32
        %mul3A_955 = vector.broadcast %mul3A_954 : f32 to vector<16xf32>
        %mul3A_956 = arith.mulf %convert_element_type3A_940, %mul3A_955 : vector<16xf32>
        %mul3A_957 = arith.mulf %sub3A_943, %add3A_953 : vector<16xf32>
        %add3A_958 = arith.addf %mul3A_956, %mul3A_957 : vector<16xf32>
        %neg3A_959 = arith.constant 0.000000e+00 : f32
        %neg3A_960 = vector.broadcast %neg3A_959 : f32 to vector<16xf32>
        %neg3A_961 = arith.subf %neg3A_960, %add3A_958 : vector<16xf32>
        %mul3A_962 = arith.constant 333.333344 : f32
        %mul3A_963 = vector.broadcast %mul3A_962 : f32 to vector<16xf32>
        %mul3A_964 = arith.mulf %get3A_781, %mul3A_963 : vector<16xf32>
        %bitcast_convert_type3A_965 = tpu.bitcast %neg3A_961 : vector<16xf32> -> vector<16xi32>
        %shift_right_arithmetic3A_966 = arith.constant 23 : i32
        %shift_right_arithmetic3A_967 = vector.broadcast %shift_right_arithmetic3A_966 : i32 to vector<16xi32>
        %shift_right_arithmetic3A_968 = arith.shrsi %bitcast_convert_type3A_965, %shift_right_arithmetic3A_967 : vector<16xi32>
        %sub3A_969 = arith.constant 127 : i32
        %sub3A_970 = vector.broadcast %sub3A_969 : i32 to vector<16xi32>
        %sub3A_971 = arith.subi %shift_right_arithmetic3A_968, %sub3A_970 : vector<16xi32>
        %convert_element_type3A_972 = arith.sitofp %sub3A_971 : vector<16xi32> to vector<16xf32>
        %and3A_973 = arith.constant 8388607 : i32
        %and3A_974 = vector.broadcast %and3A_973 : i32 to vector<16xi32>
        %and3A_975 = arith.andi %bitcast_convert_type3A_965, %and3A_974 : vector<16xi32>
        %or3A_976 = arith.constant 1065353216 : i32
        %or3A_977 = vector.broadcast %or3A_976 : i32 to vector<16xi32>
        %or3A_978 = arith.ori %and3A_975, %or3A_977 : vector<16xi32>
        %bitcast_convert_type3A_979 = tpu.bitcast %or3A_978 : vector<16xi32> -> vector<16xf32>
        %sub3A_980 = arith.constant 1.000000e+00 : f32
        %sub3A_981 = vector.broadcast %sub3A_980 : f32 to vector<16xf32>
        %sub3A_982 = arith.subf %bitcast_convert_type3A_979, %sub3A_981 : vector<16xf32>
        %mul3A_983 = arith.constant -0.02491205 : f32
        %mul3A_984 = vector.broadcast %mul3A_983 : f32 to vector<16xf32>
        %mul3A_985 = arith.mulf %mul3A_984, %sub3A_982 : vector<16xf32>
        %add3A_986 = arith.constant 0.0848740711 : f32
        %add3A_987 = vector.broadcast %add3A_986 : f32 to vector<16xf32>
        %add3A_988 = arith.addf %mul3A_985, %add3A_987 : vector<16xf32>
        %mul3A_989 = arith.mulf %add3A_988, %sub3A_982 : vector<16xf32>
        %add3A_990 = arith.constant -0.162214354 : f32
        %add3A_991 = vector.broadcast %add3A_990 : f32 to vector<16xf32>
        %add3A_992 = arith.addf %mul3A_989, %add3A_991 : vector<16xf32>
        %mul3A_993 = arith.mulf %add3A_992, %sub3A_982 : vector<16xf32>
        %add3A_994 = arith.constant 0.333206803 : f32
        %add3A_995 = vector.broadcast %add3A_994 : f32 to vector<16xf32>
        %add3A_996 = arith.addf %mul3A_993, %add3A_995 : vector<16xf32>
        %mul3A_997 = arith.constant 0.231049061 : f32
        %mul3A_998 = vector.broadcast %mul3A_997 : f32 to vector<16xf32>
        %mul3A_999 = arith.mulf %convert_element_type3A_972, %mul3A_998 : vector<16xf32>
        %mul3A_1000 = arith.mulf %sub3A_982, %add3A_996 : vector<16xf32>
        %add3A_1001 = arith.addf %mul3A_999, %mul3A_1000 : vector<16xf32>
        %sub3A_1002 = arith.subf %mul3A_964, %add3A_1001 : vector<16xf32>
        %exp3A_1003 = math.exp %sub3A_1002 : vector<16xf32>
        %bitcast_convert_type3A_1004 = tpu.bitcast %get3A_809 : vector<16xf32> -> vector<16xi32>
        %shift_right_arithmetic3A_1005 = arith.constant 23 : i32
        %shift_right_arithmetic3A_1006 = vector.broadcast %shift_right_arithmetic3A_1005 : i32 to vector<16xi32>
        %shift_right_arithmetic3A_1007 = arith.shrsi %bitcast_convert_type3A_1004, %shift_right_arithmetic3A_1006 : vector<16xi32>
        %sub3A_1008 = arith.constant 127 : i32
        %sub3A_1009 = vector.broadcast %sub3A_1008 : i32 to vector<16xi32>
        %sub3A_1010 = arith.subi %shift_right_arithmetic3A_1007, %sub3A_1009 : vector<16xi32>
        %and3A_1011 = arith.constant 8388607 : i32
        %and3A_1012 = vector.broadcast %and3A_1011 : i32 to vector<16xi32>
        %and3A_1013 = arith.andi %bitcast_convert_type3A_1004, %and3A_1012 : vector<16xi32>
        %or3A_1014 = arith.constant 1065353216 : i32
        %or3A_1015 = vector.broadcast %or3A_1014 : i32 to vector<16xi32>
        %or3A_1016 = arith.ori %and3A_1013, %or3A_1015 : vector<16xi32>
        %bitcast_convert_type3A_1017 = tpu.bitcast %or3A_1016 : vector<16xi32> -> vector<16xf32>
        %gt3A_1018 = arith.constant 1.41421354 : f32
        %gt3A_1019 = vector.broadcast %gt3A_1018 : f32 to vector<16xf32>
        %gt3A_1020 = arith.cmpf ogt, %bitcast_convert_type3A_1017, %gt3A_1019 : vector<16xf32>
        %mul3A_1021 = arith.constant 5.000000e-01 : f32
        %mul3A_1022 = vector.broadcast %mul3A_1021 : f32 to vector<16xf32>
        %mul3A_1023 = arith.mulf %bitcast_convert_type3A_1017, %mul3A_1022 : vector<16xf32>
        %select_n3A_1024 = arith.select %gt3A_1020, %mul3A_1023, %bitcast_convert_type3A_1017 : vector<16xi1>, vector<16xf32>
        %jit3A_1025 = arith.constant 1 : i32
        %jit3A_1026 = arith.constant 0 : i32
        %broadcast_in_dim3A_1027 = vector.broadcast %jit3A_1025 : i32 to vector<16xi32>
        %broadcast_in_dim3A_1028 = vector.broadcast %jit3A_1026 : i32 to vector<16xi32>
        %select_n3A_1029 = arith.select %gt3A_1020, %broadcast_in_dim3A_1027, %broadcast_in_dim3A_1028 : vector<16xi1>, vector<16xi32>
        %add3A_1030 = arith.addi %sub3A_1010, %select_n3A_1029 : vector<16xi32>
        %convert_element_type3A_1031 = arith.sitofp %add3A_1030 : vector<16xi32> to vector<16xf32>
        %sub3A_1032 = arith.constant 1.000000e+00 : f32
        %sub3A_1033 = vector.broadcast %sub3A_1032 : f32 to vector<16xf32>
        %sub3A_1034 = arith.subf %select_n3A_1024, %sub3A_1033 : vector<16xf32>
        %mul3A_1035 = arith.constant 0.313053131 : f32
        %mul3A_1036 = vector.broadcast %mul3A_1035 : f32 to vector<16xf32>
        %mul3A_1037 = arith.mulf %mul3A_1036, %sub3A_1034 : vector<16xf32>
        %add3A_1038 = arith.constant -0.520837247 : f32
        %add3A_1039 = vector.broadcast %add3A_1038 : f32 to vector<16xf32>
        %add3A_1040 = arith.addf %mul3A_1037, %add3A_1039 : vector<16xf32>
        %mul3A_1041 = arith.mulf %add3A_1040, %sub3A_1034 : vector<16xf32>
        %add3A_1042 = arith.constant 1.0009464 : f32
        %add3A_1043 = vector.broadcast %add3A_1042 : f32 to vector<16xf32>
        %add3A_1044 = arith.addf %mul3A_1041, %add3A_1043 : vector<16xf32>
        %mul3A_1045 = arith.constant 0.693147182 : f32
        %mul3A_1046 = vector.broadcast %mul3A_1045 : f32 to vector<16xf32>
        %mul3A_1047 = arith.mulf %convert_element_type3A_1031, %mul3A_1046 : vector<16xf32>
        %mul3A_1048 = arith.mulf %sub3A_1034, %add3A_1044 : vector<16xf32>
        %add3A_1049 = arith.addf %mul3A_1047, %mul3A_1048 : vector<16xf32>
        %neg3A_1050 = arith.constant 0.000000e+00 : f32
        %neg3A_1051 = vector.broadcast %neg3A_1050 : f32 to vector<16xf32>
        %neg3A_1052 = arith.subf %neg3A_1051, %add3A_1049 : vector<16xf32>
        %mul3A_1053 = arith.constant 333.333344 : f32
        %mul3A_1054 = vector.broadcast %mul3A_1053 : f32 to vector<16xf32>
        %mul3A_1055 = arith.mulf %get3A_785, %mul3A_1054 : vector<16xf32>
        %bitcast_convert_type3A_1056 = tpu.bitcast %neg3A_1052 : vector<16xf32> -> vector<16xi32>
        %shift_right_arithmetic3A_1057 = arith.constant 23 : i32
        %shift_right_arithmetic3A_1058 = vector.broadcast %shift_right_arithmetic3A_1057 : i32 to vector<16xi32>
        %shift_right_arithmetic3A_1059 = arith.shrsi %bitcast_convert_type3A_1056, %shift_right_arithmetic3A_1058 : vector<16xi32>
        %sub3A_1060 = arith.constant 127 : i32
        %sub3A_1061 = vector.broadcast %sub3A_1060 : i32 to vector<16xi32>
        %sub3A_1062 = arith.subi %shift_right_arithmetic3A_1059, %sub3A_1061 : vector<16xi32>
        %convert_element_type3A_1063 = arith.sitofp %sub3A_1062 : vector<16xi32> to vector<16xf32>
        %and3A_1064 = arith.constant 8388607 : i32
        %and3A_1065 = vector.broadcast %and3A_1064 : i32 to vector<16xi32>
        %and3A_1066 = arith.andi %bitcast_convert_type3A_1056, %and3A_1065 : vector<16xi32>
        %or3A_1067 = arith.constant 1065353216 : i32
        %or3A_1068 = vector.broadcast %or3A_1067 : i32 to vector<16xi32>
        %or3A_1069 = arith.ori %and3A_1066, %or3A_1068 : vector<16xi32>
        %bitcast_convert_type3A_1070 = tpu.bitcast %or3A_1069 : vector<16xi32> -> vector<16xf32>
        %sub3A_1071 = arith.constant 1.000000e+00 : f32
        %sub3A_1072 = vector.broadcast %sub3A_1071 : f32 to vector<16xf32>
        %sub3A_1073 = arith.subf %bitcast_convert_type3A_1070, %sub3A_1072 : vector<16xf32>
        %mul3A_1074 = arith.constant -0.02491205 : f32
        %mul3A_1075 = vector.broadcast %mul3A_1074 : f32 to vector<16xf32>
        %mul3A_1076 = arith.mulf %mul3A_1075, %sub3A_1073 : vector<16xf32>
        %add3A_1077 = arith.constant 0.0848740711 : f32
        %add3A_1078 = vector.broadcast %add3A_1077 : f32 to vector<16xf32>
        %add3A_1079 = arith.addf %mul3A_1076, %add3A_1078 : vector<16xf32>
        %mul3A_1080 = arith.mulf %add3A_1079, %sub3A_1073 : vector<16xf32>
        %add3A_1081 = arith.constant -0.162214354 : f32
        %add3A_1082 = vector.broadcast %add3A_1081 : f32 to vector<16xf32>
        %add3A_1083 = arith.addf %mul3A_1080, %add3A_1082 : vector<16xf32>
        %mul3A_1084 = arith.mulf %add3A_1083, %sub3A_1073 : vector<16xf32>
        %add3A_1085 = arith.constant 0.333206803 : f32
        %add3A_1086 = vector.broadcast %add3A_1085 : f32 to vector<16xf32>
        %add3A_1087 = arith.addf %mul3A_1084, %add3A_1086 : vector<16xf32>
        %mul3A_1088 = arith.constant 0.231049061 : f32
        %mul3A_1089 = vector.broadcast %mul3A_1088 : f32 to vector<16xf32>
        %mul3A_1090 = arith.mulf %convert_element_type3A_1063, %mul3A_1089 : vector<16xf32>
        %mul3A_1091 = arith.mulf %sub3A_1073, %add3A_1087 : vector<16xf32>
        %add3A_1092 = arith.addf %mul3A_1090, %mul3A_1091 : vector<16xf32>
        %sub3A_1093 = arith.subf %mul3A_1055, %add3A_1092 : vector<16xf32>
        %exp3A_1094 = math.exp %sub3A_1093 : vector<16xf32>
        %bitcast_convert_type3A_1095 = tpu.bitcast %get3A_813 : vector<16xf32> -> vector<16xi32>
        %shift_right_arithmetic3A_1096 = arith.constant 23 : i32
        %shift_right_arithmetic3A_1097 = vector.broadcast %shift_right_arithmetic3A_1096 : i32 to vector<16xi32>
        %shift_right_arithmetic3A_1098 = arith.shrsi %bitcast_convert_type3A_1095, %shift_right_arithmetic3A_1097 : vector<16xi32>
        %sub3A_1099 = arith.constant 127 : i32
        %sub3A_1100 = vector.broadcast %sub3A_1099 : i32 to vector<16xi32>
        %sub3A_1101 = arith.subi %shift_right_arithmetic3A_1098, %sub3A_1100 : vector<16xi32>
        %and3A_1102 = arith.constant 8388607 : i32
        %and3A_1103 = vector.broadcast %and3A_1102 : i32 to vector<16xi32>
        %and3A_1104 = arith.andi %bitcast_convert_type3A_1095, %and3A_1103 : vector<16xi32>
        %or3A_1105 = arith.constant 1065353216 : i32
        %or3A_1106 = vector.broadcast %or3A_1105 : i32 to vector<16xi32>
        %or3A_1107 = arith.ori %and3A_1104, %or3A_1106 : vector<16xi32>
        %bitcast_convert_type3A_1108 = tpu.bitcast %or3A_1107 : vector<16xi32> -> vector<16xf32>
        %gt3A_1109 = arith.constant 1.41421354 : f32
        %gt3A_1110 = vector.broadcast %gt3A_1109 : f32 to vector<16xf32>
        %gt3A_1111 = arith.cmpf ogt, %bitcast_convert_type3A_1108, %gt3A_1110 : vector<16xf32>
        %mul3A_1112 = arith.constant 5.000000e-01 : f32
        %mul3A_1113 = vector.broadcast %mul3A_1112 : f32 to vector<16xf32>
        %mul3A_1114 = arith.mulf %bitcast_convert_type3A_1108, %mul3A_1113 : vector<16xf32>
        %select_n3A_1115 = arith.select %gt3A_1111, %mul3A_1114, %bitcast_convert_type3A_1108 : vector<16xi1>, vector<16xf32>
        %jit3A_1116 = arith.constant 1 : i32
        %jit3A_1117 = arith.constant 0 : i32
        %broadcast_in_dim3A_1118 = vector.broadcast %jit3A_1116 : i32 to vector<16xi32>
        %broadcast_in_dim3A_1119 = vector.broadcast %jit3A_1117 : i32 to vector<16xi32>
        %select_n3A_1120 = arith.select %gt3A_1111, %broadcast_in_dim3A_1118, %broadcast_in_dim3A_1119 : vector<16xi1>, vector<16xi32>
        %add3A_1121 = arith.addi %sub3A_1101, %select_n3A_1120 : vector<16xi32>
        %convert_element_type3A_1122 = arith.sitofp %add3A_1121 : vector<16xi32> to vector<16xf32>
        %sub3A_1123 = arith.constant 1.000000e+00 : f32
        %sub3A_1124 = vector.broadcast %sub3A_1123 : f32 to vector<16xf32>
        %sub3A_1125 = arith.subf %select_n3A_1115, %sub3A_1124 : vector<16xf32>
        %mul3A_1126 = arith.constant 0.313053131 : f32
        %mul3A_1127 = vector.broadcast %mul3A_1126 : f32 to vector<16xf32>
        %mul3A_1128 = arith.mulf %mul3A_1127, %sub3A_1125 : vector<16xf32>
        %add3A_1129 = arith.constant -0.520837247 : f32
        %add3A_1130 = vector.broadcast %add3A_1129 : f32 to vector<16xf32>
        %add3A_1131 = arith.addf %mul3A_1128, %add3A_1130 : vector<16xf32>
        %mul3A_1132 = arith.mulf %add3A_1131, %sub3A_1125 : vector<16xf32>
        %add3A_1133 = arith.constant 1.0009464 : f32
        %add3A_1134 = vector.broadcast %add3A_1133 : f32 to vector<16xf32>
        %add3A_1135 = arith.addf %mul3A_1132, %add3A_1134 : vector<16xf32>
        %mul3A_1136 = arith.constant 0.693147182 : f32
        %mul3A_1137 = vector.broadcast %mul3A_1136 : f32 to vector<16xf32>
        %mul3A_1138 = arith.mulf %convert_element_type3A_1122, %mul3A_1137 : vector<16xf32>
        %mul3A_1139 = arith.mulf %sub3A_1125, %add3A_1135 : vector<16xf32>
        %add3A_1140 = arith.addf %mul3A_1138, %mul3A_1139 : vector<16xf32>
        %neg3A_1141 = arith.constant 0.000000e+00 : f32
        %neg3A_1142 = vector.broadcast %neg3A_1141 : f32 to vector<16xf32>
        %neg3A_1143 = arith.subf %neg3A_1142, %add3A_1140 : vector<16xf32>
        %mul3A_1144 = arith.constant 333.333344 : f32
        %mul3A_1145 = vector.broadcast %mul3A_1144 : f32 to vector<16xf32>
        %mul3A_1146 = arith.mulf %get3A_789, %mul3A_1145 : vector<16xf32>
        %bitcast_convert_type3A_1147 = tpu.bitcast %neg3A_1143 : vector<16xf32> -> vector<16xi32>
        %shift_right_arithmetic3A_1148 = arith.constant 23 : i32
        %shift_right_arithmetic3A_1149 = vector.broadcast %shift_right_arithmetic3A_1148 : i32 to vector<16xi32>
        %shift_right_arithmetic3A_1150 = arith.shrsi %bitcast_convert_type3A_1147, %shift_right_arithmetic3A_1149 : vector<16xi32>
        %sub3A_1151 = arith.constant 127 : i32
        %sub3A_1152 = vector.broadcast %sub3A_1151 : i32 to vector<16xi32>
        %sub3A_1153 = arith.subi %shift_right_arithmetic3A_1150, %sub3A_1152 : vector<16xi32>
        %convert_element_type3A_1154 = arith.sitofp %sub3A_1153 : vector<16xi32> to vector<16xf32>
        %and3A_1155 = arith.constant 8388607 : i32
        %and3A_1156 = vector.broadcast %and3A_1155 : i32 to vector<16xi32>
        %and3A_1157 = arith.andi %bitcast_convert_type3A_1147, %and3A_1156 : vector<16xi32>
        %or3A_1158 = arith.constant 1065353216 : i32
        %or3A_1159 = vector.broadcast %or3A_1158 : i32 to vector<16xi32>
        %or3A_1160 = arith.ori %and3A_1157, %or3A_1159 : vector<16xi32>
        %bitcast_convert_type3A_1161 = tpu.bitcast %or3A_1160 : vector<16xi32> -> vector<16xf32>
        %sub3A_1162 = arith.constant 1.000000e+00 : f32
        %sub3A_1163 = vector.broadcast %sub3A_1162 : f32 to vector<16xf32>
        %sub3A_1164 = arith.subf %bitcast_convert_type3A_1161, %sub3A_1163 : vector<16xf32>
        %mul3A_1165 = arith.constant -0.02491205 : f32
        %mul3A_1166 = vector.broadcast %mul3A_1165 : f32 to vector<16xf32>
        %mul3A_1167 = arith.mulf %mul3A_1166, %sub3A_1164 : vector<16xf32>
        %add3A_1168 = arith.constant 0.0848740711 : f32
        %add3A_1169 = vector.broadcast %add3A_1168 : f32 to vector<16xf32>
        %add3A_1170 = arith.addf %mul3A_1167, %add3A_1169 : vector<16xf32>
        %mul3A_1171 = arith.mulf %add3A_1170, %sub3A_1164 : vector<16xf32>
        %add3A_1172 = arith.constant -0.162214354 : f32
        %add3A_1173 = vector.broadcast %add3A_1172 : f32 to vector<16xf32>
        %add3A_1174 = arith.addf %mul3A_1171, %add3A_1173 : vector<16xf32>
        %mul3A_1175 = arith.mulf %add3A_1174, %sub3A_1164 : vector<16xf32>
        %add3A_1176 = arith.constant 0.333206803 : f32
        %add3A_1177 = vector.broadcast %add3A_1176 : f32 to vector<16xf32>
        %add3A_1178 = arith.addf %mul3A_1175, %add3A_1177 : vector<16xf32>
        %mul3A_1179 = arith.constant 0.231049061 : f32
        %mul3A_1180 = vector.broadcast %mul3A_1179 : f32 to vector<16xf32>
        %mul3A_1181 = arith.mulf %convert_element_type3A_1154, %mul3A_1180 : vector<16xf32>
        %mul3A_1182 = arith.mulf %sub3A_1164, %add3A_1178 : vector<16xf32>
        %add3A_1183 = arith.addf %mul3A_1181, %mul3A_1182 : vector<16xf32>
        %sub3A_1184 = arith.subf %mul3A_1146, %add3A_1183 : vector<16xf32>
        %exp3A_1185 = math.exp %sub3A_1184 : vector<16xf32>
        %bitcast_convert_type3A_1186 = tpu.bitcast %get3A_817 : vector<16xf32> -> vector<16xi32>
        %shift_right_arithmetic3A_1187 = arith.constant 23 : i32
        %shift_right_arithmetic3A_1188 = vector.broadcast %shift_right_arithmetic3A_1187 : i32 to vector<16xi32>
        %shift_right_arithmetic3A_1189 = arith.shrsi %bitcast_convert_type3A_1186, %shift_right_arithmetic3A_1188 : vector<16xi32>
        %sub3A_1190 = arith.constant 127 : i32
        %sub3A_1191 = vector.broadcast %sub3A_1190 : i32 to vector<16xi32>
        %sub3A_1192 = arith.subi %shift_right_arithmetic3A_1189, %sub3A_1191 : vector<16xi32>
        %and3A_1193 = arith.constant 8388607 : i32
        %and3A_1194 = vector.broadcast %and3A_1193 : i32 to vector<16xi32>
        %and3A_1195 = arith.andi %bitcast_convert_type3A_1186, %and3A_1194 : vector<16xi32>
        %or3A_1196 = arith.constant 1065353216 : i32
        %or3A_1197 = vector.broadcast %or3A_1196 : i32 to vector<16xi32>
        %or3A_1198 = arith.ori %and3A_1195, %or3A_1197 : vector<16xi32>
        %bitcast_convert_type3A_1199 = tpu.bitcast %or3A_1198 : vector<16xi32> -> vector<16xf32>
        %gt3A_1200 = arith.constant 1.41421354 : f32
        %gt3A_1201 = vector.broadcast %gt3A_1200 : f32 to vector<16xf32>
        %gt3A_1202 = arith.cmpf ogt, %bitcast_convert_type3A_1199, %gt3A_1201 : vector<16xf32>
        %mul3A_1203 = arith.constant 5.000000e-01 : f32
        %mul3A_1204 = vector.broadcast %mul3A_1203 : f32 to vector<16xf32>
        %mul3A_1205 = arith.mulf %bitcast_convert_type3A_1199, %mul3A_1204 : vector<16xf32>
        %select_n3A_1206 = arith.select %gt3A_1202, %mul3A_1205, %bitcast_convert_type3A_1199 : vector<16xi1>, vector<16xf32>
        %jit3A_1207 = arith.constant 1 : i32
        %jit3A_1208 = arith.constant 0 : i32
        %broadcast_in_dim3A_1209 = vector.broadcast %jit3A_1207 : i32 to vector<16xi32>
        %broadcast_in_dim3A_1210 = vector.broadcast %jit3A_1208 : i32 to vector<16xi32>
        %select_n3A_1211 = arith.select %gt3A_1202, %broadcast_in_dim3A_1209, %broadcast_in_dim3A_1210 : vector<16xi1>, vector<16xi32>
        %add3A_1212 = arith.addi %sub3A_1192, %select_n3A_1211 : vector<16xi32>
        %convert_element_type3A_1213 = arith.sitofp %add3A_1212 : vector<16xi32> to vector<16xf32>
        %sub3A_1214 = arith.constant 1.000000e+00 : f32
        %sub3A_1215 = vector.broadcast %sub3A_1214 : f32 to vector<16xf32>
        %sub3A_1216 = arith.subf %select_n3A_1206, %sub3A_1215 : vector<16xf32>
        %mul3A_1217 = arith.constant 0.313053131 : f32
        %mul3A_1218 = vector.broadcast %mul3A_1217 : f32 to vector<16xf32>
        %mul3A_1219 = arith.mulf %mul3A_1218, %sub3A_1216 : vector<16xf32>
        %add3A_1220 = arith.constant -0.520837247 : f32
        %add3A_1221 = vector.broadcast %add3A_1220 : f32 to vector<16xf32>
        %add3A_1222 = arith.addf %mul3A_1219, %add3A_1221 : vector<16xf32>
        %mul3A_1223 = arith.mulf %add3A_1222, %sub3A_1216 : vector<16xf32>
        %add3A_1224 = arith.constant 1.0009464 : f32
        %add3A_1225 = vector.broadcast %add3A_1224 : f32 to vector<16xf32>
        %add3A_1226 = arith.addf %mul3A_1223, %add3A_1225 : vector<16xf32>
        %mul3A_1227 = arith.constant 0.693147182 : f32
        %mul3A_1228 = vector.broadcast %mul3A_1227 : f32 to vector<16xf32>
        %mul3A_1229 = arith.mulf %convert_element_type3A_1213, %mul3A_1228 : vector<16xf32>
        %mul3A_1230 = arith.mulf %sub3A_1216, %add3A_1226 : vector<16xf32>
        %add3A_1231 = arith.addf %mul3A_1229, %mul3A_1230 : vector<16xf32>
        %neg3A_1232 = arith.constant 0.000000e+00 : f32
        %neg3A_1233 = vector.broadcast %neg3A_1232 : f32 to vector<16xf32>
        %neg3A_1234 = arith.subf %neg3A_1233, %add3A_1231 : vector<16xf32>
        %mul3A_1235 = arith.constant 333.333344 : f32
        %mul3A_1236 = vector.broadcast %mul3A_1235 : f32 to vector<16xf32>
        %mul3A_1237 = arith.mulf %get3A_793, %mul3A_1236 : vector<16xf32>
        %bitcast_convert_type3A_1238 = tpu.bitcast %neg3A_1234 : vector<16xf32> -> vector<16xi32>
        %shift_right_arithmetic3A_1239 = arith.constant 23 : i32
        %shift_right_arithmetic3A_1240 = vector.broadcast %shift_right_arithmetic3A_1239 : i32 to vector<16xi32>
        %shift_right_arithmetic3A_1241 = arith.shrsi %bitcast_convert_type3A_1238, %shift_right_arithmetic3A_1240 : vector<16xi32>
        %sub3A_1242 = arith.constant 127 : i32
        %sub3A_1243 = vector.broadcast %sub3A_1242 : i32 to vector<16xi32>
        %sub3A_1244 = arith.subi %shift_right_arithmetic3A_1241, %sub3A_1243 : vector<16xi32>
        %convert_element_type3A_1245 = arith.sitofp %sub3A_1244 : vector<16xi32> to vector<16xf32>
        %and3A_1246 = arith.constant 8388607 : i32
        %and3A_1247 = vector.broadcast %and3A_1246 : i32 to vector<16xi32>
        %and3A_1248 = arith.andi %bitcast_convert_type3A_1238, %and3A_1247 : vector<16xi32>
        %or3A_1249 = arith.constant 1065353216 : i32
        %or3A_1250 = vector.broadcast %or3A_1249 : i32 to vector<16xi32>
        %or3A_1251 = arith.ori %and3A_1248, %or3A_1250 : vector<16xi32>
        %bitcast_convert_type3A_1252 = tpu.bitcast %or3A_1251 : vector<16xi32> -> vector<16xf32>
        %sub3A_1253 = arith.constant 1.000000e+00 : f32
        %sub3A_1254 = vector.broadcast %sub3A_1253 : f32 to vector<16xf32>
        %sub3A_1255 = arith.subf %bitcast_convert_type3A_1252, %sub3A_1254 : vector<16xf32>
        %mul3A_1256 = arith.constant -0.02491205 : f32
        %mul3A_1257 = vector.broadcast %mul3A_1256 : f32 to vector<16xf32>
        %mul3A_1258 = arith.mulf %mul3A_1257, %sub3A_1255 : vector<16xf32>
        %add3A_1259 = arith.constant 0.0848740711 : f32
        %add3A_1260 = vector.broadcast %add3A_1259 : f32 to vector<16xf32>
        %add3A_1261 = arith.addf %mul3A_1258, %add3A_1260 : vector<16xf32>
        %mul3A_1262 = arith.mulf %add3A_1261, %sub3A_1255 : vector<16xf32>
        %add3A_1263 = arith.constant -0.162214354 : f32
        %add3A_1264 = vector.broadcast %add3A_1263 : f32 to vector<16xf32>
        %add3A_1265 = arith.addf %mul3A_1262, %add3A_1264 : vector<16xf32>
        %mul3A_1266 = arith.mulf %add3A_1265, %sub3A_1255 : vector<16xf32>
        %add3A_1267 = arith.constant 0.333206803 : f32
        %add3A_1268 = vector.broadcast %add3A_1267 : f32 to vector<16xf32>
        %add3A_1269 = arith.addf %mul3A_1266, %add3A_1268 : vector<16xf32>
        %mul3A_1270 = arith.constant 0.231049061 : f32
        %mul3A_1271 = vector.broadcast %mul3A_1270 : f32 to vector<16xf32>
        %mul3A_1272 = arith.mulf %convert_element_type3A_1245, %mul3A_1271 : vector<16xf32>
        %mul3A_1273 = arith.mulf %sub3A_1255, %add3A_1269 : vector<16xf32>
        %add3A_1274 = arith.addf %mul3A_1272, %mul3A_1273 : vector<16xf32>
        %sub3A_1275 = arith.subf %mul3A_1237, %add3A_1274 : vector<16xf32>
        %exp3A_1276 = math.exp %sub3A_1275 : vector<16xf32>
        %bitcast_convert_type3A_1277 = tpu.bitcast %get3A_821 : vector<16xf32> -> vector<16xi32>
        %shift_right_arithmetic3A_1278 = arith.constant 23 : i32
        %shift_right_arithmetic3A_1279 = vector.broadcast %shift_right_arithmetic3A_1278 : i32 to vector<16xi32>
        %shift_right_arithmetic3A_1280 = arith.shrsi %bitcast_convert_type3A_1277, %shift_right_arithmetic3A_1279 : vector<16xi32>
        %sub3A_1281 = arith.constant 127 : i32
        %sub3A_1282 = vector.broadcast %sub3A_1281 : i32 to vector<16xi32>
        %sub3A_1283 = arith.subi %shift_right_arithmetic3A_1280, %sub3A_1282 : vector<16xi32>
        %and3A_1284 = arith.constant 8388607 : i32
        %and3A_1285 = vector.broadcast %and3A_1284 : i32 to vector<16xi32>
        %and3A_1286 = arith.andi %bitcast_convert_type3A_1277, %and3A_1285 : vector<16xi32>
        %or3A_1287 = arith.constant 1065353216 : i32
        %or3A_1288 = vector.broadcast %or3A_1287 : i32 to vector<16xi32>
        %or3A_1289 = arith.ori %and3A_1286, %or3A_1288 : vector<16xi32>
        %bitcast_convert_type3A_1290 = tpu.bitcast %or3A_1289 : vector<16xi32> -> vector<16xf32>
        %gt3A_1291 = arith.constant 1.41421354 : f32
        %gt3A_1292 = vector.broadcast %gt3A_1291 : f32 to vector<16xf32>
        %gt3A_1293 = arith.cmpf ogt, %bitcast_convert_type3A_1290, %gt3A_1292 : vector<16xf32>
        %mul3A_1294 = arith.constant 5.000000e-01 : f32
        %mul3A_1295 = vector.broadcast %mul3A_1294 : f32 to vector<16xf32>
        %mul3A_1296 = arith.mulf %bitcast_convert_type3A_1290, %mul3A_1295 : vector<16xf32>
        %select_n3A_1297 = arith.select %gt3A_1293, %mul3A_1296, %bitcast_convert_type3A_1290 : vector<16xi1>, vector<16xf32>
        %jit3A_1298 = arith.constant 1 : i32
        %jit3A_1299 = arith.constant 0 : i32
        %broadcast_in_dim3A_1300 = vector.broadcast %jit3A_1298 : i32 to vector<16xi32>
        %broadcast_in_dim3A_1301 = vector.broadcast %jit3A_1299 : i32 to vector<16xi32>
        %select_n3A_1302 = arith.select %gt3A_1293, %broadcast_in_dim3A_1300, %broadcast_in_dim3A_1301 : vector<16xi1>, vector<16xi32>
        %add3A_1303 = arith.addi %sub3A_1283, %select_n3A_1302 : vector<16xi32>
        %convert_element_type3A_1304 = arith.sitofp %add3A_1303 : vector<16xi32> to vector<16xf32>
        %sub3A_1305 = arith.constant 1.000000e+00 : f32
        %sub3A_1306 = vector.broadcast %sub3A_1305 : f32 to vector<16xf32>
        %sub3A_1307 = arith.subf %select_n3A_1297, %sub3A_1306 : vector<16xf32>
        %mul3A_1308 = arith.constant 0.313053131 : f32
        %mul3A_1309 = vector.broadcast %mul3A_1308 : f32 to vector<16xf32>
        %mul3A_1310 = arith.mulf %mul3A_1309, %sub3A_1307 : vector<16xf32>
        %add3A_1311 = arith.constant -0.520837247 : f32
        %add3A_1312 = vector.broadcast %add3A_1311 : f32 to vector<16xf32>
        %add3A_1313 = arith.addf %mul3A_1310, %add3A_1312 : vector<16xf32>
        %mul3A_1314 = arith.mulf %add3A_1313, %sub3A_1307 : vector<16xf32>
        %add3A_1315 = arith.constant 1.0009464 : f32
        %add3A_1316 = vector.broadcast %add3A_1315 : f32 to vector<16xf32>
        %add3A_1317 = arith.addf %mul3A_1314, %add3A_1316 : vector<16xf32>
        %mul3A_1318 = arith.constant 0.693147182 : f32
        %mul3A_1319 = vector.broadcast %mul3A_1318 : f32 to vector<16xf32>
        %mul3A_1320 = arith.mulf %convert_element_type3A_1304, %mul3A_1319 : vector<16xf32>
        %mul3A_1321 = arith.mulf %sub3A_1307, %add3A_1317 : vector<16xf32>
        %add3A_1322 = arith.addf %mul3A_1320, %mul3A_1321 : vector<16xf32>
        %neg3A_1323 = arith.constant 0.000000e+00 : f32
        %neg3A_1324 = vector.broadcast %neg3A_1323 : f32 to vector<16xf32>
        %neg3A_1325 = arith.subf %neg3A_1324, %add3A_1322 : vector<16xf32>
        %mul3A_1326 = arith.constant 333.333344 : f32
        %mul3A_1327 = vector.broadcast %mul3A_1326 : f32 to vector<16xf32>
        %mul3A_1328 = arith.mulf %get3A_797, %mul3A_1327 : vector<16xf32>
        %bitcast_convert_type3A_1329 = tpu.bitcast %neg3A_1325 : vector<16xf32> -> vector<16xi32>
        %shift_right_arithmetic3A_1330 = arith.constant 23 : i32
        %shift_right_arithmetic3A_1331 = vector.broadcast %shift_right_arithmetic3A_1330 : i32 to vector<16xi32>
        %shift_right_arithmetic3A_1332 = arith.shrsi %bitcast_convert_type3A_1329, %shift_right_arithmetic3A_1331 : vector<16xi32>
        %sub3A_1333 = arith.constant 127 : i32
        %sub3A_1334 = vector.broadcast %sub3A_1333 : i32 to vector<16xi32>
        %sub3A_1335 = arith.subi %shift_right_arithmetic3A_1332, %sub3A_1334 : vector<16xi32>
        %convert_element_type3A_1336 = arith.sitofp %sub3A_1335 : vector<16xi32> to vector<16xf32>
        %and3A_1337 = arith.constant 8388607 : i32
        %and3A_1338 = vector.broadcast %and3A_1337 : i32 to vector<16xi32>
        %and3A_1339 = arith.andi %bitcast_convert_type3A_1329, %and3A_1338 : vector<16xi32>
        %or3A_1340 = arith.constant 1065353216 : i32
        %or3A_1341 = vector.broadcast %or3A_1340 : i32 to vector<16xi32>
        %or3A_1342 = arith.ori %and3A_1339, %or3A_1341 : vector<16xi32>
        %bitcast_convert_type3A_1343 = tpu.bitcast %or3A_1342 : vector<16xi32> -> vector<16xf32>
        %sub3A_1344 = arith.constant 1.000000e+00 : f32
        %sub3A_1345 = vector.broadcast %sub3A_1344 : f32 to vector<16xf32>
        %sub3A_1346 = arith.subf %bitcast_convert_type3A_1343, %sub3A_1345 : vector<16xf32>
        %mul3A_1347 = arith.constant -0.02491205 : f32
        %mul3A_1348 = vector.broadcast %mul3A_1347 : f32 to vector<16xf32>
        %mul3A_1349 = arith.mulf %mul3A_1348, %sub3A_1346 : vector<16xf32>
        %add3A_1350 = arith.constant 0.0848740711 : f32
        %add3A_1351 = vector.broadcast %add3A_1350 : f32 to vector<16xf32>
        %add3A_1352 = arith.addf %mul3A_1349, %add3A_1351 : vector<16xf32>
        %mul3A_1353 = arith.mulf %add3A_1352, %sub3A_1346 : vector<16xf32>
        %add3A_1354 = arith.constant -0.162214354 : f32
        %add3A_1355 = vector.broadcast %add3A_1354 : f32 to vector<16xf32>
        %add3A_1356 = arith.addf %mul3A_1353, %add3A_1355 : vector<16xf32>
        %mul3A_1357 = arith.mulf %add3A_1356, %sub3A_1346 : vector<16xf32>
        %add3A_1358 = arith.constant 0.333206803 : f32
        %add3A_1359 = vector.broadcast %add3A_1358 : f32 to vector<16xf32>
        %add3A_1360 = arith.addf %mul3A_1357, %add3A_1359 : vector<16xf32>
        %mul3A_1361 = arith.constant 0.231049061 : f32
        %mul3A_1362 = vector.broadcast %mul3A_1361 : f32 to vector<16xf32>
        %mul3A_1363 = arith.mulf %convert_element_type3A_1336, %mul3A_1362 : vector<16xf32>
        %mul3A_1364 = arith.mulf %sub3A_1346, %add3A_1360 : vector<16xf32>
        %add3A_1365 = arith.addf %mul3A_1363, %mul3A_1364 : vector<16xf32>
        %sub3A_1366 = arith.subf %mul3A_1328, %add3A_1365 : vector<16xf32>
        %exp3A_1367 = math.exp %sub3A_1366 : vector<16xf32>
        %add3A_1368 = arith.addf %exp3A_912, %exp3A_1003 : vector<16xf32>
        %add3A_1369 = arith.addf %add3A_1368, %exp3A_1094 : vector<16xf32>
        %add3A_1370 = arith.addf %add3A_1369, %exp3A_1185 : vector<16xf32>
        %add3A_1371 = arith.addf %add3A_1370, %exp3A_1276 : vector<16xf32>
        %add3A_1372 = arith.addf %add3A_1371, %exp3A_1367 : vector<16xf32>
        %div3A_1373 = arith.constant 1.000000e+00 : f32
        %div3A_1374 = vector.broadcast %div3A_1373 : f32 to vector<16xf32>
        %div3A_1375 = arith.divf %div3A_1374, %add3A_1372 : vector<16xf32>
        %add3A_1376 = arith.addf %exp3A_912, %exp3A_1003 : vector<16xf32>
        %add3A_1377 = arith.addf %add3A_1376, %exp3A_1094 : vector<16xf32>
        %mul3A_1378 = arith.mulf %add3A_1377, %div3A_1375 : vector<16xf32>
        %add3A_1379 = arith.addf %exp3A_912, %exp3A_1185 : vector<16xf32>
        %add3A_1380 = arith.addf %add3A_1379, %exp3A_1276 : vector<16xf32>
        %mul3A_1381 = arith.mulf %add3A_1380, %div3A_1375 : vector<16xf32>
        %add3A_1382 = arith.addf %exp3A_1003, %exp3A_1185 : vector<16xf32>
        %add3A_1383 = arith.addf %add3A_1382, %exp3A_1367 : vector<16xf32>
        %mul3A_1384 = arith.mulf %add3A_1383, %div3A_1375 : vector<16xf32>
        %add3A_1385 = arith.addf %exp3A_1094, %exp3A_1276 : vector<16xf32>
        %add3A_1386 = arith.addf %add3A_1385, %exp3A_1367 : vector<16xf32>
        %mul3A_1387 = arith.mulf %add3A_1386, %div3A_1375 : vector<16xf32>
        %and3A_1388 = arith.constant 63 : i32
        %and3A_1389 = arith.andi %scan3A_771, %and3A_1388 : i32
        %shift_right_arithmetic3A_1390 = arith.constant 1 : i32
        %shift_right_arithmetic3A_1391 = arith.shrsi %and3A_1389, %shift_right_arithmetic3A_1390 : i32
        %broadcast_in_dim3A_1392 = vector.broadcast %shift_right_arithmetic3A_1391 : i32 to vector<16xi32>
        %shift_right_arithmetic3A_1393 = arith.constant 6 : i32
        %shift_right_arithmetic3A_1394 = arith.shrsi %scan3A_771, %shift_right_arithmetic3A_1393 : i32
        %add3A_1395 = arith.constant 6 : i32
        %add3A_1396 = arith.addi %add3A_1395, %shift_right_arithmetic3A_1394 : i32
        %broadcast_in_dim3A_1397 = vector.broadcast %add3A_1396 : i32 to vector<16xi32>
        %and3A_1398 = arith.constant 1 : i32
        %and3A_1399 = arith.andi %scan3A_771, %and3A_1398 : i32
        %mul3A_1400 = arith.constant 64 : i32
        %mul3A_1401 = arith.muli %and3A_1399, %mul3A_1400 : i32
        %add3A_1402 = arith.constant 0 : i32
        %add3A_1403 = arith.addi %mul3A_1401, %add3A_1402 : i32
        %add3A_1404 = vector.broadcast %add3A_1403 : i32 to vector<16xi32>
        %add3A_1405 = arith.addi %mul3A_7, %add3A_1404 : vector<16xi32>
        tpu.vector_store_idx %arg9[%broadcast_in_dim3A_1392, %broadcast_in_dim3A_1397, %add3A_1405], %mul3A_1378 : memref<32x8x128xf32, #tpu.memory_space<vmem>>[vector<16xi32>, vector<16xi32>, vector<16xi32>], vector<16xf32>,
        %add3A_1406 = arith.constant 1 : i32
        %add3A_1407 = arith.addi %mul3A_1401, %add3A_1406 : i32
        %add3A_1408 = vector.broadcast %add3A_1407 : i32 to vector<16xi32>
        %add3A_1409 = arith.addi %mul3A_7, %add3A_1408 : vector<16xi32>
        tpu.vector_store_idx %arg9[%broadcast_in_dim3A_1392, %broadcast_in_dim3A_1397, %add3A_1409], %mul3A_1381 : memref<32x8x128xf32, #tpu.memory_space<vmem>>[vector<16xi32>, vector<16xi32>, vector<16xi32>], vector<16xf32>,
        %add3A_1410 = arith.constant 2 : i32
        %add3A_1411 = arith.addi %mul3A_1401, %add3A_1410 : i32
        %add3A_1412 = vector.broadcast %add3A_1411 : i32 to vector<16xi32>
        %add3A_1413 = arith.addi %mul3A_7, %add3A_1412 : vector<16xi32>
        tpu.vector_store_idx %arg9[%broadcast_in_dim3A_1392, %broadcast_in_dim3A_1397, %add3A_1413], %mul3A_1384 : memref<32x8x128xf32, #tpu.memory_space<vmem>>[vector<16xi32>, vector<16xi32>, vector<16xi32>], vector<16xf32>,
        %add3A_1414 = arith.constant 3 : i32
        %add3A_1415 = arith.addi %mul3A_1401, %add3A_1414 : i32
        %add3A_1416 = vector.broadcast %add3A_1415 : i32 to vector<16xi32>
        %add3A_1417 = arith.addi %mul3A_7, %add3A_1416 : vector<16xi32>
        tpu.vector_store_idx %arg9[%broadcast_in_dim3A_1392, %broadcast_in_dim3A_1397, %add3A_1417], %mul3A_1387 : memref<32x8x128xf32, #tpu.memory_space<vmem>>[vector<16xi32>, vector<16xi32>, vector<16xi32>], vector<16xf32>,
      }
      %scan3A_134 = arith.constant 128 : i32
      %add3A_135 = arith.addi %mul3A_4, %scan3A_22 : i32
      "tpu.region"() ({
        %run_scoped3A = tpu.sem_alloc : memref<!tpu.dma_semaphore, #tpu.memory_space<semaphore_mem>>
        %dma_start3A_136 = arith.constant 0 : i32
        %dma_start3A_137 = arith.constant 0 : i32
        %dma_start3A_138 = arith.constant 0 : i32
        %dma_start3A_139 = tpu.memref_slice %arg4[%add3A_135, %dma_start3A_136, %dma_start3A_137, %dma_start3A_138] : memref<512x32x8x128xf32, #tpu.memory_space<hbm>> -> memref<1x32x8x128xf32, #tpu.memory_space<hbm>>
        %dma_start3A_140 = tpu.memref_squeeze %dma_start3A_139 : memref<1x32x8x128xf32, #tpu.memory_space<hbm>> -> memref<32x8x128xf32, #tpu.memory_space<hbm>>
        %dma_start3A_141 = arith.constant 0 : i32
        %dma_start3A_142 = arith.constant 0 : i32
        %dma_start3A_143 = arith.constant 0 : i32
        %dma_start3A_144 = tpu.memref_slice %arg4[%add3A_135, %dma_start3A_141, %dma_start3A_142, %dma_start3A_143] : memref<512x32x8x128xf32, #tpu.memory_space<hbm>> -> memref<1x32x8x128xf32, #tpu.memory_space<hbm>>
        %dma_start3A_145 = tpu.memref_squeeze %dma_start3A_144 : memref<1x32x8x128xf32, #tpu.memory_space<hbm>> -> memref<32x8x128xf32, #tpu.memory_space<hbm>>
        tpu.enqueue_dma source(%arg9 : memref<32x8x128xf32, #tpu.memory_space<vmem>>) target(%dma_start3A_145 : memref<32x8x128xf32, #tpu.memory_space<hbm>>) target_semaphore(%run_scoped3A : memref<!tpu.dma_semaphore, #tpu.memory_space<semaphore_mem>>)
        %dma_wait3A_146 = arith.constant 0 : i32
        %dma_wait3A_147 = arith.constant 0 : i32
        %dma_wait3A_148 = arith.constant 0 : i32
        %dma_wait3A_149 = tpu.memref_slice %arg4[%add3A_135, %dma_wait3A_146, %dma_wait3A_147, %dma_wait3A_148] : memref<512x32x8x128xf32, #tpu.memory_space<hbm>> -> memref<1x32x8x128xf32, #tpu.memory_space<hbm>>
        %dma_wait3A_150 = tpu.memref_squeeze %dma_wait3A_149 : memref<1x32x8x128xf32, #tpu.memory_space<hbm>> -> memref<32x8x128xf32, #tpu.memory_space<hbm>>
        %dma_wait3A_151 = arith.constant 0 : i32
        %dma_wait3A_152 = arith.constant 0 : i32
        %dma_wait3A_153 = arith.constant 0 : i32
        %dma_wait3A_154 = tpu.memref_slice %arg4[%add3A_135, %dma_wait3A_151, %dma_wait3A_152, %dma_wait3A_153] : memref<512x32x8x128xf32, #tpu.memory_space<hbm>> -> memref<1x32x8x128xf32, #tpu.memory_space<hbm>>
        %dma_wait3A_155 = tpu.memref_squeeze %dma_wait3A_154 : memref<1x32x8x128xf32, #tpu.memory_space<hbm>> -> memref<32x8x128xf32, #tpu.memory_space<hbm>>
        tpu.wait_dma2 semaphore(%run_scoped3A : memref<!tpu.dma_semaphore, #tpu.memory_space<semaphore_mem>>) src(%arg9 : memref<32x8x128xf32, #tpu.memory_space<vmem>>) dst(%dma_wait3A_155 : memref<32x8x128xf32, #tpu.memory_space<hbm>>)
        tpu.yield
      }) : () -> ()
    }
    %scan3A_21 = arith.constant 16 : i32
    return
  }
}

</mosaic_0001>

<sc_bundles>
// kernel: kernel.3.cloned.1.call-start
scs
__scs_entry_jumppad:
0x0: {  	(pc) =	sbr.rel $0x88, $3  }
0x1: {  	(tag) =	ssettag $0x0;
	lr =	simm.s32 $0x1  }
0x2: {  	[smem:$0x3F9F] =	sst lr;
	_ =	strace $0xD0000000  }
0x3: {  	_ = 	snop  }
0x4: {  	_ = 	snop  }
0x5: {  	_ = 	snop  }
0x6: {  	_ = 	snop  }
0x7: {  	_ = 	snop  }
__scs_overlays_trampoline_lowered:
0x8: {  	[smem:$0x3FAE] =	sst s0  }
0x9: {  	[smem:$0x3FAF] =	sst s1  }
0xa: {  	[smem:$0x3FB0] =	sst s2  }
0xb: {  	[smem:$0x3FB1] =	sst s3  }
0xc: {  	[smem:$0x3FB2] =	sst s4  }
0xd: {  	[smem:$0x3FB3] =	sst s5  }
0xe: {  	[smem:$0x3FB4] =	sst s6  }
0xf: {  	[smem:$0x3FB5] =	sst s7  }
0x10: {  	[smem:$0x3FB6] =	sst s8  }
0x11: {  	[smem:$0x3FB7] =	sst s9;
	s0 =	simm.s32 @!p0 $0x0  }
0x12: {  	s1 =	sld [smem:$0x3F9D];
	s0 =	simm.s32 @p0 $0x1  }
0x13: {  	[smem:$0x3FB8] =	sst s0;
	s0 =	simm.s32 @!p1 $0x0  }
0x14: {  	s2 =	sld [smem:$0x3F9C];
	s0 =	simm.s32 @p1 $0x1  }
0x15: {  	[smem:$0x3FB9] =	sst s0;
	s0 =	simm.s32 @!p2 $0x0  }
0x16: {  	s3 =	sld [smem:$0x3FDB];
	s0 =	simm.s32 @p2 $0x1  }
0x17: {  	s4 =	simm.s32 $0x1BF5;
	[smem:$0x3FBB] =	sst s0  }
0x18: {  	s0 =	sld [smem:$0x3F9E];
	_ =	swait.ge [sflag:s4], $0x0  }
0x19: {  	s7 =	sld [smem:$0x3F9F]  }
0x1a: {  	s8 =	sadd.s32 $0xFFFFE003, lr  }
0x1b: {  	s9 =	sadd.s32 $0xFFFFFEF7, lr;
	s5 =	simm.s32 $0xFFFFFFFF;
	p2 =	slt.u32 s8, $0xFFFFF086  }
0x1c: {  	p1 =	slt.u32 s9, $0xF7A;
	s5 =	simm.s32 @!p2 $0x0  }
0x1d: {  	s5 =	simm.s32 @p1 $0x1;
	p0 =	seq.s32 s7, s2  }
0x1e: {  	s7 =	smul.u32 @!p0 $0xF7A, s2;
	p2 =	seq.s32 @!p0 s5, $0x0  }
0x1f: {  	s9 =	smul.u32 $0xF7A, s1;
	s8 =	simm.s32 @!p0 $0x1BF5;
	p2 =	por !p2, p0  }
0x20: {  	[sflag:s8] =	ssyncset.s32 @!p0 $0xFFFFF086;
	s6 =	sadd.s32 @!p0 s3, s7;
	s7 =	simm.s32 @!p0 $0x108  }
0x21: {  	s3 =	sadd.s32 s3, s9;
	s6 =	sadd.s32 @!p0 $0x88, s6;
	s7 =	simm.s32 @p2 $0x1082  }
0x22: {  	[simem:s7], [sflag:s8] =	dma.local @!p0 [hbm:s6], $0xF7A  }
0x23: {  	s9 =	sor.u32 $0xD0000000, s2;
	s6 =	simm.s32 $0x108;
	_ =	swait.ge @!p0 [sflag:s8], $0x0  }
0x24: {  	s3 =	sadd.s32 $0x88, s3;
	s6 =	simm.s32 @!p1 $0x1082;
	[sflag:s4] =	ssyncset.s32 $0xFFFFF086  }
0x25: {  	[simem:s6], [sflag:s4] =	dma.local [hbm:s3], $0xF7A  }
0x26: {  	[smem:$0x3F9F] =	sst s1;
	(tag) =	ssettag s2;
	_ =	strace s9  }
0x27: {  	s1 =	sld [smem:$0x3FAF]  }
0x28: {  	s2 =	sld [smem:$0x3FB0]  }
0x29: {  	s4 =	sld [smem:$0x3FB2]  }
0x2a: {  	p0 =	seq.s32 s5, $0x0;
	s5 =	sld [smem:$0x3FB3]  }
0x2b: {  	s6 =	sld [smem:$0x3FB4]  }
0x2c: {  	s7 =	sld [smem:$0x3FB5]  }
0x2d: {  	s3 =	simm.s32 $0x108;
	s8 =	sld [smem:$0x3FB6]  }
0x2e: {  	s3 =	simm.s32 @!p0 $0x1082;
	s9 =	sld [smem:$0x3FB7]  }
0x2f: {  	lr =	sadd.s32 s0, s3;
	s0 =	sld [smem:$0x3FAE]  }
0x30: {  	s3 =	sld [smem:$0x3FB1]  }
0x31: {  	[smem:$0x3FBA] =	sst s10  }
0x32: {  	s10 =	sld [smem:$0x3FB8];
	_ =	sdelay $0x3  }
0x33: {  	p0 =	seq.s32 s10, $0x1;
	s10 =	sld [smem:$0x3FBA];
	_ =	sdelay $0x3  }
0x34: {  	[smem:$0x3FBA] =	sst s10  }
0x35: {  	s10 =	sld [smem:$0x3FB9];
	_ =	sdelay $0x3  }
0x36: {  	p1 =	seq.s32 s10, $0x1;
	s10 =	sld [smem:$0x3FBA];
	_ =	sdelay $0x3  }
0x37: {  	[smem:$0x3FBA] =	sst s10  }
0x38: {  	s10 =	sld [smem:$0x3FBB]  }
0x39: {  	_ = 	snop;
	(pc) =	sbr.ind lr, $3  }
0x3a: {  	_ = 	snop  }
0x3b: {  	_ = 	snop  }
0x3c: {  	p2 =	seq.s32 s10, $0x1;
	s10 =	sld [smem:$0x3FBA]  }
0x3d: {  	_ =	shalt  }
0x3e: {  	_ =	shalt  }
0x3f: {  	_ =	shalt  }
0x40: {  	_ =	shalt  }
0x41: {  	_ =	shalt  }
0x42: {  	_ =	shalt  }
0x43: {  	_ =	shalt  }
0x44: {  	_ =	shalt  }
0x45: {  	_ =	shalt  }
0x46: {  	_ =	shalt  }
0x47: {  	_ =	shalt  }
0x48: {  	_ =	shalt  }
0x49: {  	_ =	shalt  }
0x4a: {  	_ =	shalt  }
0x4b: {  	_ =	shalt  }
0x4c: {  	_ =	shalt  }
0x4d: {  	_ =	shalt  }
0x4e: {  	_ =	shalt  }
0x4f: {  	_ =	shalt  }
0x50: {  	_ =	shalt  }
0x51: {  	_ =	shalt  }
0x52: {  	_ =	shalt  }
0x53: {  	_ =	shalt  }
0x54: {  	_ =	shalt  }
0x55: {  	_ =	shalt  }
0x56: {  	_ =	shalt  }
0x57: {  	_ =	shalt  }
0x58: {  	_ =	shalt  }
0x59: {  	_ =	shalt  }
0x5a: {  	_ =	shalt  }
0x5b: {  	_ =	shalt  }
0x5c: {  	_ =	shalt  }
0x5d: {  	_ =	shalt  }
0x5e: {  	_ =	shalt  }
0x5f: {  	_ =	shalt  }
0x60: {  	_ =	shalt  }
0x61: {  	_ =	shalt  }
0x62: {  	_ =	shalt  }
0x63: {  	_ =	shalt  }
0x64: {  	_ =	shalt  }
0x65: {  	_ =	shalt  }
0x66: {  	_ =	shalt  }
0x67: {  	_ =	shalt  }
0x68: {  	_ =	shalt  }
0x69: {  	_ =	shalt  }
0x6a: {  	_ =	shalt  }
0x6b: {  	_ =	shalt  }
0x6c: {  	_ =	shalt  }
0x6d: {  	_ =	shalt  }
0x6e: {  	_ =	shalt  }
0x6f: {  	_ =	shalt  }
0x70: {  	_ =	shalt  }
0x71: {  	_ =	shalt  }
0x72: {  	_ =	shalt  }
0x73: {  	_ =	shalt  }
0x74: {  	_ =	shalt  }
0x75: {  	_ =	shalt  }
0x76: {  	_ =	shalt  }
0x77: {  	_ =	shalt  }
0x78: {  	_ =	shalt  }
0x79: {  	_ =	shalt  }
0x7a: {  	_ =	shalt  }
0x7b: {  	_ =	shalt  }
0x7c: {  	_ =	shalt  }
0x7d: {  	_ =	shalt  }
0x7e: {  	_ =	shalt  }
0x7f: {  	_ =	shalt  }
0x80: {  	_ =	shalt  }
0x81: {  	_ =	shalt  }
0x82: {  	_ =	shalt  }
0x83: {  	_ =	shalt  }
0x84: {  	_ =	shalt  }
0x85: {  	_ =	shalt  }
0x86: {  	_ =	shalt  }
0x87: {  	_ =	shalt  }
.Lfunc_end0:
.L_simem_size_0:
called_computation_lowered:
.L_overlay_start_0:
0x88: {  	s2 =	sld [smem:$0x3FD9]  }
0x89: {  	s3 =	sld [smem:$0x3FFE];
	_ =	sdelay $0x1  }
0x8a: {  	s1 =	srdreg.scid  }
0x8b: {  	s0 =	sand.u32 $0x1, s1  }
0x8c: {  	s18 =	sshll.u32 s0, $0xA;
	s2 =	sadd.s32 s3, s2  }
0x8d: {  	s2 =	sadd.s32 s2, s18  }
0x8e: {  	[smem:$0x3FC6] =	sst s2  }
0x8f: {  	_ = 	snop  }
0x90: {  	s2 =	sld [smem:$0x3FC9]  }
0x91: {  	s19 =	sld [smem:$0x3FC8]  }
0x92: {  	s4 =	sld [smem:$0x3FD0];
	(tm) =	ssettm $0x1  }
0x93: {  	s5 =	sld [smem:$0x3FFB];
	_ =	sdelay $0x3  }
0x94: {  	_ =	strace s5  }
0x95: {  	s5 =	sld [smem:$0x3FFC];
	_ =	sdelay $0x3  }
0x96: {  	_ =	strace s5  }
0x97: {  	s5 =	sld [smem:$0x3FFD];
	_ =	sdelay $0x3  }
0x98: {  	_ =	strace s5  }
0x99: {  	_ =	strace $0x8FFFFFFF  }
0x9a: {  	s20 =	sld [smem:$0x3FDB];
	_ =	sdelay $0x1  }
0x9b: {  	s6 =	simm.s32 $_scs_section_size  }
0x9c: {  	s7 =	simm.s32 $_size__tile_overlayer_lowered;
	s8 =	simm.s32 $_tile_overlayer_lowered  }
0x9d: {  	s23 =	simm.s32 $0x1BFF;
	s22 =	sshll.u32 s8, $0x1;
	s5 =	sadd.s32 s6, s20  }
0x9e: {  	s9 =	simm.s32 $0x0;
	s21 =	sshll.u32 s7, $0x1;
	s7 =	sadd.s32 s22, s5  }
0x9f: {  	[timem:s9], [sflag:s23] =	dma.local [hbm:s7], s21  }
0xa0: {  	_ =	swait.ge [sflag:s23], s21  }
0xa1: {  	s6 =	ssub.s32 $0x0, s21;
	[sflag:s23] =	ssyncset.done $0x0  }
0xa2: {  	[sflag:s23] =	ssyncadd.s32 s6;
	_ =	sdelay $0x1  }
0xa3: {  	s24 =	simm.s32 $0x1B8B  }
0xa4: {  	_ =	swait.ge [sflag:s24], $0x1  }
0xa5: {  	[sflag:s24] =	ssyncset.done $0x0  }
0xa6: {  	s25 =	simm.s32 $0x1B8E;
	[sflag:s24] =	ssyncadd.s32 $0xFFFFFFFF  }
0xa7: {  	s26 =	simm.s32 $execute0_lowered;
	[smem:$0x3FD2] =	sst s25  }
0xa8: {  	s6 =	sshll.u32 s26, $0x1;
	_ =	strace $0x80000046;
	[dreg:$0x1] =	wrdreg $0xFFFFFFFF  }
0xa9: {  	s28 =	simm.s32 $_size_execute0_lowered;
	s5 =	sadd.s32 s5, s6;
	[dreg:$0x0] =	wrdreg $0x0  }
0xaa: {  	s6 =	sshll.u32 s28, $0x1;
	[dreg:$0x2] =	wrdreg s5  }
0xab: {  	[dreg:$0x3] =	wrdreg s6  }
0xac: {  	[dreg:$0x4] =	wrdreg $0xC0  }
0xad: {  	_ =	task [dreg:s9], $0x5FFFF  }
0xae: {  	[dreg:$0x1] =	wrdreg $0xFFFFFFFF  }
0xaf: {  	[dreg:$0x0] =	wrdreg $0x60  }
0xb0: {  	[dreg:$0x2] =	wrdreg s2  }
0xb1: {  	[dreg:$0x3] =	wrdreg s19  }
0xb2: {  	[dreg:$0x4] =	wrdreg s4  }
0xb3: {  	[dreg:$0x5] =	wrdreg $0x9  }
0xb4: {  	_ =	task.clear_ibuf [dreg:s9], $0x6FFFF;
	_ =	strace $0x90000046  }
0xb5: {  	s29 =	simm.s32 $0x9;
	_ =	strace $0x80000048  }
0xb6: {  	_ =	swait.ge [sflag:s29], $0x1  }
0xb7: {  	[sflag:s29] =	ssyncadd.s32 $0xFFFFFFFF  }
0xb8: {  	_ =	strace $0x90000048  }
0xb9: {  	_ =	sfence  }
0xba: {  	s30 =	sld [smem:$0x0];
	_ =	sdelay $0x2  }
0xbb: {  	s31 =	sshll.u32 s1, $0xD;
	s1 =	sshrl.u32 s1, $0x2  }
0xbc: {  	s3 =	sand.u32 $0x4000, s31;
	s1 =	sadd.s32 s1, s30  }
0xbd: {  	s0 =	sor.u32 s3, s0;
	s1 =	sshll.u32 s1, $0x11  }
0xbe: {  	s0 =	sor.u32 s1, s0  }
0xbf: {  	s0 =	sadd.s32 $0x8F2B, s0  }
0xc0: {  	[sflag:s0] =	ssyncadd.remote.s32 $0x1  }
0xc1: {  	_ =	sfence.sel $0xFFFF  }
0xc2: {  	[dreg:$0x0] =	wrdreg $0xFFFFFFFF;
	(pc) =	sbr.abs _section_cstart, $3  }
0xc3: {  	[dreg:$0x1] =	wrdreg $0xFFFFFFFF  }
0xc4: {  	_ =	task.clear_ibuf [dreg:s9], $0x2FFFF;
	_ =	strace $0x9FFFFFFF  }
0xc5: {  	(tm) =	ssettm $0x7FFFFFFF  }
tec
execute0_lowered:
.L_overlay_start_1:
0x0: {  	(tag) =	ssettag $0x1  }
0x1: {  	s1 =	rddreg [dreg:$0x0]  }
0x2: {  	s2 =	rddreg [dreg:$0x1];
	s0 =	srdreg.scid  }
0x3: {  	s9 =	rddreg [dreg:$0x2];
	s3 =	stileid.u32  }
0x4: {  	s4 =	simm.s32 $0x0;
	s12 =	simm.s32 $0x4000;
	s13 =	simm.s32 $0xC000  }
0x5: {  	s14 =	simm.s32 $0x1;
	s15 =	simm.s32 $0x3;
	s16 =	simm.s32 $0x10000  }
0x6: {  	s17 =	simm.s32 $0x2;
	s18 =	simm.s32 $0x4;
	s19 =	simm.s32 $0x5  }
0x7: {  	v0 =	vlaneseq.u32;
	s20 =	simm.s32 $0x0;
	s5 =	sand.u32 $0x1, s0;
	s0 =	rddreg [dreg:$0x3]  }
0x8: {  	[smem:$0x7FF] =	sst s4;
	v0 =	vmul.u32 $0x4, v0;
	s6 =	sshll.u32 s5, $0x4;
	s7 =	ssub.s32 $0x2, s5  }
0x9: {  	_ =	strace $0x80000047;
	s10 =	sor.u32 s3, s6;
	s31 =	sshrl.u32 s7, $0x1  }
0xa: {  	v1 =	vimm.s32 $0x0;
	v2 =	vor.u32 $0x1, v0;
	s5 =	sshll.u32 s10, $0x11;
	s11 =	ssub.s32 s7, s31;
	s10 =	sshll.u32 s10, $0x10  }
0xb: {  	v3 =	vor.u32 $0x2, v0;
	v4 =	vor.u32 $0x3, v0;
	v5 =	vor.u32 $0x40, v0;
	s6 =	sadd.s32 s1, s5;
	s7 =	sadd.s32 s2, s5;
	s8 =	sor.u32 $0x2000, s5  }
0xc: {  	v6 =	vor.u32 $0x41, v0;
	v7 =	vor.u32 $0x42, v0;
	v8 =	vor.u32 $0x43, v0;
	s9 =	sadd.s32 s9, s10;
	s10 =	smax.u32 s11, $0x1;
	s11 =	simm.s32 $0x8000  }
.LBB2_1:
0xd: {  	[tilespmem:s4], [sflag:$0x1] =	stream.linear.gather [hbm4b:s6+s4], $0x4000, $0x38;
	[tilespmem:$0x18000] =	vst v63  }
0xe: {  	s21 =	simm.s32 $0x0  }
0xf: {  	[tilespmem:s11], [sflag:$0x3] =	stream.linear.gather [hbm4b:s7+s4], $0x4000, $0x38;
	[tilespmem:$0x18000] =	vst v63  }
.LBB2_2:
0x10: {  	s22 =	sshll.u32 s21, $0xD  }
0x11: {  	s23 =	sor.u32 s5, s22  }
0x12: {  	s25 =	sor.u32 $0x800, s23  }
0x13: {  	s24 =	simm.s32 $0x0;
	s26 =	sadd.s32 s1, s25  }
0x14: {  	[tilespmem:s12], [sflag:$0x2] =	stream.linear.gather [hbm4b:s26+s24], $0x4000, $0x38;
	[tilespmem:$0x18000] =	vst v63  }
0x15: {  	s25 =	sadd.s32 s2, s25  }
0x16: {  	[tilespmem:s13], [sflag:$0x4] =	stream.linear.gather [hbm4b:s25+s24], $0x4000, $0x38;
	[tilespmem:$0x18000] =	vst v63  }
0x17: {  	_ =	swait.ge [sflag:s14], $0x4000  }
0x18: {  	[sflag:s14] =	ssyncset.done $0x0  }
0x19: {  	[sflag:s14] =	ssyncadd.s32 $0xFFFFC000  }
0x1a: {  	_ =	swait.ge [sflag:s15], $0x4000  }
0x1b: {  	s28 =	simm.s32 $0x0;
	[sflag:s15] =	ssyncset.done $0x0  }
0x1c: {  	s26 =	simm.s32 $0x0;
	s25 =	simm.s32 $0xFFFFFFFE;
	[sflag:s15] =	ssyncadd.s32 $0xFFFFC000  }
.LBB2_3:
0x1d: {  	s29 =	sand.u32 $0x60, s24;
	s30 =	sand.u32 $0x3C00, s26  }
0x1e: {  	s29 =	sor.u32 s29, s30  }
0x1f: {  	v9 =	vld [tilespmem:s29+$0x8000];
	_ =	sdelay $0x4  }
0x20: {  	v10 =	vand.u32 $0x7FFFFF, v9  }
0x21: {  	v10 =	vor.u32 $0x3F800000, v10  }
0x22: {  	v11 =	vmul.f32 $5.000000000e-01, v10  }
0x23: {  	v12 =	vld [tilespmem:s29+$0x8080];
	vm0 =	vgt.f32 v10, $1.414213540e+00  }
0x24: {  	v10 =	vsel vm0, v11, v10  }
0x25: {  	v10 =	vadd.f32 $-1.000000000e+00, v10;
	_ =	sdelay $0x1  }
0x26: {  	v11 =	vmul.f32 $3.130531310e-01, v10  }
0x27: {  	v13 =	vand.u32 $0x7FFFFF, v12;
	v9 =	vshra.s32 v9, $0x17  }
0x28: {  	v13 =	vor.u32 $0x3F800000, v13;
	v14 =	vsel vm0, $0x1, v1;
	v11 =	vadd.f32 $-5.208372470e-01, v11  }
0x29: {  	v52 =	vmul.f32 $5.000000000e-01, v13;
	v9 =	vadd.s32 v14, v9  }
0x2a: {  	vm5 =	vgt.f32 v13, $1.414213540e+00;
	v9 =	vadd.s32 $0xFFFFFF81, v9;
	v11 =	vmul.f32 v11, v10  }
0x2b: {  	v13 =	vsel vm5, v52, v13;
	v9 =	vcvt.s32.f32 v9  }
0x2c: {  	v13 =	vadd.f32 $-1.000000000e+00, v13;
	v11 =	vadd.f32 $1.000946400e+00, v11  }
0x2d: {  	v9 =	vmul.f32 $6.931471820e-01, v9  }
0x2e: {  	v10 =	vmul.f32 v11, v10;
	v11 =	vmul.f32 $3.130531310e-01, v13;
	_ =	sdelay $0x1  }
0x2f: {  	v55 =	vld [tilespmem:s29+$0x8100];
	v9 =	vadd.f32 v10, v9;
	v10 =	vadd.f32 $-5.208372470e-01, v11  }
0x30: {  	v17 =	vld [tilespmem:s29+$0x0];
	v53 =	vsel vm5, $0x1, v1;
	v11 =	vshra.s32 v12, $0x17  }
0x31: {  	v19 =	vld [tilespmem:s29+$0x8180];
	v11 =	vadd.s32 v53, v11;
	v10 =	vmul.f32 v10, v13  }
0x32: {  	v63 =	vld [tilespmem:s29+$0x8200];
	v9 =	vsub.f32 $0.0e+00, v9;
	v11 =	vadd.s32 $0xFFFFFF81, v11  }
0x33: {  	v24 =	vld [tilespmem:s29+$0x8280];
	v11 =	vcvt.s32.f32 v11;
	v10 =	vadd.f32 $1.000946400e+00, v10  }
0x34: {  	v57 =	vand.u32 $0x7FFFFF, v55;
	v54 =	vand.u32 $0x7FFFFF, v9  }
0x35: {  	v12 =	vor.u32 $0x3F800000, v54;
	v11 =	vmul.f32 $6.931471820e-01, v11;
	v10 =	vmul.f32 v10, v13  }
0x36: {  	v17 =	vmul.f32 $3.333333440e+02, v17;
	v22 =	vand.u32 $0x7FFFFF, v19;
	v12 =	vadd.f32 $-1.000000000e+00, v12  }
0x37: {  	v27 =	vand.u32 $0x7FFFFF, v63;
	v28 =	vshra.s32 v19, $0x17;
	v10 =	vadd.f32 v10, v11  }
0x38: {  	v20 =	vand.u32 $0x7FFFFF, v24;
	v23 =	vor.u32 $0x3F800000, v22;
	v56 =	vmul.f32 $2.491205000e-02, v12  }
0x39: {  	v20 =	vor.u32 $0x3F800000, v20;
	v25 =	vmul.f32 $5.000000000e-01, v23;
	v10 =	vsub.f32 $0.0e+00, v10  }
0x3a: {  	vm7 =	vgt.f32 v23, $1.414213540e+00;
	v31 =	vmul.f32 $5.000000000e-01, v20;
	v11 =	vsub.f32 $8.487407110e-02, v56  }
0x3b: {  	vm9 =	vgt.f32 v20, $1.414213540e+00;
	v13 =	vor.u32 $0x3F800000, v57;
	v15 =	vand.u32 $0x7FFFFF, v10  }
0x3c: {  	v16 =	vmul.f32 $5.000000000e-01, v13;
	v11 =	vmul.f32 v11, v12;
	v15 =	vor.u32 $0x3F800000, v15  }
0x3d: {  	v36 =	vsel vm9, $0x1, v1;
	vm6 =	vgt.f32 v13, $1.414213540e+00;
	v15 =	vadd.f32 $-1.000000000e+00, v15  }
0x3e: {  	v19 =	vsel vm9, v31, v20;
	v13 =	vsel vm6, v16, v13;
	v11 =	vadd.f32 $-1.622143540e-01, v11  }
0x3f: {  	v9 =	vshra.s32 v9, $0x17;
	v13 =	vadd.f32 $-1.000000000e+00, v13;
	v58 =	vmul.f32 $2.491205000e-02, v15  }
0x40: {  	v19 =	vadd.f32 $-1.000000000e+00, v19;
	v9 =	vadd.s32 $0xFFFFFF81, v9;
	v11 =	vmul.f32 v11, v12  }
0x41: {  	v9 =	vcvt.s32.f32 v9;
	v18 =	vmul.f32 $3.130531310e-01, v13;
	v16 =	vsub.f32 $8.487407110e-02, v58  }
0x42: {  	v14 =	vshra.s32 v55, $0x17;
	v33 =	vmul.f32 $3.130531310e-01, v19;
	v11 =	vadd.f32 $3.332068030e-01, v11  }
0x43: {  	v9 =	vmul.f32 $2.310490610e-01, v9;
	v59 =	vadd.f32 $-5.208372470e-01, v18;
	v16 =	vmul.f32 v16, v15  }
0x44: {  	v60 =	vsel vm6, $0x1, v1;
	v10 =	vshra.s32 v10, $0x17;
	v11 =	vmul.f32 v11, v12  }
0x45: {  	v10 =	vadd.s32 $0xFFFFFF81, v10;
	v12 =	vmul.f32 v59, v13;
	v61 =	vadd.f32 $-1.622143540e-01, v16  }
0x46: {  	v10 =	vcvt.s32.f32 v10;
	v9 =	vadd.f32 v11, v9;
	v11 =	vadd.s32 v60, v14  }
0x47: {  	v12 =	vadd.f32 $1.000946400e+00, v12;
	v11 =	vadd.s32 $0xFFFFFF81, v11;
	v14 =	vmul.f32 v61, v15  }
0x48: {  	v35 =	vadd.f32 $-5.208372470e-01, v33;
	v11 =	vcvt.s32.f32 v11;
	v9 =	vsub.f32 v17, v9  }
0x49: {  	v10 =	vmul.f32 $2.310490610e-01, v10;
	v12 =	vmul.f32 v12, v13;
	v21 =	vadd.f32 $3.332068030e-01, v14  }
0x4a: {  	v17 =	vshra.s32 v63, $0x17;
	v11 =	vmul.f32 $6.931471820e-01, v11;
	v9 =	vmul.f32 $1.442695020e+00, v9  }
0x4b: {  	v14 =	vshra.s32 v24, $0x17;
	v13 =	vmul.f32 v21, v15;
	v15 =	vor.u32 $0x3F800000, v27  }
0x4c: {  	v62 =	vld [tilespmem:s29+$0x80];
	v11 =	vadd.f32 v12, v11;
	v12 =	vsel vm7, v25, v23;
	v30 =	vmul.f32 $5.000000000e-01, v15  }
0x4d: {  	v14 =	vadd.s32 v36, v14;
	v12 =	vadd.f32 $-1.000000000e+00, v12;
	vm8 =	vgt.f32 v15, $1.414213540e+00  }
0x4e: {  	(erf) = vpow2.f32 v9;
	v21 =	vsel vm7, $0x1, v1;
	v15 =	vsel vm8, v30, v15  }
0x4f: {  	v14 =	vadd.s32 $0xFFFFFF81, v14;
	v29 =	vmul.f32 $3.130531310e-01, v12;
	v15 =	vadd.f32 $-1.000000000e+00, v15  }
0x50: {  	v16 =	vadd.s32 v21, v28;
	v14 =	vcvt.s32.f32 v14;
	v9 =	vsub.f32 $0.0e+00, v11  }
0x51: {  	v11 =	vmul.f32 $3.333333440e+02, v62;
	v18 =	vadd.f32 $-5.208372470e-01, v29;
	v32 =	vmul.f32 $3.130531310e-01, v15  }
0x52: {  	v10 =	vadd.f32 v13, v10;
	v22 =	vsel vm8, $0x1, v1;
	v16 =	vadd.s32 $0xFFFFFF81, v16  }
0x53: {  	v17 =	vadd.s32 v22, v17;
	v18 =	vmul.f32 v18, v12;
	v20 =	vadd.f32 $-5.208372470e-01, v32  }
0x54: {  	v16 =	vcvt.s32.f32 v16;
	v26 =	vand.u32 $0x7FFFFF, v9;
	v17 =	vadd.s32 $0xFFFFFF81, v17  }
0x55: {  	v10 =	vsub.f32 v11, v10;
	v18 =	vadd.f32 $1.000946400e+00, v18;
	v34 =	vmul.f32 v20, v15  }
0x56: {  	v13 =	vor.u32 $0x3F800000, v26;
	v16 =	vmul.f32 $6.931471820e-01, v16;
	v20 =	vmul.f32 v35, v19  }
0x57: {  	v17 =	vcvt.s32.f32 v17;
	v12 =	vmul.f32 v18, v12;
	v18 =	vadd.f32 $1.000946400e+00, v34  }
0x58: {  	v14 =	vmul.f32 $6.931471820e-01, v14;
	v13 =	vadd.f32 $-1.000000000e+00, v13;
	v38 =	vadd.f32 $1.000946400e+00, v20  }
0x59: {  	v37 =	vmul.f32 $6.931471820e-01, v17;
	v12 =	vadd.f32 v12, v16;
	v15 =	vmul.f32 v18, v15  }
0x5a: {  	v11 =	vmul.f32 $2.491205000e-02, v13;
	v39 =	vmul.f32 v38, v19  }
0x5b: {  	v10 =	vmul.f32 $1.442695020e+00, v10;
	v12 =	vsub.f32 $0.0e+00, v12;
	v15 =	vadd.f32 v15, v37  }
0x5c: {  	v9 =	vshra.s32 v9, $0x17;
	v11 =	vsub.f32 $8.487407110e-02, v11;
	v14 =	vadd.f32 v39, v14  }
0x5d: {  	v46 =	vld [tilespmem:s29+$0x180];
	(erf) = vpow2.f32 v10;
	v40 =	vand.u32 $0x7FFFFF, v12;
	v15 =	vsub.f32 $0.0e+00, v15  }
0x5e: {  	v10 =	vmul.f32 v11, v13;
	v17 =	vor.u32 $0x3F800000, v40;
	v14 =	vsub.f32 $0.0e+00, v14  }
0x5f: {  	v9 =	vadd.s32 $0xFFFFFF81, v9;
	v11 =	vadd.f32 $-1.000000000e+00, v17;
	v42 =	vand.u32 $0x7FFFFF, v15  }
0x60: {  	v10 =	vadd.f32 $-1.622143540e-01, v10;
	v44 =	vand.u32 $0x7FFFFF, v14;
	v17 =	vor.u32 $0x3F800000, v42  }
0x61: {  	v41 =	vld [tilespmem:s29+$0x100];
	v43 =	vmul.f32 $2.491205000e-02, v11;
	v19 =	vor.u32 $0x3F800000, v44;
	v17 =	vadd.f32 $-1.000000000e+00, v17  }
0x62: {  	v52 =	vmul.f32 $3.333333440e+02, v46;
	v9 =	vcvt.s32.f32 v9;
	v19 =	vadd.f32 $-1.000000000e+00, v19  }
0x63: {  	v10 =	vmul.f32 v10, v13;
	v18 =	vsub.f32 $8.487407110e-02, v43;
	v45 =	vmul.f32 $2.491205000e-02, v17  }
0x64: {  	v9 =	vmul.f32 $2.310490610e-01, v9;
	v12 =	vshra.s32 v12, $0x17;
	v47 =	vmul.f32 $2.491205000e-02, v19  }
0x65: {  	v10 =	vadd.f32 $3.332068030e-01, v10;
	v18 =	vmul.f32 v18, v11;
	v20 =	vsub.f32 $8.487407110e-02, v45  }
0x66: {  	v16 =	vmul.f32 $3.333333440e+02, v41;
	v12 =	vadd.s32 $0xFFFFFF81, v12;
	v50 =	vsub.f32 $8.487407110e-02, v47  }
0x67: {  	v10 =	vmul.f32 v10, v13;
	v48 =	vadd.f32 $-1.622143540e-01, v18;
	v49 =	vmul.f32 v20, v17  }
0x68: {  	v15 =	vshra.s32 v15, $0x17;
	v14 =	vshra.s32 v14, $0x17;
	v20 =	vmul.f32 v50, v19  }
0x69: {  	v15 =	vadd.s32 $0xFFFFFF81, v15;
	v51 =	vmul.f32 v48, v11;
	v18 =	vadd.f32 $-1.622143540e-01, v49  }
0x6a: {  	v58 =	vadd.s32 $0xFFFFFF81, v14;
	v9 =	vadd.f32 v10, v9;
	v20 =	vadd.f32 $-1.622143540e-01, v20  }
0x6b: {  	v10 =	vcvt.s32.f32 v12;
	v12 =	vadd.f32 $3.332068030e-01, v51;
	v18 =	vmul.f32 v18, v17  }
0x6c: {  	v53 =	vld [tilespmem:s29+$0x200];
	v54 =	vcvt.s32.f32 v15;
	v9 =	vsub.f32 v16, v9;
	v56 =	vmul.f32 v20, v19  }
0x6d: {  	v10 =	vmul.f32 $2.310490610e-01, v10;
	v11 =	vmul.f32 v12, v11;
	v55 =	vadd.f32 $3.332068030e-01, v18  }
0x6e: {  	v57 =	vld [tilespmem:s29+$0x280];
	v9 =	vmul.f32 $1.442695020e+00, v9;
	v12 =	vcvt.s32.f32 v58;
	v60 =	vadd.f32 $3.332068030e-01, v56  }
0x6f: {  	v10 =	vadd.f32 v11, v10;
	v11 =	vmul.f32 $2.310490610e-01, v54;
	v59 =	vmul.f32 v55, v17  }
0x70: {  	v12 =	vmul.f32 $2.310490610e-01, v12;
	v62 =	vmul.f32 v60, v19  }
0x71: {  	v61 =	vmul.f32 $3.333333440e+02, v53;
	v10 =	vsub.f32 v52, v10;
	v11 =	vadd.f32 v59, v11  }
0x72: {  	(erf) = vpow2.f32 v9;
	v12 =	vadd.f32 v62, v12  }
0x73: {  	v9 =	vmul.f32 $1.442695020e+00, v10;
	v10 =	vsub.f32 v61, v11;
	v11 =	vmul.f32 $3.333333440e+02, v57;
	_ =	sdelay $0x1  }
0x74: {  	(erf) = vpow2.f32 v9;
	v9 =	vmul.f32 $1.442695020e+00, v10;
	v10 =	vsub.f32 v11, v12;
	_ =	sdelay $0x1  }
0x75: {  	(erf) = vpow2.f32 v9;
	v9 =	vmul.f32 $1.442695020e+00, v10;
	_ =	sdelay $0x2  }
0x76: {  	v10 =	vpop (erf);
	(erf) = vpow2.f32 v9  }
0x77: {  	v9 =	vpop (erf)  }
0x78: {  	v11 =	vadd.f32 v9, v10  }
0x79: {  	v63 =	vpop (erf)  }
0x7a: {  	v11 =	vadd.f32 v63, v11  }
0x7b: {  	v20 =	vpop (erf)  }
0x7c: {  	v21 =	vadd.f32 v20, v11  }
0x7d: {  	v22 =	vpop (erf)  }
0x7e: {  	v14 =	vadd.f32 v22, v21  }
0x7f: {  	v23 =	vpop (erf)  }
0x80: {  	v14 =	vadd.f32 v23, v14;
	_ =	sdelay $0x1  }
0x81: {  	(erf) = vrcp.f32 v14;
	_ =	sdelay $0x2  }
0x82: {  	s25 =	sadd.s32 $0x2, s25  }
0x83: {  	s30 =	sand.u32 $0x1F, s28;
	s31 =	sshll.u32 s25, $0x1  }
0x84: {  	s30 =	sshll.u32 s30, $0xA;
	s31 =	sand.u32 $0xFFFFFF80, s31  }
0x85: {  	s30 =	sadd.s32 s31, s30  }
0x86: {  	v24 =	vor.u32 s30, v0;
	v10 =	vadd.f32 v20, v10  }
0x87: {  	v25 =	vor.u32 s30, v2;
	v9 =	vadd.f32 v20, v9  }
0x88: {  	v27 =	vor.u32 s30, v3;
	v10 =	vadd.f32 v22, v10;
	v12 =	vadd.f32 v22, v63;
	v26 =	vpop (erf)  }
0x89: {  	v28 =	vor.u32 s30, v4;
	v9 =	vadd.f32 v23, v9;
	v11 =	vmul.f32 v26, v11  }
0x8a: {  	v12 =	vadd.f32 v23, v12;
	v10 =	vmul.f32 v26, v10  }
0x8b: {  	v9 =	vmul.f32 v26, v9;
	[tilespmem:v24+s16+$0x0] =	vst.idx.msk $0xffff, v11  }
0x8c: {  	v11 =	vmul.f32 v26, v12;
	[tilespmem:v25+s16+$0x0] =	vst.idx.msk $0xffff, v10  }
0x8d: {  	[tilespmem:v27+s16+$0x0] =	vst.idx.msk $0xffff, v9  }
0x8e: {  	[tilespmem:v28+s16+$0x0] =	vst.idx.msk $0xffff, v11  }
0x8f: {  	v9 =	vld [tilespmem:s29+$0x8010];
	_ =	sdelay $0x4  }
0x90: {  	v10 =	vand.u32 $0x7FFFFF, v9  }
0x91: {  	v10 =	vor.u32 $0x3F800000, v10  }
0x92: {  	v11 =	vmul.f32 $5.000000000e-01, v10  }
0x93: {  	v29 =	vld [tilespmem:s29+$0x8090];
	vm10 =	vgt.f32 v10, $1.414213540e+00  }
0x94: {  	v10 =	vsel vm10, v11, v10  }
0x95: {  	v10 =	vadd.f32 $-1.000000000e+00, v10;
	_ =	sdelay $0x1  }
0x96: {  	v11 =	vmul.f32 $3.130531310e-01, v10  }
0x97: {  	v30 =	vand.u32 $0x7FFFFF, v29;
	v9 =	vshra.s32 v9, $0x17  }
0x98: {  	v13 =	vor.u32 $0x3F800000, v30;
	v31 =	vsel vm10, $0x1, v1;
	v11 =	vadd.f32 $-5.208372470e-01, v11  }
0x99: {  	v32 =	vmul.f32 $5.000000000e-01, v13;
	v9 =	vadd.s32 v31, v9  }
0x9a: {  	vm11 =	vgt.f32 v13, $1.414213540e+00;
	v9 =	vadd.s32 $0xFFFFFF81, v9;
	v11 =	vmul.f32 v11, v10  }
0x9b: {  	v13 =	vsel vm11, v32, v13;
	v9 =	vcvt.s32.f32 v9  }
0x9c: {  	v13 =	vadd.f32 $-1.000000000e+00, v13;
	v11 =	vadd.f32 $1.000946400e+00, v11  }
0x9d: {  	v9 =	vmul.f32 $6.931471820e-01, v9  }
0x9e: {  	v10 =	vmul.f32 v11, v10;
	v11 =	vmul.f32 $3.130531310e-01, v13;
	_ =	sdelay $0x1  }
0x9f: {  	v35 =	vld [tilespmem:s29+$0x8110];
	v9 =	vadd.f32 v10, v9;
	v10 =	vadd.f32 $-5.208372470e-01, v11  }
0xa0: {  	v40 =	vld [tilespmem:s29+$0x10];
	v33 =	vsel vm11, $0x1, v1;
	v11 =	vshra.s32 v29, $0x17  }
0xa1: {  	v45 =	vld [tilespmem:s29+$0x8190];
	v11 =	vadd.s32 v33, v11;
	v10 =	vmul.f32 v10, v13  }
0xa2: {  	v48 =	vld [tilespmem:s29+$0x8210];
	v9 =	vsub.f32 $0.0e+00, v9;
	v11 =	vadd.s32 $0xFFFFFF81, v11  }
0xa3: {  	v52 =	vld [tilespmem:s29+$0x8290];
	v11 =	vcvt.s32.f32 v11;
	v10 =	vadd.f32 $1.000946400e+00, v10  }
0xa4: {  	v37 =	vand.u32 $0x7FFFFF, v35;
	v34 =	vand.u32 $0x7FFFFF, v9  }
0xa5: {  	v12 =	vor.u32 $0x3F800000, v34;
	v11 =	vmul.f32 $6.931471820e-01, v11;
	v10 =	vmul.f32 v10, v13  }
0xa6: {  	v17 =	vmul.f32 $3.333333440e+02, v40;
	v14 =	vshra.s32 v35, $0x17;
	v12 =	vadd.f32 $-1.000000000e+00, v12  }
0xa7: {  	v50 =	vand.u32 $0x7FFFFF, v45;
	v55 =	vand.u32 $0x7FFFFF, v48;
	v10 =	vadd.f32 v10, v11  }
0xa8: {  	v56 =	vshra.s32 v45, $0x17;
	v59 =	vand.u32 $0x7FFFFF, v52;
	v36 =	vmul.f32 $2.491205000e-02, v12  }
0xa9: {  	v51 =	vor.u32 $0x3F800000, v50;
	v20 =	vor.u32 $0x3F800000, v59;
	v10 =	vsub.f32 $0.0e+00, v10  }
0xaa: {  	v53 =	vmul.f32 $5.000000000e-01, v51;
	vm13 =	vgt.f32 v51, $1.414213540e+00;
	v11 =	vsub.f32 $8.487407110e-02, v36  }
0xab: {  	v61 =	vmul.f32 $5.000000000e-01, v20;
	vm15 =	vgt.f32 v20, $1.414213540e+00;
	v38 =	vand.u32 $0x7FFFFF, v10  }
0xac: {  	v13 =	vor.u32 $0x3F800000, v37;
	v11 =	vmul.f32 v11, v12;
	v15 =	vor.u32 $0x3F800000, v38  }
0xad: {  	v19 =	vsel vm15, v61, v20;
	v39 =	vmul.f32 $5.000000000e-01, v13;
	v15 =	vadd.f32 $-1.000000000e+00, v15  }
0xae: {  	v19 =	vadd.f32 $-1.000000000e+00, v19;
	vm12 =	vgt.f32 v13, $1.414213540e+00;
	v11 =	vadd.f32 $-1.622143540e-01, v11  }
0xaf: {  	v9 =	vshra.s32 v9, $0x17;
	v13 =	vsel vm12, v39, v13;
	v41 =	vmul.f32 $2.491205000e-02, v15  }
0xb0: {  	v9 =	vadd.s32 $0xFFFFFF81, v9;
	v13 =	vadd.f32 $-1.000000000e+00, v13;
	v11 =	vmul.f32 v11, v12  }
0xb1: {  	v60 =	vsel vm13, $0x1, v1;
	v9 =	vcvt.s32.f32 v9;
	v16 =	vsub.f32 $8.487407110e-02, v41  }
0xb2: {  	v24 =	vmul.f32 $3.130531310e-01, v19;
	v42 =	vmul.f32 $3.130531310e-01, v13;
	v11 =	vadd.f32 $3.332068030e-01, v11  }
0xb3: {  	v27 =	vsel vm15, $0x1, v1;
	v9 =	vmul.f32 $2.310490610e-01, v9;
	v16 =	vmul.f32 v16, v15  }
0xb4: {  	v10 =	vshra.s32 v10, $0x17;
	v43 =	vadd.f32 $-5.208372470e-01, v42;
	v11 =	vmul.f32 v11, v12  }
0xb5: {  	v44 =	vsel vm12, $0x1, v1;
	v10 =	vadd.s32 $0xFFFFFF81, v10;
	v46 =	vadd.f32 $-1.622143540e-01, v16  }
0xb6: {  	v12 =	vmul.f32 v43, v13;
	v9 =	vadd.f32 v11, v9;
	v11 =	vadd.s32 v44, v14  }
0xb7: {  	v10 =	vcvt.s32.f32 v10;
	v11 =	vadd.s32 $0xFFFFFF81, v11;
	v14 =	vmul.f32 v46, v15  }
0xb8: {  	v26 =	vadd.f32 $-5.208372470e-01, v24;
	v12 =	vadd.f32 $1.000946400e+00, v12;
	v11 =	vcvt.s32.f32 v11  }
0xb9: {  	v10 =	vmul.f32 $2.310490610e-01, v10;
	v16 =	vadd.s32 v60, v56;
	v49 =	vadd.f32 $3.332068030e-01, v14  }
0xba: {  	v16 =	vadd.s32 $0xFFFFFF81, v16;
	v12 =	vmul.f32 v12, v13;
	v11 =	vmul.f32 $6.931471820e-01, v11  }
0xbb: {  	v9 =	vsub.f32 v17, v9;
	v13 =	vmul.f32 v49, v15;
	v15 =	vor.u32 $0x3F800000, v55  }
0xbc: {  	v11 =	vadd.f32 v12, v11;
	v12 =	vsel vm13, v53, v51;
	v58 =	vmul.f32 $5.000000000e-01, v15  }
0xbd: {  	v47 =	vld [tilespmem:s29+$0x90];
	v16 =	vcvt.s32.f32 v16;
	v12 =	vadd.f32 $-1.000000000e+00, v12;
	vm14 =	vgt.f32 v15, $1.414213540e+00  }
0xbe: {  	v17 =	vshra.s32 v48, $0x17;
	v9 =	vmul.f32 $1.442695020e+00, v9;
	v15 =	vsel vm14, v58, v15  }
0xbf: {  	v14 =	vshra.s32 v52, $0x17;
	v57 =	vmul.f32 $3.130531310e-01, v12;
	v15 =	vadd.f32 $-1.000000000e+00, v15  }
0xc0: {  	v16 =	vmul.f32 $6.931471820e-01, v16;
	v14 =	vadd.s32 v27, v14;
	(erf) = vpow2.f32 v9  }
0xc1: {  	v14 =	vadd.s32 $0xFFFFFF81, v14;
	v18 =	vadd.f32 $-5.208372470e-01, v57;
	v63 =	vmul.f32 $3.130531310e-01, v15  }
0xc2: {  	v14 =	vcvt.s32.f32 v14;
	v9 =	vsub.f32 $0.0e+00, v11;
	v11 =	vmul.f32 $3.333333440e+02, v47  }
0xc3: {  	v62 =	vsel vm14, $0x1, v1;
	v18 =	vmul.f32 v18, v12;
	v20 =	vadd.f32 $-5.208372470e-01, v63  }
0xc4: {  	v10 =	vadd.f32 v13, v10;
	v17 =	vadd.s32 v62, v17;
	v54 =	vand.u32 $0x7FFFFF, v9  }
0xc5: {  	v17 =	vadd.s32 $0xFFFFFF81, v17;
	v18 =	vadd.f32 $1.000946400e+00, v18;
	v25 =	vmul.f32 v20, v15  }
0xc6: {  	v10 =	vsub.f32 v11, v10;
	v13 =	vor.u32 $0x3F800000, v54;
	v20 =	vmul.f32 v26, v19  }
0xc7: {  	v17 =	vcvt.s32.f32 v17;
	v12 =	vmul.f32 v18, v12;
	v18 =	vadd.f32 $1.000946400e+00, v25  }
0xc8: {  	v14 =	vmul.f32 $6.931471820e-01, v14;
	v13 =	vadd.f32 $-1.000000000e+00, v13;
	v29 =	vadd.f32 $1.000946400e+00, v20  }
0xc9: {  	v28 =	vmul.f32 $6.931471820e-01, v17;
	v12 =	vadd.f32 v12, v16;
	v15 =	vmul.f32 v18, v15  }
0xca: {  	v11 =	vmul.f32 $2.491205000e-02, v13;
	v30 =	vmul.f32 v29, v19  }
0xcb: {  	v10 =	vmul.f32 $1.442695020e+00, v10;
	v12 =	vsub.f32 $0.0e+00, v12;
	v15 =	vadd.f32 v15, v28  }
0xcc: {  	v9 =	vshra.s32 v9, $0x17;
	v11 =	vsub.f32 $8.487407110e-02, v11;
	v14 =	vadd.f32 v30, v14  }
0xcd: {  	v37 =	vld [tilespmem:s29+$0x190];
	(erf) = vpow2.f32 v10;
	v31 =	vand.u32 $0x7FFFFF, v12;
	v15 =	vsub.f32 $0.0e+00, v15  }
0xce: {  	v10 =	vmul.f32 v11, v13;
	v17 =	vor.u32 $0x3F800000, v31;
	v14 =	vsub.f32 $0.0e+00, v14  }
0xcf: {  	v9 =	vadd.s32 $0xFFFFFF81, v9;
	v11 =	vadd.f32 $-1.000000000e+00, v17;
	v33 =	vand.u32 $0x7FFFFF, v15  }
0xd0: {  	v10 =	vadd.f32 $-1.622143540e-01, v10;
	v35 =	vand.u32 $0x7FFFFF, v14;
	v17 =	vor.u32 $0x3F800000, v33  }
0xd1: {  	v32 =	vld [tilespmem:s29+$0x110];
	v34 =	vmul.f32 $2.491205000e-02, v11;
	v19 =	vor.u32 $0x3F800000, v35;
	v17 =	vadd.f32 $-1.000000000e+00, v17  }
0xd2: {  	v43 =	vmul.f32 $3.333333440e+02, v37;
	v9 =	vcvt.s32.f32 v9;
	v19 =	vadd.f32 $-1.000000000e+00, v19  }
0xd3: {  	v10 =	vmul.f32 v10, v13;
	v18 =	vsub.f32 $8.487407110e-02, v34;
	v36 =	vmul.f32 $2.491205000e-02, v17  }
0xd4: {  	v9 =	vmul.f32 $2.310490610e-01, v9;
	v12 =	vshra.s32 v12, $0x17;
	v38 =	vmul.f32 $2.491205000e-02, v19  }
0xd5: {  	v10 =	vadd.f32 $3.332068030e-01, v10;
	v18 =	vmul.f32 v18, v11;
	v20 =	vsub.f32 $8.487407110e-02, v36  }
0xd6: {  	v16 =	vmul.f32 $3.333333440e+02, v32;
	v12 =	vadd.s32 $0xFFFFFF81, v12;
	v41 =	vsub.f32 $8.487407110e-02, v38  }
0xd7: {  	v10 =	vmul.f32 v10, v13;
	v39 =	vadd.f32 $-1.622143540e-01, v18;
	v40 =	vmul.f32 v20, v17  }
0xd8: {  	v15 =	vshra.s32 v15, $0x17;
	v14 =	vshra.s32 v14, $0x17;
	v20 =	vmul.f32 v41, v19  }
0xd9: {  	v15 =	vadd.s32 $0xFFFFFF81, v15;
	v42 =	vmul.f32 v39, v11;
	v18 =	vadd.f32 $-1.622143540e-01, v40  }
0xda: {  	v49 =	vadd.s32 $0xFFFFFF81, v14;
	v9 =	vadd.f32 v10, v9;
	v20 =	vadd.f32 $-1.622143540e-01, v20  }
0xdb: {  	v10 =	vcvt.s32.f32 v12;
	v12 =	vadd.f32 $3.332068030e-01, v42;
	v18 =	vmul.f32 v18, v17  }
0xdc: {  	v44 =	vld [tilespmem:s29+$0x210];
	v45 =	vcvt.s32.f32 v15;
	v9 =	vsub.f32 v16, v9;
	v47 =	vmul.f32 v20, v19  }
0xdd: {  	v10 =	vmul.f32 $2.310490610e-01, v10;
	v11 =	vmul.f32 v12, v11;
	v46 =	vadd.f32 $3.332068030e-01, v18  }
0xde: {  	v48 =	vld [tilespmem:s29+$0x290];
	v9 =	vmul.f32 $1.442695020e+00, v9;
	v12 =	vcvt.s32.f32 v49;
	v51 =	vadd.f32 $3.332068030e-01, v47  }
0xdf: {  	v10 =	vadd.f32 v11, v10;
	v11 =	vmul.f32 $2.310490610e-01, v45;
	v50 =	vmul.f32 v46, v17  }
0xe0: {  	v12 =	vmul.f32 $2.310490610e-01, v12;
	v53 =	vmul.f32 v51, v19  }
0xe1: {  	v52 =	vmul.f32 $3.333333440e+02, v44;
	v10 =	vsub.f32 v43, v10;
	v11 =	vadd.f32 v50, v11  }
0xe2: {  	(erf) = vpow2.f32 v9;
	v12 =	vadd.f32 v53, v12  }
0xe3: {  	v9 =	vmul.f32 $1.442695020e+00, v10;
	v10 =	vsub.f32 v52, v11;
	v11 =	vmul.f32 $3.333333440e+02, v48;
	_ =	sdelay $0x1  }
0xe4: {  	(erf) = vpow2.f32 v9;
	v9 =	vmul.f32 $1.442695020e+00, v10;
	v10 =	vsub.f32 v11, v12;
	_ =	sdelay $0x1  }
0xe5: {  	(erf) = vpow2.f32 v9;
	v9 =	vmul.f32 $1.442695020e+00, v10;
	_ =	sdelay $0x2  }
0xe6: {  	v10 =	vpop (erf);
	(erf) = vpow2.f32 v9  }
0xe7: {  	v9 =	vpop (erf)  }
0xe8: {  	v11 =	vadd.f32 v9, v10  }
0xe9: {  	v54 =	vpop (erf)  }
0xea: {  	v11 =	vadd.f32 v54, v11  }
0xeb: {  	v55 =	vpop (erf)  }
0xec: {  	v56 =	vadd.f32 v55, v11  }
0xed: {  	v57 =	vpop (erf)  }
0xee: {  	v14 =	vadd.f32 v57, v56  }
0xef: {  	v58 =	vpop (erf)  }
0xf0: {  	v14 =	vadd.f32 v58, v14;
	_ =	sdelay $0x1  }
0xf1: {  	(erf) = vrcp.f32 v14;
	_ =	sdelay $0x6  }
0xf2: {  	v59 =	vor.u32 s30, v5;
	v10 =	vadd.f32 v55, v10  }
0xf3: {  	v60 =	vor.u32 s30, v6;
	v9 =	vadd.f32 v55, v9  }
0xf4: {  	v62 =	vor.u32 s30, v7;
	v10 =	vadd.f32 v57, v10;
	v12 =	vadd.f32 v57, v54;
	v61 =	vpop (erf)  }
0xf5: {  	p0 =	slt.u32 s25, $0x7E;
	v63 =	vor.u32 s30, v8;
	v9 =	vadd.f32 v58, v9;
	v11 =	vmul.f32 v61, v11  }
.Ltmp0:
0xf6: {  	v12 =	vadd.f32 v58, v12;
	v10 =	vmul.f32 v61, v10;
	(pc) =	sbr.rel @p0 .LBB2_3-.Ltmp0, $4  }
0xf7: {  	v9 =	vmul.f32 v61, v9;
	[tilespmem:v59+s16+$0x0] =	vst.idx.msk $0xffff, v11  }
0xf8: {  	v11 =	vmul.f32 v61, v12;
	[tilespmem:v60+s16+$0x0] =	vst.idx.msk $0xffff, v10  }
0xf9: {  	[tilespmem:v62+s16+$0x0] =	vst.idx.msk $0xffff, v9  }
0xfa: {  	s26 =	sadd.s32 $0x100, s26;
	s24 =	sadd.s32 $0x20, s24;
	s28 =	sadd.s32 $0x1, s28;
	[tilespmem:v63+s16+$0x0] =	vst.idx.msk $0xffff, v11  }
0xfb: {  	s25 =	sor.u32 $0x1000, s23  }
0xfc: {  	s24 =	simm.s32 $0x0;
	s26 =	sadd.s32 s1, s25  }
0xfd: {  	[tilespmem:s24], [sflag:$0x1] =	stream.linear.gather [hbm4b:s26+s24], $0x4000, $0x38;
	[tilespmem:$0x18000] =	vst v63  }
0xfe: {  	s25 =	sadd.s32 s2, s25  }
0xff: {  	[tilespmem:s11], [sflag:$0x3] =	stream.linear.gather [hbm4b:s25+s24], $0x4000, $0x38;
	[tilespmem:$0x18000] =	vst v63  }
0x100: {  	_ =	swait.ge [sflag:s17], $0x4000  }
0x101: {  	[sflag:s17] =	ssyncset.done $0x0  }
0x102: {  	[sflag:s17] =	ssyncadd.s32 $0xFFFFC000  }
0x103: {  	_ =	swait.ge [sflag:s18], $0x4000  }
0x104: {  	s28 =	simm.s32 $0x0;
	[sflag:s18] =	ssyncset.done $0x0  }
0x105: {  	s26 =	simm.s32 $0x0;
	s25 =	simm.s32 $0xFFFFFFFE;
	[sflag:s18] =	ssyncadd.s32 $0xFFFFC000  }
.LBB2_5:
0x106: {  	s29 =	sand.u32 $0x60, s24;
	s30 =	sand.u32 $0x3C00, s26  }
0x107: {  	s29 =	sor.u32 s29, s30  }
0x108: {  	v9 =	vld [tilespmem:s29+$0xC000];
	_ =	sdelay $0x4  }
0x109: {  	v10 =	vand.u32 $0x7FFFFF, v9  }
0x10a: {  	v10 =	vor.u32 $0x3F800000, v10  }
0x10b: {  	v11 =	vmul.f32 $5.000000000e-01, v10  }
0x10c: {  	v12 =	vld [tilespmem:s29+$0xC080];
	vm0 =	vgt.f32 v10, $1.414213540e+00  }
0x10d: {  	v10 =	vsel vm0, v11, v10  }
0x10e: {  	v10 =	vadd.f32 $-1.000000000e+00, v10;
	_ =	sdelay $0x1  }
0x10f: {  	v11 =	vmul.f32 $3.130531310e-01, v10  }
0x110: {  	v13 =	vand.u32 $0x7FFFFF, v12;
	v9 =	vshra.s32 v9, $0x17  }
0x111: {  	v13 =	vor.u32 $0x3F800000, v13;
	v14 =	vsel vm0, $0x1, v1;
	v11 =	vadd.f32 $-5.208372470e-01, v11  }
0x112: {  	v52 =	vmul.f32 $5.000000000e-01, v13;
	v9 =	vadd.s32 v14, v9  }
0x113: {  	vm5 =	vgt.f32 v13, $1.414213540e+00;
	v9 =	vadd.s32 $0xFFFFFF81, v9;
	v11 =	vmul.f32 v11, v10  }
0x114: {  	v13 =	vsel vm5, v52, v13;
	v9 =	vcvt.s32.f32 v9  }
0x115: {  	v13 =	vadd.f32 $-1.000000000e+00, v13;
	v11 =	vadd.f32 $1.000946400e+00, v11  }
0x116: {  	v9 =	vmul.f32 $6.931471820e-01, v9  }
0x117: {  	v10 =	vmul.f32 v11, v10;
	v11 =	vmul.f32 $3.130531310e-01, v13;
	_ =	sdelay $0x1  }
0x118: {  	v55 =	vld [tilespmem:s29+$0xC100];
	v9 =	vadd.f32 v10, v9;
	v10 =	vadd.f32 $-5.208372470e-01, v11  }
0x119: {  	v17 =	vld [tilespmem:s29+$0x4000];
	v53 =	vsel vm5, $0x1, v1;
	v11 =	vshra.s32 v12, $0x17  }
0x11a: {  	v19 =	vld [tilespmem:s29+$0xC180];
	v11 =	vadd.s32 v53, v11;
	v10 =	vmul.f32 v10, v13  }
0x11b: {  	v63 =	vld [tilespmem:s29+$0xC200];
	v9 =	vsub.f32 $0.0e+00, v9;
	v11 =	vadd.s32 $0xFFFFFF81, v11  }
0x11c: {  	v24 =	vld [tilespmem:s29+$0xC280];
	v11 =	vcvt.s32.f32 v11;
	v10 =	vadd.f32 $1.000946400e+00, v10  }
0x11d: {  	v57 =	vand.u32 $0x7FFFFF, v55;
	v54 =	vand.u32 $0x7FFFFF, v9  }
0x11e: {  	v12 =	vor.u32 $0x3F800000, v54;
	v11 =	vmul.f32 $6.931471820e-01, v11;
	v10 =	vmul.f32 v10, v13  }
0x11f: {  	v17 =	vmul.f32 $3.333333440e+02, v17;
	v22 =	vand.u32 $0x7FFFFF, v19;
	v12 =	vadd.f32 $-1.000000000e+00, v12  }
0x120: {  	v27 =	vand.u32 $0x7FFFFF, v63;
	v28 =	vshra.s32 v19, $0x17;
	v10 =	vadd.f32 v10, v11  }
0x121: {  	v20 =	vand.u32 $0x7FFFFF, v24;
	v23 =	vor.u32 $0x3F800000, v22;
	v56 =	vmul.f32 $2.491205000e-02, v12  }
0x122: {  	v20 =	vor.u32 $0x3F800000, v20;
	v25 =	vmul.f32 $5.000000000e-01, v23;
	v10 =	vsub.f32 $0.0e+00, v10  }
0x123: {  	vm7 =	vgt.f32 v23, $1.414213540e+00;
	v31 =	vmul.f32 $5.000000000e-01, v20;
	v11 =	vsub.f32 $8.487407110e-02, v56  }
0x124: {  	vm9 =	vgt.f32 v20, $1.414213540e+00;
	v13 =	vor.u32 $0x3F800000, v57;
	v15 =	vand.u32 $0x7FFFFF, v10  }
0x125: {  	v16 =	vmul.f32 $5.000000000e-01, v13;
	v11 =	vmul.f32 v11, v12;
	v15 =	vor.u32 $0x3F800000, v15  }
0x126: {  	v36 =	vsel vm9, $0x1, v1;
	vm6 =	vgt.f32 v13, $1.414213540e+00;
	v15 =	vadd.f32 $-1.000000000e+00, v15  }
0x127: {  	v19 =	vsel vm9, v31, v20;
	v13 =	vsel vm6, v16, v13;
	v11 =	vadd.f32 $-1.622143540e-01, v11  }
0x128: {  	v9 =	vshra.s32 v9, $0x17;
	v13 =	vadd.f32 $-1.000000000e+00, v13;
	v58 =	vmul.f32 $2.491205000e-02, v15  }
0x129: {  	v19 =	vadd.f32 $-1.000000000e+00, v19;
	v9 =	vadd.s32 $0xFFFFFF81, v9;
	v11 =	vmul.f32 v11, v12  }
0x12a: {  	v9 =	vcvt.s32.f32 v9;
	v18 =	vmul.f32 $3.130531310e-01, v13;
	v16 =	vsub.f32 $8.487407110e-02, v58  }
0x12b: {  	v14 =	vshra.s32 v55, $0x17;
	v33 =	vmul.f32 $3.130531310e-01, v19;
	v11 =	vadd.f32 $3.332068030e-01, v11  }
0x12c: {  	v9 =	vmul.f32 $2.310490610e-01, v9;
	v59 =	vadd.f32 $-5.208372470e-01, v18;
	v16 =	vmul.f32 v16, v15  }
0x12d: {  	v60 =	vsel vm6, $0x1, v1;
	v10 =	vshra.s32 v10, $0x17;
	v11 =	vmul.f32 v11, v12  }
0x12e: {  	v10 =	vadd.s32 $0xFFFFFF81, v10;
	v12 =	vmul.f32 v59, v13;
	v61 =	vadd.f32 $-1.622143540e-01, v16  }
0x12f: {  	v10 =	vcvt.s32.f32 v10;
	v9 =	vadd.f32 v11, v9;
	v11 =	vadd.s32 v60, v14  }
0x130: {  	v12 =	vadd.f32 $1.000946400e+00, v12;
	v11 =	vadd.s32 $0xFFFFFF81, v11;
	v14 =	vmul.f32 v61, v15  }
0x131: {  	v35 =	vadd.f32 $-5.208372470e-01, v33;
	v11 =	vcvt.s32.f32 v11;
	v9 =	vsub.f32 v17, v9  }
0x132: {  	v10 =	vmul.f32 $2.310490610e-01, v10;
	v12 =	vmul.f32 v12, v13;
	v21 =	vadd.f32 $3.332068030e-01, v14  }
0x133: {  	v17 =	vshra.s32 v63, $0x17;
	v11 =	vmul.f32 $6.931471820e-01, v11;
	v9 =	vmul.f32 $1.442695020e+00, v9  }
0x134: {  	v14 =	vshra.s32 v24, $0x17;
	v13 =	vmul.f32 v21, v15;
	v15 =	vor.u32 $0x3F800000, v27  }
0x135: {  	v62 =	vld [tilespmem:s29+$0x4080];
	v11 =	vadd.f32 v12, v11;
	v12 =	vsel vm7, v25, v23;
	v30 =	vmul.f32 $5.000000000e-01, v15  }
0x136: {  	v14 =	vadd.s32 v36, v14;
	v12 =	vadd.f32 $-1.000000000e+00, v12;
	vm8 =	vgt.f32 v15, $1.414213540e+00  }
0x137: {  	(erf) = vpow2.f32 v9;
	v21 =	vsel vm7, $0x1, v1;
	v15 =	vsel vm8, v30, v15  }
0x138: {  	v14 =	vadd.s32 $0xFFFFFF81, v14;
	v29 =	vmul.f32 $3.130531310e-01, v12;
	v15 =	vadd.f32 $-1.000000000e+00, v15  }
0x139: {  	v16 =	vadd.s32 v21, v28;
	v14 =	vcvt.s32.f32 v14;
	v9 =	vsub.f32 $0.0e+00, v11  }
0x13a: {  	v11 =	vmul.f32 $3.333333440e+02, v62;
	v18 =	vadd.f32 $-5.208372470e-01, v29;
	v32 =	vmul.f32 $3.130531310e-01, v15  }
0x13b: {  	v10 =	vadd.f32 v13, v10;
	v22 =	vsel vm8, $0x1, v1;
	v16 =	vadd.s32 $0xFFFFFF81, v16  }
0x13c: {  	v17 =	vadd.s32 v22, v17;
	v18 =	vmul.f32 v18, v12;
	v20 =	vadd.f32 $-5.208372470e-01, v32  }
0x13d: {  	v16 =	vcvt.s32.f32 v16;
	v26 =	vand.u32 $0x7FFFFF, v9;
	v17 =	vadd.s32 $0xFFFFFF81, v17  }
0x13e: {  	v10 =	vsub.f32 v11, v10;
	v18 =	vadd.f32 $1.000946400e+00, v18;
	v34 =	vmul.f32 v20, v15  }
0x13f: {  	v13 =	vor.u32 $0x3F800000, v26;
	v16 =	vmul.f32 $6.931471820e-01, v16;
	v20 =	vmul.f32 v35, v19  }
0x140: {  	v17 =	vcvt.s32.f32 v17;
	v12 =	vmul.f32 v18, v12;
	v18 =	vadd.f32 $1.000946400e+00, v34  }
0x141: {  	v14 =	vmul.f32 $6.931471820e-01, v14;
	v13 =	vadd.f32 $-1.000000000e+00, v13;
	v38 =	vadd.f32 $1.000946400e+00, v20  }
0x142: {  	v37 =	vmul.f32 $6.931471820e-01, v17;
	v12 =	vadd.f32 v12, v16;
	v15 =	vmul.f32 v18, v15  }
0x143: {  	v11 =	vmul.f32 $2.491205000e-02, v13;
	v39 =	vmul.f32 v38, v19  }
0x144: {  	v10 =	vmul.f32 $1.442695020e+00, v10;
	v12 =	vsub.f32 $0.0e+00, v12;
	v15 =	vadd.f32 v15, v37  }
0x145: {  	v9 =	vshra.s32 v9, $0x17;
	v11 =	vsub.f32 $8.487407110e-02, v11;
	v14 =	vadd.f32 v39, v14  }
0x146: {  	v46 =	vld [tilespmem:s29+$0x4180];
	(erf) = vpow2.f32 v10;
	v40 =	vand.u32 $0x7FFFFF, v12;
	v15 =	vsub.f32 $0.0e+00, v15  }
0x147: {  	v10 =	vmul.f32 v11, v13;
	v17 =	vor.u32 $0x3F800000, v40;
	v14 =	vsub.f32 $0.0e+00, v14  }
0x148: {  	v9 =	vadd.s32 $0xFFFFFF81, v9;
	v11 =	vadd.f32 $-1.000000000e+00, v17;
	v42 =	vand.u32 $0x7FFFFF, v15  }
0x149: {  	v10 =	vadd.f32 $-1.622143540e-01, v10;
	v44 =	vand.u32 $0x7FFFFF, v14;
	v17 =	vor.u32 $0x3F800000, v42  }
0x14a: {  	v41 =	vld [tilespmem:s29+$0x4100];
	v43 =	vmul.f32 $2.491205000e-02, v11;
	v19 =	vor.u32 $0x3F800000, v44;
	v17 =	vadd.f32 $-1.000000000e+00, v17  }
0x14b: {  	v52 =	vmul.f32 $3.333333440e+02, v46;
	v9 =	vcvt.s32.f32 v9;
	v19 =	vadd.f32 $-1.000000000e+00, v19  }
0x14c: {  	v10 =	vmul.f32 v10, v13;
	v18 =	vsub.f32 $8.487407110e-02, v43;
	v45 =	vmul.f32 $2.491205000e-02, v17  }
0x14d: {  	v9 =	vmul.f32 $2.310490610e-01, v9;
	v12 =	vshra.s32 v12, $0x17;
	v47 =	vmul.f32 $2.491205000e-02, v19  }
0x14e: {  	v10 =	vadd.f32 $3.332068030e-01, v10;
	v18 =	vmul.f32 v18, v11;
	v20 =	vsub.f32 $8.487407110e-02, v45  }
0x14f: {  	v16 =	vmul.f32 $3.333333440e+02, v41;
	v12 =	vadd.s32 $0xFFFFFF81, v12;
	v50 =	vsub.f32 $8.487407110e-02, v47  }
0x150: {  	v10 =	vmul.f32 v10, v13;
	v48 =	vadd.f32 $-1.622143540e-01, v18;
	v49 =	vmul.f32 v20, v17  }
0x151: {  	v15 =	vshra.s32 v15, $0x17;
	v14 =	vshra.s32 v14, $0x17;
	v20 =	vmul.f32 v50, v19  }
0x152: {  	v15 =	vadd.s32 $0xFFFFFF81, v15;
	v51 =	vmul.f32 v48, v11;
	v18 =	vadd.f32 $-1.622143540e-01, v49  }
0x153: {  	v58 =	vadd.s32 $0xFFFFFF81, v14;
	v9 =	vadd.f32 v10, v9;
	v20 =	vadd.f32 $-1.622143540e-01, v20  }
0x154: {  	v10 =	vcvt.s32.f32 v12;
	v12 =	vadd.f32 $3.332068030e-01, v51;
	v18 =	vmul.f32 v18, v17  }
0x155: {  	v53 =	vld [tilespmem:s29+$0x4200];
	v54 =	vcvt.s32.f32 v15;
	v9 =	vsub.f32 v16, v9;
	v56 =	vmul.f32 v20, v19  }
0x156: {  	v10 =	vmul.f32 $2.310490610e-01, v10;
	v11 =	vmul.f32 v12, v11;
	v55 =	vadd.f32 $3.332068030e-01, v18  }
0x157: {  	v57 =	vld [tilespmem:s29+$0x4280];
	v9 =	vmul.f32 $1.442695020e+00, v9;
	v12 =	vcvt.s32.f32 v58;
	v60 =	vadd.f32 $3.332068030e-01, v56  }
0x158: {  	v10 =	vadd.f32 v11, v10;
	v11 =	vmul.f32 $2.310490610e-01, v54;
	v59 =	vmul.f32 v55, v17  }
0x159: {  	v12 =	vmul.f32 $2.310490610e-01, v12;
	v62 =	vmul.f32 v60, v19  }
0x15a: {  	v61 =	vmul.f32 $3.333333440e+02, v53;
	v10 =	vsub.f32 v52, v10;
	v11 =	vadd.f32 v59, v11  }
0x15b: {  	(erf) = vpow2.f32 v9;
	v12 =	vadd.f32 v62, v12  }
0x15c: {  	v9 =	vmul.f32 $1.442695020e+00, v10;
	v10 =	vsub.f32 v61, v11;
	v11 =	vmul.f32 $3.333333440e+02, v57;
	_ =	sdelay $0x1  }
0x15d: {  	(erf) = vpow2.f32 v9;
	v9 =	vmul.f32 $1.442695020e+00, v10;
	v10 =	vsub.f32 v11, v12;
	_ =	sdelay $0x1  }
0x15e: {  	(erf) = vpow2.f32 v9;
	v9 =	vmul.f32 $1.442695020e+00, v10;
	_ =	sdelay $0x2  }
0x15f: {  	v10 =	vpop (erf);
	(erf) = vpow2.f32 v9  }
0x160: {  	v9 =	vpop (erf)  }
0x161: {  	v11 =	vadd.f32 v9, v10  }
0x162: {  	v63 =	vpop (erf)  }
0x163: {  	v11 =	vadd.f32 v63, v11  }
0x164: {  	v20 =	vpop (erf)  }
0x165: {  	v21 =	vadd.f32 v20, v11  }
0x166: {  	v22 =	vpop (erf)  }
0x167: {  	v14 =	vadd.f32 v22, v21  }
0x168: {  	v23 =	vpop (erf)  }
0x169: {  	v14 =	vadd.f32 v23, v14;
	_ =	sdelay $0x1  }
0x16a: {  	(erf) = vrcp.f32 v14;
	_ =	sdelay $0x1  }
0x16b: {  	s25 =	sadd.s32 $0x2, s25  }
0x16c: {  	s30 =	sand.u32 $0x1F, s28;
	s31 =	sshll.u32 s25, $0x1  }
0x16d: {  	s31 =	sand.u32 $0xFFFFFF80, s31;
	s30 =	sshll.u32 s30, $0xA  }
0x16e: {  	s30 =	sadd.s32 s31, s30  }
0x16f: {  	s30 =	sadd.s32 $0x100, s30  }
0x170: {  	v24 =	vor.u32 s30, v0;
	v10 =	vadd.f32 v20, v10  }
0x171: {  	v25 =	vor.u32 s30, v2;
	v9 =	vadd.f32 v20, v9  }
0x172: {  	v27 =	vor.u32 s30, v3;
	v10 =	vadd.f32 v22, v10;
	v12 =	vadd.f32 v22, v63;
	v26 =	vpop (erf)  }
0x173: {  	v28 =	vor.u32 s30, v4;
	v9 =	vadd.f32 v23, v9;
	v11 =	vmul.f32 v26, v11  }
0x174: {  	v12 =	vadd.f32 v23, v12;
	v10 =	vmul.f32 v26, v10  }
0x175: {  	v9 =	vmul.f32 v26, v9;
	[tilespmem:v24+s16+$0x0] =	vst.idx.msk $0xffff, v11  }
0x176: {  	v11 =	vmul.f32 v26, v12;
	[tilespmem:v25+s16+$0x0] =	vst.idx.msk $0xffff, v10  }
0x177: {  	[tilespmem:v27+s16+$0x0] =	vst.idx.msk $0xffff, v9  }
0x178: {  	[tilespmem:v28+s16+$0x0] =	vst.idx.msk $0xffff, v11  }
0x179: {  	v9 =	vld [tilespmem:s29+$0xC010];
	_ =	sdelay $0x4  }
0x17a: {  	v10 =	vand.u32 $0x7FFFFF, v9  }
0x17b: {  	v10 =	vor.u32 $0x3F800000, v10  }
0x17c: {  	v11 =	vmul.f32 $5.000000000e-01, v10  }
0x17d: {  	v29 =	vld [tilespmem:s29+$0xC090];
	vm10 =	vgt.f32 v10, $1.414213540e+00  }
0x17e: {  	v10 =	vsel vm10, v11, v10  }
0x17f: {  	v10 =	vadd.f32 $-1.000000000e+00, v10;
	_ =	sdelay $0x1  }
0x180: {  	v11 =	vmul.f32 $3.130531310e-01, v10  }
0x181: {  	v30 =	vand.u32 $0x7FFFFF, v29;
	v9 =	vshra.s32 v9, $0x17  }
0x182: {  	v13 =	vor.u32 $0x3F800000, v30;
	v31 =	vsel vm10, $0x1, v1;
	v11 =	vadd.f32 $-5.208372470e-01, v11  }
0x183: {  	v32 =	vmul.f32 $5.000000000e-01, v13;
	v9 =	vadd.s32 v31, v9  }
0x184: {  	vm11 =	vgt.f32 v13, $1.414213540e+00;
	v9 =	vadd.s32 $0xFFFFFF81, v9;
	v11 =	vmul.f32 v11, v10  }
0x185: {  	v13 =	vsel vm11, v32, v13;
	v9 =	vcvt.s32.f32 v9  }
0x186: {  	v13 =	vadd.f32 $-1.000000000e+00, v13;
	v11 =	vadd.f32 $1.000946400e+00, v11  }
0x187: {  	v9 =	vmul.f32 $6.931471820e-01, v9  }
0x188: {  	v10 =	vmul.f32 v11, v10;
	v11 =	vmul.f32 $3.130531310e-01, v13;
	_ =	sdelay $0x1  }
0x189: {  	v35 =	vld [tilespmem:s29+$0xC110];
	v9 =	vadd.f32 v10, v9;
	v10 =	vadd.f32 $-5.208372470e-01, v11  }
0x18a: {  	v40 =	vld [tilespmem:s29+$0x4010];
	v33 =	vsel vm11, $0x1, v1;
	v11 =	vshra.s32 v29, $0x17  }
0x18b: {  	v45 =	vld [tilespmem:s29+$0xC190];
	v11 =	vadd.s32 v33, v11;
	v10 =	vmul.f32 v10, v13  }
0x18c: {  	v48 =	vld [tilespmem:s29+$0xC210];
	v9 =	vsub.f32 $0.0e+00, v9;
	v11 =	vadd.s32 $0xFFFFFF81, v11  }
0x18d: {  	v52 =	vld [tilespmem:s29+$0xC290];
	v11 =	vcvt.s32.f32 v11;
	v10 =	vadd.f32 $1.000946400e+00, v10  }
0x18e: {  	v37 =	vand.u32 $0x7FFFFF, v35;
	v34 =	vand.u32 $0x7FFFFF, v9  }
0x18f: {  	v12 =	vor.u32 $0x3F800000, v34;
	v11 =	vmul.f32 $6.931471820e-01, v11;
	v10 =	vmul.f32 v10, v13  }
0x190: {  	v17 =	vmul.f32 $3.333333440e+02, v40;
	v14 =	vshra.s32 v35, $0x17;
	v12 =	vadd.f32 $-1.000000000e+00, v12  }
0x191: {  	v50 =	vand.u32 $0x7FFFFF, v45;
	v55 =	vand.u32 $0x7FFFFF, v48;
	v10 =	vadd.f32 v10, v11  }
0x192: {  	v56 =	vshra.s32 v45, $0x17;
	v59 =	vand.u32 $0x7FFFFF, v52;
	v36 =	vmul.f32 $2.491205000e-02, v12  }
0x193: {  	v51 =	vor.u32 $0x3F800000, v50;
	v20 =	vor.u32 $0x3F800000, v59;
	v10 =	vsub.f32 $0.0e+00, v10  }
0x194: {  	v53 =	vmul.f32 $5.000000000e-01, v51;
	vm13 =	vgt.f32 v51, $1.414213540e+00;
	v11 =	vsub.f32 $8.487407110e-02, v36  }
0x195: {  	v61 =	vmul.f32 $5.000000000e-01, v20;
	vm15 =	vgt.f32 v20, $1.414213540e+00;
	v38 =	vand.u32 $0x7FFFFF, v10  }
0x196: {  	v13 =	vor.u32 $0x3F800000, v37;
	v11 =	vmul.f32 v11, v12;
	v15 =	vor.u32 $0x3F800000, v38  }
0x197: {  	v19 =	vsel vm15, v61, v20;
	v39 =	vmul.f32 $5.000000000e-01, v13;
	v15 =	vadd.f32 $-1.000000000e+00, v15  }
0x198: {  	v19 =	vadd.f32 $-1.000000000e+00, v19;
	vm12 =	vgt.f32 v13, $1.414213540e+00;
	v11 =	vadd.f32 $-1.622143540e-01, v11  }
0x199: {  	v9 =	vshra.s32 v9, $0x17;
	v13 =	vsel vm12, v39, v13;
	v41 =	vmul.f32 $2.491205000e-02, v15  }
0x19a: {  	v9 =	vadd.s32 $0xFFFFFF81, v9;
	v13 =	vadd.f32 $-1.000000000e+00, v13;
	v11 =	vmul.f32 v11, v12  }
0x19b: {  	v60 =	vsel vm13, $0x1, v1;
	v9 =	vcvt.s32.f32 v9;
	v16 =	vsub.f32 $8.487407110e-02, v41  }
0x19c: {  	v24 =	vmul.f32 $3.130531310e-01, v19;
	v42 =	vmul.f32 $3.130531310e-01, v13;
	v11 =	vadd.f32 $3.332068030e-01, v11  }
0x19d: {  	v27 =	vsel vm15, $0x1, v1;
	v9 =	vmul.f32 $2.310490610e-01, v9;
	v16 =	vmul.f32 v16, v15  }
0x19e: {  	v10 =	vshra.s32 v10, $0x17;
	v43 =	vadd.f32 $-5.208372470e-01, v42;
	v11 =	vmul.f32 v11, v12  }
0x19f: {  	v44 =	vsel vm12, $0x1, v1;
	v10 =	vadd.s32 $0xFFFFFF81, v10;
	v46 =	vadd.f32 $-1.622143540e-01, v16  }
0x1a0: {  	v12 =	vmul.f32 v43, v13;
	v9 =	vadd.f32 v11, v9;
	v11 =	vadd.s32 v44, v14  }
0x1a1: {  	v10 =	vcvt.s32.f32 v10;
	v11 =	vadd.s32 $0xFFFFFF81, v11;
	v14 =	vmul.f32 v46, v15  }
0x1a2: {  	v26 =	vadd.f32 $-5.208372470e-01, v24;
	v12 =	vadd.f32 $1.000946400e+00, v12;
	v11 =	vcvt.s32.f32 v11  }
0x1a3: {  	v10 =	vmul.f32 $2.310490610e-01, v10;
	v16 =	vadd.s32 v60, v56;
	v49 =	vadd.f32 $3.332068030e-01, v14  }
0x1a4: {  	v16 =	vadd.s32 $0xFFFFFF81, v16;
	v12 =	vmul.f32 v12, v13;
	v11 =	vmul.f32 $6.931471820e-01, v11  }
0x1a5: {  	v9 =	vsub.f32 v17, v9;
	v13 =	vmul.f32 v49, v15;
	v15 =	vor.u32 $0x3F800000, v55  }
0x1a6: {  	v11 =	vadd.f32 v12, v11;
	v12 =	vsel vm13, v53, v51;
	v58 =	vmul.f32 $5.000000000e-01, v15  }
0x1a7: {  	v47 =	vld [tilespmem:s29+$0x4090];
	v16 =	vcvt.s32.f32 v16;
	v12 =	vadd.f32 $-1.000000000e+00, v12;
	vm14 =	vgt.f32 v15, $1.414213540e+00  }
0x1a8: {  	v17 =	vshra.s32 v48, $0x17;
	v9 =	vmul.f32 $1.442695020e+00, v9;
	v15 =	vsel vm14, v58, v15  }
0x1a9: {  	v14 =	vshra.s32 v52, $0x17;
	v57 =	vmul.f32 $3.130531310e-01, v12;
	v15 =	vadd.f32 $-1.000000000e+00, v15  }
0x1aa: {  	v16 =	vmul.f32 $6.931471820e-01, v16;
	v14 =	vadd.s32 v27, v14;
	(erf) = vpow2.f32 v9  }
0x1ab: {  	v14 =	vadd.s32 $0xFFFFFF81, v14;
	v18 =	vadd.f32 $-5.208372470e-01, v57;
	v63 =	vmul.f32 $3.130531310e-01, v15  }
0x1ac: {  	v14 =	vcvt.s32.f32 v14;
	v9 =	vsub.f32 $0.0e+00, v11;
	v11 =	vmul.f32 $3.333333440e+02, v47  }
0x1ad: {  	v62 =	vsel vm14, $0x1, v1;
	v18 =	vmul.f32 v18, v12;
	v20 =	vadd.f32 $-5.208372470e-01, v63  }
0x1ae: {  	v10 =	vadd.f32 v13, v10;
	v17 =	vadd.s32 v62, v17;
	v54 =	vand.u32 $0x7FFFFF, v9  }
0x1af: {  	v17 =	vadd.s32 $0xFFFFFF81, v17;
	v18 =	vadd.f32 $1.000946400e+00, v18;
	v25 =	vmul.f32 v20, v15  }
0x1b0: {  	v10 =	vsub.f32 v11, v10;
	v13 =	vor.u32 $0x3F800000, v54;
	v20 =	vmul.f32 v26, v19  }
0x1b1: {  	v17 =	vcvt.s32.f32 v17;
	v12 =	vmul.f32 v18, v12;
	v18 =	vadd.f32 $1.000946400e+00, v25  }
0x1b2: {  	v14 =	vmul.f32 $6.931471820e-01, v14;
	v13 =	vadd.f32 $-1.000000000e+00, v13;
	v29 =	vadd.f32 $1.000946400e+00, v20  }
0x1b3: {  	v28 =	vmul.f32 $6.931471820e-01, v17;
	v12 =	vadd.f32 v12, v16;
	v15 =	vmul.f32 v18, v15  }
0x1b4: {  	v11 =	vmul.f32 $2.491205000e-02, v13;
	v30 =	vmul.f32 v29, v19  }
0x1b5: {  	v10 =	vmul.f32 $1.442695020e+00, v10;
	v12 =	vsub.f32 $0.0e+00, v12;
	v15 =	vadd.f32 v15, v28  }
0x1b6: {  	v9 =	vshra.s32 v9, $0x17;
	v11 =	vsub.f32 $8.487407110e-02, v11;
	v14 =	vadd.f32 v30, v14  }
0x1b7: {  	v37 =	vld [tilespmem:s29+$0x4190];
	(erf) = vpow2.f32 v10;
	v31 =	vand.u32 $0x7FFFFF, v12;
	v15 =	vsub.f32 $0.0e+00, v15  }
0x1b8: {  	v10 =	vmul.f32 v11, v13;
	v17 =	vor.u32 $0x3F800000, v31;
	v14 =	vsub.f32 $0.0e+00, v14  }
0x1b9: {  	v9 =	vadd.s32 $0xFFFFFF81, v9;
	v11 =	vadd.f32 $-1.000000000e+00, v17;
	v33 =	vand.u32 $0x7FFFFF, v15  }
0x1ba: {  	v10 =	vadd.f32 $-1.622143540e-01, v10;
	v35 =	vand.u32 $0x7FFFFF, v14;
	v17 =	vor.u32 $0x3F800000, v33  }
0x1bb: {  	v32 =	vld [tilespmem:s29+$0x4110];
	v34 =	vmul.f32 $2.491205000e-02, v11;
	v19 =	vor.u32 $0x3F800000, v35;
	v17 =	vadd.f32 $-1.000000000e+00, v17  }
0x1bc: {  	v43 =	vmul.f32 $3.333333440e+02, v37;
	v9 =	vcvt.s32.f32 v9;
	v19 =	vadd.f32 $-1.000000000e+00, v19  }
0x1bd: {  	v10 =	vmul.f32 v10, v13;
	v18 =	vsub.f32 $8.487407110e-02, v34;
	v36 =	vmul.f32 $2.491205000e-02, v17  }
0x1be: {  	v9 =	vmul.f32 $2.310490610e-01, v9;
	v12 =	vshra.s32 v12, $0x17;
	v38 =	vmul.f32 $2.491205000e-02, v19  }
0x1bf: {  	v10 =	vadd.f32 $3.332068030e-01, v10;
	v18 =	vmul.f32 v18, v11;
	v20 =	vsub.f32 $8.487407110e-02, v36  }
0x1c0: {  	v16 =	vmul.f32 $3.333333440e+02, v32;
	v12 =	vadd.s32 $0xFFFFFF81, v12;
	v41 =	vsub.f32 $8.487407110e-02, v38  }
0x1c1: {  	v10 =	vmul.f32 v10, v13;
	v39 =	vadd.f32 $-1.622143540e-01, v18;
	v40 =	vmul.f32 v20, v17  }
0x1c2: {  	v15 =	vshra.s32 v15, $0x17;
	v14 =	vshra.s32 v14, $0x17;
	v20 =	vmul.f32 v41, v19  }
0x1c3: {  	v15 =	vadd.s32 $0xFFFFFF81, v15;
	v42 =	vmul.f32 v39, v11;
	v18 =	vadd.f32 $-1.622143540e-01, v40  }
0x1c4: {  	v49 =	vadd.s32 $0xFFFFFF81, v14;
	v9 =	vadd.f32 v10, v9;
	v20 =	vadd.f32 $-1.622143540e-01, v20  }
0x1c5: {  	v10 =	vcvt.s32.f32 v12;
	v12 =	vadd.f32 $3.332068030e-01, v42;
	v18 =	vmul.f32 v18, v17  }
0x1c6: {  	v44 =	vld [tilespmem:s29+$0x4210];
	v45 =	vcvt.s32.f32 v15;
	v9 =	vsub.f32 v16, v9;
	v47 =	vmul.f32 v20, v19  }
0x1c7: {  	v10 =	vmul.f32 $2.310490610e-01, v10;
	v11 =	vmul.f32 v12, v11;
	v46 =	vadd.f32 $3.332068030e-01, v18  }
0x1c8: {  	v48 =	vld [tilespmem:s29+$0x4290];
	v9 =	vmul.f32 $1.442695020e+00, v9;
	v12 =	vcvt.s32.f32 v49;
	v51 =	vadd.f32 $3.332068030e-01, v47  }
0x1c9: {  	v10 =	vadd.f32 v11, v10;
	v11 =	vmul.f32 $2.310490610e-01, v45;
	v50 =	vmul.f32 v46, v17  }
0x1ca: {  	v12 =	vmul.f32 $2.310490610e-01, v12;
	v53 =	vmul.f32 v51, v19  }
0x1cb: {  	v52 =	vmul.f32 $3.333333440e+02, v44;
	v10 =	vsub.f32 v43, v10;
	v11 =	vadd.f32 v50, v11  }
0x1cc: {  	(erf) = vpow2.f32 v9;
	v12 =	vadd.f32 v53, v12  }
0x1cd: {  	v9 =	vmul.f32 $1.442695020e+00, v10;
	v10 =	vsub.f32 v52, v11;
	v11 =	vmul.f32 $3.333333440e+02, v48;
	_ =	sdelay $0x1  }
0x1ce: {  	(erf) = vpow2.f32 v9;
	v9 =	vmul.f32 $1.442695020e+00, v10;
	v10 =	vsub.f32 v11, v12;
	_ =	sdelay $0x1  }
0x1cf: {  	(erf) = vpow2.f32 v9;
	v9 =	vmul.f32 $1.442695020e+00, v10;
	_ =	sdelay $0x2  }
0x1d0: {  	v10 =	vpop (erf);
	(erf) = vpow2.f32 v9  }
0x1d1: {  	v9 =	vpop (erf)  }
0x1d2: {  	v11 =	vadd.f32 v9, v10  }
0x1d3: {  	v54 =	vpop (erf)  }
0x1d4: {  	v11 =	vadd.f32 v54, v11  }
0x1d5: {  	v55 =	vpop (erf)  }
0x1d6: {  	v56 =	vadd.f32 v55, v11  }
0x1d7: {  	v57 =	vpop (erf)  }
0x1d8: {  	v14 =	vadd.f32 v57, v56  }
0x1d9: {  	v58 =	vpop (erf)  }
0x1da: {  	v14 =	vadd.f32 v58, v14;
	_ =	sdelay $0x1  }
0x1db: {  	(erf) = vrcp.f32 v14;
	_ =	sdelay $0x6  }
0x1dc: {  	v59 =	vor.u32 s30, v5;
	v10 =	vadd.f32 v55, v10  }
0x1dd: {  	v60 =	vor.u32 s30, v6;
	v9 =	vadd.f32 v55, v9  }
0x1de: {  	v62 =	vor.u32 s30, v7;
	v10 =	vadd.f32 v57, v10;
	v12 =	vadd.f32 v57, v54;
	v61 =	vpop (erf)  }
0x1df: {  	p0 =	slt.u32 s25, $0x7E;
	v63 =	vor.u32 s30, v8;
	v9 =	vadd.f32 v58, v9;
	v11 =	vmul.f32 v61, v11  }
.Ltmp1:
0x1e0: {  	v12 =	vadd.f32 v58, v12;
	v10 =	vmul.f32 v61, v10;
	(pc) =	sbr.rel @p0 .LBB2_5-.Ltmp1, $4  }
0x1e1: {  	v9 =	vmul.f32 v61, v9;
	[tilespmem:v59+s16+$0x0] =	vst.idx.msk $0xffff, v11  }
0x1e2: {  	v11 =	vmul.f32 v61, v12;
	[tilespmem:v60+s16+$0x0] =	vst.idx.msk $0xffff, v10  }
0x1e3: {  	[tilespmem:v62+s16+$0x0] =	vst.idx.msk $0xffff, v9  }
0x1e4: {  	s26 =	sadd.s32 $0x100, s26;
	s24 =	sadd.s32 $0x20, s24;
	s28 =	sadd.s32 $0x1, s28;
	[tilespmem:v63+s16+$0x0] =	vst.idx.msk $0xffff, v11  }
0x1e5: {  	s24 =	sor.u32 $0x1800, s23  }
0x1e6: {  	s23 =	simm.s32 $0x0;
	s25 =	sadd.s32 s1, s24  }
0x1e7: {  	[tilespmem:s12], [sflag:$0x2] =	stream.linear.gather [hbm4b:s25+s23], $0x4000, $0x38;
	[tilespmem:$0x18000] =	vst v63  }
0x1e8: {  	s24 =	sadd.s32 s2, s24  }
0x1e9: {  	[tilespmem:s13], [sflag:$0x4] =	stream.linear.gather [hbm4b:s24+s23], $0x4000, $0x38;
	[tilespmem:$0x18000] =	vst v63  }
0x1ea: {  	_ =	swait.ge [sflag:s14], $0x4000  }
0x1eb: {  	[sflag:s14] =	ssyncset.done $0x0  }
0x1ec: {  	[sflag:s14] =	ssyncadd.s32 $0xFFFFC000  }
0x1ed: {  	_ =	swait.ge [sflag:s15], $0x4000  }
0x1ee: {  	s26 =	simm.s32 $0x0;
	[sflag:s15] =	ssyncset.done $0x0  }
0x1ef: {  	s25 =	simm.s32 $0x0;
	s24 =	simm.s32 $0xFFFFFFFE;
	[sflag:s15] =	ssyncadd.s32 $0xFFFFC000  }
.LBB2_7:
0x1f0: {  	s28 =	sand.u32 $0x60, s23;
	s29 =	sand.u32 $0x3C00, s25  }
0x1f1: {  	s28 =	sor.u32 s28, s29  }
0x1f2: {  	v9 =	vld [tilespmem:s28+$0x8000];
	_ =	sdelay $0x4  }
0x1f3: {  	v10 =	vand.u32 $0x7FFFFF, v9  }
0x1f4: {  	v10 =	vor.u32 $0x3F800000, v10  }
0x1f5: {  	v11 =	vmul.f32 $5.000000000e-01, v10  }
0x1f6: {  	v12 =	vld [tilespmem:s28+$0x8080];
	vm0 =	vgt.f32 v10, $1.414213540e+00  }
0x1f7: {  	v10 =	vsel vm0, v11, v10  }
0x1f8: {  	v10 =	vadd.f32 $-1.000000000e+00, v10;
	_ =	sdelay $0x1  }
0x1f9: {  	v11 =	vmul.f32 $3.130531310e-01, v10  }
0x1fa: {  	v13 =	vand.u32 $0x7FFFFF, v12;
	v9 =	vshra.s32 v9, $0x17  }
0x1fb: {  	v13 =	vor.u32 $0x3F800000, v13;
	v14 =	vsel vm0, $0x1, v1;
	v11 =	vadd.f32 $-5.208372470e-01, v11  }
0x1fc: {  	v52 =	vmul.f32 $5.000000000e-01, v13;
	v9 =	vadd.s32 v14, v9  }
0x1fd: {  	vm5 =	vgt.f32 v13, $1.414213540e+00;
	v9 =	vadd.s32 $0xFFFFFF81, v9;
	v11 =	vmul.f32 v11, v10  }
0x1fe: {  	v13 =	vsel vm5, v52, v13;
	v9 =	vcvt.s32.f32 v9  }
0x1ff: {  	v13 =	vadd.f32 $-1.000000000e+00, v13;
	v11 =	vadd.f32 $1.000946400e+00, v11  }
0x200: {  	v9 =	vmul.f32 $6.931471820e-01, v9  }
0x201: {  	v10 =	vmul.f32 v11, v10;
	v11 =	vmul.f32 $3.130531310e-01, v13;
	_ =	sdelay $0x1  }
0x202: {  	v55 =	vld [tilespmem:s28+$0x8100];
	v9 =	vadd.f32 v10, v9;
	v10 =	vadd.f32 $-5.208372470e-01, v11  }
0x203: {  	v17 =	vld [tilespmem:s28+$0x0];
	v53 =	vsel vm5, $0x1, v1;
	v11 =	vshra.s32 v12, $0x17  }
0x204: {  	v19 =	vld [tilespmem:s28+$0x8180];
	v11 =	vadd.s32 v53, v11;
	v10 =	vmul.f32 v10, v13  }
0x205: {  	v63 =	vld [tilespmem:s28+$0x8200];
	v9 =	vsub.f32 $0.0e+00, v9;
	v11 =	vadd.s32 $0xFFFFFF81, v11  }
0x206: {  	v24 =	vld [tilespmem:s28+$0x8280];
	v11 =	vcvt.s32.f32 v11;
	v10 =	vadd.f32 $1.000946400e+00, v10  }
0x207: {  	v57 =	vand.u32 $0x7FFFFF, v55;
	v54 =	vand.u32 $0x7FFFFF, v9  }
0x208: {  	v12 =	vor.u32 $0x3F800000, v54;
	v11 =	vmul.f32 $6.931471820e-01, v11;
	v10 =	vmul.f32 v10, v13  }
0x209: {  	v17 =	vmul.f32 $3.333333440e+02, v17;
	v22 =	vand.u32 $0x7FFFFF, v19;
	v12 =	vadd.f32 $-1.000000000e+00, v12  }
0x20a: {  	v27 =	vand.u32 $0x7FFFFF, v63;
	v28 =	vshra.s32 v19, $0x17;
	v10 =	vadd.f32 v10, v11  }
0x20b: {  	v20 =	vand.u32 $0x7FFFFF, v24;
	v23 =	vor.u32 $0x3F800000, v22;
	v56 =	vmul.f32 $2.491205000e-02, v12  }
0x20c: {  	v20 =	vor.u32 $0x3F800000, v20;
	v25 =	vmul.f32 $5.000000000e-01, v23;
	v10 =	vsub.f32 $0.0e+00, v10  }
0x20d: {  	vm7 =	vgt.f32 v23, $1.414213540e+00;
	v31 =	vmul.f32 $5.000000000e-01, v20;
	v11 =	vsub.f32 $8.487407110e-02, v56  }
0x20e: {  	vm9 =	vgt.f32 v20, $1.414213540e+00;
	v13 =	vor.u32 $0x3F800000, v57;
	v15 =	vand.u32 $0x7FFFFF, v10  }
0x20f: {  	v16 =	vmul.f32 $5.000000000e-01, v13;
	v11 =	vmul.f32 v11, v12;
	v15 =	vor.u32 $0x3F800000, v15  }
0x210: {  	v36 =	vsel vm9, $0x1, v1;
	vm6 =	vgt.f32 v13, $1.414213540e+00;
	v15 =	vadd.f32 $-1.000000000e+00, v15  }
0x211: {  	v19 =	vsel vm9, v31, v20;
	v13 =	vsel vm6, v16, v13;
	v11 =	vadd.f32 $-1.622143540e-01, v11  }
0x212: {  	v9 =	vshra.s32 v9, $0x17;
	v13 =	vadd.f32 $-1.000000000e+00, v13;
	v58 =	vmul.f32 $2.491205000e-02, v15  }
0x213: {  	v19 =	vadd.f32 $-1.000000000e+00, v19;
	v9 =	vadd.s32 $0xFFFFFF81, v9;
	v11 =	vmul.f32 v11, v12  }
0x214: {  	v9 =	vcvt.s32.f32 v9;
	v18 =	vmul.f32 $3.130531310e-01, v13;
	v16 =	vsub.f32 $8.487407110e-02, v58  }
0x215: {  	v14 =	vshra.s32 v55, $0x17;
	v33 =	vmul.f32 $3.130531310e-01, v19;
	v11 =	vadd.f32 $3.332068030e-01, v11  }
0x216: {  	v9 =	vmul.f32 $2.310490610e-01, v9;
	v59 =	vadd.f32 $-5.208372470e-01, v18;
	v16 =	vmul.f32 v16, v15  }
0x217: {  	v60 =	vsel vm6, $0x1, v1;
	v10 =	vshra.s32 v10, $0x17;
	v11 =	vmul.f32 v11, v12  }
0x218: {  	v10 =	vadd.s32 $0xFFFFFF81, v10;
	v12 =	vmul.f32 v59, v13;
	v61 =	vadd.f32 $-1.622143540e-01, v16  }
0x219: {  	v10 =	vcvt.s32.f32 v10;
	v9 =	vadd.f32 v11, v9;
	v11 =	vadd.s32 v60, v14  }
0x21a: {  	v12 =	vadd.f32 $1.000946400e+00, v12;
	v11 =	vadd.s32 $0xFFFFFF81, v11;
	v14 =	vmul.f32 v61, v15  }
0x21b: {  	v35 =	vadd.f32 $-5.208372470e-01, v33;
	v11 =	vcvt.s32.f32 v11;
	v9 =	vsub.f32 v17, v9  }
0x21c: {  	v10 =	vmul.f32 $2.310490610e-01, v10;
	v12 =	vmul.f32 v12, v13;
	v21 =	vadd.f32 $3.332068030e-01, v14  }
0x21d: {  	v17 =	vshra.s32 v63, $0x17;
	v11 =	vmul.f32 $6.931471820e-01, v11;
	v9 =	vmul.f32 $1.442695020e+00, v9  }
0x21e: {  	v14 =	vshra.s32 v24, $0x17;
	v13 =	vmul.f32 v21, v15;
	v15 =	vor.u32 $0x3F800000, v27  }
0x21f: {  	v62 =	vld [tilespmem:s28+$0x80];
	v11 =	vadd.f32 v12, v11;
	v12 =	vsel vm7, v25, v23;
	v30 =	vmul.f32 $5.000000000e-01, v15  }
0x220: {  	v14 =	vadd.s32 v36, v14;
	v12 =	vadd.f32 $-1.000000000e+00, v12;
	vm8 =	vgt.f32 v15, $1.414213540e+00  }
0x221: {  	(erf) = vpow2.f32 v9;
	v21 =	vsel vm7, $0x1, v1;
	v15 =	vsel vm8, v30, v15  }
0x222: {  	v14 =	vadd.s32 $0xFFFFFF81, v14;
	v29 =	vmul.f32 $3.130531310e-01, v12;
	v15 =	vadd.f32 $-1.000000000e+00, v15  }
0x223: {  	v16 =	vadd.s32 v21, v28;
	v14 =	vcvt.s32.f32 v14;
	v9 =	vsub.f32 $0.0e+00, v11  }
0x224: {  	v11 =	vmul.f32 $3.333333440e+02, v62;
	v18 =	vadd.f32 $-5.208372470e-01, v29;
	v32 =	vmul.f32 $3.130531310e-01, v15  }
0x225: {  	v10 =	vadd.f32 v13, v10;
	v22 =	vsel vm8, $0x1, v1;
	v16 =	vadd.s32 $0xFFFFFF81, v16  }
0x226: {  	v17 =	vadd.s32 v22, v17;
	v18 =	vmul.f32 v18, v12;
	v20 =	vadd.f32 $-5.208372470e-01, v32  }
0x227: {  	v16 =	vcvt.s32.f32 v16;
	v26 =	vand.u32 $0x7FFFFF, v9;
	v17 =	vadd.s32 $0xFFFFFF81, v17  }
0x228: {  	v10 =	vsub.f32 v11, v10;
	v18 =	vadd.f32 $1.000946400e+00, v18;
	v34 =	vmul.f32 v20, v15  }
0x229: {  	v13 =	vor.u32 $0x3F800000, v26;
	v16 =	vmul.f32 $6.931471820e-01, v16;
	v20 =	vmul.f32 v35, v19  }
0x22a: {  	v17 =	vcvt.s32.f32 v17;
	v12 =	vmul.f32 v18, v12;
	v18 =	vadd.f32 $1.000946400e+00, v34  }
0x22b: {  	v14 =	vmul.f32 $6.931471820e-01, v14;
	v13 =	vadd.f32 $-1.000000000e+00, v13;
	v38 =	vadd.f32 $1.000946400e+00, v20  }
0x22c: {  	v37 =	vmul.f32 $6.931471820e-01, v17;
	v12 =	vadd.f32 v12, v16;
	v15 =	vmul.f32 v18, v15  }
0x22d: {  	v11 =	vmul.f32 $2.491205000e-02, v13;
	v39 =	vmul.f32 v38, v19  }
0x22e: {  	v10 =	vmul.f32 $1.442695020e+00, v10;
	v12 =	vsub.f32 $0.0e+00, v12;
	v15 =	vadd.f32 v15, v37  }
0x22f: {  	v9 =	vshra.s32 v9, $0x17;
	v11 =	vsub.f32 $8.487407110e-02, v11;
	v14 =	vadd.f32 v39, v14  }
0x230: {  	v46 =	vld [tilespmem:s28+$0x180];
	(erf) = vpow2.f32 v10;
	v40 =	vand.u32 $0x7FFFFF, v12;
	v15 =	vsub.f32 $0.0e+00, v15  }
0x231: {  	v10 =	vmul.f32 v11, v13;
	v17 =	vor.u32 $0x3F800000, v40;
	v14 =	vsub.f32 $0.0e+00, v14  }
0x232: {  	v9 =	vadd.s32 $0xFFFFFF81, v9;
	v11 =	vadd.f32 $-1.000000000e+00, v17;
	v42 =	vand.u32 $0x7FFFFF, v15  }
0x233: {  	v10 =	vadd.f32 $-1.622143540e-01, v10;
	v44 =	vand.u32 $0x7FFFFF, v14;
	v17 =	vor.u32 $0x3F800000, v42  }
0x234: {  	v41 =	vld [tilespmem:s28+$0x100];
	v43 =	vmul.f32 $2.491205000e-02, v11;
	v19 =	vor.u32 $0x3F800000, v44;
	v17 =	vadd.f32 $-1.000000000e+00, v17  }
0x235: {  	v52 =	vmul.f32 $3.333333440e+02, v46;
	v9 =	vcvt.s32.f32 v9;
	v19 =	vadd.f32 $-1.000000000e+00, v19  }
0x236: {  	v10 =	vmul.f32 v10, v13;
	v18 =	vsub.f32 $8.487407110e-02, v43;
	v45 =	vmul.f32 $2.491205000e-02, v17  }
0x237: {  	v9 =	vmul.f32 $2.310490610e-01, v9;
	v12 =	vshra.s32 v12, $0x17;
	v47 =	vmul.f32 $2.491205000e-02, v19  }
0x238: {  	v10 =	vadd.f32 $3.332068030e-01, v10;
	v18 =	vmul.f32 v18, v11;
	v20 =	vsub.f32 $8.487407110e-02, v45  }
0x239: {  	v16 =	vmul.f32 $3.333333440e+02, v41;
	v12 =	vadd.s32 $0xFFFFFF81, v12;
	v50 =	vsub.f32 $8.487407110e-02, v47  }
0x23a: {  	v10 =	vmul.f32 v10, v13;
	v48 =	vadd.f32 $-1.622143540e-01, v18;
	v49 =	vmul.f32 v20, v17  }
0x23b: {  	v15 =	vshra.s32 v15, $0x17;
	v14 =	vshra.s32 v14, $0x17;
	v20 =	vmul.f32 v50, v19  }
0x23c: {  	v15 =	vadd.s32 $0xFFFFFF81, v15;
	v51 =	vmul.f32 v48, v11;
	v18 =	vadd.f32 $-1.622143540e-01, v49  }
0x23d: {  	v58 =	vadd.s32 $0xFFFFFF81, v14;
	v9 =	vadd.f32 v10, v9;
	v20 =	vadd.f32 $-1.622143540e-01, v20  }
0x23e: {  	v10 =	vcvt.s32.f32 v12;
	v12 =	vadd.f32 $3.332068030e-01, v51;
	v18 =	vmul.f32 v18, v17  }
0x23f: {  	v53 =	vld [tilespmem:s28+$0x200];
	v54 =	vcvt.s32.f32 v15;
	v9 =	vsub.f32 v16, v9;
	v56 =	vmul.f32 v20, v19  }
0x240: {  	v10 =	vmul.f32 $2.310490610e-01, v10;
	v11 =	vmul.f32 v12, v11;
	v55 =	vadd.f32 $3.332068030e-01, v18  }
0x241: {  	v57 =	vld [tilespmem:s28+$0x280];
	v9 =	vmul.f32 $1.442695020e+00, v9;
	v12 =	vcvt.s32.f32 v58;
	v60 =	vadd.f32 $3.332068030e-01, v56  }
0x242: {  	v10 =	vadd.f32 v11, v10;
	v11 =	vmul.f32 $2.310490610e-01, v54;
	v59 =	vmul.f32 v55, v17  }
0x243: {  	v12 =	vmul.f32 $2.310490610e-01, v12;
	v62 =	vmul.f32 v60, v19  }
0x244: {  	v61 =	vmul.f32 $3.333333440e+02, v53;
	v10 =	vsub.f32 v52, v10;
	v11 =	vadd.f32 v59, v11  }
0x245: {  	(erf) = vpow2.f32 v9;
	v12 =	vadd.f32 v62, v12  }
0x246: {  	v9 =	vmul.f32 $1.442695020e+00, v10;
	v10 =	vsub.f32 v61, v11;
	v11 =	vmul.f32 $3.333333440e+02, v57;
	_ =	sdelay $0x1  }
0x247: {  	(erf) = vpow2.f32 v9;
	v9 =	vmul.f32 $1.442695020e+00, v10;
	v10 =	vsub.f32 v11, v12;
	_ =	sdelay $0x1  }
0x248: {  	(erf) = vpow2.f32 v9;
	v9 =	vmul.f32 $1.442695020e+00, v10;
	_ =	sdelay $0x2  }
0x249: {  	v10 =	vpop (erf);
	(erf) = vpow2.f32 v9  }
0x24a: {  	v9 =	vpop (erf)  }
0x24b: {  	v11 =	vadd.f32 v9, v10  }
0x24c: {  	v63 =	vpop (erf)  }
0x24d: {  	v11 =	vadd.f32 v63, v11  }
0x24e: {  	v20 =	vpop (erf)  }
0x24f: {  	v21 =	vadd.f32 v20, v11  }
0x250: {  	v22 =	vpop (erf)  }
0x251: {  	v14 =	vadd.f32 v22, v21  }
0x252: {  	v23 =	vpop (erf)  }
0x253: {  	v14 =	vadd.f32 v23, v14;
	_ =	sdelay $0x1  }
0x254: {  	(erf) = vrcp.f32 v14;
	_ =	sdelay $0x1  }
0x255: {  	s24 =	sadd.s32 $0x2, s24  }
0x256: {  	s31 =	sand.u32 $0x1F, s26;
	s30 =	sshll.u32 s24, $0x1  }
0x257: {  	s29 =	sshll.u32 s31, $0xA;
	s30 =	sand.u32 $0xFFFFFF80, s30  }
0x258: {  	s29 =	sadd.s32 s30, s29  }
0x259: {  	s29 =	sadd.s32 $0x200, s29  }
0x25a: {  	v24 =	vor.u32 s29, v0;
	v10 =	vadd.f32 v20, v10  }
0x25b: {  	v25 =	vor.u32 s29, v2;
	v9 =	vadd.f32 v20, v9  }
0x25c: {  	v27 =	vor.u32 s29, v3;
	v10 =	vadd.f32 v22, v10;
	v12 =	vadd.f32 v22, v63;
	v26 =	vpop (erf)  }
0x25d: {  	v28 =	vor.u32 s29, v4;
	v9 =	vadd.f32 v23, v9;
	v11 =	vmul.f32 v26, v11  }
0x25e: {  	v12 =	vadd.f32 v23, v12;
	v10 =	vmul.f32 v26, v10  }
0x25f: {  	v9 =	vmul.f32 v26, v9;
	[tilespmem:v24+s16+$0x0] =	vst.idx.msk $0xffff, v11  }
0x260: {  	v11 =	vmul.f32 v26, v12;
	[tilespmem:v25+s16+$0x0] =	vst.idx.msk $0xffff, v10  }
0x261: {  	[tilespmem:v27+s16+$0x0] =	vst.idx.msk $0xffff, v9  }
0x262: {  	[tilespmem:v28+s16+$0x0] =	vst.idx.msk $0xffff, v11  }
0x263: {  	v9 =	vld [tilespmem:s28+$0x8010];
	_ =	sdelay $0x4  }
0x264: {  	v10 =	vand.u32 $0x7FFFFF, v9  }
0x265: {  	v10 =	vor.u32 $0x3F800000, v10  }
0x266: {  	v11 =	vmul.f32 $5.000000000e-01, v10  }
0x267: {  	v29 =	vld [tilespmem:s28+$0x8090];
	vm10 =	vgt.f32 v10, $1.414213540e+00  }
0x268: {  	v10 =	vsel vm10, v11, v10  }
0x269: {  	v10 =	vadd.f32 $-1.000000000e+00, v10;
	_ =	sdelay $0x1  }
0x26a: {  	v11 =	vmul.f32 $3.130531310e-01, v10  }
0x26b: {  	v30 =	vand.u32 $0x7FFFFF, v29;
	v9 =	vshra.s32 v9, $0x17  }
0x26c: {  	v13 =	vor.u32 $0x3F800000, v30;
	v31 =	vsel vm10, $0x1, v1;
	v11 =	vadd.f32 $-5.208372470e-01, v11  }
0x26d: {  	v32 =	vmul.f32 $5.000000000e-01, v13;
	v9 =	vadd.s32 v31, v9  }
0x26e: {  	vm11 =	vgt.f32 v13, $1.414213540e+00;
	v9 =	vadd.s32 $0xFFFFFF81, v9;
	v11 =	vmul.f32 v11, v10  }
0x26f: {  	v13 =	vsel vm11, v32, v13;
	v9 =	vcvt.s32.f32 v9  }
0x270: {  	v13 =	vadd.f32 $-1.000000000e+00, v13;
	v11 =	vadd.f32 $1.000946400e+00, v11  }
0x271: {  	v9 =	vmul.f32 $6.931471820e-01, v9  }
0x272: {  	v10 =	vmul.f32 v11, v10;
	v11 =	vmul.f32 $3.130531310e-01, v13;
	_ =	sdelay $0x1  }
0x273: {  	v35 =	vld [tilespmem:s28+$0x8110];
	v9 =	vadd.f32 v10, v9;
	v10 =	vadd.f32 $-5.208372470e-01, v11  }
0x274: {  	v40 =	vld [tilespmem:s28+$0x10];
	v33 =	vsel vm11, $0x1, v1;
	v11 =	vshra.s32 v29, $0x17  }
0x275: {  	v45 =	vld [tilespmem:s28+$0x8190];
	v11 =	vadd.s32 v33, v11;
	v10 =	vmul.f32 v10, v13  }
0x276: {  	v48 =	vld [tilespmem:s28+$0x8210];
	v9 =	vsub.f32 $0.0e+00, v9;
	v11 =	vadd.s32 $0xFFFFFF81, v11  }
0x277: {  	v52 =	vld [tilespmem:s28+$0x8290];
	v11 =	vcvt.s32.f32 v11;
	v10 =	vadd.f32 $1.000946400e+00, v10  }
0x278: {  	v37 =	vand.u32 $0x7FFFFF, v35;
	v34 =	vand.u32 $0x7FFFFF, v9  }
0x279: {  	v12 =	vor.u32 $0x3F800000, v34;
	v11 =	vmul.f32 $6.931471820e-01, v11;
	v10 =	vmul.f32 v10, v13  }
0x27a: {  	v17 =	vmul.f32 $3.333333440e+02, v40;
	v14 =	vshra.s32 v35, $0x17;
	v12 =	vadd.f32 $-1.000000000e+00, v12  }
0x27b: {  	v50 =	vand.u32 $0x7FFFFF, v45;
	v55 =	vand.u32 $0x7FFFFF, v48;
	v10 =	vadd.f32 v10, v11  }
0x27c: {  	v56 =	vshra.s32 v45, $0x17;
	v59 =	vand.u32 $0x7FFFFF, v52;
	v36 =	vmul.f32 $2.491205000e-02, v12  }
0x27d: {  	v51 =	vor.u32 $0x3F800000, v50;
	v20 =	vor.u32 $0x3F800000, v59;
	v10 =	vsub.f32 $0.0e+00, v10  }
0x27e: {  	v53 =	vmul.f32 $5.000000000e-01, v51;
	vm13 =	vgt.f32 v51, $1.414213540e+00;
	v11 =	vsub.f32 $8.487407110e-02, v36  }
0x27f: {  	v61 =	vmul.f32 $5.000000000e-01, v20;
	vm15 =	vgt.f32 v20, $1.414213540e+00;
	v38 =	vand.u32 $0x7FFFFF, v10  }
0x280: {  	v13 =	vor.u32 $0x3F800000, v37;
	v11 =	vmul.f32 v11, v12;
	v15 =	vor.u32 $0x3F800000, v38  }
0x281: {  	v19 =	vsel vm15, v61, v20;
	v39 =	vmul.f32 $5.000000000e-01, v13;
	v15 =	vadd.f32 $-1.000000000e+00, v15  }
0x282: {  	v19 =	vadd.f32 $-1.000000000e+00, v19;
	vm12 =	vgt.f32 v13, $1.414213540e+00;
	v11 =	vadd.f32 $-1.622143540e-01, v11  }
0x283: {  	v9 =	vshra.s32 v9, $0x17;
	v13 =	vsel vm12, v39, v13;
	v41 =	vmul.f32 $2.491205000e-02, v15  }
0x284: {  	v9 =	vadd.s32 $0xFFFFFF81, v9;
	v13 =	vadd.f32 $-1.000000000e+00, v13;
	v11 =	vmul.f32 v11, v12  }
0x285: {  	v60 =	vsel vm13, $0x1, v1;
	v9 =	vcvt.s32.f32 v9;
	v16 =	vsub.f32 $8.487407110e-02, v41  }
0x286: {  	v24 =	vmul.f32 $3.130531310e-01, v19;
	v42 =	vmul.f32 $3.130531310e-01, v13;
	v11 =	vadd.f32 $3.332068030e-01, v11  }
0x287: {  	v27 =	vsel vm15, $0x1, v1;
	v9 =	vmul.f32 $2.310490610e-01, v9;
	v16 =	vmul.f32 v16, v15  }
0x288: {  	v10 =	vshra.s32 v10, $0x17;
	v43 =	vadd.f32 $-5.208372470e-01, v42;
	v11 =	vmul.f32 v11, v12  }
0x289: {  	v44 =	vsel vm12, $0x1, v1;
	v10 =	vadd.s32 $0xFFFFFF81, v10;
	v46 =	vadd.f32 $-1.622143540e-01, v16  }
0x28a: {  	v12 =	vmul.f32 v43, v13;
	v9 =	vadd.f32 v11, v9;
	v11 =	vadd.s32 v44, v14  }
0x28b: {  	v10 =	vcvt.s32.f32 v10;
	v11 =	vadd.s32 $0xFFFFFF81, v11;
	v14 =	vmul.f32 v46, v15  }
0x28c: {  	v26 =	vadd.f32 $-5.208372470e-01, v24;
	v12 =	vadd.f32 $1.000946400e+00, v12;
	v11 =	vcvt.s32.f32 v11  }
0x28d: {  	v10 =	vmul.f32 $2.310490610e-01, v10;
	v16 =	vadd.s32 v60, v56;
	v49 =	vadd.f32 $3.332068030e-01, v14  }
0x28e: {  	v16 =	vadd.s32 $0xFFFFFF81, v16;
	v12 =	vmul.f32 v12, v13;
	v11 =	vmul.f32 $6.931471820e-01, v11  }
0x28f: {  	v9 =	vsub.f32 v17, v9;
	v13 =	vmul.f32 v49, v15;
	v15 =	vor.u32 $0x3F800000, v55  }
0x290: {  	v11 =	vadd.f32 v12, v11;
	v12 =	vsel vm13, v53, v51;
	v58 =	vmul.f32 $5.000000000e-01, v15  }
0x291: {  	v47 =	vld [tilespmem:s28+$0x90];
	v16 =	vcvt.s32.f32 v16;
	v12 =	vadd.f32 $-1.000000000e+00, v12;
	vm14 =	vgt.f32 v15, $1.414213540e+00  }
0x292: {  	v17 =	vshra.s32 v48, $0x17;
	v9 =	vmul.f32 $1.442695020e+00, v9;
	v15 =	vsel vm14, v58, v15  }
0x293: {  	v14 =	vshra.s32 v52, $0x17;
	v57 =	vmul.f32 $3.130531310e-01, v12;
	v15 =	vadd.f32 $-1.000000000e+00, v15  }
0x294: {  	v16 =	vmul.f32 $6.931471820e-01, v16;
	v14 =	vadd.s32 v27, v14;
	(erf) = vpow2.f32 v9  }
0x295: {  	v14 =	vadd.s32 $0xFFFFFF81, v14;
	v18 =	vadd.f32 $-5.208372470e-01, v57;
	v63 =	vmul.f32 $3.130531310e-01, v15  }
0x296: {  	v14 =	vcvt.s32.f32 v14;
	v9 =	vsub.f32 $0.0e+00, v11;
	v11 =	vmul.f32 $3.333333440e+02, v47  }
0x297: {  	v62 =	vsel vm14, $0x1, v1;
	v18 =	vmul.f32 v18, v12;
	v20 =	vadd.f32 $-5.208372470e-01, v63  }
0x298: {  	v10 =	vadd.f32 v13, v10;
	v17 =	vadd.s32 v62, v17;
	v54 =	vand.u32 $0x7FFFFF, v9  }
0x299: {  	v17 =	vadd.s32 $0xFFFFFF81, v17;
	v18 =	vadd.f32 $1.000946400e+00, v18;
	v25 =	vmul.f32 v20, v15  }
0x29a: {  	v10 =	vsub.f32 v11, v10;
	v13 =	vor.u32 $0x3F800000, v54;
	v20 =	vmul.f32 v26, v19  }
0x29b: {  	v17 =	vcvt.s32.f32 v17;
	v12 =	vmul.f32 v18, v12;
	v18 =	vadd.f32 $1.000946400e+00, v25  }
0x29c: {  	v14 =	vmul.f32 $6.931471820e-01, v14;
	v13 =	vadd.f32 $-1.000000000e+00, v13;
	v29 =	vadd.f32 $1.000946400e+00, v20  }
0x29d: {  	v28 =	vmul.f32 $6.931471820e-01, v17;
	v12 =	vadd.f32 v12, v16;
	v15 =	vmul.f32 v18, v15  }
0x29e: {  	v11 =	vmul.f32 $2.491205000e-02, v13;
	v30 =	vmul.f32 v29, v19  }
0x29f: {  	v10 =	vmul.f32 $1.442695020e+00, v10;
	v12 =	vsub.f32 $0.0e+00, v12;
	v15 =	vadd.f32 v15, v28  }
0x2a0: {  	v9 =	vshra.s32 v9, $0x17;
	v11 =	vsub.f32 $8.487407110e-02, v11;
	v14 =	vadd.f32 v30, v14  }
0x2a1: {  	v37 =	vld [tilespmem:s28+$0x190];
	(erf) = vpow2.f32 v10;
	v31 =	vand.u32 $0x7FFFFF, v12;
	v15 =	vsub.f32 $0.0e+00, v15  }
0x2a2: {  	v10 =	vmul.f32 v11, v13;
	v17 =	vor.u32 $0x3F800000, v31;
	v14 =	vsub.f32 $0.0e+00, v14  }
0x2a3: {  	v9 =	vadd.s32 $0xFFFFFF81, v9;
	v11 =	vadd.f32 $-1.000000000e+00, v17;
	v33 =	vand.u32 $0x7FFFFF, v15  }
0x2a4: {  	v10 =	vadd.f32 $-1.622143540e-01, v10;
	v35 =	vand.u32 $0x7FFFFF, v14;
	v17 =	vor.u32 $0x3F800000, v33  }
0x2a5: {  	v32 =	vld [tilespmem:s28+$0x110];
	v34 =	vmul.f32 $2.491205000e-02, v11;
	v19 =	vor.u32 $0x3F800000, v35;
	v17 =	vadd.f32 $-1.000000000e+00, v17  }
0x2a6: {  	v43 =	vmul.f32 $3.333333440e+02, v37;
	v9 =	vcvt.s32.f32 v9;
	v19 =	vadd.f32 $-1.000000000e+00, v19  }
0x2a7: {  	v10 =	vmul.f32 v10, v13;
	v18 =	vsub.f32 $8.487407110e-02, v34;
	v36 =	vmul.f32 $2.491205000e-02, v17  }
0x2a8: {  	v9 =	vmul.f32 $2.310490610e-01, v9;
	v12 =	vshra.s32 v12, $0x17;
	v38 =	vmul.f32 $2.491205000e-02, v19  }
0x2a9: {  	v10 =	vadd.f32 $3.332068030e-01, v10;
	v18 =	vmul.f32 v18, v11;
	v20 =	vsub.f32 $8.487407110e-02, v36  }
0x2aa: {  	v16 =	vmul.f32 $3.333333440e+02, v32;
	v12 =	vadd.s32 $0xFFFFFF81, v12;
	v41 =	vsub.f32 $8.487407110e-02, v38  }
0x2ab: {  	v10 =	vmul.f32 v10, v13;
	v39 =	vadd.f32 $-1.622143540e-01, v18;
	v40 =	vmul.f32 v20, v17  }
0x2ac: {  	v15 =	vshra.s32 v15, $0x17;
	v14 =	vshra.s32 v14, $0x17;
	v20 =	vmul.f32 v41, v19  }
0x2ad: {  	v15 =	vadd.s32 $0xFFFFFF81, v15;
	v42 =	vmul.f32 v39, v11;
	v18 =	vadd.f32 $-1.622143540e-01, v40  }
0x2ae: {  	v49 =	vadd.s32 $0xFFFFFF81, v14;
	v9 =	vadd.f32 v10, v9;
	v20 =	vadd.f32 $-1.622143540e-01, v20  }
0x2af: {  	v10 =	vcvt.s32.f32 v12;
	v12 =	vadd.f32 $3.332068030e-01, v42;
	v18 =	vmul.f32 v18, v17  }
0x2b0: {  	v44 =	vld [tilespmem:s28+$0x210];
	v45 =	vcvt.s32.f32 v15;
	v9 =	vsub.f32 v16, v9;
	v47 =	vmul.f32 v20, v19  }
0x2b1: {  	v10 =	vmul.f32 $2.310490610e-01, v10;
	v11 =	vmul.f32 v12, v11;
	v46 =	vadd.f32 $3.332068030e-01, v18  }
0x2b2: {  	v48 =	vld [tilespmem:s28+$0x290];
	v9 =	vmul.f32 $1.442695020e+00, v9;
	v12 =	vcvt.s32.f32 v49;
	v51 =	vadd.f32 $3.332068030e-01, v47  }
0x2b3: {  	v10 =	vadd.f32 v11, v10;
	v11 =	vmul.f32 $2.310490610e-01, v45;
	v50 =	vmul.f32 v46, v17  }
0x2b4: {  	v12 =	vmul.f32 $2.310490610e-01, v12;
	v53 =	vmul.f32 v51, v19  }
0x2b5: {  	v52 =	vmul.f32 $3.333333440e+02, v44;
	v10 =	vsub.f32 v43, v10;
	v11 =	vadd.f32 v50, v11  }
0x2b6: {  	(erf) = vpow2.f32 v9;
	v12 =	vadd.f32 v53, v12  }
0x2b7: {  	v9 =	vmul.f32 $1.442695020e+00, v10;
	v10 =	vsub.f32 v52, v11;
	v11 =	vmul.f32 $3.333333440e+02, v48;
	_ =	sdelay $0x1  }
0x2b8: {  	(erf) = vpow2.f32 v9;
	v9 =	vmul.f32 $1.442695020e+00, v10;
	v10 =	vsub.f32 v11, v12;
	_ =	sdelay $0x1  }
0x2b9: {  	(erf) = vpow2.f32 v9;
	v9 =	vmul.f32 $1.442695020e+00, v10;
	_ =	sdelay $0x2  }
0x2ba: {  	v10 =	vpop (erf);
	(erf) = vpow2.f32 v9  }
0x2bb: {  	v9 =	vpop (erf)  }
0x2bc: {  	v11 =	vadd.f32 v9, v10  }
0x2bd: {  	v54 =	vpop (erf)  }
0x2be: {  	v11 =	vadd.f32 v54, v11  }
0x2bf: {  	v55 =	vpop (erf)  }
0x2c0: {  	v56 =	vadd.f32 v55, v11  }
0x2c1: {  	v57 =	vpop (erf)  }
0x2c2: {  	v14 =	vadd.f32 v57, v56  }
0x2c3: {  	v58 =	vpop (erf)  }
0x2c4: {  	v14 =	vadd.f32 v58, v14;
	_ =	sdelay $0x1  }
0x2c5: {  	(erf) = vrcp.f32 v14;
	_ =	sdelay $0x6  }
0x2c6: {  	v59 =	vor.u32 s29, v5;
	v10 =	vadd.f32 v55, v10  }
0x2c7: {  	v60 =	vor.u32 s29, v6;
	v9 =	vadd.f32 v55, v9  }
0x2c8: {  	v62 =	vor.u32 s29, v7;
	v10 =	vadd.f32 v57, v10;
	v12 =	vadd.f32 v57, v54;
	v61 =	vpop (erf)  }
0x2c9: {  	p0 =	slt.u32 s24, $0x7E;
	v63 =	vor.u32 s29, v8;
	v9 =	vadd.f32 v58, v9;
	v11 =	vmul.f32 v61, v11  }
.Ltmp2:
0x2ca: {  	v12 =	vadd.f32 v58, v12;
	v10 =	vmul.f32 v61, v10;
	(pc) =	sbr.rel @p0 .LBB2_7-.Ltmp2, $4  }
0x2cb: {  	v9 =	vmul.f32 v61, v9;
	[tilespmem:v59+s16+$0x0] =	vst.idx.msk $0xffff, v11  }
0x2cc: {  	v11 =	vmul.f32 v61, v12;
	[tilespmem:v60+s16+$0x0] =	vst.idx.msk $0xffff, v10  }
0x2cd: {  	[tilespmem:v62+s16+$0x0] =	vst.idx.msk $0xffff, v9  }
0x2ce: {  	s26 =	sadd.s32 $0x1, s26;
	s25 =	sadd.s32 $0x100, s25;
	s23 =	sadd.s32 $0x20, s23;
	[tilespmem:v63+s16+$0x0] =	vst.idx.msk $0xffff, v11  }
0x2cf: {  	p0 =	seq.s32 s21, $0xF  }
0x2d0: {  	s22 =	sadd.s32 @!p0 s22, s8  }
0x2d1: {  	s24 =	simm.s32 @!p0 $0x0;
	s23 =	sadd.s32 @!p0 s1, s22  }
0x2d2: {  	[tilespmem:s24], [sflag:$0x1] =	stream.linear.gather @!p0 [hbm4b:s23+s24], $0x4000, $0x38;
	[tilespmem:$0x18000] =	vst v63  }
0x2d3: {  	s22 =	sadd.s32 @!p0 s2, s22;
	s23 =	simm.s32 @!p0 $0x8000  }
0x2d4: {  	[tilespmem:s23], [sflag:$0x3] =	stream.linear.gather @!p0 [hbm4b:s22+s24], $0x4000, $0x38;
	[tilespmem:$0x18000] =	vst v63  }
0x2d5: {  	_ =	swait.ge [sflag:s17], $0x4000  }
0x2d6: {  	[sflag:s17] =	ssyncset.done $0x0  }
0x2d7: {  	[sflag:s17] =	ssyncadd.s32 $0xFFFFC000  }
0x2d8: {  	_ =	swait.ge [sflag:s18], $0x4000  }
0x2d9: {  	s25 =	simm.s32 $0x0;
	s22 =	simm.s32 $0xFFFFFFFE;
	[sflag:s18] =	ssyncset.done $0x0  }
0x2da: {  	s23 =	simm.s32 $0x0;
	s24 =	simm.s32 $0x0;
	[sflag:s18] =	ssyncadd.s32 $0xFFFFC000  }
.LBB2_9:
0x2db: {  	s26 =	sand.u32 $0x60, s23;
	s28 =	sand.u32 $0x3C00, s24  }
0x2dc: {  	s26 =	sor.u32 s26, s28  }
0x2dd: {  	v9 =	vld [tilespmem:s26+$0xC000];
	_ =	sdelay $0x4  }
0x2de: {  	v10 =	vand.u32 $0x7FFFFF, v9  }
0x2df: {  	v10 =	vor.u32 $0x3F800000, v10  }
0x2e0: {  	v11 =	vmul.f32 $5.000000000e-01, v10  }
0x2e1: {  	v12 =	vld [tilespmem:s26+$0xC080];
	vm0 =	vgt.f32 v10, $1.414213540e+00  }
0x2e2: {  	v10 =	vsel vm0, v11, v10  }
0x2e3: {  	v10 =	vadd.f32 $-1.000000000e+00, v10;
	_ =	sdelay $0x1  }
0x2e4: {  	v11 =	vmul.f32 $3.130531310e-01, v10  }
0x2e5: {  	v13 =	vand.u32 $0x7FFFFF, v12;
	v9 =	vshra.s32 v9, $0x17  }
0x2e6: {  	v13 =	vor.u32 $0x3F800000, v13;
	v14 =	vsel vm0, $0x1, v1;
	v11 =	vadd.f32 $-5.208372470e-01, v11  }
0x2e7: {  	v52 =	vmul.f32 $5.000000000e-01, v13;
	v9 =	vadd.s32 v14, v9  }
0x2e8: {  	vm5 =	vgt.f32 v13, $1.414213540e+00;
	v9 =	vadd.s32 $0xFFFFFF81, v9;
	v11 =	vmul.f32 v11, v10  }
0x2e9: {  	v13 =	vsel vm5, v52, v13;
	v9 =	vcvt.s32.f32 v9  }
0x2ea: {  	v13 =	vadd.f32 $-1.000000000e+00, v13;
	v11 =	vadd.f32 $1.000946400e+00, v11  }
0x2eb: {  	v9 =	vmul.f32 $6.931471820e-01, v9  }
0x2ec: {  	v10 =	vmul.f32 v11, v10;
	v11 =	vmul.f32 $3.130531310e-01, v13;
	_ =	sdelay $0x1  }
0x2ed: {  	v55 =	vld [tilespmem:s26+$0xC100];
	v9 =	vadd.f32 v10, v9;
	v10 =	vadd.f32 $-5.208372470e-01, v11  }
0x2ee: {  	v17 =	vld [tilespmem:s26+$0x4000];
	v53 =	vsel vm5, $0x1, v1;
	v11 =	vshra.s32 v12, $0x17  }
0x2ef: {  	v19 =	vld [tilespmem:s26+$0xC180];
	v11 =	vadd.s32 v53, v11;
	v10 =	vmul.f32 v10, v13  }
0x2f0: {  	v63 =	vld [tilespmem:s26+$0xC200];
	v9 =	vsub.f32 $0.0e+00, v9;
	v11 =	vadd.s32 $0xFFFFFF81, v11  }
0x2f1: {  	v24 =	vld [tilespmem:s26+$0xC280];
	v11 =	vcvt.s32.f32 v11;
	v10 =	vadd.f32 $1.000946400e+00, v10  }
0x2f2: {  	v57 =	vand.u32 $0x7FFFFF, v55;
	v54 =	vand.u32 $0x7FFFFF, v9  }
0x2f3: {  	v12 =	vor.u32 $0x3F800000, v54;
	v11 =	vmul.f32 $6.931471820e-01, v11;
	v10 =	vmul.f32 v10, v13  }
0x2f4: {  	v17 =	vmul.f32 $3.333333440e+02, v17;
	v22 =	vand.u32 $0x7FFFFF, v19;
	v12 =	vadd.f32 $-1.000000000e+00, v12  }
0x2f5: {  	v27 =	vand.u32 $0x7FFFFF, v63;
	v28 =	vshra.s32 v19, $0x17;
	v10 =	vadd.f32 v10, v11  }
0x2f6: {  	v20 =	vand.u32 $0x7FFFFF, v24;
	v23 =	vor.u32 $0x3F800000, v22;
	v56 =	vmul.f32 $2.491205000e-02, v12  }
0x2f7: {  	v20 =	vor.u32 $0x3F800000, v20;
	v25 =	vmul.f32 $5.000000000e-01, v23;
	v10 =	vsub.f32 $0.0e+00, v10  }
0x2f8: {  	vm7 =	vgt.f32 v23, $1.414213540e+00;
	v31 =	vmul.f32 $5.000000000e-01, v20;
	v11 =	vsub.f32 $8.487407110e-02, v56  }
0x2f9: {  	vm9 =	vgt.f32 v20, $1.414213540e+00;
	v13 =	vor.u32 $0x3F800000, v57;
	v15 =	vand.u32 $0x7FFFFF, v10  }
0x2fa: {  	v16 =	vmul.f32 $5.000000000e-01, v13;
	v11 =	vmul.f32 v11, v12;
	v15 =	vor.u32 $0x3F800000, v15  }
0x2fb: {  	v36 =	vsel vm9, $0x1, v1;
	vm6 =	vgt.f32 v13, $1.414213540e+00;
	v15 =	vadd.f32 $-1.000000000e+00, v15  }
0x2fc: {  	v19 =	vsel vm9, v31, v20;
	v13 =	vsel vm6, v16, v13;
	v11 =	vadd.f32 $-1.622143540e-01, v11  }
0x2fd: {  	v9 =	vshra.s32 v9, $0x17;
	v13 =	vadd.f32 $-1.000000000e+00, v13;
	v58 =	vmul.f32 $2.491205000e-02, v15  }
0x2fe: {  	v19 =	vadd.f32 $-1.000000000e+00, v19;
	v9 =	vadd.s32 $0xFFFFFF81, v9;
	v11 =	vmul.f32 v11, v12  }
0x2ff: {  	v9 =	vcvt.s32.f32 v9;
	v18 =	vmul.f32 $3.130531310e-01, v13;
	v16 =	vsub.f32 $8.487407110e-02, v58  }
0x300: {  	v14 =	vshra.s32 v55, $0x17;
	v33 =	vmul.f32 $3.130531310e-01, v19;
	v11 =	vadd.f32 $3.332068030e-01, v11  }
0x301: {  	v9 =	vmul.f32 $2.310490610e-01, v9;
	v59 =	vadd.f32 $-5.208372470e-01, v18;
	v16 =	vmul.f32 v16, v15  }
0x302: {  	v60 =	vsel vm6, $0x1, v1;
	v10 =	vshra.s32 v10, $0x17;
	v11 =	vmul.f32 v11, v12  }
0x303: {  	v10 =	vadd.s32 $0xFFFFFF81, v10;
	v12 =	vmul.f32 v59, v13;
	v61 =	vadd.f32 $-1.622143540e-01, v16  }
0x304: {  	v10 =	vcvt.s32.f32 v10;
	v9 =	vadd.f32 v11, v9;
	v11 =	vadd.s32 v60, v14  }
0x305: {  	v12 =	vadd.f32 $1.000946400e+00, v12;
	v11 =	vadd.s32 $0xFFFFFF81, v11;
	v14 =	vmul.f32 v61, v15  }
0x306: {  	v35 =	vadd.f32 $-5.208372470e-01, v33;
	v11 =	vcvt.s32.f32 v11;
	v9 =	vsub.f32 v17, v9  }
0x307: {  	v10 =	vmul.f32 $2.310490610e-01, v10;
	v12 =	vmul.f32 v12, v13;
	v21 =	vadd.f32 $3.332068030e-01, v14  }
0x308: {  	v17 =	vshra.s32 v63, $0x17;
	v11 =	vmul.f32 $6.931471820e-01, v11;
	v9 =	vmul.f32 $1.442695020e+00, v9  }
0x309: {  	v14 =	vshra.s32 v24, $0x17;
	v13 =	vmul.f32 v21, v15;
	v15 =	vor.u32 $0x3F800000, v27  }
0x30a: {  	v62 =	vld [tilespmem:s26+$0x4080];
	v11 =	vadd.f32 v12, v11;
	v12 =	vsel vm7, v25, v23;
	v30 =	vmul.f32 $5.000000000e-01, v15  }
0x30b: {  	v14 =	vadd.s32 v36, v14;
	v12 =	vadd.f32 $-1.000000000e+00, v12;
	vm8 =	vgt.f32 v15, $1.414213540e+00  }
0x30c: {  	(erf) = vpow2.f32 v9;
	v21 =	vsel vm7, $0x1, v1;
	v15 =	vsel vm8, v30, v15  }
0x30d: {  	v14 =	vadd.s32 $0xFFFFFF81, v14;
	v29 =	vmul.f32 $3.130531310e-01, v12;
	v15 =	vadd.f32 $-1.000000000e+00, v15  }
0x30e: {  	v16 =	vadd.s32 v21, v28;
	v14 =	vcvt.s32.f32 v14;
	v9 =	vsub.f32 $0.0e+00, v11  }
0x30f: {  	v11 =	vmul.f32 $3.333333440e+02, v62;
	v18 =	vadd.f32 $-5.208372470e-01, v29;
	v32 =	vmul.f32 $3.130531310e-01, v15  }
0x310: {  	v10 =	vadd.f32 v13, v10;
	v22 =	vsel vm8, $0x1, v1;
	v16 =	vadd.s32 $0xFFFFFF81, v16  }
0x311: {  	v17 =	vadd.s32 v22, v17;
	v18 =	vmul.f32 v18, v12;
	v20 =	vadd.f32 $-5.208372470e-01, v32  }
0x312: {  	v16 =	vcvt.s32.f32 v16;
	v26 =	vand.u32 $0x7FFFFF, v9;
	v17 =	vadd.s32 $0xFFFFFF81, v17  }
0x313: {  	v10 =	vsub.f32 v11, v10;
	v18 =	vadd.f32 $1.000946400e+00, v18;
	v34 =	vmul.f32 v20, v15  }
0x314: {  	v13 =	vor.u32 $0x3F800000, v26;
	v16 =	vmul.f32 $6.931471820e-01, v16;
	v20 =	vmul.f32 v35, v19  }
0x315: {  	v17 =	vcvt.s32.f32 v17;
	v12 =	vmul.f32 v18, v12;
	v18 =	vadd.f32 $1.000946400e+00, v34  }
0x316: {  	v14 =	vmul.f32 $6.931471820e-01, v14;
	v13 =	vadd.f32 $-1.000000000e+00, v13;
	v38 =	vadd.f32 $1.000946400e+00, v20  }
0x317: {  	v37 =	vmul.f32 $6.931471820e-01, v17;
	v12 =	vadd.f32 v12, v16;
	v15 =	vmul.f32 v18, v15  }
0x318: {  	v11 =	vmul.f32 $2.491205000e-02, v13;
	v39 =	vmul.f32 v38, v19  }
0x319: {  	v10 =	vmul.f32 $1.442695020e+00, v10;
	v12 =	vsub.f32 $0.0e+00, v12;
	v15 =	vadd.f32 v15, v37  }
0x31a: {  	v9 =	vshra.s32 v9, $0x17;
	v11 =	vsub.f32 $8.487407110e-02, v11;
	v14 =	vadd.f32 v39, v14  }
0x31b: {  	v46 =	vld [tilespmem:s26+$0x4180];
	(erf) = vpow2.f32 v10;
	v40 =	vand.u32 $0x7FFFFF, v12;
	v15 =	vsub.f32 $0.0e+00, v15  }
0x31c: {  	v10 =	vmul.f32 v11, v13;
	v17 =	vor.u32 $0x3F800000, v40;
	v14 =	vsub.f32 $0.0e+00, v14  }
0x31d: {  	v9 =	vadd.s32 $0xFFFFFF81, v9;
	v11 =	vadd.f32 $-1.000000000e+00, v17;
	v42 =	vand.u32 $0x7FFFFF, v15  }
0x31e: {  	v10 =	vadd.f32 $-1.622143540e-01, v10;
	v44 =	vand.u32 $0x7FFFFF, v14;
	v17 =	vor.u32 $0x3F800000, v42  }
0x31f: {  	v41 =	vld [tilespmem:s26+$0x4100];
	v43 =	vmul.f32 $2.491205000e-02, v11;
	v19 =	vor.u32 $0x3F800000, v44;
	v17 =	vadd.f32 $-1.000000000e+00, v17  }
0x320: {  	v52 =	vmul.f32 $3.333333440e+02, v46;
	v9 =	vcvt.s32.f32 v9;
	v19 =	vadd.f32 $-1.000000000e+00, v19  }
0x321: {  	v10 =	vmul.f32 v10, v13;
	v18 =	vsub.f32 $8.487407110e-02, v43;
	v45 =	vmul.f32 $2.491205000e-02, v17  }
0x322: {  	v9 =	vmul.f32 $2.310490610e-01, v9;
	v12 =	vshra.s32 v12, $0x17;
	v47 =	vmul.f32 $2.491205000e-02, v19  }
0x323: {  	v10 =	vadd.f32 $3.332068030e-01, v10;
	v18 =	vmul.f32 v18, v11;
	v20 =	vsub.f32 $8.487407110e-02, v45  }
0x324: {  	v16 =	vmul.f32 $3.333333440e+02, v41;
	v12 =	vadd.s32 $0xFFFFFF81, v12;
	v50 =	vsub.f32 $8.487407110e-02, v47  }
0x325: {  	v10 =	vmul.f32 v10, v13;
	v48 =	vadd.f32 $-1.622143540e-01, v18;
	v49 =	vmul.f32 v20, v17  }
0x326: {  	v15 =	vshra.s32 v15, $0x17;
	v14 =	vshra.s32 v14, $0x17;
	v20 =	vmul.f32 v50, v19  }
0x327: {  	v15 =	vadd.s32 $0xFFFFFF81, v15;
	v51 =	vmul.f32 v48, v11;
	v18 =	vadd.f32 $-1.622143540e-01, v49  }
0x328: {  	v58 =	vadd.s32 $0xFFFFFF81, v14;
	v9 =	vadd.f32 v10, v9;
	v20 =	vadd.f32 $-1.622143540e-01, v20  }
0x329: {  	v10 =	vcvt.s32.f32 v12;
	v12 =	vadd.f32 $3.332068030e-01, v51;
	v18 =	vmul.f32 v18, v17  }
0x32a: {  	v53 =	vld [tilespmem:s26+$0x4200];
	v54 =	vcvt.s32.f32 v15;
	v9 =	vsub.f32 v16, v9;
	v56 =	vmul.f32 v20, v19  }
0x32b: {  	v10 =	vmul.f32 $2.310490610e-01, v10;
	v11 =	vmul.f32 v12, v11;
	v55 =	vadd.f32 $3.332068030e-01, v18  }
0x32c: {  	v57 =	vld [tilespmem:s26+$0x4280];
	v9 =	vmul.f32 $1.442695020e+00, v9;
	v12 =	vcvt.s32.f32 v58;
	v60 =	vadd.f32 $3.332068030e-01, v56  }
0x32d: {  	v10 =	vadd.f32 v11, v10;
	v11 =	vmul.f32 $2.310490610e-01, v54;
	v59 =	vmul.f32 v55, v17  }
0x32e: {  	v12 =	vmul.f32 $2.310490610e-01, v12;
	v62 =	vmul.f32 v60, v19  }
0x32f: {  	v61 =	vmul.f32 $3.333333440e+02, v53;
	v10 =	vsub.f32 v52, v10;
	v11 =	vadd.f32 v59, v11  }
0x330: {  	(erf) = vpow2.f32 v9;
	v12 =	vadd.f32 v62, v12  }
0x331: {  	v9 =	vmul.f32 $1.442695020e+00, v10;
	v10 =	vsub.f32 v61, v11;
	v11 =	vmul.f32 $3.333333440e+02, v57;
	_ =	sdelay $0x1  }
0x332: {  	(erf) = vpow2.f32 v9;
	v9 =	vmul.f32 $1.442695020e+00, v10;
	v10 =	vsub.f32 v11, v12;
	_ =	sdelay $0x1  }
0x333: {  	(erf) = vpow2.f32 v9;
	v9 =	vmul.f32 $1.442695020e+00, v10;
	_ =	sdelay $0x2  }
0x334: {  	v10 =	vpop (erf);
	(erf) = vpow2.f32 v9  }
0x335: {  	v9 =	vpop (erf)  }
0x336: {  	v11 =	vadd.f32 v9, v10  }
0x337: {  	v63 =	vpop (erf)  }
0x338: {  	v11 =	vadd.f32 v63, v11  }
0x339: {  	v20 =	vpop (erf)  }
0x33a: {  	v21 =	vadd.f32 v20, v11  }
0x33b: {  	v22 =	vpop (erf)  }
0x33c: {  	v14 =	vadd.f32 v22, v21  }
0x33d: {  	v23 =	vpop (erf)  }
0x33e: {  	v14 =	vadd.f32 v23, v14;
	_ =	sdelay $0x1  }
0x33f: {  	(erf) = vrcp.f32 v14;
	_ =	sdelay $0x1  }
0x340: {  	s22 =	sadd.s32 $0x2, s22  }
0x341: {  	s31 =	sand.u32 $0x1F, s25;
	s29 =	sshll.u32 s22, $0x1  }
0x342: {  	s28 =	sshll.u32 s31, $0xA;
	s29 =	sand.u32 $0xFFFFFF80, s29  }
0x343: {  	s28 =	sadd.s32 s29, s28  }
0x344: {  	s28 =	sadd.s32 $0x300, s28  }
0x345: {  	v24 =	vor.u32 s28, v0;
	v10 =	vadd.f32 v20, v10  }
0x346: {  	v25 =	vor.u32 s28, v2;
	v9 =	vadd.f32 v20, v9  }
0x347: {  	v27 =	vor.u32 s28, v3;
	v10 =	vadd.f32 v22, v10;
	v12 =	vadd.f32 v22, v63;
	v26 =	vpop (erf)  }
0x348: {  	v28 =	vor.u32 s28, v4;
	v9 =	vadd.f32 v23, v9;
	v11 =	vmul.f32 v26, v11  }
0x349: {  	v12 =	vadd.f32 v23, v12;
	v10 =	vmul.f32 v26, v10  }
0x34a: {  	v9 =	vmul.f32 v26, v9;
	[tilespmem:v24+s16+$0x0] =	vst.idx.msk $0xffff, v11  }
0x34b: {  	v11 =	vmul.f32 v26, v12;
	[tilespmem:v25+s16+$0x0] =	vst.idx.msk $0xffff, v10  }
0x34c: {  	[tilespmem:v27+s16+$0x0] =	vst.idx.msk $0xffff, v9  }
0x34d: {  	[tilespmem:v28+s16+$0x0] =	vst.idx.msk $0xffff, v11  }
0x34e: {  	v9 =	vld [tilespmem:s26+$0xC010];
	_ =	sdelay $0x4  }
0x34f: {  	v10 =	vand.u32 $0x7FFFFF, v9  }
0x350: {  	v10 =	vor.u32 $0x3F800000, v10  }
0x351: {  	v11 =	vmul.f32 $5.000000000e-01, v10  }
0x352: {  	v29 =	vld [tilespmem:s26+$0xC090];
	vm10 =	vgt.f32 v10, $1.414213540e+00  }
0x353: {  	v10 =	vsel vm10, v11, v10  }
0x354: {  	v10 =	vadd.f32 $-1.000000000e+00, v10;
	_ =	sdelay $0x1  }
0x355: {  	v11 =	vmul.f32 $3.130531310e-01, v10  }
0x356: {  	v30 =	vand.u32 $0x7FFFFF, v29;
	v9 =	vshra.s32 v9, $0x17  }
0x357: {  	v13 =	vor.u32 $0x3F800000, v30;
	v31 =	vsel vm10, $0x1, v1;
	v11 =	vadd.f32 $-5.208372470e-01, v11  }
0x358: {  	v32 =	vmul.f32 $5.000000000e-01, v13;
	v9 =	vadd.s32 v31, v9  }
0x359: {  	vm11 =	vgt.f32 v13, $1.414213540e+00;
	v9 =	vadd.s32 $0xFFFFFF81, v9;
	v11 =	vmul.f32 v11, v10  }
0x35a: {  	v13 =	vsel vm11, v32, v13;
	v9 =	vcvt.s32.f32 v9  }
0x35b: {  	v13 =	vadd.f32 $-1.000000000e+00, v13;
	v11 =	vadd.f32 $1.000946400e+00, v11  }
0x35c: {  	v9 =	vmul.f32 $6.931471820e-01, v9  }
0x35d: {  	v10 =	vmul.f32 v11, v10;
	v11 =	vmul.f32 $3.130531310e-01, v13;
	_ =	sdelay $0x1  }
0x35e: {  	v35 =	vld [tilespmem:s26+$0xC110];
	v9 =	vadd.f32 v10, v9;
	v10 =	vadd.f32 $-5.208372470e-01, v11  }
0x35f: {  	v40 =	vld [tilespmem:s26+$0x4010];
	v33 =	vsel vm11, $0x1, v1;
	v11 =	vshra.s32 v29, $0x17  }
0x360: {  	v45 =	vld [tilespmem:s26+$0xC190];
	v11 =	vadd.s32 v33, v11;
	v10 =	vmul.f32 v10, v13  }
0x361: {  	v48 =	vld [tilespmem:s26+$0xC210];
	v9 =	vsub.f32 $0.0e+00, v9;
	v11 =	vadd.s32 $0xFFFFFF81, v11  }
0x362: {  	v52 =	vld [tilespmem:s26+$0xC290];
	v11 =	vcvt.s32.f32 v11;
	v10 =	vadd.f32 $1.000946400e+00, v10  }
0x363: {  	v37 =	vand.u32 $0x7FFFFF, v35;
	v34 =	vand.u32 $0x7FFFFF, v9  }
0x364: {  	v12 =	vor.u32 $0x3F800000, v34;
	v11 =	vmul.f32 $6.931471820e-01, v11;
	v10 =	vmul.f32 v10, v13  }
0x365: {  	v17 =	vmul.f32 $3.333333440e+02, v40;
	v14 =	vshra.s32 v35, $0x17;
	v12 =	vadd.f32 $-1.000000000e+00, v12  }
0x366: {  	v50 =	vand.u32 $0x7FFFFF, v45;
	v55 =	vand.u32 $0x7FFFFF, v48;
	v10 =	vadd.f32 v10, v11  }
0x367: {  	v56 =	vshra.s32 v45, $0x17;
	v59 =	vand.u32 $0x7FFFFF, v52;
	v36 =	vmul.f32 $2.491205000e-02, v12  }
0x368: {  	v51 =	vor.u32 $0x3F800000, v50;
	v20 =	vor.u32 $0x3F800000, v59;
	v10 =	vsub.f32 $0.0e+00, v10  }
0x369: {  	v53 =	vmul.f32 $5.000000000e-01, v51;
	vm13 =	vgt.f32 v51, $1.414213540e+00;
	v11 =	vsub.f32 $8.487407110e-02, v36  }
0x36a: {  	v61 =	vmul.f32 $5.000000000e-01, v20;
	vm15 =	vgt.f32 v20, $1.414213540e+00;
	v38 =	vand.u32 $0x7FFFFF, v10  }
0x36b: {  	v13 =	vor.u32 $0x3F800000, v37;
	v11 =	vmul.f32 v11, v12;
	v15 =	vor.u32 $0x3F800000, v38  }
0x36c: {  	v19 =	vsel vm15, v61, v20;
	v39 =	vmul.f32 $5.000000000e-01, v13;
	v15 =	vadd.f32 $-1.000000000e+00, v15  }
0x36d: {  	v19 =	vadd.f32 $-1.000000000e+00, v19;
	vm12 =	vgt.f32 v13, $1.414213540e+00;
	v11 =	vadd.f32 $-1.622143540e-01, v11  }
0x36e: {  	v9 =	vshra.s32 v9, $0x17;
	v13 =	vsel vm12, v39, v13;
	v41 =	vmul.f32 $2.491205000e-02, v15  }
0x36f: {  	v9 =	vadd.s32 $0xFFFFFF81, v9;
	v13 =	vadd.f32 $-1.000000000e+00, v13;
	v11 =	vmul.f32 v11, v12  }
0x370: {  	v60 =	vsel vm13, $0x1, v1;
	v9 =	vcvt.s32.f32 v9;
	v16 =	vsub.f32 $8.487407110e-02, v41  }
0x371: {  	v24 =	vmul.f32 $3.130531310e-01, v19;
	v42 =	vmul.f32 $3.130531310e-01, v13;
	v11 =	vadd.f32 $3.332068030e-01, v11  }
0x372: {  	v27 =	vsel vm15, $0x1, v1;
	v9 =	vmul.f32 $2.310490610e-01, v9;
	v16 =	vmul.f32 v16, v15  }
0x373: {  	v10 =	vshra.s32 v10, $0x17;
	v43 =	vadd.f32 $-5.208372470e-01, v42;
	v11 =	vmul.f32 v11, v12  }
0x374: {  	v44 =	vsel vm12, $0x1, v1;
	v10 =	vadd.s32 $0xFFFFFF81, v10;
	v46 =	vadd.f32 $-1.622143540e-01, v16  }
0x375: {  	v12 =	vmul.f32 v43, v13;
	v9 =	vadd.f32 v11, v9;
	v11 =	vadd.s32 v44, v14  }
0x376: {  	v10 =	vcvt.s32.f32 v10;
	v11 =	vadd.s32 $0xFFFFFF81, v11;
	v14 =	vmul.f32 v46, v15  }
0x377: {  	v26 =	vadd.f32 $-5.208372470e-01, v24;
	v12 =	vadd.f32 $1.000946400e+00, v12;
	v11 =	vcvt.s32.f32 v11  }
0x378: {  	v10 =	vmul.f32 $2.310490610e-01, v10;
	v16 =	vadd.s32 v60, v56;
	v49 =	vadd.f32 $3.332068030e-01, v14  }
0x379: {  	v16 =	vadd.s32 $0xFFFFFF81, v16;
	v12 =	vmul.f32 v12, v13;
	v11 =	vmul.f32 $6.931471820e-01, v11  }
0x37a: {  	v9 =	vsub.f32 v17, v9;
	v13 =	vmul.f32 v49, v15;
	v15 =	vor.u32 $0x3F800000, v55  }
0x37b: {  	v11 =	vadd.f32 v12, v11;
	v12 =	vsel vm13, v53, v51;
	v58 =	vmul.f32 $5.000000000e-01, v15  }
0x37c: {  	v47 =	vld [tilespmem:s26+$0x4090];
	v16 =	vcvt.s32.f32 v16;
	v12 =	vadd.f32 $-1.000000000e+00, v12;
	vm14 =	vgt.f32 v15, $1.414213540e+00  }
0x37d: {  	v17 =	vshra.s32 v48, $0x17;
	v9 =	vmul.f32 $1.442695020e+00, v9;
	v15 =	vsel vm14, v58, v15  }
0x37e: {  	v14 =	vshra.s32 v52, $0x17;
	v57 =	vmul.f32 $3.130531310e-01, v12;
	v15 =	vadd.f32 $-1.000000000e+00, v15  }
0x37f: {  	v16 =	vmul.f32 $6.931471820e-01, v16;
	v14 =	vadd.s32 v27, v14;
	(erf) = vpow2.f32 v9  }
0x380: {  	v14 =	vadd.s32 $0xFFFFFF81, v14;
	v18 =	vadd.f32 $-5.208372470e-01, v57;
	v63 =	vmul.f32 $3.130531310e-01, v15  }
0x381: {  	v14 =	vcvt.s32.f32 v14;
	v9 =	vsub.f32 $0.0e+00, v11;
	v11 =	vmul.f32 $3.333333440e+02, v47  }
0x382: {  	v62 =	vsel vm14, $0x1, v1;
	v18 =	vmul.f32 v18, v12;
	v20 =	vadd.f32 $-5.208372470e-01, v63  }
0x383: {  	v10 =	vadd.f32 v13, v10;
	v17 =	vadd.s32 v62, v17;
	v54 =	vand.u32 $0x7FFFFF, v9  }
0x384: {  	v17 =	vadd.s32 $0xFFFFFF81, v17;
	v18 =	vadd.f32 $1.000946400e+00, v18;
	v25 =	vmul.f32 v20, v15  }
0x385: {  	v10 =	vsub.f32 v11, v10;
	v13 =	vor.u32 $0x3F800000, v54;
	v20 =	vmul.f32 v26, v19  }
0x386: {  	v17 =	vcvt.s32.f32 v17;
	v12 =	vmul.f32 v18, v12;
	v18 =	vadd.f32 $1.000946400e+00, v25  }
0x387: {  	v14 =	vmul.f32 $6.931471820e-01, v14;
	v13 =	vadd.f32 $-1.000000000e+00, v13;
	v29 =	vadd.f32 $1.000946400e+00, v20  }
0x388: {  	v28 =	vmul.f32 $6.931471820e-01, v17;
	v12 =	vadd.f32 v12, v16;
	v15 =	vmul.f32 v18, v15  }
0x389: {  	v11 =	vmul.f32 $2.491205000e-02, v13;
	v30 =	vmul.f32 v29, v19  }
0x38a: {  	v10 =	vmul.f32 $1.442695020e+00, v10;
	v12 =	vsub.f32 $0.0e+00, v12;
	v15 =	vadd.f32 v15, v28  }
0x38b: {  	v9 =	vshra.s32 v9, $0x17;
	v11 =	vsub.f32 $8.487407110e-02, v11;
	v14 =	vadd.f32 v30, v14  }
0x38c: {  	v37 =	vld [tilespmem:s26+$0x4190];
	(erf) = vpow2.f32 v10;
	v31 =	vand.u32 $0x7FFFFF, v12;
	v15 =	vsub.f32 $0.0e+00, v15  }
0x38d: {  	v10 =	vmul.f32 v11, v13;
	v17 =	vor.u32 $0x3F800000, v31;
	v14 =	vsub.f32 $0.0e+00, v14  }
0x38e: {  	v9 =	vadd.s32 $0xFFFFFF81, v9;
	v11 =	vadd.f32 $-1.000000000e+00, v17;
	v33 =	vand.u32 $0x7FFFFF, v15  }
0x38f: {  	v10 =	vadd.f32 $-1.622143540e-01, v10;
	v35 =	vand.u32 $0x7FFFFF, v14;
	v17 =	vor.u32 $0x3F800000, v33  }
0x390: {  	v32 =	vld [tilespmem:s26+$0x4110];
	v34 =	vmul.f32 $2.491205000e-02, v11;
	v19 =	vor.u32 $0x3F800000, v35;
	v17 =	vadd.f32 $-1.000000000e+00, v17  }
0x391: {  	v43 =	vmul.f32 $3.333333440e+02, v37;
	v9 =	vcvt.s32.f32 v9;
	v19 =	vadd.f32 $-1.000000000e+00, v19  }
0x392: {  	v10 =	vmul.f32 v10, v13;
	v18 =	vsub.f32 $8.487407110e-02, v34;
	v36 =	vmul.f32 $2.491205000e-02, v17  }
0x393: {  	v9 =	vmul.f32 $2.310490610e-01, v9;
	v12 =	vshra.s32 v12, $0x17;
	v38 =	vmul.f32 $2.491205000e-02, v19  }
0x394: {  	v10 =	vadd.f32 $3.332068030e-01, v10;
	v18 =	vmul.f32 v18, v11;
	v20 =	vsub.f32 $8.487407110e-02, v36  }
0x395: {  	v16 =	vmul.f32 $3.333333440e+02, v32;
	v12 =	vadd.s32 $0xFFFFFF81, v12;
	v41 =	vsub.f32 $8.487407110e-02, v38  }
0x396: {  	v10 =	vmul.f32 v10, v13;
	v39 =	vadd.f32 $-1.622143540e-01, v18;
	v40 =	vmul.f32 v20, v17  }
0x397: {  	v15 =	vshra.s32 v15, $0x17;
	v14 =	vshra.s32 v14, $0x17;
	v20 =	vmul.f32 v41, v19  }
0x398: {  	v15 =	vadd.s32 $0xFFFFFF81, v15;
	v42 =	vmul.f32 v39, v11;
	v18 =	vadd.f32 $-1.622143540e-01, v40  }
0x399: {  	v49 =	vadd.s32 $0xFFFFFF81, v14;
	v9 =	vadd.f32 v10, v9;
	v20 =	vadd.f32 $-1.622143540e-01, v20  }
0x39a: {  	v10 =	vcvt.s32.f32 v12;
	v12 =	vadd.f32 $3.332068030e-01, v42;
	v18 =	vmul.f32 v18, v17  }
0x39b: {  	v44 =	vld [tilespmem:s26+$0x4210];
	v45 =	vcvt.s32.f32 v15;
	v9 =	vsub.f32 v16, v9;
	v47 =	vmul.f32 v20, v19  }
0x39c: {  	v10 =	vmul.f32 $2.310490610e-01, v10;
	v11 =	vmul.f32 v12, v11;
	v46 =	vadd.f32 $3.332068030e-01, v18  }
0x39d: {  	v48 =	vld [tilespmem:s26+$0x4290];
	v9 =	vmul.f32 $1.442695020e+00, v9;
	v12 =	vcvt.s32.f32 v49;
	v51 =	vadd.f32 $3.332068030e-01, v47  }
0x39e: {  	v10 =	vadd.f32 v11, v10;
	v11 =	vmul.f32 $2.310490610e-01, v45;
	v50 =	vmul.f32 v46, v17  }
0x39f: {  	v12 =	vmul.f32 $2.310490610e-01, v12;
	v53 =	vmul.f32 v51, v19  }
0x3a0: {  	v52 =	vmul.f32 $3.333333440e+02, v44;
	v10 =	vsub.f32 v43, v10;
	v11 =	vadd.f32 v50, v11  }
0x3a1: {  	(erf) = vpow2.f32 v9;
	v12 =	vadd.f32 v53, v12  }
0x3a2: {  	v9 =	vmul.f32 $1.442695020e+00, v10;
	v10 =	vsub.f32 v52, v11;
	v11 =	vmul.f32 $3.333333440e+02, v48;
	_ =	sdelay $0x1  }
0x3a3: {  	(erf) = vpow2.f32 v9;
	v9 =	vmul.f32 $1.442695020e+00, v10;
	v10 =	vsub.f32 v11, v12;
	_ =	sdelay $0x1  }
0x3a4: {  	(erf) = vpow2.f32 v9;
	v9 =	vmul.f32 $1.442695020e+00, v10;
	_ =	sdelay $0x2  }
0x3a5: {  	v10 =	vpop (erf);
	(erf) = vpow2.f32 v9  }
0x3a6: {  	v9 =	vpop (erf)  }
0x3a7: {  	v11 =	vadd.f32 v9, v10  }
0x3a8: {  	v54 =	vpop (erf)  }
0x3a9: {  	v11 =	vadd.f32 v54, v11  }
0x3aa: {  	v55 =	vpop (erf)  }
0x3ab: {  	v56 =	vadd.f32 v55, v11  }
0x3ac: {  	v57 =	vpop (erf)  }
0x3ad: {  	v14 =	vadd.f32 v57, v56  }
0x3ae: {  	v58 =	vpop (erf)  }
0x3af: {  	v14 =	vadd.f32 v58, v14;
	_ =	sdelay $0x1  }
0x3b0: {  	(erf) = vrcp.f32 v14;
	_ =	sdelay $0x6  }
0x3b1: {  	v59 =	vor.u32 s28, v5;
	v10 =	vadd.f32 v55, v10  }
0x3b2: {  	v60 =	vor.u32 s28, v6;
	v9 =	vadd.f32 v55, v9  }
0x3b3: {  	v62 =	vor.u32 s28, v7;
	v10 =	vadd.f32 v57, v10;
	v12 =	vadd.f32 v57, v54;
	v61 =	vpop (erf)  }
0x3b4: {  	p0 =	slt.u32 s22, $0x7E;
	v63 =	vor.u32 s28, v8;
	v9 =	vadd.f32 v58, v9;
	v11 =	vmul.f32 v61, v11  }
.Ltmp3:
0x3b5: {  	v12 =	vadd.f32 v58, v12;
	v10 =	vmul.f32 v61, v10;
	(pc) =	sbr.rel @p0 .LBB2_9-.Ltmp3, $4  }
0x3b6: {  	v9 =	vmul.f32 v61, v9;
	[tilespmem:v59+s16+$0x0] =	vst.idx.msk $0xffff, v11  }
0x3b7: {  	v11 =	vmul.f32 v61, v12;
	[tilespmem:v60+s16+$0x0] =	vst.idx.msk $0xffff, v10  }
0x3b8: {  	[tilespmem:v62+s16+$0x0] =	vst.idx.msk $0xffff, v9  }
0x3b9: {  	s25 =	sadd.s32 $0x1, s25;
	s24 =	sadd.s32 $0x100, s24;
	s23 =	sadd.s32 $0x20, s23;
	[tilespmem:v63+s16+$0x0] =	vst.idx.msk $0xffff, v11  }
0x3ba: {  	s22 =	sshll.u32 s21, $0xC;
	s21 =	sadd.s32 $0x1, s21  }
0x3bb: {  	p0 =	sne.s32 s21, $0x10  }
.Ltmp4:
0x3bc: {  	s22 =	sadd.s32 s22, s9;
	(pc) =	sbr.rel @p0 .LBB2_2-.Ltmp4, $4  }
0x3bd: {  	[hbm4b:s22+s4] =	stream.linear.scatter [tilespmem:s16], [sflag:$0x5], $0x8000, $0x38;
	[tilespmem:$0x18000] =	vst v63  }
0x3be: {  	_ =	swait.ge [sflag:s19], $0x8000  }
0x3bf: {  	[sflag:s19] =	ssyncset.done $0x0  }
0x3c0: {  	[sflag:s19] =	ssyncadd.s32 $0xFFFF8000  }
0x3c1: {  	s20 =	sadd.s32 $0x1, s20  }
0x3c2: {  	p0 =	sne.s32 s20, s10  }
.Ltmp5:
0x3c3: {  	_ = 	snop;
	(pc) =	sbr.rel @p0 .LBB2_1-.Ltmp5, $1  }
0x3c4: {  	_ =	sdelay $0x3  }
0x3c5: {  	_ =	sfence.sel $0x180000  }
0x3c6: {  	[bflag:$0x0] =	sbarrier.arrive $0xFFFF  }
0x3c7: {  	p0 =	sne.s32 s3, $0x0;
	_ =	strace $0x90000047  }
0x3c8: {  	s0 =	sadd.s32 @!p0 $0x100000, s0;
	[bflag:$0x2] =	sbarrier.arrive $0xFFFF  }
0x3c9: {  	[sflag:s0] =	ssyncadd.tile.s32 @!p0 $0x1;
	_ =	shalt  }
.Lfunc_end2:
_tile_overlayer_lowered:
.L_overlay_start_2:
0x3ca: {  	(tag) =	ssettag $0x2  }
0x3cb: {  	s0 =	rddreg [dreg:$0x0];
	s2 =	stileid.u32  }
0x3cc: {  	s1 =	rddreg [dreg:$0x1];
	p0 =	sne.s32 s2, $0x0  }
0x3cd: {  	s3 =	rddreg [dreg:$0x2];
	[bflag:$0x3] =	sbarrier.arrive $0xFFFF;
	s2 =	simm.s32 @!p0 $0x1C05  }
0x3ce: {  	[timem:s3], [sflag:s2] =	dma.local @!p0 [hbm:s0], s1  }
0x3cf: {  	s0 =	simm.s32 @!p0 $0x5  }
0x3d0: {  	_ =	swait.ge @!p0 [sflag:s0], s1  }
0x3d1: {  	s1 =	ssub.s32 @!p0 $0x0, s1;
	[sflag:s0] =	ssyncset.done @!p0 $0x0  }
0x3d2: {  	[sflag:s0] =	ssyncadd.s32 @!p0 s1  }
0x3d3: {  	[bflag:$0x3] =	sbarrier.arrive $0xFFFF  }
0x3d4: {  	_ =	shalt  }

</sc_bundles>
